<compile_context>
chip_gen: v7x
topology: tpu7x:2x2x1
jax: 0.10.2.dev20260603
libtpu: 0.0.44.dev20260713+nightly
codegen_flags: <defaults>
</compile_context>

<pallas_src>
import functools

import jax
import jax.numpy as jnp
from jax import lax
from jax.experimental import pallas as pl
from jax.experimental.pallas import tpu as pltpu
from jax.experimental.pallas import tpu_sc as plsc

VOCAB = 1000000
EMB = 64
B = 4096
S = 200
NC = 2
NS = 16
NW = NC * NS
BT = B // NW
NBT = B // 128
NB = 4
NG = S // NB
SCALE = 1.0 / 64.0
L = 16


@functools.partial(
    pl.kernel,
    mesh=plsc.VectorSubcoreMesh(core_axis_name="c", subcore_axis_name="s"),
    out_type=jax.ShapeDtypeStruct((S, EMB // 8, NBT, 8, 128), jnp.float32),
    compiler_params=pltpu.CompilerParams(
        use_tc_tiling_on_sc=False, needs_layout_passes=False),
    scratch_types=(
        [pltpu.VMEM((S, BT), jnp.int32)]
        + [pltpu.VMEM((BT, EMB), jnp.float32) for _ in range(NB)]
        + [pltpu.VMEM((EMB // 8, 8, BT + 1), jnp.float32) for _ in range(NB)]
        + [pltpu.SemaphoreType.DMA for _ in range(2 * NB)]
    ),
)
def _emb_lookup(idx_hbm, table_hbm, out_hbm, idxv,
                b0, b1, b2, b3, t0, t1, t2, t3,
                g0, g1, g2, g3, o0, o1, o2, o3):
    bufs = (b0, b1, b2, b3)
    ots = (t0, t1, t2, t3)
    gsems = (g0, g1, g2, g3)
    osems = (o0, o1, o2, o3)
    wid = lax.axis_index("s") * NC + lax.axis_index("c")
    boff = wid * BT
    lanes = lax.iota(jnp.int32, L)
    zrow = lanes * 0
    ehi = [lax.shift_right_logical(t * L + lanes, jnp.int32(3))
           for t in range(EMB // L)]
    elo = [lax.bitwise_and(t * L + lanes, jnp.int32(7))
           for t in range(EMB // L)]

    pltpu.sync_copy(idx_hbm.at[pl.ds(0, S), pl.ds(boff, BT)], idxv)

    def tile_dst(s, e8):
        return out_hbm.at[s, e8, wid, pl.ds(0, 8), pl.ds(0, 128)]

    def store_tiles(s, k):
        for e8 in range(EMB // 8):
            pltpu.async_copy(ots[k].at[e8, pl.ds(0, 8), pl.ds(0, BT)],
                             tile_dst(s, e8), osems[k])

    def wait_store(k):
        for e8 in range(EMB // 8):
            pltpu.make_async_copy(ots[k].at[e8, pl.ds(0, 8), pl.ds(0, BT)],
                                  tile_dst(0, e8), osems[k]).wait()

    def start_gather(s, k):
        pltpu.async_copy(table_hbm.at[idxv.at[s]], bufs[k], gsems[k])

    def wait_gather(k):
        pltpu.make_async_copy(table_hbm.at[idxv.at[0]], bufs[k], gsems[k]).wait()

    for k in range(NB):
        start_gather(k, k)

    def group_body(g, carry):
        for k in range(NB):
            s = g * NB + k
            wait_gather(k)

            def row_body(b4, c, k=k):
                b = b4 * 4
                bss = [zrow + (b + r) for r in range(4)]
                loads = [bufs[k][b + r, pl.ds(t * L, L)]
                         for r in range(4) for t in range(EMB // L)]
                scaled = [v * SCALE for v in loads]
                for r in range(4):
                    for t in range(EMB // L):
                        plsc.store_scatter(
                            ots[k], [ehi[t], elo[t], bss[r]],
                            scaled[r * (EMB // L) + t])
                return c

            lax.fori_loop(0, BT // 4, row_body, 0)
            store_tiles(s, k)

        @pl.when(g + 1 < NG)
        def _prefetch():
            for k in range(NB):
                wait_store(k)
                start_gather((g + 1) * NB + k, k)

        return carry

    lax.fori_loop(0, NG, group_body, 0)
    for k in range(NB):
        wait_store(k)


def kernel(inp, table):
    idx_t = jnp.swapaxes(inp, 0, 1)
    out = _emb_lookup(idx_t, table)
    return jnp.transpose(out, (2, 4, 0, 1, 3)).reshape(B, S, EMB)

# --- scband reference (transcript-rebuilt; emitter-appended) ---
"""Pipeline reference for scband-word-embedding-79568564126414 (READ-ONLY COPY).

The authoritative reference and input builder live on the scoring server;
editing this copy changes nothing except your own understanding.
"""

import jax, jax.numpy as jnp
import numpy as np

VOCAB = 1000000
EMB = 64

def setup_inputs(seed: int = 0) -> dict:
    key = jax.random.key(seed)
    k1, k2 = jax.random.split(key)
    inp = jax.random.randint(k1, (4096, 200), 0, VOCAB, dtype=jnp.int64 if jax.config.jax_enable_x64 else jnp.int32)
    table = jax.random.normal(k2, (VOCAB, EMB), dtype=jnp.float32)
    return {"inp": inp, "table": table}

def reference(inp, table):
    # out = embedding(inp) / sqrt(inp.size(0))
    scale = jnp.sqrt(jnp.asarray(inp.shape[0], dtype=jnp.float32))
    out = jnp.take(table, inp, axis=0) / scale
    return out

if __name__ == "__main__":
    import jax
    _d = setup_inputs()
    print(jax.jit(kernel)(*tuple(_d.values())))

</pallas_src>

<mosaic_0001>
#map = affine_map<(d0, d1) -> (0, 0)>
#map1 = affine_map<(d0, d1) -> (0, 0, 0, 0, 0)>
module attributes {stable_mosaic.version = 14 : i64} {
  func.func @_emb_lookup(%arg0: i32, %arg1: i32, %arg2: memref<200x4096xi32, #tpu.memory_space<hbm>>, %arg3: memref<1000000x64xf32, #tpu.memory_space<hbm>>, %arg4: memref<200x8x32x8x128xf32, #tpu.memory_space<hbm>>, %arg5: memref<200x128xi32, #tpu.memory_space<vmem>>, %arg6: memref<128x64xf32, #tpu.memory_space<vmem>>, %arg7: memref<128x64xf32, #tpu.memory_space<vmem>>, %arg8: memref<128x64xf32, #tpu.memory_space<vmem>>, %arg9: memref<128x64xf32, #tpu.memory_space<vmem>>, %arg10: memref<8x8x129xf32, #tpu.memory_space<vmem>>, %arg11: memref<8x8x129xf32, #tpu.memory_space<vmem>>, %arg12: memref<8x8x129xf32, #tpu.memory_space<vmem>>, %arg13: memref<8x8x129xf32, #tpu.memory_space<vmem>>, %arg14: memref<!tpu.dma_semaphore, #tpu.memory_space<semaphore_mem>>, %arg15: memref<!tpu.dma_semaphore, #tpu.memory_space<semaphore_mem>>, %arg16: memref<!tpu.dma_semaphore, #tpu.memory_space<semaphore_mem>>, %arg17: memref<!tpu.dma_semaphore, #tpu.memory_space<semaphore_mem>>, %arg18: memref<!tpu.dma_semaphore, #tpu.memory_space<semaphore_mem>>, %arg19: memref<!tpu.dma_semaphore, #tpu.memory_space<semaphore_mem>>, %arg20: memref<!tpu.dma_semaphore, #tpu.memory_space<semaphore_mem>>, %arg21: memref<!tpu.dma_semaphore, #tpu.memory_space<semaphore_mem>>) attributes {dimension_semantics = [#tpu.dimension_semantics<core_parallel>, #tpu.dimension_semantics<subcore_parallel>], iteration_bounds = array<i64: 2, 16>, scalar_prefetch = 0 : i64, scratch_operands = 17 : i64, tpu.core_type = #tpu.core_type<sc_vector_subcore>, window_params = [{transform_indices = #map}, {transform_indices = #map}, {transform_indices = #map1}]} {
    %mul3A = arith.constant 2 : i32
    %mul3A_0 = arith.muli %arg1, %mul3A : i32
    %add3A = arith.addi %mul3A_0, %arg0 : i32
    %mul3A_1 = arith.constant 128 : i32
    %mul3A_2 = arith.muli %add3A, %mul3A_1 : i32
    %iota3A = tpu.iota {dimensions = array<i32: 0>} : vector<16xi32>
    %mul3A_3 = arith.constant 0 : i32
    %mul3A_4 = vector.broadcast %mul3A_3 : i32 to vector<16xi32>
    %mul3A_5 = arith.muli %iota3A, %mul3A_4 : vector<16xi32>
    %add3A_6 = arith.constant 0 : i32
    %add3A_7 = vector.broadcast %add3A_6 : i32 to vector<16xi32>
    %add3A_8 = arith.addi %add3A_7, %iota3A : vector<16xi32>
    %shift_right_logical3A = arith.constant 3 : i32
    %shift_right_logical3A_9 = vector.broadcast %shift_right_logical3A : i32 to vector<16xi32>
    %shift_right_logical3A_10 = arith.shrui %add3A_8, %shift_right_logical3A_9 : vector<16xi32>
    %add3A_11 = arith.constant 16 : i32
    %add3A_12 = vector.broadcast %add3A_11 : i32 to vector<16xi32>
    %add3A_13 = arith.addi %add3A_12, %iota3A : vector<16xi32>
    %shift_right_logical3A_14 = arith.constant 3 : i32
    %shift_right_logical3A_15 = vector.broadcast %shift_right_logical3A_14 : i32 to vector<16xi32>
    %shift_right_logical3A_16 = arith.shrui %add3A_13, %shift_right_logical3A_15 : vector<16xi32>
    %add3A_17 = arith.constant 32 : i32
    %add3A_18 = vector.broadcast %add3A_17 : i32 to vector<16xi32>
    %add3A_19 = arith.addi %add3A_18, %iota3A : vector<16xi32>
    %shift_right_logical3A_20 = arith.constant 3 : i32
    %shift_right_logical3A_21 = vector.broadcast %shift_right_logical3A_20 : i32 to vector<16xi32>
    %shift_right_logical3A_22 = arith.shrui %add3A_19, %shift_right_logical3A_21 : vector<16xi32>
    %add3A_23 = arith.constant 48 : i32
    %add3A_24 = vector.broadcast %add3A_23 : i32 to vector<16xi32>
    %add3A_25 = arith.addi %add3A_24, %iota3A : vector<16xi32>
    %shift_right_logical3A_26 = arith.constant 3 : i32
    %shift_right_logical3A_27 = vector.broadcast %shift_right_logical3A_26 : i32 to vector<16xi32>
    %shift_right_logical3A_28 = arith.shrui %add3A_25, %shift_right_logical3A_27 : vector<16xi32>
    %add3A_29 = arith.constant 0 : i32
    %add3A_30 = vector.broadcast %add3A_29 : i32 to vector<16xi32>
    %add3A_31 = arith.addi %add3A_30, %iota3A : vector<16xi32>
    %and3A = arith.constant 7 : i32
    %and3A_32 = vector.broadcast %and3A : i32 to vector<16xi32>
    %and3A_33 = arith.andi %add3A_31, %and3A_32 : vector<16xi32>
    %add3A_34 = arith.constant 16 : i32
    %add3A_35 = vector.broadcast %add3A_34 : i32 to vector<16xi32>
    %add3A_36 = arith.addi %add3A_35, %iota3A : vector<16xi32>
    %and3A_37 = arith.constant 7 : i32
    %and3A_38 = vector.broadcast %and3A_37 : i32 to vector<16xi32>
    %and3A_39 = arith.andi %add3A_36, %and3A_38 : vector<16xi32>
    %add3A_40 = arith.constant 32 : i32
    %add3A_41 = vector.broadcast %add3A_40 : i32 to vector<16xi32>
    %add3A_42 = arith.addi %add3A_41, %iota3A : vector<16xi32>
    %and3A_43 = arith.constant 7 : i32
    %and3A_44 = vector.broadcast %and3A_43 : i32 to vector<16xi32>
    %and3A_45 = arith.andi %add3A_42, %and3A_44 : vector<16xi32>
    %add3A_46 = arith.constant 48 : i32
    %add3A_47 = vector.broadcast %add3A_46 : i32 to vector<16xi32>
    %add3A_48 = arith.addi %add3A_47, %iota3A : vector<16xi32>
    %and3A_49 = arith.constant 7 : i32
    %and3A_50 = vector.broadcast %and3A_49 : i32 to vector<16xi32>
    %and3A_51 = arith.andi %add3A_48, %and3A_50 : vector<16xi32>
    "tpu.region"() ({
      %run_scoped3A = tpu.sem_alloc : memref<!tpu.dma_semaphore, #tpu.memory_space<semaphore_mem>>
      %dma_start3A_691 = arith.constant 0 : i32
      %dma_start3A_692 = tpu.memref_slice %arg2[%dma_start3A_691, %mul3A_2] : memref<200x4096xi32, #tpu.memory_space<hbm>> -> memref<200x128xi32, #tpu.memory_space<hbm>>
      %dma_start3A_693 = arith.constant 0 : i32
      %dma_start3A_694 = tpu.memref_slice %arg2[%dma_start3A_693, %mul3A_2] : memref<200x4096xi32, #tpu.memory_space<hbm>> -> memref<200x128xi32, #tpu.memory_space<hbm>>
      tpu.enqueue_dma source(%dma_start3A_694 : memref<200x128xi32, #tpu.memory_space<hbm>>) target(%arg5 : memref<200x128xi32, #tpu.memory_space<vmem>>) target_semaphore(%run_scoped3A : memref<!tpu.dma_semaphore, #tpu.memory_space<semaphore_mem>>)
      %dma_wait3A_695 = arith.constant 0 : i32
      %dma_wait3A_696 = tpu.memref_slice %arg2[%dma_wait3A_695, %mul3A_2] : memref<200x4096xi32, #tpu.memory_space<hbm>> -> memref<200x128xi32, #tpu.memory_space<hbm>>
      %dma_wait3A_697 = arith.constant 0 : i32
      %dma_wait3A_698 = tpu.memref_slice %arg2[%dma_wait3A_697, %mul3A_2] : memref<200x4096xi32, #tpu.memory_space<hbm>> -> memref<200x128xi32, #tpu.memory_space<hbm>>
      tpu.wait_dma2 semaphore(%run_scoped3A : memref<!tpu.dma_semaphore, #tpu.memory_space<semaphore_mem>>) src(%dma_wait3A_698 : memref<200x128xi32, #tpu.memory_space<hbm>>) dst(%arg5 : memref<200x128xi32, #tpu.memory_space<vmem>>)
      tpu.yield
    }) : () -> ()
    %dma_start3A = arith.constant 0 : i32
    %dma_start3A_52 = arith.constant 0 : i32
    %dma_start3A_53 = tpu.memref_slice %arg5[%dma_start3A, %dma_start3A_52] : memref<200x128xi32, #tpu.memory_space<vmem>> -> memref<1x128xi32, #tpu.memory_space<vmem>>
    %dma_start3A_54 = tpu.memref_squeeze %dma_start3A_53 : memref<1x128xi32, #tpu.memory_space<vmem>> -> memref<128xi32, #tpu.memory_space<vmem>>
    %dma_start3A_55 = arith.constant 0 : i32
    %dma_start3A_56 = arith.constant 0 : i32
    %dma_start3A_57 = tpu.memref_slice %arg3[%dma_start3A_55, %dma_start3A_56] : memref<1000000x64xf32, #tpu.memory_space<hbm>> -> memref<1000000x64xf32, #tpu.memory_space<hbm>>
    tpu.enqueue_indirect_dma source(%dma_start3A_57 : memref<1000000x64xf32, #tpu.memory_space<hbm>>) target(%arg6 : memref<128x64xf32, #tpu.memory_space<vmem>>) offsets(%dma_start3A_54 : memref<128xi32, #tpu.memory_space<vmem>>) semaphore(%arg14 : memref<!tpu.dma_semaphore, #tpu.memory_space<semaphore_mem>>)
    %dma_start3A_58 = arith.constant 1 : i32
    %dma_start3A_59 = arith.constant 0 : i32
    %dma_start3A_60 = tpu.memref_slice %arg5[%dma_start3A_58, %dma_start3A_59] : memref<200x128xi32, #tpu.memory_space<vmem>> -> memref<1x128xi32, #tpu.memory_space<vmem>>
    %dma_start3A_61 = tpu.memref_squeeze %dma_start3A_60 : memref<1x128xi32, #tpu.memory_space<vmem>> -> memref<128xi32, #tpu.memory_space<vmem>>
    %dma_start3A_62 = arith.constant 0 : i32
    %dma_start3A_63 = arith.constant 0 : i32
    %dma_start3A_64 = tpu.memref_slice %arg3[%dma_start3A_62, %dma_start3A_63] : memref<1000000x64xf32, #tpu.memory_space<hbm>> -> memref<1000000x64xf32, #tpu.memory_space<hbm>>
    tpu.enqueue_indirect_dma source(%dma_start3A_64 : memref<1000000x64xf32, #tpu.memory_space<hbm>>) target(%arg7 : memref<128x64xf32, #tpu.memory_space<vmem>>) offsets(%dma_start3A_61 : memref<128xi32, #tpu.memory_space<vmem>>) semaphore(%arg15 : memref<!tpu.dma_semaphore, #tpu.memory_space<semaphore_mem>>)
    %dma_start3A_65 = arith.constant 2 : i32
    %dma_start3A_66 = arith.constant 0 : i32
    %dma_start3A_67 = tpu.memref_slice %arg5[%dma_start3A_65, %dma_start3A_66] : memref<200x128xi32, #tpu.memory_space<vmem>> -> memref<1x128xi32, #tpu.memory_space<vmem>>
    %dma_start3A_68 = tpu.memref_squeeze %dma_start3A_67 : memref<1x128xi32, #tpu.memory_space<vmem>> -> memref<128xi32, #tpu.memory_space<vmem>>
    %dma_start3A_69 = arith.constant 0 : i32
    %dma_start3A_70 = arith.constant 0 : i32
    %dma_start3A_71 = tpu.memref_slice %arg3[%dma_start3A_69, %dma_start3A_70] : memref<1000000x64xf32, #tpu.memory_space<hbm>> -> memref<1000000x64xf32, #tpu.memory_space<hbm>>
    tpu.enqueue_indirect_dma source(%dma_start3A_71 : memref<1000000x64xf32, #tpu.memory_space<hbm>>) target(%arg8 : memref<128x64xf32, #tpu.memory_space<vmem>>) offsets(%dma_start3A_68 : memref<128xi32, #tpu.memory_space<vmem>>) semaphore(%arg16 : memref<!tpu.dma_semaphore, #tpu.memory_space<semaphore_mem>>)
    %dma_start3A_72 = arith.constant 3 : i32
    %dma_start3A_73 = arith.constant 0 : i32
    %dma_start3A_74 = tpu.memref_slice %arg5[%dma_start3A_72, %dma_start3A_73] : memref<200x128xi32, #tpu.memory_space<vmem>> -> memref<1x128xi32, #tpu.memory_space<vmem>>
    %dma_start3A_75 = tpu.memref_squeeze %dma_start3A_74 : memref<1x128xi32, #tpu.memory_space<vmem>> -> memref<128xi32, #tpu.memory_space<vmem>>
    %dma_start3A_76 = arith.constant 0 : i32
    %dma_start3A_77 = arith.constant 0 : i32
    %dma_start3A_78 = tpu.memref_slice %arg3[%dma_start3A_76, %dma_start3A_77] : memref<1000000x64xf32, #tpu.memory_space<hbm>> -> memref<1000000x64xf32, #tpu.memory_space<hbm>>
    tpu.enqueue_indirect_dma source(%dma_start3A_78 : memref<1000000x64xf32, #tpu.memory_space<hbm>>) target(%arg9 : memref<128x64xf32, #tpu.memory_space<vmem>>) offsets(%dma_start3A_75 : memref<128xi32, #tpu.memory_space<vmem>>) semaphore(%arg17 : memref<!tpu.dma_semaphore, #tpu.memory_space<semaphore_mem>>)
    %scan3A = arith.constant 0 : i32
    %scan3A_79 = arith.constant 0 : i32
    %scan3A_80 = arith.constant 50 : i32
    %scan3A_81 = arith.addi %scan3A_79, %scan3A_80 : i32
    %scan3A_82 = arith.constant 1 : i32
    scf.for %scan3A_691 = %scan3A_79 to %scan3A_81 step %scan3A_82  : i32 {
      %mul3A_692 = arith.constant 4 : i32
      %mul3A_693 = arith.muli %scan3A_691, %mul3A_692 : i32
      %add3A_694 = arith.constant 0 : i32
      %add3A_695 = arith.addi %mul3A_693, %add3A_694 : i32
      %dma_wait3A_696 = arith.constant 0 : i32
      %dma_wait3A_697 = arith.constant 0 : i32
      %dma_wait3A_698 = tpu.memref_slice %arg5[%dma_wait3A_696, %dma_wait3A_697] : memref<200x128xi32, #tpu.memory_space<vmem>> -> memref<1x128xi32, #tpu.memory_space<vmem>>
      %dma_wait3A_699 = tpu.memref_squeeze %dma_wait3A_698 : memref<1x128xi32, #tpu.memory_space<vmem>> -> memref<128xi32, #tpu.memory_space<vmem>>
      %dma_wait3A_700 = arith.constant 0 : i32
      %dma_wait3A_701 = arith.constant 0 : i32
      %dma_wait3A_702 = tpu.memref_slice %arg3[%dma_wait3A_700, %dma_wait3A_701] : memref<1000000x64xf32, #tpu.memory_space<hbm>> -> memref<1000000x64xf32, #tpu.memory_space<hbm>>
      tpu.wait_indirect_dma semaphore(%arg14 : memref<!tpu.dma_semaphore, #tpu.memory_space<semaphore_mem>>) src(%dma_wait3A_702 : memref<1000000x64xf32, #tpu.memory_space<hbm>>) dst(%arg6 : memref<128x64xf32, #tpu.memory_space<vmem>>)
      %scan3A_703 = arith.constant 0 : i32
      %scan3A_704 = arith.constant 0 : i32
      %scan3A_705 = arith.constant 32 : i32
      %scan3A_706 = arith.addi %scan3A_704, %scan3A_705 : i32
      %scan3A_707 = arith.constant 1 : i32
      scf.for %scan3A_1340 = %scan3A_704 to %scan3A_706 step %scan3A_707  : i32 {
        %mul3A_1341 = arith.constant 4 : i32
        %mul3A_1342 = arith.muli %scan3A_1340, %mul3A_1341 : i32
        %add3A_1343 = arith.constant 0 : i32
        %add3A_1344 = arith.addi %mul3A_1342, %add3A_1343 : i32
        %add3A_1345 = vector.broadcast %add3A_1344 : i32 to vector<16xi32>
        %add3A_1346 = arith.addi %mul3A_5, %add3A_1345 : vector<16xi32>
        %add3A_1347 = arith.constant 1 : i32
        %add3A_1348 = arith.addi %mul3A_1342, %add3A_1347 : i32
        %add3A_1349 = vector.broadcast %add3A_1348 : i32 to vector<16xi32>
        %add3A_1350 = arith.addi %mul3A_5, %add3A_1349 : vector<16xi32>
        %add3A_1351 = arith.constant 2 : i32
        %add3A_1352 = arith.addi %mul3A_1342, %add3A_1351 : i32
        %add3A_1353 = vector.broadcast %add3A_1352 : i32 to vector<16xi32>
        %add3A_1354 = arith.addi %mul3A_5, %add3A_1353 : vector<16xi32>
        %add3A_1355 = arith.constant 3 : i32
        %add3A_1356 = arith.addi %mul3A_1342, %add3A_1355 : i32
        %add3A_1357 = vector.broadcast %add3A_1356 : i32 to vector<16xi32>
        %add3A_1358 = arith.addi %mul3A_5, %add3A_1357 : vector<16xi32>
        %add3A_1359 = arith.constant 0 : i32
        %add3A_1360 = arith.addi %mul3A_1342, %add3A_1359 : i32
        %get3A = arith.index_cast %add3A_1360 : i32 to index
        %get3A_1361 = arith.constant 0 : index
        %get3A_1362 = tpu.vector_load %arg6[%get3A, %get3A_1361] {strides = array<i32>} : memref<128x64xf32, #tpu.memory_space<vmem>>, vector<16xf32>,
        %add3A_1363 = arith.constant 0 : i32
        %add3A_1364 = arith.addi %mul3A_1342, %add3A_1363 : i32
        %get3A_1365 = arith.index_cast %add3A_1364 : i32 to index
        %get3A_1366 = arith.constant 16 : index
        %get3A_1367 = tpu.vector_load %arg6[%get3A_1365, %get3A_1366] {strides = array<i32>} : memref<128x64xf32, #tpu.memory_space<vmem>>, vector<16xf32>,
        %add3A_1368 = arith.constant 0 : i32
        %add3A_1369 = arith.addi %mul3A_1342, %add3A_1368 : i32
        %get3A_1370 = arith.index_cast %add3A_1369 : i32 to index
        %get3A_1371 = arith.constant 32 : index
        %get3A_1372 = tpu.vector_load %arg6[%get3A_1370, %get3A_1371] {strides = array<i32>} : memref<128x64xf32, #tpu.memory_space<vmem>>, vector<16xf32>,
        %add3A_1373 = arith.constant 0 : i32
        %add3A_1374 = arith.addi %mul3A_1342, %add3A_1373 : i32
        %get3A_1375 = arith.index_cast %add3A_1374 : i32 to index
        %get3A_1376 = arith.constant 48 : index
        %get3A_1377 = tpu.vector_load %arg6[%get3A_1375, %get3A_1376] {strides = array<i32>} : memref<128x64xf32, #tpu.memory_space<vmem>>, vector<16xf32>,
        %add3A_1378 = arith.constant 1 : i32
        %add3A_1379 = arith.addi %mul3A_1342, %add3A_1378 : i32
        %get3A_1380 = arith.index_cast %add3A_1379 : i32 to index
        %get3A_1381 = arith.constant 0 : index
        %get3A_1382 = tpu.vector_load %arg6[%get3A_1380, %get3A_1381] {strides = array<i32>} : memref<128x64xf32, #tpu.memory_space<vmem>>, vector<16xf32>,
        %add3A_1383 = arith.constant 1 : i32
        %add3A_1384 = arith.addi %mul3A_1342, %add3A_1383 : i32
        %get3A_1385 = arith.index_cast %add3A_1384 : i32 to index
        %get3A_1386 = arith.constant 16 : index
        %get3A_1387 = tpu.vector_load %arg6[%get3A_1385, %get3A_1386] {strides = array<i32>} : memref<128x64xf32, #tpu.memory_space<vmem>>, vector<16xf32>,
        %add3A_1388 = arith.constant 1 : i32
        %add3A_1389 = arith.addi %mul3A_1342, %add3A_1388 : i32
        %get3A_1390 = arith.index_cast %add3A_1389 : i32 to index
        %get3A_1391 = arith.constant 32 : index
        %get3A_1392 = tpu.vector_load %arg6[%get3A_1390, %get3A_1391] {strides = array<i32>} : memref<128x64xf32, #tpu.memory_space<vmem>>, vector<16xf32>,
        %add3A_1393 = arith.constant 1 : i32
        %add3A_1394 = arith.addi %mul3A_1342, %add3A_1393 : i32
        %get3A_1395 = arith.index_cast %add3A_1394 : i32 to index
        %get3A_1396 = arith.constant 48 : index
        %get3A_1397 = tpu.vector_load %arg6[%get3A_1395, %get3A_1396] {strides = array<i32>} : memref<128x64xf32, #tpu.memory_space<vmem>>, vector<16xf32>,
        %add3A_1398 = arith.constant 2 : i32
        %add3A_1399 = arith.addi %mul3A_1342, %add3A_1398 : i32
        %get3A_1400 = arith.index_cast %add3A_1399 : i32 to index
        %get3A_1401 = arith.constant 0 : index
        %get3A_1402 = tpu.vector_load %arg6[%get3A_1400, %get3A_1401] {strides = array<i32>} : memref<128x64xf32, #tpu.memory_space<vmem>>, vector<16xf32>,
        %add3A_1403 = arith.constant 2 : i32
        %add3A_1404 = arith.addi %mul3A_1342, %add3A_1403 : i32
        %get3A_1405 = arith.index_cast %add3A_1404 : i32 to index
        %get3A_1406 = arith.constant 16 : index
        %get3A_1407 = tpu.vector_load %arg6[%get3A_1405, %get3A_1406] {strides = array<i32>} : memref<128x64xf32, #tpu.memory_space<vmem>>, vector<16xf32>,
        %add3A_1408 = arith.constant 2 : i32
        %add3A_1409 = arith.addi %mul3A_1342, %add3A_1408 : i32
        %get3A_1410 = arith.index_cast %add3A_1409 : i32 to index
        %get3A_1411 = arith.constant 32 : index
        %get3A_1412 = tpu.vector_load %arg6[%get3A_1410, %get3A_1411] {strides = array<i32>} : memref<128x64xf32, #tpu.memory_space<vmem>>, vector<16xf32>,
        %add3A_1413 = arith.constant 2 : i32
        %add3A_1414 = arith.addi %mul3A_1342, %add3A_1413 : i32
        %get3A_1415 = arith.index_cast %add3A_1414 : i32 to index
        %get3A_1416 = arith.constant 48 : index
        %get3A_1417 = tpu.vector_load %arg6[%get3A_1415, %get3A_1416] {strides = array<i32>} : memref<128x64xf32, #tpu.memory_space<vmem>>, vector<16xf32>,
        %add3A_1418 = arith.constant 3 : i32
        %add3A_1419 = arith.addi %mul3A_1342, %add3A_1418 : i32
        %get3A_1420 = arith.index_cast %add3A_1419 : i32 to index
        %get3A_1421 = arith.constant 0 : index
        %get3A_1422 = tpu.vector_load %arg6[%get3A_1420, %get3A_1421] {strides = array<i32>} : memref<128x64xf32, #tpu.memory_space<vmem>>, vector<16xf32>,
        %add3A_1423 = arith.constant 3 : i32
        %add3A_1424 = arith.addi %mul3A_1342, %add3A_1423 : i32
        %get3A_1425 = arith.index_cast %add3A_1424 : i32 to index
        %get3A_1426 = arith.constant 16 : index
        %get3A_1427 = tpu.vector_load %arg6[%get3A_1425, %get3A_1426] {strides = array<i32>} : memref<128x64xf32, #tpu.memory_space<vmem>>, vector<16xf32>,
        %add3A_1428 = arith.constant 3 : i32
        %add3A_1429 = arith.addi %mul3A_1342, %add3A_1428 : i32
        %get3A_1430 = arith.index_cast %add3A_1429 : i32 to index
        %get3A_1431 = arith.constant 32 : index
        %get3A_1432 = tpu.vector_load %arg6[%get3A_1430, %get3A_1431] {strides = array<i32>} : memref<128x64xf32, #tpu.memory_space<vmem>>, vector<16xf32>,
        %add3A_1433 = arith.constant 3 : i32
        %add3A_1434 = arith.addi %mul3A_1342, %add3A_1433 : i32
        %get3A_1435 = arith.index_cast %add3A_1434 : i32 to index
        %get3A_1436 = arith.constant 48 : index
        %get3A_1437 = tpu.vector_load %arg6[%get3A_1435, %get3A_1436] {strides = array<i32>} : memref<128x64xf32, #tpu.memory_space<vmem>>, vector<16xf32>,
        %mul3A_1438 = arith.constant 1.562500e-02 : f32
        %mul3A_1439 = vector.broadcast %mul3A_1438 : f32 to vector<16xf32>
        %mul3A_1440 = arith.mulf %get3A_1362, %mul3A_1439 : vector<16xf32>
        %mul3A_1441 = arith.constant 1.562500e-02 : f32
        %mul3A_1442 = vector.broadcast %mul3A_1441 : f32 to vector<16xf32>
        %mul3A_1443 = arith.mulf %get3A_1367, %mul3A_1442 : vector<16xf32>
        %mul3A_1444 = arith.constant 1.562500e-02 : f32
        %mul3A_1445 = vector.broadcast %mul3A_1444 : f32 to vector<16xf32>
        %mul3A_1446 = arith.mulf %get3A_1372, %mul3A_1445 : vector<16xf32>
        %mul3A_1447 = arith.constant 1.562500e-02 : f32
        %mul3A_1448 = vector.broadcast %mul3A_1447 : f32 to vector<16xf32>
        %mul3A_1449 = arith.mulf %get3A_1377, %mul3A_1448 : vector<16xf32>
        %mul3A_1450 = arith.constant 1.562500e-02 : f32
        %mul3A_1451 = vector.broadcast %mul3A_1450 : f32 to vector<16xf32>
        %mul3A_1452 = arith.mulf %get3A_1382, %mul3A_1451 : vector<16xf32>
        %mul3A_1453 = arith.constant 1.562500e-02 : f32
        %mul3A_1454 = vector.broadcast %mul3A_1453 : f32 to vector<16xf32>
        %mul3A_1455 = arith.mulf %get3A_1387, %mul3A_1454 : vector<16xf32>
        %mul3A_1456 = arith.constant 1.562500e-02 : f32
        %mul3A_1457 = vector.broadcast %mul3A_1456 : f32 to vector<16xf32>
        %mul3A_1458 = arith.mulf %get3A_1392, %mul3A_1457 : vector<16xf32>
        %mul3A_1459 = arith.constant 1.562500e-02 : f32
        %mul3A_1460 = vector.broadcast %mul3A_1459 : f32 to vector<16xf32>
        %mul3A_1461 = arith.mulf %get3A_1397, %mul3A_1460 : vector<16xf32>
        %mul3A_1462 = arith.constant 1.562500e-02 : f32
        %mul3A_1463 = vector.broadcast %mul3A_1462 : f32 to vector<16xf32>
        %mul3A_1464 = arith.mulf %get3A_1402, %mul3A_1463 : vector<16xf32>
        %mul3A_1465 = arith.constant 1.562500e-02 : f32
        %mul3A_1466 = vector.broadcast %mul3A_1465 : f32 to vector<16xf32>
        %mul3A_1467 = arith.mulf %get3A_1407, %mul3A_1466 : vector<16xf32>
        %mul3A_1468 = arith.constant 1.562500e-02 : f32
        %mul3A_1469 = vector.broadcast %mul3A_1468 : f32 to vector<16xf32>
        %mul3A_1470 = arith.mulf %get3A_1412, %mul3A_1469 : vector<16xf32>
        %mul3A_1471 = arith.constant 1.562500e-02 : f32
        %mul3A_1472 = vector.broadcast %mul3A_1471 : f32 to vector<16xf32>
        %mul3A_1473 = arith.mulf %get3A_1417, %mul3A_1472 : vector<16xf32>
        %mul3A_1474 = arith.constant 1.562500e-02 : f32
        %mul3A_1475 = vector.broadcast %mul3A_1474 : f32 to vector<16xf32>
        %mul3A_1476 = arith.mulf %get3A_1422, %mul3A_1475 : vector<16xf32>
        %mul3A_1477 = arith.constant 1.562500e-02 : f32
        %mul3A_1478 = vector.broadcast %mul3A_1477 : f32 to vector<16xf32>
        %mul3A_1479 = arith.mulf %get3A_1427, %mul3A_1478 : vector<16xf32>
        %mul3A_1480 = arith.constant 1.562500e-02 : f32
        %mul3A_1481 = vector.broadcast %mul3A_1480 : f32 to vector<16xf32>
        %mul3A_1482 = arith.mulf %get3A_1432, %mul3A_1481 : vector<16xf32>
        %mul3A_1483 = arith.constant 1.562500e-02 : f32
        %mul3A_1484 = vector.broadcast %mul3A_1483 : f32 to vector<16xf32>
        %mul3A_1485 = arith.mulf %get3A_1437, %mul3A_1484 : vector<16xf32>
        tpu.vector_store_idx %arg10[%shift_right_logical3A_10, %and3A_33, %add3A_1346], %mul3A_1440 : memref<8x8x129xf32, #tpu.memory_space<vmem>>[vector<16xi32>, vector<16xi32>, vector<16xi32>], vector<16xf32>,
        tpu.vector_store_idx %arg10[%shift_right_logical3A_16, %and3A_39, %add3A_1346], %mul3A_1443 : memref<8x8x129xf32, #tpu.memory_space<vmem>>[vector<16xi32>, vector<16xi32>, vector<16xi32>], vector<16xf32>,
        tpu.vector_store_idx %arg10[%shift_right_logical3A_22, %and3A_45, %add3A_1346], %mul3A_1446 : memref<8x8x129xf32, #tpu.memory_space<vmem>>[vector<16xi32>, vector<16xi32>, vector<16xi32>], vector<16xf32>,
        tpu.vector_store_idx %arg10[%shift_right_logical3A_28, %and3A_51, %add3A_1346], %mul3A_1449 : memref<8x8x129xf32, #tpu.memory_space<vmem>>[vector<16xi32>, vector<16xi32>, vector<16xi32>], vector<16xf32>,
        tpu.vector_store_idx %arg10[%shift_right_logical3A_10, %and3A_33, %add3A_1350], %mul3A_1452 : memref<8x8x129xf32, #tpu.memory_space<vmem>>[vector<16xi32>, vector<16xi32>, vector<16xi32>], vector<16xf32>,
        tpu.vector_store_idx %arg10[%shift_right_logical3A_16, %and3A_39, %add3A_1350], %mul3A_1455 : memref<8x8x129xf32, #tpu.memory_space<vmem>>[vector<16xi32>, vector<16xi32>, vector<16xi32>], vector<16xf32>,
        tpu.vector_store_idx %arg10[%shift_right_logical3A_22, %and3A_45, %add3A_1350], %mul3A_1458 : memref<8x8x129xf32, #tpu.memory_space<vmem>>[vector<16xi32>, vector<16xi32>, vector<16xi32>], vector<16xf32>,
        tpu.vector_store_idx %arg10[%shift_right_logical3A_28, %and3A_51, %add3A_1350], %mul3A_1461 : memref<8x8x129xf32, #tpu.memory_space<vmem>>[vector<16xi32>, vector<16xi32>, vector<16xi32>], vector<16xf32>,
        tpu.vector_store_idx %arg10[%shift_right_logical3A_10, %and3A_33, %add3A_1354], %mul3A_1464 : memref<8x8x129xf32, #tpu.memory_space<vmem>>[vector<16xi32>, vector<16xi32>, vector<16xi32>], vector<16xf32>,
        tpu.vector_store_idx %arg10[%shift_right_logical3A_16, %and3A_39, %add3A_1354], %mul3A_1467 : memref<8x8x129xf32, #tpu.memory_space<vmem>>[vector<16xi32>, vector<16xi32>, vector<16xi32>], vector<16xf32>,
        tpu.vector_store_idx %arg10[%shift_right_logical3A_22, %and3A_45, %add3A_1354], %mul3A_1470 : memref<8x8x129xf32, #tpu.memory_space<vmem>>[vector<16xi32>, vector<16xi32>, vector<16xi32>], vector<16xf32>,
        tpu.vector_store_idx %arg10[%shift_right_logical3A_28, %and3A_51, %add3A_1354], %mul3A_1473 : memref<8x8x129xf32, #tpu.memory_space<vmem>>[vector<16xi32>, vector<16xi32>, vector<16xi32>], vector<16xf32>,
        tpu.vector_store_idx %arg10[%shift_right_logical3A_10, %and3A_33, %add3A_1358], %mul3A_1476 : memref<8x8x129xf32, #tpu.memory_space<vmem>>[vector<16xi32>, vector<16xi32>, vector<16xi32>], vector<16xf32>,
        tpu.vector_store_idx %arg10[%shift_right_logical3A_16, %and3A_39, %add3A_1358], %mul3A_1479 : memref<8x8x129xf32, #tpu.memory_space<vmem>>[vector<16xi32>, vector<16xi32>, vector<16xi32>], vector<16xf32>,
        tpu.vector_store_idx %arg10[%shift_right_logical3A_22, %and3A_45, %add3A_1358], %mul3A_1482 : memref<8x8x129xf32, #tpu.memory_space<vmem>>[vector<16xi32>, vector<16xi32>, vector<16xi32>], vector<16xf32>,
        tpu.vector_store_idx %arg10[%shift_right_logical3A_28, %and3A_51, %add3A_1358], %mul3A_1485 : memref<8x8x129xf32, #tpu.memory_space<vmem>>[vector<16xi32>, vector<16xi32>, vector<16xi32>], vector<16xf32>,
      }
      %scan3A_708 = arith.constant 32 : i32
      %dma_start3A_709 = arith.constant 0 : i32
      %dma_start3A_710 = arith.constant 0 : i32
      %dma_start3A_711 = arith.constant 0 : i32
      %dma_start3A_712 = arith.constant 0 : i32
      %dma_start3A_713 = tpu.memref_slice %arg10[%dma_start3A_709, %dma_start3A_711, %dma_start3A_712] : memref<8x8x129xf32, #tpu.memory_space<vmem>> -> memref<1x8x128xf32, #tpu.memory_space<vmem>>
      %dma_start3A_714 = tpu.memref_squeeze %dma_start3A_713 : memref<1x8x128xf32, #tpu.memory_space<vmem>> -> memref<8x128xf32, #tpu.memory_space<vmem>>
      %dma_start3A_715 = arith.constant 0 : i32
      %dma_start3A_716 = arith.constant 0 : i32
      %dma_start3A_717 = tpu.memref_slice %arg4[%add3A_695, %dma_start3A_710, %add3A, %dma_start3A_715, %dma_start3A_716] : memref<200x8x32x8x128xf32, #tpu.memory_space<hbm>> -> memref<1x1x1x8x128xf32, #tpu.memory_space<hbm>>
      %dma_start3A_718 = tpu.memref_squeeze %dma_start3A_717 : memref<1x1x1x8x128xf32, #tpu.memory_space<hbm>> -> memref<8x128xf32, #tpu.memory_space<hbm>>
      %dma_start3A_719 = arith.constant 0 : i32
      %dma_start3A_720 = arith.constant 0 : i32
      %dma_start3A_721 = tpu.memref_slice %arg4[%add3A_695, %dma_start3A_710, %add3A, %dma_start3A_719, %dma_start3A_720] : memref<200x8x32x8x128xf32, #tpu.memory_space<hbm>> -> memref<1x1x1x8x128xf32, #tpu.memory_space<hbm>>
      %dma_start3A_722 = tpu.memref_squeeze %dma_start3A_721 : memref<1x1x1x8x128xf32, #tpu.memory_space<hbm>> -> memref<8x128xf32, #tpu.memory_space<hbm>>
      %dma_start3A_723 = arith.constant 0 : i32
      %dma_start3A_724 = arith.constant 0 : i32
      %dma_start3A_725 = tpu.memref_slice %arg10[%dma_start3A_709, %dma_start3A_723, %dma_start3A_724] : memref<8x8x129xf32, #tpu.memory_space<vmem>> -> memref<1x8x128xf32, #tpu.memory_space<vmem>>
      %dma_start3A_726 = tpu.memref_squeeze %dma_start3A_725 : memref<1x8x128xf32, #tpu.memory_space<vmem>> -> memref<8x128xf32, #tpu.memory_space<vmem>>
      tpu.enqueue_dma source(%dma_start3A_726 : memref<8x128xf32, #tpu.memory_space<vmem>>) target(%dma_start3A_722 : memref<8x128xf32, #tpu.memory_space<hbm>>) target_semaphore(%arg18 : memref<!tpu.dma_semaphore, #tpu.memory_space<semaphore_mem>>)
      %dma_start3A_727 = arith.constant 1 : i32
      %dma_start3A_728 = arith.constant 1 : i32
      %dma_start3A_729 = arith.constant 0 : i32
      %dma_start3A_730 = arith.constant 0 : i32
      %dma_start3A_731 = tpu.memref_slice %arg10[%dma_start3A_727, %dma_start3A_729, %dma_start3A_730] : memref<8x8x129xf32, #tpu.memory_space<vmem>> -> memref<1x8x128xf32, #tpu.memory_space<vmem>>
      %dma_start3A_732 = tpu.memref_squeeze %dma_start3A_731 : memref<1x8x128xf32, #tpu.memory_space<vmem>> -> memref<8x128xf32, #tpu.memory_space<vmem>>
      %dma_start3A_733 = arith.constant 0 : i32
      %dma_start3A_734 = arith.constant 0 : i32
      %dma_start3A_735 = tpu.memref_slice %arg4[%add3A_695, %dma_start3A_728, %add3A, %dma_start3A_733, %dma_start3A_734] : memref<200x8x32x8x128xf32, #tpu.memory_space<hbm>> -> memref<1x1x1x8x128xf32, #tpu.memory_space<hbm>>
      %dma_start3A_736 = tpu.memref_squeeze %dma_start3A_735 : memref<1x1x1x8x128xf32, #tpu.memory_space<hbm>> -> memref<8x128xf32, #tpu.memory_space<hbm>>
      %dma_start3A_737 = arith.constant 0 : i32
      %dma_start3A_738 = arith.constant 0 : i32
      %dma_start3A_739 = tpu.memref_slice %arg4[%add3A_695, %dma_start3A_728, %add3A, %dma_start3A_737, %dma_start3A_738] : memref<200x8x32x8x128xf32, #tpu.memory_space<hbm>> -> memref<1x1x1x8x128xf32, #tpu.memory_space<hbm>>
      %dma_start3A_740 = tpu.memref_squeeze %dma_start3A_739 : memref<1x1x1x8x128xf32, #tpu.memory_space<hbm>> -> memref<8x128xf32, #tpu.memory_space<hbm>>
      %dma_start3A_741 = arith.constant 0 : i32
      %dma_start3A_742 = arith.constant 0 : i32
      %dma_start3A_743 = tpu.memref_slice %arg10[%dma_start3A_727, %dma_start3A_741, %dma_start3A_742] : memref<8x8x129xf32, #tpu.memory_space<vmem>> -> memref<1x8x128xf32, #tpu.memory_space<vmem>>
      %dma_start3A_744 = tpu.memref_squeeze %dma_start3A_743 : memref<1x8x128xf32, #tpu.memory_space<vmem>> -> memref<8x128xf32, #tpu.memory_space<vmem>>
      tpu.enqueue_dma source(%dma_start3A_744 : memref<8x128xf32, #tpu.memory_space<vmem>>) target(%dma_start3A_740 : memref<8x128xf32, #tpu.memory_space<hbm>>) target_semaphore(%arg18 : memref<!tpu.dma_semaphore, #tpu.memory_space<semaphore_mem>>)
      %dma_start3A_745 = arith.constant 2 : i32
      %dma_start3A_746 = arith.constant 2 : i32
      %dma_start3A_747 = arith.constant 0 : i32
      %dma_start3A_748 = arith.constant 0 : i32
      %dma_start3A_749 = tpu.memref_slice %arg10[%dma_start3A_745, %dma_start3A_747, %dma_start3A_748] : memref<8x8x129xf32, #tpu.memory_space<vmem>> -> memref<1x8x128xf32, #tpu.memory_space<vmem>>
      %dma_start3A_750 = tpu.memref_squeeze %dma_start3A_749 : memref<1x8x128xf32, #tpu.memory_space<vmem>> -> memref<8x128xf32, #tpu.memory_space<vmem>>
      %dma_start3A_751 = arith.constant 0 : i32
      %dma_start3A_752 = arith.constant 0 : i32
      %dma_start3A_753 = tpu.memref_slice %arg4[%add3A_695, %dma_start3A_746, %add3A, %dma_start3A_751, %dma_start3A_752] : memref<200x8x32x8x128xf32, #tpu.memory_space<hbm>> -> memref<1x1x1x8x128xf32, #tpu.memory_space<hbm>>
      %dma_start3A_754 = tpu.memref_squeeze %dma_start3A_753 : memref<1x1x1x8x128xf32, #tpu.memory_space<hbm>> -> memref<8x128xf32, #tpu.memory_space<hbm>>
      %dma_start3A_755 = arith.constant 0 : i32
      %dma_start3A_756 = arith.constant 0 : i32
      %dma_start3A_757 = tpu.memref_slice %arg4[%add3A_695, %dma_start3A_746, %add3A, %dma_start3A_755, %dma_start3A_756] : memref<200x8x32x8x128xf32, #tpu.memory_space<hbm>> -> memref<1x1x1x8x128xf32, #tpu.memory_space<hbm>>
      %dma_start3A_758 = tpu.memref_squeeze %dma_start3A_757 : memref<1x1x1x8x128xf32, #tpu.memory_space<hbm>> -> memref<8x128xf32, #tpu.memory_space<hbm>>
      %dma_start3A_759 = arith.constant 0 : i32
      %dma_start3A_760 = arith.constant 0 : i32
      %dma_start3A_761 = tpu.memref_slice %arg10[%dma_start3A_745, %dma_start3A_759, %dma_start3A_760] : memref<8x8x129xf32, #tpu.memory_space<vmem>> -> memref<1x8x128xf32, #tpu.memory_space<vmem>>
      %dma_start3A_762 = tpu.memref_squeeze %dma_start3A_761 : memref<1x8x128xf32, #tpu.memory_space<vmem>> -> memref<8x128xf32, #tpu.memory_space<vmem>>
      tpu.enqueue_dma source(%dma_start3A_762 : memref<8x128xf32, #tpu.memory_space<vmem>>) target(%dma_start3A_758 : memref<8x128xf32, #tpu.memory_space<hbm>>) target_semaphore(%arg18 : memref<!tpu.dma_semaphore, #tpu.memory_space<semaphore_mem>>)
      %dma_start3A_763 = arith.constant 3 : i32
      %dma_start3A_764 = arith.constant 3 : i32
      %dma_start3A_765 = arith.constant 0 : i32
      %dma_start3A_766 = arith.constant 0 : i32
      %dma_start3A_767 = tpu.memref_slice %arg10[%dma_start3A_763, %dma_start3A_765, %dma_start3A_766] : memref<8x8x129xf32, #tpu.memory_space<vmem>> -> memref<1x8x128xf32, #tpu.memory_space<vmem>>
      %dma_start3A_768 = tpu.memref_squeeze %dma_start3A_767 : memref<1x8x128xf32, #tpu.memory_space<vmem>> -> memref<8x128xf32, #tpu.memory_space<vmem>>
      %dma_start3A_769 = arith.constant 0 : i32
      %dma_start3A_770 = arith.constant 0 : i32
      %dma_start3A_771 = tpu.memref_slice %arg4[%add3A_695, %dma_start3A_764, %add3A, %dma_start3A_769, %dma_start3A_770] : memref<200x8x32x8x128xf32, #tpu.memory_space<hbm>> -> memref<1x1x1x8x128xf32, #tpu.memory_space<hbm>>
      %dma_start3A_772 = tpu.memref_squeeze %dma_start3A_771 : memref<1x1x1x8x128xf32, #tpu.memory_space<hbm>> -> memref<8x128xf32, #tpu.memory_space<hbm>>
      %dma_start3A_773 = arith.constant 0 : i32
      %dma_start3A_774 = arith.constant 0 : i32
      %dma_start3A_775 = tpu.memref_slice %arg4[%add3A_695, %dma_start3A_764, %add3A, %dma_start3A_773, %dma_start3A_774] : memref<200x8x32x8x128xf32, #tpu.memory_space<hbm>> -> memref<1x1x1x8x128xf32, #tpu.memory_space<hbm>>
      %dma_start3A_776 = tpu.memref_squeeze %dma_start3A_775 : memref<1x1x1x8x128xf32, #tpu.memory_space<hbm>> -> memref<8x128xf32, #tpu.memory_space<hbm>>
      %dma_start3A_777 = arith.constant 0 : i32
      %dma_start3A_778 = arith.constant 0 : i32
      %dma_start3A_779 = tpu.memref_slice %arg10[%dma_start3A_763, %dma_start3A_777, %dma_start3A_778] : memref<8x8x129xf32, #tpu.memory_space<vmem>> -> memref<1x8x128xf32, #tpu.memory_space<vmem>>
      %dma_start3A_780 = tpu.memref_squeeze %dma_start3A_779 : memref<1x8x128xf32, #tpu.memory_space<vmem>> -> memref<8x128xf32, #tpu.memory_space<vmem>>
      tpu.enqueue_dma source(%dma_start3A_780 : memref<8x128xf32, #tpu.memory_space<vmem>>) target(%dma_start3A_776 : memref<8x128xf32, #tpu.memory_space<hbm>>) target_semaphore(%arg18 : memref<!tpu.dma_semaphore, #tpu.memory_space<semaphore_mem>>)
      %dma_start3A_781 = arith.constant 4 : i32
      %dma_start3A_782 = arith.constant 4 : i32
      %dma_start3A_783 = arith.constant 0 : i32
      %dma_start3A_784 = arith.constant 0 : i32
      %dma_start3A_785 = tpu.memref_slice %arg10[%dma_start3A_781, %dma_start3A_783, %dma_start3A_784] : memref<8x8x129xf32, #tpu.memory_space<vmem>> -> memref<1x8x128xf32, #tpu.memory_space<vmem>>
      %dma_start3A_786 = tpu.memref_squeeze %dma_start3A_785 : memref<1x8x128xf32, #tpu.memory_space<vmem>> -> memref<8x128xf32, #tpu.memory_space<vmem>>
      %dma_start3A_787 = arith.constant 0 : i32
      %dma_start3A_788 = arith.constant 0 : i32
      %dma_start3A_789 = tpu.memref_slice %arg4[%add3A_695, %dma_start3A_782, %add3A, %dma_start3A_787, %dma_start3A_788] : memref<200x8x32x8x128xf32, #tpu.memory_space<hbm>> -> memref<1x1x1x8x128xf32, #tpu.memory_space<hbm>>
      %dma_start3A_790 = tpu.memref_squeeze %dma_start3A_789 : memref<1x1x1x8x128xf32, #tpu.memory_space<hbm>> -> memref<8x128xf32, #tpu.memory_space<hbm>>
      %dma_start3A_791 = arith.constant 0 : i32
      %dma_start3A_792 = arith.constant 0 : i32
      %dma_start3A_793 = tpu.memref_slice %arg4[%add3A_695, %dma_start3A_782, %add3A, %dma_start3A_791, %dma_start3A_792] : memref<200x8x32x8x128xf32, #tpu.memory_space<hbm>> -> memref<1x1x1x8x128xf32, #tpu.memory_space<hbm>>
      %dma_start3A_794 = tpu.memref_squeeze %dma_start3A_793 : memref<1x1x1x8x128xf32, #tpu.memory_space<hbm>> -> memref<8x128xf32, #tpu.memory_space<hbm>>
      %dma_start3A_795 = arith.constant 0 : i32
      %dma_start3A_796 = arith.constant 0 : i32
      %dma_start3A_797 = tpu.memref_slice %arg10[%dma_start3A_781, %dma_start3A_795, %dma_start3A_796] : memref<8x8x129xf32, #tpu.memory_space<vmem>> -> memref<1x8x128xf32, #tpu.memory_space<vmem>>
      %dma_start3A_798 = tpu.memref_squeeze %dma_start3A_797 : memref<1x8x128xf32, #tpu.memory_space<vmem>> -> memref<8x128xf32, #tpu.memory_space<vmem>>
      tpu.enqueue_dma source(%dma_start3A_798 : memref<8x128xf32, #tpu.memory_space<vmem>>) target(%dma_start3A_794 : memref<8x128xf32, #tpu.memory_space<hbm>>) target_semaphore(%arg18 : memref<!tpu.dma_semaphore, #tpu.memory_space<semaphore_mem>>)
      %dma_start3A_799 = arith.constant 5 : i32
      %dma_start3A_800 = arith.constant 5 : i32
      %dma_start3A_801 = arith.constant 0 : i32
      %dma_start3A_802 = arith.constant 0 : i32
      %dma_start3A_803 = tpu.memref_slice %arg10[%dma_start3A_799, %dma_start3A_801, %dma_start3A_802] : memref<8x8x129xf32, #tpu.memory_space<vmem>> -> memref<1x8x128xf32, #tpu.memory_space<vmem>>
      %dma_start3A_804 = tpu.memref_squeeze %dma_start3A_803 : memref<1x8x128xf32, #tpu.memory_space<vmem>> -> memref<8x128xf32, #tpu.memory_space<vmem>>
      %dma_start3A_805 = arith.constant 0 : i32
      %dma_start3A_806 = arith.constant 0 : i32
      %dma_start3A_807 = tpu.memref_slice %arg4[%add3A_695, %dma_start3A_800, %add3A, %dma_start3A_805, %dma_start3A_806] : memref<200x8x32x8x128xf32, #tpu.memory_space<hbm>> -> memref<1x1x1x8x128xf32, #tpu.memory_space<hbm>>
      %dma_start3A_808 = tpu.memref_squeeze %dma_start3A_807 : memref<1x1x1x8x128xf32, #tpu.memory_space<hbm>> -> memref<8x128xf32, #tpu.memory_space<hbm>>
      %dma_start3A_809 = arith.constant 0 : i32
      %dma_start3A_810 = arith.constant 0 : i32
      %dma_start3A_811 = tpu.memref_slice %arg4[%add3A_695, %dma_start3A_800, %add3A, %dma_start3A_809, %dma_start3A_810] : memref<200x8x32x8x128xf32, #tpu.memory_space<hbm>> -> memref<1x1x1x8x128xf32, #tpu.memory_space<hbm>>
      %dma_start3A_812 = tpu.memref_squeeze %dma_start3A_811 : memref<1x1x1x8x128xf32, #tpu.memory_space<hbm>> -> memref<8x128xf32, #tpu.memory_space<hbm>>
      %dma_start3A_813 = arith.constant 0 : i32
      %dma_start3A_814 = arith.constant 0 : i32
      %dma_start3A_815 = tpu.memref_slice %arg10[%dma_start3A_799, %dma_start3A_813, %dma_start3A_814] : memref<8x8x129xf32, #tpu.memory_space<vmem>> -> memref<1x8x128xf32, #tpu.memory_space<vmem>>
      %dma_start3A_816 = tpu.memref_squeeze %dma_start3A_815 : memref<1x8x128xf32, #tpu.memory_space<vmem>> -> memref<8x128xf32, #tpu.memory_space<vmem>>
      tpu.enqueue_dma source(%dma_start3A_816 : memref<8x128xf32, #tpu.memory_space<vmem>>) target(%dma_start3A_812 : memref<8x128xf32, #tpu.memory_space<hbm>>) target_semaphore(%arg18 : memref<!tpu.dma_semaphore, #tpu.memory_space<semaphore_mem>>)
      %dma_start3A_817 = arith.constant 6 : i32
      %dma_start3A_818 = arith.constant 6 : i32
      %dma_start3A_819 = arith.constant 0 : i32
      %dma_start3A_820 = arith.constant 0 : i32
      %dma_start3A_821 = tpu.memref_slice %arg10[%dma_start3A_817, %dma_start3A_819, %dma_start3A_820] : memref<8x8x129xf32, #tpu.memory_space<vmem>> -> memref<1x8x128xf32, #tpu.memory_space<vmem>>
      %dma_start3A_822 = tpu.memref_squeeze %dma_start3A_821 : memref<1x8x128xf32, #tpu.memory_space<vmem>> -> memref<8x128xf32, #tpu.memory_space<vmem>>
      %dma_start3A_823 = arith.constant 0 : i32
      %dma_start3A_824 = arith.constant 0 : i32
      %dma_start3A_825 = tpu.memref_slice %arg4[%add3A_695, %dma_start3A_818, %add3A, %dma_start3A_823, %dma_start3A_824] : memref<200x8x32x8x128xf32, #tpu.memory_space<hbm>> -> memref<1x1x1x8x128xf32, #tpu.memory_space<hbm>>
      %dma_start3A_826 = tpu.memref_squeeze %dma_start3A_825 : memref<1x1x1x8x128xf32, #tpu.memory_space<hbm>> -> memref<8x128xf32, #tpu.memory_space<hbm>>
      %dma_start3A_827 = arith.constant 0 : i32
      %dma_start3A_828 = arith.constant 0 : i32
      %dma_start3A_829 = tpu.memref_slice %arg4[%add3A_695, %dma_start3A_818, %add3A, %dma_start3A_827, %dma_start3A_828] : memref<200x8x32x8x128xf32, #tpu.memory_space<hbm>> -> memref<1x1x1x8x128xf32, #tpu.memory_space<hbm>>
      %dma_start3A_830 = tpu.memref_squeeze %dma_start3A_829 : memref<1x1x1x8x128xf32, #tpu.memory_space<hbm>> -> memref<8x128xf32, #tpu.memory_space<hbm>>
      %dma_start3A_831 = arith.constant 0 : i32
      %dma_start3A_832 = arith.constant 0 : i32
      %dma_start3A_833 = tpu.memref_slice %arg10[%dma_start3A_817, %dma_start3A_831, %dma_start3A_832] : memref<8x8x129xf32, #tpu.memory_space<vmem>> -> memref<1x8x128xf32, #tpu.memory_space<vmem>>
      %dma_start3A_834 = tpu.memref_squeeze %dma_start3A_833 : memref<1x8x128xf32, #tpu.memory_space<vmem>> -> memref<8x128xf32, #tpu.memory_space<vmem>>
      tpu.enqueue_dma source(%dma_start3A_834 : memref<8x128xf32, #tpu.memory_space<vmem>>) target(%dma_start3A_830 : memref<8x128xf32, #tpu.memory_space<hbm>>) target_semaphore(%arg18 : memref<!tpu.dma_semaphore, #tpu.memory_space<semaphore_mem>>)
      %dma_start3A_835 = arith.constant 7 : i32
      %dma_start3A_836 = arith.constant 7 : i32
      %dma_start3A_837 = arith.constant 0 : i32
      %dma_start3A_838 = arith.constant 0 : i32
      %dma_start3A_839 = tpu.memref_slice %arg10[%dma_start3A_835, %dma_start3A_837, %dma_start3A_838] : memref<8x8x129xf32, #tpu.memory_space<vmem>> -> memref<1x8x128xf32, #tpu.memory_space<vmem>>
      %dma_start3A_840 = tpu.memref_squeeze %dma_start3A_839 : memref<1x8x128xf32, #tpu.memory_space<vmem>> -> memref<8x128xf32, #tpu.memory_space<vmem>>
      %dma_start3A_841 = arith.constant 0 : i32
      %dma_start3A_842 = arith.constant 0 : i32
      %dma_start3A_843 = tpu.memref_slice %arg4[%add3A_695, %dma_start3A_836, %add3A, %dma_start3A_841, %dma_start3A_842] : memref<200x8x32x8x128xf32, #tpu.memory_space<hbm>> -> memref<1x1x1x8x128xf32, #tpu.memory_space<hbm>>
      %dma_start3A_844 = tpu.memref_squeeze %dma_start3A_843 : memref<1x1x1x8x128xf32, #tpu.memory_space<hbm>> -> memref<8x128xf32, #tpu.memory_space<hbm>>
      %dma_start3A_845 = arith.constant 0 : i32
      %dma_start3A_846 = arith.constant 0 : i32
      %dma_start3A_847 = tpu.memref_slice %arg4[%add3A_695, %dma_start3A_836, %add3A, %dma_start3A_845, %dma_start3A_846] : memref<200x8x32x8x128xf32, #tpu.memory_space<hbm>> -> memref<1x1x1x8x128xf32, #tpu.memory_space<hbm>>
      %dma_start3A_848 = tpu.memref_squeeze %dma_start3A_847 : memref<1x1x1x8x128xf32, #tpu.memory_space<hbm>> -> memref<8x128xf32, #tpu.memory_space<hbm>>
      %dma_start3A_849 = arith.constant 0 : i32
      %dma_start3A_850 = arith.constant 0 : i32
      %dma_start3A_851 = tpu.memref_slice %arg10[%dma_start3A_835, %dma_start3A_849, %dma_start3A_850] : memref<8x8x129xf32, #tpu.memory_space<vmem>> -> memref<1x8x128xf32, #tpu.memory_space<vmem>>
      %dma_start3A_852 = tpu.memref_squeeze %dma_start3A_851 : memref<1x8x128xf32, #tpu.memory_space<vmem>> -> memref<8x128xf32, #tpu.memory_space<vmem>>
      tpu.enqueue_dma source(%dma_start3A_852 : memref<8x128xf32, #tpu.memory_space<vmem>>) target(%dma_start3A_848 : memref<8x128xf32, #tpu.memory_space<hbm>>) target_semaphore(%arg18 : memref<!tpu.dma_semaphore, #tpu.memory_space<semaphore_mem>>)
      %mul3A_853 = arith.constant 4 : i32
      %mul3A_854 = arith.muli %scan3A_691, %mul3A_853 : i32
      %add3A_855 = arith.constant 1 : i32
      %add3A_856 = arith.addi %mul3A_854, %add3A_855 : i32
      %dma_wait3A_857 = arith.constant 0 : i32
      %dma_wait3A_858 = arith.constant 0 : i32
      %dma_wait3A_859 = tpu.memref_slice %arg5[%dma_wait3A_857, %dma_wait3A_858] : memref<200x128xi32, #tpu.memory_space<vmem>> -> memref<1x128xi32, #tpu.memory_space<vmem>>
      %dma_wait3A_860 = tpu.memref_squeeze %dma_wait3A_859 : memref<1x128xi32, #tpu.memory_space<vmem>> -> memref<128xi32, #tpu.memory_space<vmem>>
      %dma_wait3A_861 = arith.constant 0 : i32
      %dma_wait3A_862 = arith.constant 0 : i32
      %dma_wait3A_863 = tpu.memref_slice %arg3[%dma_wait3A_861, %dma_wait3A_862] : memref<1000000x64xf32, #tpu.memory_space<hbm>> -> memref<1000000x64xf32, #tpu.memory_space<hbm>>
      tpu.wait_indirect_dma semaphore(%arg15 : memref<!tpu.dma_semaphore, #tpu.memory_space<semaphore_mem>>) src(%dma_wait3A_863 : memref<1000000x64xf32, #tpu.memory_space<hbm>>) dst(%arg7 : memref<128x64xf32, #tpu.memory_space<vmem>>)
      %scan3A_864 = arith.constant 0 : i32
      %scan3A_865 = arith.constant 0 : i32
      %scan3A_866 = arith.constant 32 : i32
      %scan3A_867 = arith.addi %scan3A_865, %scan3A_866 : i32
      %scan3A_868 = arith.constant 1 : i32
      scf.for %scan3A_1340 = %scan3A_865 to %scan3A_867 step %scan3A_868  : i32 {
        %mul3A_1341 = arith.constant 4 : i32
        %mul3A_1342 = arith.muli %scan3A_1340, %mul3A_1341 : i32
        %add3A_1343 = arith.constant 0 : i32
        %add3A_1344 = arith.addi %mul3A_1342, %add3A_1343 : i32
        %add3A_1345 = vector.broadcast %add3A_1344 : i32 to vector<16xi32>
        %add3A_1346 = arith.addi %mul3A_5, %add3A_1345 : vector<16xi32>
        %add3A_1347 = arith.constant 1 : i32
        %add3A_1348 = arith.addi %mul3A_1342, %add3A_1347 : i32
        %add3A_1349 = vector.broadcast %add3A_1348 : i32 to vector<16xi32>
        %add3A_1350 = arith.addi %mul3A_5, %add3A_1349 : vector<16xi32>
        %add3A_1351 = arith.constant 2 : i32
        %add3A_1352 = arith.addi %mul3A_1342, %add3A_1351 : i32
        %add3A_1353 = vector.broadcast %add3A_1352 : i32 to vector<16xi32>
        %add3A_1354 = arith.addi %mul3A_5, %add3A_1353 : vector<16xi32>
        %add3A_1355 = arith.constant 3 : i32
        %add3A_1356 = arith.addi %mul3A_1342, %add3A_1355 : i32
        %add3A_1357 = vector.broadcast %add3A_1356 : i32 to vector<16xi32>
        %add3A_1358 = arith.addi %mul3A_5, %add3A_1357 : vector<16xi32>
        %add3A_1359 = arith.constant 0 : i32
        %add3A_1360 = arith.addi %mul3A_1342, %add3A_1359 : i32
        %get3A = arith.index_cast %add3A_1360 : i32 to index
        %get3A_1361 = arith.constant 0 : index
        %get3A_1362 = tpu.vector_load %arg7[%get3A, %get3A_1361] {strides = array<i32>} : memref<128x64xf32, #tpu.memory_space<vmem>>, vector<16xf32>,
        %add3A_1363 = arith.constant 0 : i32
        %add3A_1364 = arith.addi %mul3A_1342, %add3A_1363 : i32
        %get3A_1365 = arith.index_cast %add3A_1364 : i32 to index
        %get3A_1366 = arith.constant 16 : index
        %get3A_1367 = tpu.vector_load %arg7[%get3A_1365, %get3A_1366] {strides = array<i32>} : memref<128x64xf32, #tpu.memory_space<vmem>>, vector<16xf32>,
        %add3A_1368 = arith.constant 0 : i32
        %add3A_1369 = arith.addi %mul3A_1342, %add3A_1368 : i32
        %get3A_1370 = arith.index_cast %add3A_1369 : i32 to index
        %get3A_1371 = arith.constant 32 : index
        %get3A_1372 = tpu.vector_load %arg7[%get3A_1370, %get3A_1371] {strides = array<i32>} : memref<128x64xf32, #tpu.memory_space<vmem>>, vector<16xf32>,
        %add3A_1373 = arith.constant 0 : i32
        %add3A_1374 = arith.addi %mul3A_1342, %add3A_1373 : i32
        %get3A_1375 = arith.index_cast %add3A_1374 : i32 to index
        %get3A_1376 = arith.constant 48 : index
        %get3A_1377 = tpu.vector_load %arg7[%get3A_1375, %get3A_1376] {strides = array<i32>} : memref<128x64xf32, #tpu.memory_space<vmem>>, vector<16xf32>,
        %add3A_1378 = arith.constant 1 : i32
        %add3A_1379 = arith.addi %mul3A_1342, %add3A_1378 : i32
        %get3A_1380 = arith.index_cast %add3A_1379 : i32 to index
        %get3A_1381 = arith.constant 0 : index
        %get3A_1382 = tpu.vector_load %arg7[%get3A_1380, %get3A_1381] {strides = array<i32>} : memref<128x64xf32, #tpu.memory_space<vmem>>, vector<16xf32>,
        %add3A_1383 = arith.constant 1 : i32
        %add3A_1384 = arith.addi %mul3A_1342, %add3A_1383 : i32
        %get3A_1385 = arith.index_cast %add3A_1384 : i32 to index
        %get3A_1386 = arith.constant 16 : index
        %get3A_1387 = tpu.vector_load %arg7[%get3A_1385, %get3A_1386] {strides = array<i32>} : memref<128x64xf32, #tpu.memory_space<vmem>>, vector<16xf32>,
        %add3A_1388 = arith.constant 1 : i32
        %add3A_1389 = arith.addi %mul3A_1342, %add3A_1388 : i32
        %get3A_1390 = arith.index_cast %add3A_1389 : i32 to index
        %get3A_1391 = arith.constant 32 : index
        %get3A_1392 = tpu.vector_load %arg7[%get3A_1390, %get3A_1391] {strides = array<i32>} : memref<128x64xf32, #tpu.memory_space<vmem>>, vector<16xf32>,
        %add3A_1393 = arith.constant 1 : i32
        %add3A_1394 = arith.addi %mul3A_1342, %add3A_1393 : i32
        %get3A_1395 = arith.index_cast %add3A_1394 : i32 to index
        %get3A_1396 = arith.constant 48 : index
        %get3A_1397 = tpu.vector_load %arg7[%get3A_1395, %get3A_1396] {strides = array<i32>} : memref<128x64xf32, #tpu.memory_space<vmem>>, vector<16xf32>,
        %add3A_1398 = arith.constant 2 : i32
        %add3A_1399 = arith.addi %mul3A_1342, %add3A_1398 : i32
        %get3A_1400 = arith.index_cast %add3A_1399 : i32 to index
        %get3A_1401 = arith.constant 0 : index
        %get3A_1402 = tpu.vector_load %arg7[%get3A_1400, %get3A_1401] {strides = array<i32>} : memref<128x64xf32, #tpu.memory_space<vmem>>, vector<16xf32>,
        %add3A_1403 = arith.constant 2 : i32
        %add3A_1404 = arith.addi %mul3A_1342, %add3A_1403 : i32
        %get3A_1405 = arith.index_cast %add3A_1404 : i32 to index
        %get3A_1406 = arith.constant 16 : index
        %get3A_1407 = tpu.vector_load %arg7[%get3A_1405, %get3A_1406] {strides = array<i32>} : memref<128x64xf32, #tpu.memory_space<vmem>>, vector<16xf32>,
        %add3A_1408 = arith.constant 2 : i32
        %add3A_1409 = arith.addi %mul3A_1342, %add3A_1408 : i32
        %get3A_1410 = arith.index_cast %add3A_1409 : i32 to index
        %get3A_1411 = arith.constant 32 : index
        %get3A_1412 = tpu.vector_load %arg7[%get3A_1410, %get3A_1411] {strides = array<i32>} : memref<128x64xf32, #tpu.memory_space<vmem>>, vector<16xf32>,
        %add3A_1413 = arith.constant 2 : i32
        %add3A_1414 = arith.addi %mul3A_1342, %add3A_1413 : i32
        %get3A_1415 = arith.index_cast %add3A_1414 : i32 to index
        %get3A_1416 = arith.constant 48 : index
        %get3A_1417 = tpu.vector_load %arg7[%get3A_1415, %get3A_1416] {strides = array<i32>} : memref<128x64xf32, #tpu.memory_space<vmem>>, vector<16xf32>,
        %add3A_1418 = arith.constant 3 : i32
        %add3A_1419 = arith.addi %mul3A_1342, %add3A_1418 : i32
        %get3A_1420 = arith.index_cast %add3A_1419 : i32 to index
        %get3A_1421 = arith.constant 0 : index
        %get3A_1422 = tpu.vector_load %arg7[%get3A_1420, %get3A_1421] {strides = array<i32>} : memref<128x64xf32, #tpu.memory_space<vmem>>, vector<16xf32>,
        %add3A_1423 = arith.constant 3 : i32
        %add3A_1424 = arith.addi %mul3A_1342, %add3A_1423 : i32
        %get3A_1425 = arith.index_cast %add3A_1424 : i32 to index
        %get3A_1426 = arith.constant 16 : index
        %get3A_1427 = tpu.vector_load %arg7[%get3A_1425, %get3A_1426] {strides = array<i32>} : memref<128x64xf32, #tpu.memory_space<vmem>>, vector<16xf32>,
        %add3A_1428 = arith.constant 3 : i32
        %add3A_1429 = arith.addi %mul3A_1342, %add3A_1428 : i32
        %get3A_1430 = arith.index_cast %add3A_1429 : i32 to index
        %get3A_1431 = arith.constant 32 : index
        %get3A_1432 = tpu.vector_load %arg7[%get3A_1430, %get3A_1431] {strides = array<i32>} : memref<128x64xf32, #tpu.memory_space<vmem>>, vector<16xf32>,
        %add3A_1433 = arith.constant 3 : i32
        %add3A_1434 = arith.addi %mul3A_1342, %add3A_1433 : i32
        %get3A_1435 = arith.index_cast %add3A_1434 : i32 to index
        %get3A_1436 = arith.constant 48 : index
        %get3A_1437 = tpu.vector_load %arg7[%get3A_1435, %get3A_1436] {strides = array<i32>} : memref<128x64xf32, #tpu.memory_space<vmem>>, vector<16xf32>,
        %mul3A_1438 = arith.constant 1.562500e-02 : f32
        %mul3A_1439 = vector.broadcast %mul3A_1438 : f32 to vector<16xf32>
        %mul3A_1440 = arith.mulf %get3A_1362, %mul3A_1439 : vector<16xf32>
        %mul3A_1441 = arith.constant 1.562500e-02 : f32
        %mul3A_1442 = vector.broadcast %mul3A_1441 : f32 to vector<16xf32>
        %mul3A_1443 = arith.mulf %get3A_1367, %mul3A_1442 : vector<16xf32>
        %mul3A_1444 = arith.constant 1.562500e-02 : f32
        %mul3A_1445 = vector.broadcast %mul3A_1444 : f32 to vector<16xf32>
        %mul3A_1446 = arith.mulf %get3A_1372, %mul3A_1445 : vector<16xf32>
        %mul3A_1447 = arith.constant 1.562500e-02 : f32
        %mul3A_1448 = vector.broadcast %mul3A_1447 : f32 to vector<16xf32>
        %mul3A_1449 = arith.mulf %get3A_1377, %mul3A_1448 : vector<16xf32>
        %mul3A_1450 = arith.constant 1.562500e-02 : f32
        %mul3A_1451 = vector.broadcast %mul3A_1450 : f32 to vector<16xf32>
        %mul3A_1452 = arith.mulf %get3A_1382, %mul3A_1451 : vector<16xf32>
        %mul3A_1453 = arith.constant 1.562500e-02 : f32
        %mul3A_1454 = vector.broadcast %mul3A_1453 : f32 to vector<16xf32>
        %mul3A_1455 = arith.mulf %get3A_1387, %mul3A_1454 : vector<16xf32>
        %mul3A_1456 = arith.constant 1.562500e-02 : f32
        %mul3A_1457 = vector.broadcast %mul3A_1456 : f32 to vector<16xf32>
        %mul3A_1458 = arith.mulf %get3A_1392, %mul3A_1457 : vector<16xf32>
        %mul3A_1459 = arith.constant 1.562500e-02 : f32
        %mul3A_1460 = vector.broadcast %mul3A_1459 : f32 to vector<16xf32>
        %mul3A_1461 = arith.mulf %get3A_1397, %mul3A_1460 : vector<16xf32>
        %mul3A_1462 = arith.constant 1.562500e-02 : f32
        %mul3A_1463 = vector.broadcast %mul3A_1462 : f32 to vector<16xf32>
        %mul3A_1464 = arith.mulf %get3A_1402, %mul3A_1463 : vector<16xf32>
        %mul3A_1465 = arith.constant 1.562500e-02 : f32
        %mul3A_1466 = vector.broadcast %mul3A_1465 : f32 to vector<16xf32>
        %mul3A_1467 = arith.mulf %get3A_1407, %mul3A_1466 : vector<16xf32>
        %mul3A_1468 = arith.constant 1.562500e-02 : f32
        %mul3A_1469 = vector.broadcast %mul3A_1468 : f32 to vector<16xf32>
        %mul3A_1470 = arith.mulf %get3A_1412, %mul3A_1469 : vector<16xf32>
        %mul3A_1471 = arith.constant 1.562500e-02 : f32
        %mul3A_1472 = vector.broadcast %mul3A_1471 : f32 to vector<16xf32>
        %mul3A_1473 = arith.mulf %get3A_1417, %mul3A_1472 : vector<16xf32>
        %mul3A_1474 = arith.constant 1.562500e-02 : f32
        %mul3A_1475 = vector.broadcast %mul3A_1474 : f32 to vector<16xf32>
        %mul3A_1476 = arith.mulf %get3A_1422, %mul3A_1475 : vector<16xf32>
        %mul3A_1477 = arith.constant 1.562500e-02 : f32
        %mul3A_1478 = vector.broadcast %mul3A_1477 : f32 to vector<16xf32>
        %mul3A_1479 = arith.mulf %get3A_1427, %mul3A_1478 : vector<16xf32>
        %mul3A_1480 = arith.constant 1.562500e-02 : f32
        %mul3A_1481 = vector.broadcast %mul3A_1480 : f32 to vector<16xf32>
        %mul3A_1482 = arith.mulf %get3A_1432, %mul3A_1481 : vector<16xf32>
        %mul3A_1483 = arith.constant 1.562500e-02 : f32
        %mul3A_1484 = vector.broadcast %mul3A_1483 : f32 to vector<16xf32>
        %mul3A_1485 = arith.mulf %get3A_1437, %mul3A_1484 : vector<16xf32>
        tpu.vector_store_idx %arg11[%shift_right_logical3A_10, %and3A_33, %add3A_1346], %mul3A_1440 : memref<8x8x129xf32, #tpu.memory_space<vmem>>[vector<16xi32>, vector<16xi32>, vector<16xi32>], vector<16xf32>,
        tpu.vector_store_idx %arg11[%shift_right_logical3A_16, %and3A_39, %add3A_1346], %mul3A_1443 : memref<8x8x129xf32, #tpu.memory_space<vmem>>[vector<16xi32>, vector<16xi32>, vector<16xi32>], vector<16xf32>,
        tpu.vector_store_idx %arg11[%shift_right_logical3A_22, %and3A_45, %add3A_1346], %mul3A_1446 : memref<8x8x129xf32, #tpu.memory_space<vmem>>[vector<16xi32>, vector<16xi32>, vector<16xi32>], vector<16xf32>,
        tpu.vector_store_idx %arg11[%shift_right_logical3A_28, %and3A_51, %add3A_1346], %mul3A_1449 : memref<8x8x129xf32, #tpu.memory_space<vmem>>[vector<16xi32>, vector<16xi32>, vector<16xi32>], vector<16xf32>,
        tpu.vector_store_idx %arg11[%shift_right_logical3A_10, %and3A_33, %add3A_1350], %mul3A_1452 : memref<8x8x129xf32, #tpu.memory_space<vmem>>[vector<16xi32>, vector<16xi32>, vector<16xi32>], vector<16xf32>,
        tpu.vector_store_idx %arg11[%shift_right_logical3A_16, %and3A_39, %add3A_1350], %mul3A_1455 : memref<8x8x129xf32, #tpu.memory_space<vmem>>[vector<16xi32>, vector<16xi32>, vector<16xi32>], vector<16xf32>,
        tpu.vector_store_idx %arg11[%shift_right_logical3A_22, %and3A_45, %add3A_1350], %mul3A_1458 : memref<8x8x129xf32, #tpu.memory_space<vmem>>[vector<16xi32>, vector<16xi32>, vector<16xi32>], vector<16xf32>,
        tpu.vector_store_idx %arg11[%shift_right_logical3A_28, %and3A_51, %add3A_1350], %mul3A_1461 : memref<8x8x129xf32, #tpu.memory_space<vmem>>[vector<16xi32>, vector<16xi32>, vector<16xi32>], vector<16xf32>,
        tpu.vector_store_idx %arg11[%shift_right_logical3A_10, %and3A_33, %add3A_1354], %mul3A_1464 : memref<8x8x129xf32, #tpu.memory_space<vmem>>[vector<16xi32>, vector<16xi32>, vector<16xi32>], vector<16xf32>,
        tpu.vector_store_idx %arg11[%shift_right_logical3A_16, %and3A_39, %add3A_1354], %mul3A_1467 : memref<8x8x129xf32, #tpu.memory_space<vmem>>[vector<16xi32>, vector<16xi32>, vector<16xi32>], vector<16xf32>,
        tpu.vector_store_idx %arg11[%shift_right_logical3A_22, %and3A_45, %add3A_1354], %mul3A_1470 : memref<8x8x129xf32, #tpu.memory_space<vmem>>[vector<16xi32>, vector<16xi32>, vector<16xi32>], vector<16xf32>,
        tpu.vector_store_idx %arg11[%shift_right_logical3A_28, %and3A_51, %add3A_1354], %mul3A_1473 : memref<8x8x129xf32, #tpu.memory_space<vmem>>[vector<16xi32>, vector<16xi32>, vector<16xi32>], vector<16xf32>,
        tpu.vector_store_idx %arg11[%shift_right_logical3A_10, %and3A_33, %add3A_1358], %mul3A_1476 : memref<8x8x129xf32, #tpu.memory_space<vmem>>[vector<16xi32>, vector<16xi32>, vector<16xi32>], vector<16xf32>,
        tpu.vector_store_idx %arg11[%shift_right_logical3A_16, %and3A_39, %add3A_1358], %mul3A_1479 : memref<8x8x129xf32, #tpu.memory_space<vmem>>[vector<16xi32>, vector<16xi32>, vector<16xi32>], vector<16xf32>,
        tpu.vector_store_idx %arg11[%shift_right_logical3A_22, %and3A_45, %add3A_1358], %mul3A_1482 : memref<8x8x129xf32, #tpu.memory_space<vmem>>[vector<16xi32>, vector<16xi32>, vector<16xi32>], vector<16xf32>,
        tpu.vector_store_idx %arg11[%shift_right_logical3A_28, %and3A_51, %add3A_1358], %mul3A_1485 : memref<8x8x129xf32, #tpu.memory_space<vmem>>[vector<16xi32>, vector<16xi32>, vector<16xi32>], vector<16xf32>,
      }
      %scan3A_869 = arith.constant 32 : i32
      %dma_start3A_870 = arith.constant 0 : i32
      %dma_start3A_871 = arith.constant 0 : i32
      %dma_start3A_872 = arith.constant 0 : i32
      %dma_start3A_873 = arith.constant 0 : i32
      %dma_start3A_874 = tpu.memref_slice %arg11[%dma_start3A_870, %dma_start3A_872, %dma_start3A_873] : memref<8x8x129xf32, #tpu.memory_space<vmem>> -> memref<1x8x128xf32, #tpu.memory_space<vmem>>
      %dma_start3A_875 = tpu.memref_squeeze %dma_start3A_874 : memref<1x8x128xf32, #tpu.memory_space<vmem>> -> memref<8x128xf32, #tpu.memory_space<vmem>>
      %dma_start3A_876 = arith.constant 0 : i32
      %dma_start3A_877 = arith.constant 0 : i32
      %dma_start3A_878 = tpu.memref_slice %arg4[%add3A_856, %dma_start3A_871, %add3A, %dma_start3A_876, %dma_start3A_877] : memref<200x8x32x8x128xf32, #tpu.memory_space<hbm>> -> memref<1x1x1x8x128xf32, #tpu.memory_space<hbm>>
      %dma_start3A_879 = tpu.memref_squeeze %dma_start3A_878 : memref<1x1x1x8x128xf32, #tpu.memory_space<hbm>> -> memref<8x128xf32, #tpu.memory_space<hbm>>
      %dma_start3A_880 = arith.constant 0 : i32
      %dma_start3A_881 = arith.constant 0 : i32
      %dma_start3A_882 = tpu.memref_slice %arg4[%add3A_856, %dma_start3A_871, %add3A, %dma_start3A_880, %dma_start3A_881] : memref<200x8x32x8x128xf32, #tpu.memory_space<hbm>> -> memref<1x1x1x8x128xf32, #tpu.memory_space<hbm>>
      %dma_start3A_883 = tpu.memref_squeeze %dma_start3A_882 : memref<1x1x1x8x128xf32, #tpu.memory_space<hbm>> -> memref<8x128xf32, #tpu.memory_space<hbm>>
      %dma_start3A_884 = arith.constant 0 : i32
      %dma_start3A_885 = arith.constant 0 : i32
      %dma_start3A_886 = tpu.memref_slice %arg11[%dma_start3A_870, %dma_start3A_884, %dma_start3A_885] : memref<8x8x129xf32, #tpu.memory_space<vmem>> -> memref<1x8x128xf32, #tpu.memory_space<vmem>>
      %dma_start3A_887 = tpu.memref_squeeze %dma_start3A_886 : memref<1x8x128xf32, #tpu.memory_space<vmem>> -> memref<8x128xf32, #tpu.memory_space<vmem>>
      tpu.enqueue_dma source(%dma_start3A_887 : memref<8x128xf32, #tpu.memory_space<vmem>>) target(%dma_start3A_883 : memref<8x128xf32, #tpu.memory_space<hbm>>) target_semaphore(%arg19 : memref<!tpu.dma_semaphore, #tpu.memory_space<semaphore_mem>>)
      %dma_start3A_888 = arith.constant 1 : i32
      %dma_start3A_889 = arith.constant 1 : i32
      %dma_start3A_890 = arith.constant 0 : i32
      %dma_start3A_891 = arith.constant 0 : i32
      %dma_start3A_892 = tpu.memref_slice %arg11[%dma_start3A_888, %dma_start3A_890, %dma_start3A_891] : memref<8x8x129xf32, #tpu.memory_space<vmem>> -> memref<1x8x128xf32, #tpu.memory_space<vmem>>
      %dma_start3A_893 = tpu.memref_squeeze %dma_start3A_892 : memref<1x8x128xf32, #tpu.memory_space<vmem>> -> memref<8x128xf32, #tpu.memory_space<vmem>>
      %dma_start3A_894 = arith.constant 0 : i32
      %dma_start3A_895 = arith.constant 0 : i32
      %dma_start3A_896 = tpu.memref_slice %arg4[%add3A_856, %dma_start3A_889, %add3A, %dma_start3A_894, %dma_start3A_895] : memref<200x8x32x8x128xf32, #tpu.memory_space<hbm>> -> memref<1x1x1x8x128xf32, #tpu.memory_space<hbm>>
      %dma_start3A_897 = tpu.memref_squeeze %dma_start3A_896 : memref<1x1x1x8x128xf32, #tpu.memory_space<hbm>> -> memref<8x128xf32, #tpu.memory_space<hbm>>
      %dma_start3A_898 = arith.constant 0 : i32
      %dma_start3A_899 = arith.constant 0 : i32
      %dma_start3A_900 = tpu.memref_slice %arg4[%add3A_856, %dma_start3A_889, %add3A, %dma_start3A_898, %dma_start3A_899] : memref<200x8x32x8x128xf32, #tpu.memory_space<hbm>> -> memref<1x1x1x8x128xf32, #tpu.memory_space<hbm>>
      %dma_start3A_901 = tpu.memref_squeeze %dma_start3A_900 : memref<1x1x1x8x128xf32, #tpu.memory_space<hbm>> -> memref<8x128xf32, #tpu.memory_space<hbm>>
      %dma_start3A_902 = arith.constant 0 : i32
      %dma_start3A_903 = arith.constant 0 : i32
      %dma_start3A_904 = tpu.memref_slice %arg11[%dma_start3A_888, %dma_start3A_902, %dma_start3A_903] : memref<8x8x129xf32, #tpu.memory_space<vmem>> -> memref<1x8x128xf32, #tpu.memory_space<vmem>>
      %dma_start3A_905 = tpu.memref_squeeze %dma_start3A_904 : memref<1x8x128xf32, #tpu.memory_space<vmem>> -> memref<8x128xf32, #tpu.memory_space<vmem>>
      tpu.enqueue_dma source(%dma_start3A_905 : memref<8x128xf32, #tpu.memory_space<vmem>>) target(%dma_start3A_901 : memref<8x128xf32, #tpu.memory_space<hbm>>) target_semaphore(%arg19 : memref<!tpu.dma_semaphore, #tpu.memory_space<semaphore_mem>>)
      %dma_start3A_906 = arith.constant 2 : i32
      %dma_start3A_907 = arith.constant 2 : i32
      %dma_start3A_908 = arith.constant 0 : i32
      %dma_start3A_909 = arith.constant 0 : i32
      %dma_start3A_910 = tpu.memref_slice %arg11[%dma_start3A_906, %dma_start3A_908, %dma_start3A_909] : memref<8x8x129xf32, #tpu.memory_space<vmem>> -> memref<1x8x128xf32, #tpu.memory_space<vmem>>
      %dma_start3A_911 = tpu.memref_squeeze %dma_start3A_910 : memref<1x8x128xf32, #tpu.memory_space<vmem>> -> memref<8x128xf32, #tpu.memory_space<vmem>>
      %dma_start3A_912 = arith.constant 0 : i32
      %dma_start3A_913 = arith.constant 0 : i32
      %dma_start3A_914 = tpu.memref_slice %arg4[%add3A_856, %dma_start3A_907, %add3A, %dma_start3A_912, %dma_start3A_913] : memref<200x8x32x8x128xf32, #tpu.memory_space<hbm>> -> memref<1x1x1x8x128xf32, #tpu.memory_space<hbm>>
      %dma_start3A_915 = tpu.memref_squeeze %dma_start3A_914 : memref<1x1x1x8x128xf32, #tpu.memory_space<hbm>> -> memref<8x128xf32, #tpu.memory_space<hbm>>
      %dma_start3A_916 = arith.constant 0 : i32
      %dma_start3A_917 = arith.constant 0 : i32
      %dma_start3A_918 = tpu.memref_slice %arg4[%add3A_856, %dma_start3A_907, %add3A, %dma_start3A_916, %dma_start3A_917] : memref<200x8x32x8x128xf32, #tpu.memory_space<hbm>> -> memref<1x1x1x8x128xf32, #tpu.memory_space<hbm>>
      %dma_start3A_919 = tpu.memref_squeeze %dma_start3A_918 : memref<1x1x1x8x128xf32, #tpu.memory_space<hbm>> -> memref<8x128xf32, #tpu.memory_space<hbm>>
      %dma_start3A_920 = arith.constant 0 : i32
      %dma_start3A_921 = arith.constant 0 : i32
      %dma_start3A_922 = tpu.memref_slice %arg11[%dma_start3A_906, %dma_start3A_920, %dma_start3A_921] : memref<8x8x129xf32, #tpu.memory_space<vmem>> -> memref<1x8x128xf32, #tpu.memory_space<vmem>>
      %dma_start3A_923 = tpu.memref_squeeze %dma_start3A_922 : memref<1x8x128xf32, #tpu.memory_space<vmem>> -> memref<8x128xf32, #tpu.memory_space<vmem>>
      tpu.enqueue_dma source(%dma_start3A_923 : memref<8x128xf32, #tpu.memory_space<vmem>>) target(%dma_start3A_919 : memref<8x128xf32, #tpu.memory_space<hbm>>) target_semaphore(%arg19 : memref<!tpu.dma_semaphore, #tpu.memory_space<semaphore_mem>>)
      %dma_start3A_924 = arith.constant 3 : i32
      %dma_start3A_925 = arith.constant 3 : i32
      %dma_start3A_926 = arith.constant 0 : i32
      %dma_start3A_927 = arith.constant 0 : i32
      %dma_start3A_928 = tpu.memref_slice %arg11[%dma_start3A_924, %dma_start3A_926, %dma_start3A_927] : memref<8x8x129xf32, #tpu.memory_space<vmem>> -> memref<1x8x128xf32, #tpu.memory_space<vmem>>
      %dma_start3A_929 = tpu.memref_squeeze %dma_start3A_928 : memref<1x8x128xf32, #tpu.memory_space<vmem>> -> memref<8x128xf32, #tpu.memory_space<vmem>>
      %dma_start3A_930 = arith.constant 0 : i32
      %dma_start3A_931 = arith.constant 0 : i32
      %dma_start3A_932 = tpu.memref_slice %arg4[%add3A_856, %dma_start3A_925, %add3A, %dma_start3A_930, %dma_start3A_931] : memref<200x8x32x8x128xf32, #tpu.memory_space<hbm>> -> memref<1x1x1x8x128xf32, #tpu.memory_space<hbm>>
      %dma_start3A_933 = tpu.memref_squeeze %dma_start3A_932 : memref<1x1x1x8x128xf32, #tpu.memory_space<hbm>> -> memref<8x128xf32, #tpu.memory_space<hbm>>
      %dma_start3A_934 = arith.constant 0 : i32
      %dma_start3A_935 = arith.constant 0 : i32
      %dma_start3A_936 = tpu.memref_slice %arg4[%add3A_856, %dma_start3A_925, %add3A, %dma_start3A_934, %dma_start3A_935] : memref<200x8x32x8x128xf32, #tpu.memory_space<hbm>> -> memref<1x1x1x8x128xf32, #tpu.memory_space<hbm>>
      %dma_start3A_937 = tpu.memref_squeeze %dma_start3A_936 : memref<1x1x1x8x128xf32, #tpu.memory_space<hbm>> -> memref<8x128xf32, #tpu.memory_space<hbm>>
      %dma_start3A_938 = arith.constant 0 : i32
      %dma_start3A_939 = arith.constant 0 : i32
      %dma_start3A_940 = tpu.memref_slice %arg11[%dma_start3A_924, %dma_start3A_938, %dma_start3A_939] : memref<8x8x129xf32, #tpu.memory_space<vmem>> -> memref<1x8x128xf32, #tpu.memory_space<vmem>>
      %dma_start3A_941 = tpu.memref_squeeze %dma_start3A_940 : memref<1x8x128xf32, #tpu.memory_space<vmem>> -> memref<8x128xf32, #tpu.memory_space<vmem>>
      tpu.enqueue_dma source(%dma_start3A_941 : memref<8x128xf32, #tpu.memory_space<vmem>>) target(%dma_start3A_937 : memref<8x128xf32, #tpu.memory_space<hbm>>) target_semaphore(%arg19 : memref<!tpu.dma_semaphore, #tpu.memory_space<semaphore_mem>>)
      %dma_start3A_942 = arith.constant 4 : i32
      %dma_start3A_943 = arith.constant 4 : i32
      %dma_start3A_944 = arith.constant 0 : i32
      %dma_start3A_945 = arith.constant 0 : i32
      %dma_start3A_946 = tpu.memref_slice %arg11[%dma_start3A_942, %dma_start3A_944, %dma_start3A_945] : memref<8x8x129xf32, #tpu.memory_space<vmem>> -> memref<1x8x128xf32, #tpu.memory_space<vmem>>
      %dma_start3A_947 = tpu.memref_squeeze %dma_start3A_946 : memref<1x8x128xf32, #tpu.memory_space<vmem>> -> memref<8x128xf32, #tpu.memory_space<vmem>>
      %dma_start3A_948 = arith.constant 0 : i32
      %dma_start3A_949 = arith.constant 0 : i32
      %dma_start3A_950 = tpu.memref_slice %arg4[%add3A_856, %dma_start3A_943, %add3A, %dma_start3A_948, %dma_start3A_949] : memref<200x8x32x8x128xf32, #tpu.memory_space<hbm>> -> memref<1x1x1x8x128xf32, #tpu.memory_space<hbm>>
      %dma_start3A_951 = tpu.memref_squeeze %dma_start3A_950 : memref<1x1x1x8x128xf32, #tpu.memory_space<hbm>> -> memref<8x128xf32, #tpu.memory_space<hbm>>
      %dma_start3A_952 = arith.constant 0 : i32
      %dma_start3A_953 = arith.constant 0 : i32
      %dma_start3A_954 = tpu.memref_slice %arg4[%add3A_856, %dma_start3A_943, %add3A, %dma_start3A_952, %dma_start3A_953] : memref<200x8x32x8x128xf32, #tpu.memory_space<hbm>> -> memref<1x1x1x8x128xf32, #tpu.memory_space<hbm>>
      %dma_start3A_955 = tpu.memref_squeeze %dma_start3A_954 : memref<1x1x1x8x128xf32, #tpu.memory_space<hbm>> -> memref<8x128xf32, #tpu.memory_space<hbm>>
      %dma_start3A_956 = arith.constant 0 : i32
      %dma_start3A_957 = arith.constant 0 : i32
      %dma_start3A_958 = tpu.memref_slice %arg11[%dma_start3A_942, %dma_start3A_956, %dma_start3A_957] : memref<8x8x129xf32, #tpu.memory_space<vmem>> -> memref<1x8x128xf32, #tpu.memory_space<vmem>>
      %dma_start3A_959 = tpu.memref_squeeze %dma_start3A_958 : memref<1x8x128xf32, #tpu.memory_space<vmem>> -> memref<8x128xf32, #tpu.memory_space<vmem>>
      tpu.enqueue_dma source(%dma_start3A_959 : memref<8x128xf32, #tpu.memory_space<vmem>>) target(%dma_start3A_955 : memref<8x128xf32, #tpu.memory_space<hbm>>) target_semaphore(%arg19 : memref<!tpu.dma_semaphore, #tpu.memory_space<semaphore_mem>>)
      %dma_start3A_960 = arith.constant 5 : i32
      %dma_start3A_961 = arith.constant 5 : i32
      %dma_start3A_962 = arith.constant 0 : i32
      %dma_start3A_963 = arith.constant 0 : i32
      %dma_start3A_964 = tpu.memref_slice %arg11[%dma_start3A_960, %dma_start3A_962, %dma_start3A_963] : memref<8x8x129xf32, #tpu.memory_space<vmem>> -> memref<1x8x128xf32, #tpu.memory_space<vmem>>
      %dma_start3A_965 = tpu.memref_squeeze %dma_start3A_964 : memref<1x8x128xf32, #tpu.memory_space<vmem>> -> memref<8x128xf32, #tpu.memory_space<vmem>>
      %dma_start3A_966 = arith.constant 0 : i32
      %dma_start3A_967 = arith.constant 0 : i32
      %dma_start3A_968 = tpu.memref_slice %arg4[%add3A_856, %dma_start3A_961, %add3A, %dma_start3A_966, %dma_start3A_967] : memref<200x8x32x8x128xf32, #tpu.memory_space<hbm>> -> memref<1x1x1x8x128xf32, #tpu.memory_space<hbm>>
      %dma_start3A_969 = tpu.memref_squeeze %dma_start3A_968 : memref<1x1x1x8x128xf32, #tpu.memory_space<hbm>> -> memref<8x128xf32, #tpu.memory_space<hbm>>
      %dma_start3A_970 = arith.constant 0 : i32
      %dma_start3A_971 = arith.constant 0 : i32
      %dma_start3A_972 = tpu.memref_slice %arg4[%add3A_856, %dma_start3A_961, %add3A, %dma_start3A_970, %dma_start3A_971] : memref<200x8x32x8x128xf32, #tpu.memory_space<hbm>> -> memref<1x1x1x8x128xf32, #tpu.memory_space<hbm>>
      %dma_start3A_973 = tpu.memref_squeeze %dma_start3A_972 : memref<1x1x1x8x128xf32, #tpu.memory_space<hbm>> -> memref<8x128xf32, #tpu.memory_space<hbm>>
      %dma_start3A_974 = arith.constant 0 : i32
      %dma_start3A_975 = arith.constant 0 : i32
      %dma_start3A_976 = tpu.memref_slice %arg11[%dma_start3A_960, %dma_start3A_974, %dma_start3A_975] : memref<8x8x129xf32, #tpu.memory_space<vmem>> -> memref<1x8x128xf32, #tpu.memory_space<vmem>>
      %dma_start3A_977 = tpu.memref_squeeze %dma_start3A_976 : memref<1x8x128xf32, #tpu.memory_space<vmem>> -> memref<8x128xf32, #tpu.memory_space<vmem>>
      tpu.enqueue_dma source(%dma_start3A_977 : memref<8x128xf32, #tpu.memory_space<vmem>>) target(%dma_start3A_973 : memref<8x128xf32, #tpu.memory_space<hbm>>) target_semaphore(%arg19 : memref<!tpu.dma_semaphore, #tpu.memory_space<semaphore_mem>>)
      %dma_start3A_978 = arith.constant 6 : i32
      %dma_start3A_979 = arith.constant 6 : i32
      %dma_start3A_980 = arith.constant 0 : i32
      %dma_start3A_981 = arith.constant 0 : i32
      %dma_start3A_982 = tpu.memref_slice %arg11[%dma_start3A_978, %dma_start3A_980, %dma_start3A_981] : memref<8x8x129xf32, #tpu.memory_space<vmem>> -> memref<1x8x128xf32, #tpu.memory_space<vmem>>
      %dma_start3A_983 = tpu.memref_squeeze %dma_start3A_982 : memref<1x8x128xf32, #tpu.memory_space<vmem>> -> memref<8x128xf32, #tpu.memory_space<vmem>>
      %dma_start3A_984 = arith.constant 0 : i32
      %dma_start3A_985 = arith.constant 0 : i32
      %dma_start3A_986 = tpu.memref_slice %arg4[%add3A_856, %dma_start3A_979, %add3A, %dma_start3A_984, %dma_start3A_985] : memref<200x8x32x8x128xf32, #tpu.memory_space<hbm>> -> memref<1x1x1x8x128xf32, #tpu.memory_space<hbm>>
      %dma_start3A_987 = tpu.memref_squeeze %dma_start3A_986 : memref<1x1x1x8x128xf32, #tpu.memory_space<hbm>> -> memref<8x128xf32, #tpu.memory_space<hbm>>
      %dma_start3A_988 = arith.constant 0 : i32
      %dma_start3A_989 = arith.constant 0 : i32
      %dma_start3A_990 = tpu.memref_slice %arg4[%add3A_856, %dma_start3A_979, %add3A, %dma_start3A_988, %dma_start3A_989] : memref<200x8x32x8x128xf32, #tpu.memory_space<hbm>> -> memref<1x1x1x8x128xf32, #tpu.memory_space<hbm>>
      %dma_start3A_991 = tpu.memref_squeeze %dma_start3A_990 : memref<1x1x1x8x128xf32, #tpu.memory_space<hbm>> -> memref<8x128xf32, #tpu.memory_space<hbm>>
      %dma_start3A_992 = arith.constant 0 : i32
      %dma_start3A_993 = arith.constant 0 : i32
      %dma_start3A_994 = tpu.memref_slice %arg11[%dma_start3A_978, %dma_start3A_992, %dma_start3A_993] : memref<8x8x129xf32, #tpu.memory_space<vmem>> -> memref<1x8x128xf32, #tpu.memory_space<vmem>>
      %dma_start3A_995 = tpu.memref_squeeze %dma_start3A_994 : memref<1x8x128xf32, #tpu.memory_space<vmem>> -> memref<8x128xf32, #tpu.memory_space<vmem>>
      tpu.enqueue_dma source(%dma_start3A_995 : memref<8x128xf32, #tpu.memory_space<vmem>>) target(%dma_start3A_991 : memref<8x128xf32, #tpu.memory_space<hbm>>) target_semaphore(%arg19 : memref<!tpu.dma_semaphore, #tpu.memory_space<semaphore_mem>>)
      %dma_start3A_996 = arith.constant 7 : i32
      %dma_start3A_997 = arith.constant 7 : i32
      %dma_start3A_998 = arith.constant 0 : i32
      %dma_start3A_999 = arith.constant 0 : i32
      %dma_start3A_1000 = tpu.memref_slice %arg11[%dma_start3A_996, %dma_start3A_998, %dma_start3A_999] : memref<8x8x129xf32, #tpu.memory_space<vmem>> -> memref<1x8x128xf32, #tpu.memory_space<vmem>>
      %dma_start3A_1001 = tpu.memref_squeeze %dma_start3A_1000 : memref<1x8x128xf32, #tpu.memory_space<vmem>> -> memref<8x128xf32, #tpu.memory_space<vmem>>
      %dma_start3A_1002 = arith.constant 0 : i32
      %dma_start3A_1003 = arith.constant 0 : i32
      %dma_start3A_1004 = tpu.memref_slice %arg4[%add3A_856, %dma_start3A_997, %add3A, %dma_start3A_1002, %dma_start3A_1003] : memref<200x8x32x8x128xf32, #tpu.memory_space<hbm>> -> memref<1x1x1x8x128xf32, #tpu.memory_space<hbm>>
      %dma_start3A_1005 = tpu.memref_squeeze %dma_start3A_1004 : memref<1x1x1x8x128xf32, #tpu.memory_space<hbm>> -> memref<8x128xf32, #tpu.memory_space<hbm>>
      %dma_start3A_1006 = arith.constant 0 : i32
      %dma_start3A_1007 = arith.constant 0 : i32
      %dma_start3A_1008 = tpu.memref_slice %arg4[%add3A_856, %dma_start3A_997, %add3A, %dma_start3A_1006, %dma_start3A_1007] : memref<200x8x32x8x128xf32, #tpu.memory_space<hbm>> -> memref<1x1x1x8x128xf32, #tpu.memory_space<hbm>>
      %dma_start3A_1009 = tpu.memref_squeeze %dma_start3A_1008 : memref<1x1x1x8x128xf32, #tpu.memory_space<hbm>> -> memref<8x128xf32, #tpu.memory_space<hbm>>
      %dma_start3A_1010 = arith.constant 0 : i32
      %dma_start3A_1011 = arith.constant 0 : i32
      %dma_start3A_1012 = tpu.memref_slice %arg11[%dma_start3A_996, %dma_start3A_1010, %dma_start3A_1011] : memref<8x8x129xf32, #tpu.memory_space<vmem>> -> memref<1x8x128xf32, #tpu.memory_space<vmem>>
      %dma_start3A_1013 = tpu.memref_squeeze %dma_start3A_1012 : memref<1x8x128xf32, #tpu.memory_space<vmem>> -> memref<8x128xf32, #tpu.memory_space<vmem>>
      tpu.enqueue_dma source(%dma_start3A_1013 : memref<8x128xf32, #tpu.memory_space<vmem>>) target(%dma_start3A_1009 : memref<8x128xf32, #tpu.memory_space<hbm>>) target_semaphore(%arg19 : memref<!tpu.dma_semaphore, #tpu.memory_space<semaphore_mem>>)
      %mul3A_1014 = arith.constant 4 : i32
      %mul3A_1015 = arith.muli %scan3A_691, %mul3A_1014 : i32
      %add3A_1016 = arith.constant 2 : i32
      %add3A_1017 = arith.addi %mul3A_1015, %add3A_1016 : i32
      %dma_wait3A_1018 = arith.constant 0 : i32
      %dma_wait3A_1019 = arith.constant 0 : i32
      %dma_wait3A_1020 = tpu.memref_slice %arg5[%dma_wait3A_1018, %dma_wait3A_1019] : memref<200x128xi32, #tpu.memory_space<vmem>> -> memref<1x128xi32, #tpu.memory_space<vmem>>
      %dma_wait3A_1021 = tpu.memref_squeeze %dma_wait3A_1020 : memref<1x128xi32, #tpu.memory_space<vmem>> -> memref<128xi32, #tpu.memory_space<vmem>>
      %dma_wait3A_1022 = arith.constant 0 : i32
      %dma_wait3A_1023 = arith.constant 0 : i32
      %dma_wait3A_1024 = tpu.memref_slice %arg3[%dma_wait3A_1022, %dma_wait3A_1023] : memref<1000000x64xf32, #tpu.memory_space<hbm>> -> memref<1000000x64xf32, #tpu.memory_space<hbm>>
      tpu.wait_indirect_dma semaphore(%arg16 : memref<!tpu.dma_semaphore, #tpu.memory_space<semaphore_mem>>) src(%dma_wait3A_1024 : memref<1000000x64xf32, #tpu.memory_space<hbm>>) dst(%arg8 : memref<128x64xf32, #tpu.memory_space<vmem>>)
      %scan3A_1025 = arith.constant 0 : i32
      %scan3A_1026 = arith.constant 0 : i32
      %scan3A_1027 = arith.constant 32 : i32
      %scan3A_1028 = arith.addi %scan3A_1026, %scan3A_1027 : i32
      %scan3A_1029 = arith.constant 1 : i32
      scf.for %scan3A_1340 = %scan3A_1026 to %scan3A_1028 step %scan3A_1029  : i32 {
        %mul3A_1341 = arith.constant 4 : i32
        %mul3A_1342 = arith.muli %scan3A_1340, %mul3A_1341 : i32
        %add3A_1343 = arith.constant 0 : i32
        %add3A_1344 = arith.addi %mul3A_1342, %add3A_1343 : i32
        %add3A_1345 = vector.broadcast %add3A_1344 : i32 to vector<16xi32>
        %add3A_1346 = arith.addi %mul3A_5, %add3A_1345 : vector<16xi32>
        %add3A_1347 = arith.constant 1 : i32
        %add3A_1348 = arith.addi %mul3A_1342, %add3A_1347 : i32
        %add3A_1349 = vector.broadcast %add3A_1348 : i32 to vector<16xi32>
        %add3A_1350 = arith.addi %mul3A_5, %add3A_1349 : vector<16xi32>
        %add3A_1351 = arith.constant 2 : i32
        %add3A_1352 = arith.addi %mul3A_1342, %add3A_1351 : i32
        %add3A_1353 = vector.broadcast %add3A_1352 : i32 to vector<16xi32>
        %add3A_1354 = arith.addi %mul3A_5, %add3A_1353 : vector<16xi32>
        %add3A_1355 = arith.constant 3 : i32
        %add3A_1356 = arith.addi %mul3A_1342, %add3A_1355 : i32
        %add3A_1357 = vector.broadcast %add3A_1356 : i32 to vector<16xi32>
        %add3A_1358 = arith.addi %mul3A_5, %add3A_1357 : vector<16xi32>
        %add3A_1359 = arith.constant 0 : i32
        %add3A_1360 = arith.addi %mul3A_1342, %add3A_1359 : i32
        %get3A = arith.index_cast %add3A_1360 : i32 to index
        %get3A_1361 = arith.constant 0 : index
        %get3A_1362 = tpu.vector_load %arg8[%get3A, %get3A_1361] {strides = array<i32>} : memref<128x64xf32, #tpu.memory_space<vmem>>, vector<16xf32>,
        %add3A_1363 = arith.constant 0 : i32
        %add3A_1364 = arith.addi %mul3A_1342, %add3A_1363 : i32
        %get3A_1365 = arith.index_cast %add3A_1364 : i32 to index
        %get3A_1366 = arith.constant 16 : index
        %get3A_1367 = tpu.vector_load %arg8[%get3A_1365, %get3A_1366] {strides = array<i32>} : memref<128x64xf32, #tpu.memory_space<vmem>>, vector<16xf32>,
        %add3A_1368 = arith.constant 0 : i32
        %add3A_1369 = arith.addi %mul3A_1342, %add3A_1368 : i32
        %get3A_1370 = arith.index_cast %add3A_1369 : i32 to index
        %get3A_1371 = arith.constant 32 : index
        %get3A_1372 = tpu.vector_load %arg8[%get3A_1370, %get3A_1371] {strides = array<i32>} : memref<128x64xf32, #tpu.memory_space<vmem>>, vector<16xf32>,
        %add3A_1373 = arith.constant 0 : i32
        %add3A_1374 = arith.addi %mul3A_1342, %add3A_1373 : i32
        %get3A_1375 = arith.index_cast %add3A_1374 : i32 to index
        %get3A_1376 = arith.constant 48 : index
        %get3A_1377 = tpu.vector_load %arg8[%get3A_1375, %get3A_1376] {strides = array<i32>} : memref<128x64xf32, #tpu.memory_space<vmem>>, vector<16xf32>,
        %add3A_1378 = arith.constant 1 : i32
        %add3A_1379 = arith.addi %mul3A_1342, %add3A_1378 : i32
        %get3A_1380 = arith.index_cast %add3A_1379 : i32 to index
        %get3A_1381 = arith.constant 0 : index
        %get3A_1382 = tpu.vector_load %arg8[%get3A_1380, %get3A_1381] {strides = array<i32>} : memref<128x64xf32, #tpu.memory_space<vmem>>, vector<16xf32>,
        %add3A_1383 = arith.constant 1 : i32
        %add3A_1384 = arith.addi %mul3A_1342, %add3A_1383 : i32
        %get3A_1385 = arith.index_cast %add3A_1384 : i32 to index
        %get3A_1386 = arith.constant 16 : index
        %get3A_1387 = tpu.vector_load %arg8[%get3A_1385, %get3A_1386] {strides = array<i32>} : memref<128x64xf32, #tpu.memory_space<vmem>>, vector<16xf32>,
        %add3A_1388 = arith.constant 1 : i32
        %add3A_1389 = arith.addi %mul3A_1342, %add3A_1388 : i32
        %get3A_1390 = arith.index_cast %add3A_1389 : i32 to index
        %get3A_1391 = arith.constant 32 : index
        %get3A_1392 = tpu.vector_load %arg8[%get3A_1390, %get3A_1391] {strides = array<i32>} : memref<128x64xf32, #tpu.memory_space<vmem>>, vector<16xf32>,
        %add3A_1393 = arith.constant 1 : i32
        %add3A_1394 = arith.addi %mul3A_1342, %add3A_1393 : i32
        %get3A_1395 = arith.index_cast %add3A_1394 : i32 to index
        %get3A_1396 = arith.constant 48 : index
        %get3A_1397 = tpu.vector_load %arg8[%get3A_1395, %get3A_1396] {strides = array<i32>} : memref<128x64xf32, #tpu.memory_space<vmem>>, vector<16xf32>,
        %add3A_1398 = arith.constant 2 : i32
        %add3A_1399 = arith.addi %mul3A_1342, %add3A_1398 : i32
        %get3A_1400 = arith.index_cast %add3A_1399 : i32 to index
        %get3A_1401 = arith.constant 0 : index
        %get3A_1402 = tpu.vector_load %arg8[%get3A_1400, %get3A_1401] {strides = array<i32>} : memref<128x64xf32, #tpu.memory_space<vmem>>, vector<16xf32>,
        %add3A_1403 = arith.constant 2 : i32
        %add3A_1404 = arith.addi %mul3A_1342, %add3A_1403 : i32
        %get3A_1405 = arith.index_cast %add3A_1404 : i32 to index
        %get3A_1406 = arith.constant 16 : index
        %get3A_1407 = tpu.vector_load %arg8[%get3A_1405, %get3A_1406] {strides = array<i32>} : memref<128x64xf32, #tpu.memory_space<vmem>>, vector<16xf32>,
        %add3A_1408 = arith.constant 2 : i32
        %add3A_1409 = arith.addi %mul3A_1342, %add3A_1408 : i32
        %get3A_1410 = arith.index_cast %add3A_1409 : i32 to index
        %get3A_1411 = arith.constant 32 : index
        %get3A_1412 = tpu.vector_load %arg8[%get3A_1410, %get3A_1411] {strides = array<i32>} : memref<128x64xf32, #tpu.memory_space<vmem>>, vector<16xf32>,
        %add3A_1413 = arith.constant 2 : i32
        %add3A_1414 = arith.addi %mul3A_1342, %add3A_1413 : i32
        %get3A_1415 = arith.index_cast %add3A_1414 : i32 to index
        %get3A_1416 = arith.constant 48 : index
        %get3A_1417 = tpu.vector_load %arg8[%get3A_1415, %get3A_1416] {strides = array<i32>} : memref<128x64xf32, #tpu.memory_space<vmem>>, vector<16xf32>,
        %add3A_1418 = arith.constant 3 : i32
        %add3A_1419 = arith.addi %mul3A_1342, %add3A_1418 : i32
        %get3A_1420 = arith.index_cast %add3A_1419 : i32 to index
        %get3A_1421 = arith.constant 0 : index
        %get3A_1422 = tpu.vector_load %arg8[%get3A_1420, %get3A_1421] {strides = array<i32>} : memref<128x64xf32, #tpu.memory_space<vmem>>, vector<16xf32>,
        %add3A_1423 = arith.constant 3 : i32
        %add3A_1424 = arith.addi %mul3A_1342, %add3A_1423 : i32
        %get3A_1425 = arith.index_cast %add3A_1424 : i32 to index
        %get3A_1426 = arith.constant 16 : index
        %get3A_1427 = tpu.vector_load %arg8[%get3A_1425, %get3A_1426] {strides = array<i32>} : memref<128x64xf32, #tpu.memory_space<vmem>>, vector<16xf32>,
        %add3A_1428 = arith.constant 3 : i32
        %add3A_1429 = arith.addi %mul3A_1342, %add3A_1428 : i32
        %get3A_1430 = arith.index_cast %add3A_1429 : i32 to index
        %get3A_1431 = arith.constant 32 : index
        %get3A_1432 = tpu.vector_load %arg8[%get3A_1430, %get3A_1431] {strides = array<i32>} : memref<128x64xf32, #tpu.memory_space<vmem>>, vector<16xf32>,
        %add3A_1433 = arith.constant 3 : i32
        %add3A_1434 = arith.addi %mul3A_1342, %add3A_1433 : i32
        %get3A_1435 = arith.index_cast %add3A_1434 : i32 to index
        %get3A_1436 = arith.constant 48 : index
        %get3A_1437 = tpu.vector_load %arg8[%get3A_1435, %get3A_1436] {strides = array<i32>} : memref<128x64xf32, #tpu.memory_space<vmem>>, vector<16xf32>,
        %mul3A_1438 = arith.constant 1.562500e-02 : f32
        %mul3A_1439 = vector.broadcast %mul3A_1438 : f32 to vector<16xf32>
        %mul3A_1440 = arith.mulf %get3A_1362, %mul3A_1439 : vector<16xf32>
        %mul3A_1441 = arith.constant 1.562500e-02 : f32
        %mul3A_1442 = vector.broadcast %mul3A_1441 : f32 to vector<16xf32>
        %mul3A_1443 = arith.mulf %get3A_1367, %mul3A_1442 : vector<16xf32>
        %mul3A_1444 = arith.constant 1.562500e-02 : f32
        %mul3A_1445 = vector.broadcast %mul3A_1444 : f32 to vector<16xf32>
        %mul3A_1446 = arith.mulf %get3A_1372, %mul3A_1445 : vector<16xf32>
        %mul3A_1447 = arith.constant 1.562500e-02 : f32
        %mul3A_1448 = vector.broadcast %mul3A_1447 : f32 to vector<16xf32>
        %mul3A_1449 = arith.mulf %get3A_1377, %mul3A_1448 : vector<16xf32>
        %mul3A_1450 = arith.constant 1.562500e-02 : f32
        %mul3A_1451 = vector.broadcast %mul3A_1450 : f32 to vector<16xf32>
        %mul3A_1452 = arith.mulf %get3A_1382, %mul3A_1451 : vector<16xf32>
        %mul3A_1453 = arith.constant 1.562500e-02 : f32
        %mul3A_1454 = vector.broadcast %mul3A_1453 : f32 to vector<16xf32>
        %mul3A_1455 = arith.mulf %get3A_1387, %mul3A_1454 : vector<16xf32>
        %mul3A_1456 = arith.constant 1.562500e-02 : f32
        %mul3A_1457 = vector.broadcast %mul3A_1456 : f32 to vector<16xf32>
        %mul3A_1458 = arith.mulf %get3A_1392, %mul3A_1457 : vector<16xf32>
        %mul3A_1459 = arith.constant 1.562500e-02 : f32
        %mul3A_1460 = vector.broadcast %mul3A_1459 : f32 to vector<16xf32>
        %mul3A_1461 = arith.mulf %get3A_1397, %mul3A_1460 : vector<16xf32>
        %mul3A_1462 = arith.constant 1.562500e-02 : f32
        %mul3A_1463 = vector.broadcast %mul3A_1462 : f32 to vector<16xf32>
        %mul3A_1464 = arith.mulf %get3A_1402, %mul3A_1463 : vector<16xf32>
        %mul3A_1465 = arith.constant 1.562500e-02 : f32
        %mul3A_1466 = vector.broadcast %mul3A_1465 : f32 to vector<16xf32>
        %mul3A_1467 = arith.mulf %get3A_1407, %mul3A_1466 : vector<16xf32>
        %mul3A_1468 = arith.constant 1.562500e-02 : f32
        %mul3A_1469 = vector.broadcast %mul3A_1468 : f32 to vector<16xf32>
        %mul3A_1470 = arith.mulf %get3A_1412, %mul3A_1469 : vector<16xf32>
        %mul3A_1471 = arith.constant 1.562500e-02 : f32
        %mul3A_1472 = vector.broadcast %mul3A_1471 : f32 to vector<16xf32>
        %mul3A_1473 = arith.mulf %get3A_1417, %mul3A_1472 : vector<16xf32>
        %mul3A_1474 = arith.constant 1.562500e-02 : f32
        %mul3A_1475 = vector.broadcast %mul3A_1474 : f32 to vector<16xf32>
        %mul3A_1476 = arith.mulf %get3A_1422, %mul3A_1475 : vector<16xf32>
        %mul3A_1477 = arith.constant 1.562500e-02 : f32
        %mul3A_1478 = vector.broadcast %mul3A_1477 : f32 to vector<16xf32>
        %mul3A_1479 = arith.mulf %get3A_1427, %mul3A_1478 : vector<16xf32>
        %mul3A_1480 = arith.constant 1.562500e-02 : f32
        %mul3A_1481 = vector.broadcast %mul3A_1480 : f32 to vector<16xf32>
        %mul3A_1482 = arith.mulf %get3A_1432, %mul3A_1481 : vector<16xf32>
        %mul3A_1483 = arith.constant 1.562500e-02 : f32
        %mul3A_1484 = vector.broadcast %mul3A_1483 : f32 to vector<16xf32>
        %mul3A_1485 = arith.mulf %get3A_1437, %mul3A_1484 : vector<16xf32>
        tpu.vector_store_idx %arg12[%shift_right_logical3A_10, %and3A_33, %add3A_1346], %mul3A_1440 : memref<8x8x129xf32, #tpu.memory_space<vmem>>[vector<16xi32>, vector<16xi32>, vector<16xi32>], vector<16xf32>,
        tpu.vector_store_idx %arg12[%shift_right_logical3A_16, %and3A_39, %add3A_1346], %mul3A_1443 : memref<8x8x129xf32, #tpu.memory_space<vmem>>[vector<16xi32>, vector<16xi32>, vector<16xi32>], vector<16xf32>,
        tpu.vector_store_idx %arg12[%shift_right_logical3A_22, %and3A_45, %add3A_1346], %mul3A_1446 : memref<8x8x129xf32, #tpu.memory_space<vmem>>[vector<16xi32>, vector<16xi32>, vector<16xi32>], vector<16xf32>,
        tpu.vector_store_idx %arg12[%shift_right_logical3A_28, %and3A_51, %add3A_1346], %mul3A_1449 : memref<8x8x129xf32, #tpu.memory_space<vmem>>[vector<16xi32>, vector<16xi32>, vector<16xi32>], vector<16xf32>,
        tpu.vector_store_idx %arg12[%shift_right_logical3A_10, %and3A_33, %add3A_1350], %mul3A_1452 : memref<8x8x129xf32, #tpu.memory_space<vmem>>[vector<16xi32>, vector<16xi32>, vector<16xi32>], vector<16xf32>,
        tpu.vector_store_idx %arg12[%shift_right_logical3A_16, %and3A_39, %add3A_1350], %mul3A_1455 : memref<8x8x129xf32, #tpu.memory_space<vmem>>[vector<16xi32>, vector<16xi32>, vector<16xi32>], vector<16xf32>,
        tpu.vector_store_idx %arg12[%shift_right_logical3A_22, %and3A_45, %add3A_1350], %mul3A_1458 : memref<8x8x129xf32, #tpu.memory_space<vmem>>[vector<16xi32>, vector<16xi32>, vector<16xi32>], vector<16xf32>,
        tpu.vector_store_idx %arg12[%shift_right_logical3A_28, %and3A_51, %add3A_1350], %mul3A_1461 : memref<8x8x129xf32, #tpu.memory_space<vmem>>[vector<16xi32>, vector<16xi32>, vector<16xi32>], vector<16xf32>,
        tpu.vector_store_idx %arg12[%shift_right_logical3A_10, %and3A_33, %add3A_1354], %mul3A_1464 : memref<8x8x129xf32, #tpu.memory_space<vmem>>[vector<16xi32>, vector<16xi32>, vector<16xi32>], vector<16xf32>,
        tpu.vector_store_idx %arg12[%shift_right_logical3A_16, %and3A_39, %add3A_1354], %mul3A_1467 : memref<8x8x129xf32, #tpu.memory_space<vmem>>[vector<16xi32>, vector<16xi32>, vector<16xi32>], vector<16xf32>,
        tpu.vector_store_idx %arg12[%shift_right_logical3A_22, %and3A_45, %add3A_1354], %mul3A_1470 : memref<8x8x129xf32, #tpu.memory_space<vmem>>[vector<16xi32>, vector<16xi32>, vector<16xi32>], vector<16xf32>,
        tpu.vector_store_idx %arg12[%shift_right_logical3A_28, %and3A_51, %add3A_1354], %mul3A_1473 : memref<8x8x129xf32, #tpu.memory_space<vmem>>[vector<16xi32>, vector<16xi32>, vector<16xi32>], vector<16xf32>,
        tpu.vector_store_idx %arg12[%shift_right_logical3A_10, %and3A_33, %add3A_1358], %mul3A_1476 : memref<8x8x129xf32, #tpu.memory_space<vmem>>[vector<16xi32>, vector<16xi32>, vector<16xi32>], vector<16xf32>,
        tpu.vector_store_idx %arg12[%shift_right_logical3A_16, %and3A_39, %add3A_1358], %mul3A_1479 : memref<8x8x129xf32, #tpu.memory_space<vmem>>[vector<16xi32>, vector<16xi32>, vector<16xi32>], vector<16xf32>,
        tpu.vector_store_idx %arg12[%shift_right_logical3A_22, %and3A_45, %add3A_1358], %mul3A_1482 : memref<8x8x129xf32, #tpu.memory_space<vmem>>[vector<16xi32>, vector<16xi32>, vector<16xi32>], vector<16xf32>,
        tpu.vector_store_idx %arg12[%shift_right_logical3A_28, %and3A_51, %add3A_1358], %mul3A_1485 : memref<8x8x129xf32, #tpu.memory_space<vmem>>[vector<16xi32>, vector<16xi32>, vector<16xi32>], vector<16xf32>,
      }
      %scan3A_1030 = arith.constant 32 : i32
      %dma_start3A_1031 = arith.constant 0 : i32
      %dma_start3A_1032 = arith.constant 0 : i32
      %dma_start3A_1033 = arith.constant 0 : i32
      %dma_start3A_1034 = arith.constant 0 : i32
      %dma_start3A_1035 = tpu.memref_slice %arg12[%dma_start3A_1031, %dma_start3A_1033, %dma_start3A_1034] : memref<8x8x129xf32, #tpu.memory_space<vmem>> -> memref<1x8x128xf32, #tpu.memory_space<vmem>>
      %dma_start3A_1036 = tpu.memref_squeeze %dma_start3A_1035 : memref<1x8x128xf32, #tpu.memory_space<vmem>> -> memref<8x128xf32, #tpu.memory_space<vmem>>
      %dma_start3A_1037 = arith.constant 0 : i32
      %dma_start3A_1038 = arith.constant 0 : i32
      %dma_start3A_1039 = tpu.memref_slice %arg4[%add3A_1017, %dma_start3A_1032, %add3A, %dma_start3A_1037, %dma_start3A_1038] : memref<200x8x32x8x128xf32, #tpu.memory_space<hbm>> -> memref<1x1x1x8x128xf32, #tpu.memory_space<hbm>>
      %dma_start3A_1040 = tpu.memref_squeeze %dma_start3A_1039 : memref<1x1x1x8x128xf32, #tpu.memory_space<hbm>> -> memref<8x128xf32, #tpu.memory_space<hbm>>
      %dma_start3A_1041 = arith.constant 0 : i32
      %dma_start3A_1042 = arith.constant 0 : i32
      %dma_start3A_1043 = tpu.memref_slice %arg4[%add3A_1017, %dma_start3A_1032, %add3A, %dma_start3A_1041, %dma_start3A_1042] : memref<200x8x32x8x128xf32, #tpu.memory_space<hbm>> -> memref<1x1x1x8x128xf32, #tpu.memory_space<hbm>>
      %dma_start3A_1044 = tpu.memref_squeeze %dma_start3A_1043 : memref<1x1x1x8x128xf32, #tpu.memory_space<hbm>> -> memref<8x128xf32, #tpu.memory_space<hbm>>
      %dma_start3A_1045 = arith.constant 0 : i32
      %dma_start3A_1046 = arith.constant 0 : i32
      %dma_start3A_1047 = tpu.memref_slice %arg12[%dma_start3A_1031, %dma_start3A_1045, %dma_start3A_1046] : memref<8x8x129xf32, #tpu.memory_space<vmem>> -> memref<1x8x128xf32, #tpu.memory_space<vmem>>
      %dma_start3A_1048 = tpu.memref_squeeze %dma_start3A_1047 : memref<1x8x128xf32, #tpu.memory_space<vmem>> -> memref<8x128xf32, #tpu.memory_space<vmem>>
      tpu.enqueue_dma source(%dma_start3A_1048 : memref<8x128xf32, #tpu.memory_space<vmem>>) target(%dma_start3A_1044 : memref<8x128xf32, #tpu.memory_space<hbm>>) target_semaphore(%arg20 : memref<!tpu.dma_semaphore, #tpu.memory_space<semaphore_mem>>)
      %dma_start3A_1049 = arith.constant 1 : i32
      %dma_start3A_1050 = arith.constant 1 : i32
      %dma_start3A_1051 = arith.constant 0 : i32
      %dma_start3A_1052 = arith.constant 0 : i32
      %dma_start3A_1053 = tpu.memref_slice %arg12[%dma_start3A_1049, %dma_start3A_1051, %dma_start3A_1052] : memref<8x8x129xf32, #tpu.memory_space<vmem>> -> memref<1x8x128xf32, #tpu.memory_space<vmem>>
      %dma_start3A_1054 = tpu.memref_squeeze %dma_start3A_1053 : memref<1x8x128xf32, #tpu.memory_space<vmem>> -> memref<8x128xf32, #tpu.memory_space<vmem>>
      %dma_start3A_1055 = arith.constant 0 : i32
      %dma_start3A_1056 = arith.constant 0 : i32
      %dma_start3A_1057 = tpu.memref_slice %arg4[%add3A_1017, %dma_start3A_1050, %add3A, %dma_start3A_1055, %dma_start3A_1056] : memref<200x8x32x8x128xf32, #tpu.memory_space<hbm>> -> memref<1x1x1x8x128xf32, #tpu.memory_space<hbm>>
      %dma_start3A_1058 = tpu.memref_squeeze %dma_start3A_1057 : memref<1x1x1x8x128xf32, #tpu.memory_space<hbm>> -> memref<8x128xf32, #tpu.memory_space<hbm>>
      %dma_start3A_1059 = arith.constant 0 : i32
      %dma_start3A_1060 = arith.constant 0 : i32
      %dma_start3A_1061 = tpu.memref_slice %arg4[%add3A_1017, %dma_start3A_1050, %add3A, %dma_start3A_1059, %dma_start3A_1060] : memref<200x8x32x8x128xf32, #tpu.memory_space<hbm>> -> memref<1x1x1x8x128xf32, #tpu.memory_space<hbm>>
      %dma_start3A_1062 = tpu.memref_squeeze %dma_start3A_1061 : memref<1x1x1x8x128xf32, #tpu.memory_space<hbm>> -> memref<8x128xf32, #tpu.memory_space<hbm>>
      %dma_start3A_1063 = arith.constant 0 : i32
      %dma_start3A_1064 = arith.constant 0 : i32
      %dma_start3A_1065 = tpu.memref_slice %arg12[%dma_start3A_1049, %dma_start3A_1063, %dma_start3A_1064] : memref<8x8x129xf32, #tpu.memory_space<vmem>> -> memref<1x8x128xf32, #tpu.memory_space<vmem>>
      %dma_start3A_1066 = tpu.memref_squeeze %dma_start3A_1065 : memref<1x8x128xf32, #tpu.memory_space<vmem>> -> memref<8x128xf32, #tpu.memory_space<vmem>>
      tpu.enqueue_dma source(%dma_start3A_1066 : memref<8x128xf32, #tpu.memory_space<vmem>>) target(%dma_start3A_1062 : memref<8x128xf32, #tpu.memory_space<hbm>>) target_semaphore(%arg20 : memref<!tpu.dma_semaphore, #tpu.memory_space<semaphore_mem>>)
      %dma_start3A_1067 = arith.constant 2 : i32
      %dma_start3A_1068 = arith.constant 2 : i32
      %dma_start3A_1069 = arith.constant 0 : i32
      %dma_start3A_1070 = arith.constant 0 : i32
      %dma_start3A_1071 = tpu.memref_slice %arg12[%dma_start3A_1067, %dma_start3A_1069, %dma_start3A_1070] : memref<8x8x129xf32, #tpu.memory_space<vmem>> -> memref<1x8x128xf32, #tpu.memory_space<vmem>>
      %dma_start3A_1072 = tpu.memref_squeeze %dma_start3A_1071 : memref<1x8x128xf32, #tpu.memory_space<vmem>> -> memref<8x128xf32, #tpu.memory_space<vmem>>
      %dma_start3A_1073 = arith.constant 0 : i32
      %dma_start3A_1074 = arith.constant 0 : i32
      %dma_start3A_1075 = tpu.memref_slice %arg4[%add3A_1017, %dma_start3A_1068, %add3A, %dma_start3A_1073, %dma_start3A_1074] : memref<200x8x32x8x128xf32, #tpu.memory_space<hbm>> -> memref<1x1x1x8x128xf32, #tpu.memory_space<hbm>>
      %dma_start3A_1076 = tpu.memref_squeeze %dma_start3A_1075 : memref<1x1x1x8x128xf32, #tpu.memory_space<hbm>> -> memref<8x128xf32, #tpu.memory_space<hbm>>
      %dma_start3A_1077 = arith.constant 0 : i32
      %dma_start3A_1078 = arith.constant 0 : i32
      %dma_start3A_1079 = tpu.memref_slice %arg4[%add3A_1017, %dma_start3A_1068, %add3A, %dma_start3A_1077, %dma_start3A_1078] : memref<200x8x32x8x128xf32, #tpu.memory_space<hbm>> -> memref<1x1x1x8x128xf32, #tpu.memory_space<hbm>>
      %dma_start3A_1080 = tpu.memref_squeeze %dma_start3A_1079 : memref<1x1x1x8x128xf32, #tpu.memory_space<hbm>> -> memref<8x128xf32, #tpu.memory_space<hbm>>
      %dma_start3A_1081 = arith.constant 0 : i32
      %dma_start3A_1082 = arith.constant 0 : i32
      %dma_start3A_1083 = tpu.memref_slice %arg12[%dma_start3A_1067, %dma_start3A_1081, %dma_start3A_1082] : memref<8x8x129xf32, #tpu.memory_space<vmem>> -> memref<1x8x128xf32, #tpu.memory_space<vmem>>
      %dma_start3A_1084 = tpu.memref_squeeze %dma_start3A_1083 : memref<1x8x128xf32, #tpu.memory_space<vmem>> -> memref<8x128xf32, #tpu.memory_space<vmem>>
      tpu.enqueue_dma source(%dma_start3A_1084 : memref<8x128xf32, #tpu.memory_space<vmem>>) target(%dma_start3A_1080 : memref<8x128xf32, #tpu.memory_space<hbm>>) target_semaphore(%arg20 : memref<!tpu.dma_semaphore, #tpu.memory_space<semaphore_mem>>)
      %dma_start3A_1085 = arith.constant 3 : i32
      %dma_start3A_1086 = arith.constant 3 : i32
      %dma_start3A_1087 = arith.constant 0 : i32
      %dma_start3A_1088 = arith.constant 0 : i32
      %dma_start3A_1089 = tpu.memref_slice %arg12[%dma_start3A_1085, %dma_start3A_1087, %dma_start3A_1088] : memref<8x8x129xf32, #tpu.memory_space<vmem>> -> memref<1x8x128xf32, #tpu.memory_space<vmem>>
      %dma_start3A_1090 = tpu.memref_squeeze %dma_start3A_1089 : memref<1x8x128xf32, #tpu.memory_space<vmem>> -> memref<8x128xf32, #tpu.memory_space<vmem>>
      %dma_start3A_1091 = arith.constant 0 : i32
      %dma_start3A_1092 = arith.constant 0 : i32
      %dma_start3A_1093 = tpu.memref_slice %arg4[%add3A_1017, %dma_start3A_1086, %add3A, %dma_start3A_1091, %dma_start3A_1092] : memref<200x8x32x8x128xf32, #tpu.memory_space<hbm>> -> memref<1x1x1x8x128xf32, #tpu.memory_space<hbm>>
      %dma_start3A_1094 = tpu.memref_squeeze %dma_start3A_1093 : memref<1x1x1x8x128xf32, #tpu.memory_space<hbm>> -> memref<8x128xf32, #tpu.memory_space<hbm>>
      %dma_start3A_1095 = arith.constant 0 : i32
      %dma_start3A_1096 = arith.constant 0 : i32
      %dma_start3A_1097 = tpu.memref_slice %arg4[%add3A_1017, %dma_start3A_1086, %add3A, %dma_start3A_1095, %dma_start3A_1096] : memref<200x8x32x8x128xf32, #tpu.memory_space<hbm>> -> memref<1x1x1x8x128xf32, #tpu.memory_space<hbm>>
      %dma_start3A_1098 = tpu.memref_squeeze %dma_start3A_1097 : memref<1x1x1x8x128xf32, #tpu.memory_space<hbm>> -> memref<8x128xf32, #tpu.memory_space<hbm>>
      %dma_start3A_1099 = arith.constant 0 : i32
      %dma_start3A_1100 = arith.constant 0 : i32
      %dma_start3A_1101 = tpu.memref_slice %arg12[%dma_start3A_1085, %dma_start3A_1099, %dma_start3A_1100] : memref<8x8x129xf32, #tpu.memory_space<vmem>> -> memref<1x8x128xf32, #tpu.memory_space<vmem>>
      %dma_start3A_1102 = tpu.memref_squeeze %dma_start3A_1101 : memref<1x8x128xf32, #tpu.memory_space<vmem>> -> memref<8x128xf32, #tpu.memory_space<vmem>>
      tpu.enqueue_dma source(%dma_start3A_1102 : memref<8x128xf32, #tpu.memory_space<vmem>>) target(%dma_start3A_1098 : memref<8x128xf32, #tpu.memory_space<hbm>>) target_semaphore(%arg20 : memref<!tpu.dma_semaphore, #tpu.memory_space<semaphore_mem>>)
      %dma_start3A_1103 = arith.constant 4 : i32
      %dma_start3A_1104 = arith.constant 4 : i32
      %dma_start3A_1105 = arith.constant 0 : i32
      %dma_start3A_1106 = arith.constant 0 : i32
      %dma_start3A_1107 = tpu.memref_slice %arg12[%dma_start3A_1103, %dma_start3A_1105, %dma_start3A_1106] : memref<8x8x129xf32, #tpu.memory_space<vmem>> -> memref<1x8x128xf32, #tpu.memory_space<vmem>>
      %dma_start3A_1108 = tpu.memref_squeeze %dma_start3A_1107 : memref<1x8x128xf32, #tpu.memory_space<vmem>> -> memref<8x128xf32, #tpu.memory_space<vmem>>
      %dma_start3A_1109 = arith.constant 0 : i32
      %dma_start3A_1110 = arith.constant 0 : i32
      %dma_start3A_1111 = tpu.memref_slice %arg4[%add3A_1017, %dma_start3A_1104, %add3A, %dma_start3A_1109, %dma_start3A_1110] : memref<200x8x32x8x128xf32, #tpu.memory_space<hbm>> -> memref<1x1x1x8x128xf32, #tpu.memory_space<hbm>>
      %dma_start3A_1112 = tpu.memref_squeeze %dma_start3A_1111 : memref<1x1x1x8x128xf32, #tpu.memory_space<hbm>> -> memref<8x128xf32, #tpu.memory_space<hbm>>
      %dma_start3A_1113 = arith.constant 0 : i32
      %dma_start3A_1114 = arith.constant 0 : i32
      %dma_start3A_1115 = tpu.memref_slice %arg4[%add3A_1017, %dma_start3A_1104, %add3A, %dma_start3A_1113, %dma_start3A_1114] : memref<200x8x32x8x128xf32, #tpu.memory_space<hbm>> -> memref<1x1x1x8x128xf32, #tpu.memory_space<hbm>>
      %dma_start3A_1116 = tpu.memref_squeeze %dma_start3A_1115 : memref<1x1x1x8x128xf32, #tpu.memory_space<hbm>> -> memref<8x128xf32, #tpu.memory_space<hbm>>
      %dma_start3A_1117 = arith.constant 0 : i32
      %dma_start3A_1118 = arith.constant 0 : i32
      %dma_start3A_1119 = tpu.memref_slice %arg12[%dma_start3A_1103, %dma_start3A_1117, %dma_start3A_1118] : memref<8x8x129xf32, #tpu.memory_space<vmem>> -> memref<1x8x128xf32, #tpu.memory_space<vmem>>
      %dma_start3A_1120 = tpu.memref_squeeze %dma_start3A_1119 : memref<1x8x128xf32, #tpu.memory_space<vmem>> -> memref<8x128xf32, #tpu.memory_space<vmem>>
      tpu.enqueue_dma source(%dma_start3A_1120 : memref<8x128xf32, #tpu.memory_space<vmem>>) target(%dma_start3A_1116 : memref<8x128xf32, #tpu.memory_space<hbm>>) target_semaphore(%arg20 : memref<!tpu.dma_semaphore, #tpu.memory_space<semaphore_mem>>)
      %dma_start3A_1121 = arith.constant 5 : i32
      %dma_start3A_1122 = arith.constant 5 : i32
      %dma_start3A_1123 = arith.constant 0 : i32
      %dma_start3A_1124 = arith.constant 0 : i32
      %dma_start3A_1125 = tpu.memref_slice %arg12[%dma_start3A_1121, %dma_start3A_1123, %dma_start3A_1124] : memref<8x8x129xf32, #tpu.memory_space<vmem>> -> memref<1x8x128xf32, #tpu.memory_space<vmem>>
      %dma_start3A_1126 = tpu.memref_squeeze %dma_start3A_1125 : memref<1x8x128xf32, #tpu.memory_space<vmem>> -> memref<8x128xf32, #tpu.memory_space<vmem>>
      %dma_start3A_1127 = arith.constant 0 : i32
      %dma_start3A_1128 = arith.constant 0 : i32
      %dma_start3A_1129 = tpu.memref_slice %arg4[%add3A_1017, %dma_start3A_1122, %add3A, %dma_start3A_1127, %dma_start3A_1128] : memref<200x8x32x8x128xf32, #tpu.memory_space<hbm>> -> memref<1x1x1x8x128xf32, #tpu.memory_space<hbm>>
      %dma_start3A_1130 = tpu.memref_squeeze %dma_start3A_1129 : memref<1x1x1x8x128xf32, #tpu.memory_space<hbm>> -> memref<8x128xf32, #tpu.memory_space<hbm>>
      %dma_start3A_1131 = arith.constant 0 : i32
      %dma_start3A_1132 = arith.constant 0 : i32
      %dma_start3A_1133 = tpu.memref_slice %arg4[%add3A_1017, %dma_start3A_1122, %add3A, %dma_start3A_1131, %dma_start3A_1132] : memref<200x8x32x8x128xf32, #tpu.memory_space<hbm>> -> memref<1x1x1x8x128xf32, #tpu.memory_space<hbm>>
      %dma_start3A_1134 = tpu.memref_squeeze %dma_start3A_1133 : memref<1x1x1x8x128xf32, #tpu.memory_space<hbm>> -> memref<8x128xf32, #tpu.memory_space<hbm>>
      %dma_start3A_1135 = arith.constant 0 : i32
      %dma_start3A_1136 = arith.constant 0 : i32
      %dma_start3A_1137 = tpu.memref_slice %arg12[%dma_start3A_1121, %dma_start3A_1135, %dma_start3A_1136] : memref<8x8x129xf32, #tpu.memory_space<vmem>> -> memref<1x8x128xf32, #tpu.memory_space<vmem>>
      %dma_start3A_1138 = tpu.memref_squeeze %dma_start3A_1137 : memref<1x8x128xf32, #tpu.memory_space<vmem>> -> memref<8x128xf32, #tpu.memory_space<vmem>>
      tpu.enqueue_dma source(%dma_start3A_1138 : memref<8x128xf32, #tpu.memory_space<vmem>>) target(%dma_start3A_1134 : memref<8x128xf32, #tpu.memory_space<hbm>>) target_semaphore(%arg20 : memref<!tpu.dma_semaphore, #tpu.memory_space<semaphore_mem>>)
      %dma_start3A_1139 = arith.constant 6 : i32
      %dma_start3A_1140 = arith.constant 6 : i32
      %dma_start3A_1141 = arith.constant 0 : i32
      %dma_start3A_1142 = arith.constant 0 : i32
      %dma_start3A_1143 = tpu.memref_slice %arg12[%dma_start3A_1139, %dma_start3A_1141, %dma_start3A_1142] : memref<8x8x129xf32, #tpu.memory_space<vmem>> -> memref<1x8x128xf32, #tpu.memory_space<vmem>>
      %dma_start3A_1144 = tpu.memref_squeeze %dma_start3A_1143 : memref<1x8x128xf32, #tpu.memory_space<vmem>> -> memref<8x128xf32, #tpu.memory_space<vmem>>
      %dma_start3A_1145 = arith.constant 0 : i32
      %dma_start3A_1146 = arith.constant 0 : i32
      %dma_start3A_1147 = tpu.memref_slice %arg4[%add3A_1017, %dma_start3A_1140, %add3A, %dma_start3A_1145, %dma_start3A_1146] : memref<200x8x32x8x128xf32, #tpu.memory_space<hbm>> -> memref<1x1x1x8x128xf32, #tpu.memory_space<hbm>>
      %dma_start3A_1148 = tpu.memref_squeeze %dma_start3A_1147 : memref<1x1x1x8x128xf32, #tpu.memory_space<hbm>> -> memref<8x128xf32, #tpu.memory_space<hbm>>
      %dma_start3A_1149 = arith.constant 0 : i32
      %dma_start3A_1150 = arith.constant 0 : i32
      %dma_start3A_1151 = tpu.memref_slice %arg4[%add3A_1017, %dma_start3A_1140, %add3A, %dma_start3A_1149, %dma_start3A_1150] : memref<200x8x32x8x128xf32, #tpu.memory_space<hbm>> -> memref<1x1x1x8x128xf32, #tpu.memory_space<hbm>>
      %dma_start3A_1152 = tpu.memref_squeeze %dma_start3A_1151 : memref<1x1x1x8x128xf32, #tpu.memory_space<hbm>> -> memref<8x128xf32, #tpu.memory_space<hbm>>
      %dma_start3A_1153 = arith.constant 0 : i32
      %dma_start3A_1154 = arith.constant 0 : i32
      %dma_start3A_1155 = tpu.memref_slice %arg12[%dma_start3A_1139, %dma_start3A_1153, %dma_start3A_1154] : memref<8x8x129xf32, #tpu.memory_space<vmem>> -> memref<1x8x128xf32, #tpu.memory_space<vmem>>
      %dma_start3A_1156 = tpu.memref_squeeze %dma_start3A_1155 : memref<1x8x128xf32, #tpu.memory_space<vmem>> -> memref<8x128xf32, #tpu.memory_space<vmem>>
      tpu.enqueue_dma source(%dma_start3A_1156 : memref<8x128xf32, #tpu.memory_space<vmem>>) target(%dma_start3A_1152 : memref<8x128xf32, #tpu.memory_space<hbm>>) target_semaphore(%arg20 : memref<!tpu.dma_semaphore, #tpu.memory_space<semaphore_mem>>)
      %dma_start3A_1157 = arith.constant 7 : i32
      %dma_start3A_1158 = arith.constant 7 : i32
      %dma_start3A_1159 = arith.constant 0 : i32
      %dma_start3A_1160 = arith.constant 0 : i32
      %dma_start3A_1161 = tpu.memref_slice %arg12[%dma_start3A_1157, %dma_start3A_1159, %dma_start3A_1160] : memref<8x8x129xf32, #tpu.memory_space<vmem>> -> memref<1x8x128xf32, #tpu.memory_space<vmem>>
      %dma_start3A_1162 = tpu.memref_squeeze %dma_start3A_1161 : memref<1x8x128xf32, #tpu.memory_space<vmem>> -> memref<8x128xf32, #tpu.memory_space<vmem>>
      %dma_start3A_1163 = arith.constant 0 : i32
      %dma_start3A_1164 = arith.constant 0 : i32
      %dma_start3A_1165 = tpu.memref_slice %arg4[%add3A_1017, %dma_start3A_1158, %add3A, %dma_start3A_1163, %dma_start3A_1164] : memref<200x8x32x8x128xf32, #tpu.memory_space<hbm>> -> memref<1x1x1x8x128xf32, #tpu.memory_space<hbm>>
      %dma_start3A_1166 = tpu.memref_squeeze %dma_start3A_1165 : memref<1x1x1x8x128xf32, #tpu.memory_space<hbm>> -> memref<8x128xf32, #tpu.memory_space<hbm>>
      %dma_start3A_1167 = arith.constant 0 : i32
      %dma_start3A_1168 = arith.constant 0 : i32
      %dma_start3A_1169 = tpu.memref_slice %arg4[%add3A_1017, %dma_start3A_1158, %add3A, %dma_start3A_1167, %dma_start3A_1168] : memref<200x8x32x8x128xf32, #tpu.memory_space<hbm>> -> memref<1x1x1x8x128xf32, #tpu.memory_space<hbm>>
      %dma_start3A_1170 = tpu.memref_squeeze %dma_start3A_1169 : memref<1x1x1x8x128xf32, #tpu.memory_space<hbm>> -> memref<8x128xf32, #tpu.memory_space<hbm>>
      %dma_start3A_1171 = arith.constant 0 : i32
      %dma_start3A_1172 = arith.constant 0 : i32
      %dma_start3A_1173 = tpu.memref_slice %arg12[%dma_start3A_1157, %dma_start3A_1171, %dma_start3A_1172] : memref<8x8x129xf32, #tpu.memory_space<vmem>> -> memref<1x8x128xf32, #tpu.memory_space<vmem>>
      %dma_start3A_1174 = tpu.memref_squeeze %dma_start3A_1173 : memref<1x8x128xf32, #tpu.memory_space<vmem>> -> memref<8x128xf32, #tpu.memory_space<vmem>>
      tpu.enqueue_dma source(%dma_start3A_1174 : memref<8x128xf32, #tpu.memory_space<vmem>>) target(%dma_start3A_1170 : memref<8x128xf32, #tpu.memory_space<hbm>>) target_semaphore(%arg20 : memref<!tpu.dma_semaphore, #tpu.memory_space<semaphore_mem>>)
      %mul3A_1175 = arith.constant 4 : i32
      %mul3A_1176 = arith.muli %scan3A_691, %mul3A_1175 : i32
      %add3A_1177 = arith.constant 3 : i32
      %add3A_1178 = arith.addi %mul3A_1176, %add3A_1177 : i32
      %dma_wait3A_1179 = arith.constant 0 : i32
      %dma_wait3A_1180 = arith.constant 0 : i32
      %dma_wait3A_1181 = tpu.memref_slice %arg5[%dma_wait3A_1179, %dma_wait3A_1180] : memref<200x128xi32, #tpu.memory_space<vmem>> -> memref<1x128xi32, #tpu.memory_space<vmem>>
      %dma_wait3A_1182 = tpu.memref_squeeze %dma_wait3A_1181 : memref<1x128xi32, #tpu.memory_space<vmem>> -> memref<128xi32, #tpu.memory_space<vmem>>
      %dma_wait3A_1183 = arith.constant 0 : i32
      %dma_wait3A_1184 = arith.constant 0 : i32
      %dma_wait3A_1185 = tpu.memref_slice %arg3[%dma_wait3A_1183, %dma_wait3A_1184] : memref<1000000x64xf32, #tpu.memory_space<hbm>> -> memref<1000000x64xf32, #tpu.memory_space<hbm>>
      tpu.wait_indirect_dma semaphore(%arg17 : memref<!tpu.dma_semaphore, #tpu.memory_space<semaphore_mem>>) src(%dma_wait3A_1185 : memref<1000000x64xf32, #tpu.memory_space<hbm>>) dst(%arg9 : memref<128x64xf32, #tpu.memory_space<vmem>>)
      %scan3A_1186 = arith.constant 0 : i32
      %scan3A_1187 = arith.constant 0 : i32
      %scan3A_1188 = arith.constant 32 : i32
      %scan3A_1189 = arith.addi %scan3A_1187, %scan3A_1188 : i32
      %scan3A_1190 = arith.constant 1 : i32
      scf.for %scan3A_1340 = %scan3A_1187 to %scan3A_1189 step %scan3A_1190  : i32 {
        %mul3A_1341 = arith.constant 4 : i32
        %mul3A_1342 = arith.muli %scan3A_1340, %mul3A_1341 : i32
        %add3A_1343 = arith.constant 0 : i32
        %add3A_1344 = arith.addi %mul3A_1342, %add3A_1343 : i32
        %add3A_1345 = vector.broadcast %add3A_1344 : i32 to vector<16xi32>
        %add3A_1346 = arith.addi %mul3A_5, %add3A_1345 : vector<16xi32>
        %add3A_1347 = arith.constant 1 : i32
        %add3A_1348 = arith.addi %mul3A_1342, %add3A_1347 : i32
        %add3A_1349 = vector.broadcast %add3A_1348 : i32 to vector<16xi32>
        %add3A_1350 = arith.addi %mul3A_5, %add3A_1349 : vector<16xi32>
        %add3A_1351 = arith.constant 2 : i32
        %add3A_1352 = arith.addi %mul3A_1342, %add3A_1351 : i32
        %add3A_1353 = vector.broadcast %add3A_1352 : i32 to vector<16xi32>
        %add3A_1354 = arith.addi %mul3A_5, %add3A_1353 : vector<16xi32>
        %add3A_1355 = arith.constant 3 : i32
        %add3A_1356 = arith.addi %mul3A_1342, %add3A_1355 : i32
        %add3A_1357 = vector.broadcast %add3A_1356 : i32 to vector<16xi32>
        %add3A_1358 = arith.addi %mul3A_5, %add3A_1357 : vector<16xi32>
        %add3A_1359 = arith.constant 0 : i32
        %add3A_1360 = arith.addi %mul3A_1342, %add3A_1359 : i32
        %get3A = arith.index_cast %add3A_1360 : i32 to index
        %get3A_1361 = arith.constant 0 : index
        %get3A_1362 = tpu.vector_load %arg9[%get3A, %get3A_1361] {strides = array<i32>} : memref<128x64xf32, #tpu.memory_space<vmem>>, vector<16xf32>,
        %add3A_1363 = arith.constant 0 : i32
        %add3A_1364 = arith.addi %mul3A_1342, %add3A_1363 : i32
        %get3A_1365 = arith.index_cast %add3A_1364 : i32 to index
        %get3A_1366 = arith.constant 16 : index
        %get3A_1367 = tpu.vector_load %arg9[%get3A_1365, %get3A_1366] {strides = array<i32>} : memref<128x64xf32, #tpu.memory_space<vmem>>, vector<16xf32>,
        %add3A_1368 = arith.constant 0 : i32
        %add3A_1369 = arith.addi %mul3A_1342, %add3A_1368 : i32
        %get3A_1370 = arith.index_cast %add3A_1369 : i32 to index
        %get3A_1371 = arith.constant 32 : index
        %get3A_1372 = tpu.vector_load %arg9[%get3A_1370, %get3A_1371] {strides = array<i32>} : memref<128x64xf32, #tpu.memory_space<vmem>>, vector<16xf32>,
        %add3A_1373 = arith.constant 0 : i32
        %add3A_1374 = arith.addi %mul3A_1342, %add3A_1373 : i32
        %get3A_1375 = arith.index_cast %add3A_1374 : i32 to index
        %get3A_1376 = arith.constant 48 : index
        %get3A_1377 = tpu.vector_load %arg9[%get3A_1375, %get3A_1376] {strides = array<i32>} : memref<128x64xf32, #tpu.memory_space<vmem>>, vector<16xf32>,
        %add3A_1378 = arith.constant 1 : i32
        %add3A_1379 = arith.addi %mul3A_1342, %add3A_1378 : i32
        %get3A_1380 = arith.index_cast %add3A_1379 : i32 to index
        %get3A_1381 = arith.constant 0 : index
        %get3A_1382 = tpu.vector_load %arg9[%get3A_1380, %get3A_1381] {strides = array<i32>} : memref<128x64xf32, #tpu.memory_space<vmem>>, vector<16xf32>,
        %add3A_1383 = arith.constant 1 : i32
        %add3A_1384 = arith.addi %mul3A_1342, %add3A_1383 : i32
        %get3A_1385 = arith.index_cast %add3A_1384 : i32 to index
        %get3A_1386 = arith.constant 16 : index
        %get3A_1387 = tpu.vector_load %arg9[%get3A_1385, %get3A_1386] {strides = array<i32>} : memref<128x64xf32, #tpu.memory_space<vmem>>, vector<16xf32>,
        %add3A_1388 = arith.constant 1 : i32
        %add3A_1389 = arith.addi %mul3A_1342, %add3A_1388 : i32
        %get3A_1390 = arith.index_cast %add3A_1389 : i32 to index
        %get3A_1391 = arith.constant 32 : index
        %get3A_1392 = tpu.vector_load %arg9[%get3A_1390, %get3A_1391] {strides = array<i32>} : memref<128x64xf32, #tpu.memory_space<vmem>>, vector<16xf32>,
        %add3A_1393 = arith.constant 1 : i32
        %add3A_1394 = arith.addi %mul3A_1342, %add3A_1393 : i32
        %get3A_1395 = arith.index_cast %add3A_1394 : i32 to index
        %get3A_1396 = arith.constant 48 : index
        %get3A_1397 = tpu.vector_load %arg9[%get3A_1395, %get3A_1396] {strides = array<i32>} : memref<128x64xf32, #tpu.memory_space<vmem>>, vector<16xf32>,
        %add3A_1398 = arith.constant 2 : i32
        %add3A_1399 = arith.addi %mul3A_1342, %add3A_1398 : i32
        %get3A_1400 = arith.index_cast %add3A_1399 : i32 to index
        %get3A_1401 = arith.constant 0 : index
        %get3A_1402 = tpu.vector_load %arg9[%get3A_1400, %get3A_1401] {strides = array<i32>} : memref<128x64xf32, #tpu.memory_space<vmem>>, vector<16xf32>,
        %add3A_1403 = arith.constant 2 : i32
        %add3A_1404 = arith.addi %mul3A_1342, %add3A_1403 : i32
        %get3A_1405 = arith.index_cast %add3A_1404 : i32 to index
        %get3A_1406 = arith.constant 16 : index
        %get3A_1407 = tpu.vector_load %arg9[%get3A_1405, %get3A_1406] {strides = array<i32>} : memref<128x64xf32, #tpu.memory_space<vmem>>, vector<16xf32>,
        %add3A_1408 = arith.constant 2 : i32
        %add3A_1409 = arith.addi %mul3A_1342, %add3A_1408 : i32
        %get3A_1410 = arith.index_cast %add3A_1409 : i32 to index
        %get3A_1411 = arith.constant 32 : index
        %get3A_1412 = tpu.vector_load %arg9[%get3A_1410, %get3A_1411] {strides = array<i32>} : memref<128x64xf32, #tpu.memory_space<vmem>>, vector<16xf32>,
        %add3A_1413 = arith.constant 2 : i32
        %add3A_1414 = arith.addi %mul3A_1342, %add3A_1413 : i32
        %get3A_1415 = arith.index_cast %add3A_1414 : i32 to index
        %get3A_1416 = arith.constant 48 : index
        %get3A_1417 = tpu.vector_load %arg9[%get3A_1415, %get3A_1416] {strides = array<i32>} : memref<128x64xf32, #tpu.memory_space<vmem>>, vector<16xf32>,
        %add3A_1418 = arith.constant 3 : i32
        %add3A_1419 = arith.addi %mul3A_1342, %add3A_1418 : i32
        %get3A_1420 = arith.index_cast %add3A_1419 : i32 to index
        %get3A_1421 = arith.constant 0 : index
        %get3A_1422 = tpu.vector_load %arg9[%get3A_1420, %get3A_1421] {strides = array<i32>} : memref<128x64xf32, #tpu.memory_space<vmem>>, vector<16xf32>,
        %add3A_1423 = arith.constant 3 : i32
        %add3A_1424 = arith.addi %mul3A_1342, %add3A_1423 : i32
        %get3A_1425 = arith.index_cast %add3A_1424 : i32 to index
        %get3A_1426 = arith.constant 16 : index
        %get3A_1427 = tpu.vector_load %arg9[%get3A_1425, %get3A_1426] {strides = array<i32>} : memref<128x64xf32, #tpu.memory_space<vmem>>, vector<16xf32>,
        %add3A_1428 = arith.constant 3 : i32
        %add3A_1429 = arith.addi %mul3A_1342, %add3A_1428 : i32
        %get3A_1430 = arith.index_cast %add3A_1429 : i32 to index
        %get3A_1431 = arith.constant 32 : index
        %get3A_1432 = tpu.vector_load %arg9[%get3A_1430, %get3A_1431] {strides = array<i32>} : memref<128x64xf32, #tpu.memory_space<vmem>>, vector<16xf32>,
        %add3A_1433 = arith.constant 3 : i32
        %add3A_1434 = arith.addi %mul3A_1342, %add3A_1433 : i32
        %get3A_1435 = arith.index_cast %add3A_1434 : i32 to index
        %get3A_1436 = arith.constant 48 : index
        %get3A_1437 = tpu.vector_load %arg9[%get3A_1435, %get3A_1436] {strides = array<i32>} : memref<128x64xf32, #tpu.memory_space<vmem>>, vector<16xf32>,
        %mul3A_1438 = arith.constant 1.562500e-02 : f32
        %mul3A_1439 = vector.broadcast %mul3A_1438 : f32 to vector<16xf32>
        %mul3A_1440 = arith.mulf %get3A_1362, %mul3A_1439 : vector<16xf32>
        %mul3A_1441 = arith.constant 1.562500e-02 : f32
        %mul3A_1442 = vector.broadcast %mul3A_1441 : f32 to vector<16xf32>
        %mul3A_1443 = arith.mulf %get3A_1367, %mul3A_1442 : vector<16xf32>
        %mul3A_1444 = arith.constant 1.562500e-02 : f32
        %mul3A_1445 = vector.broadcast %mul3A_1444 : f32 to vector<16xf32>
        %mul3A_1446 = arith.mulf %get3A_1372, %mul3A_1445 : vector<16xf32>
        %mul3A_1447 = arith.constant 1.562500e-02 : f32
        %mul3A_1448 = vector.broadcast %mul3A_1447 : f32 to vector<16xf32>
        %mul3A_1449 = arith.mulf %get3A_1377, %mul3A_1448 : vector<16xf32>
        %mul3A_1450 = arith.constant 1.562500e-02 : f32
        %mul3A_1451 = vector.broadcast %mul3A_1450 : f32 to vector<16xf32>
        %mul3A_1452 = arith.mulf %get3A_1382, %mul3A_1451 : vector<16xf32>
        %mul3A_1453 = arith.constant 1.562500e-02 : f32
        %mul3A_1454 = vector.broadcast %mul3A_1453 : f32 to vector<16xf32>
        %mul3A_1455 = arith.mulf %get3A_1387, %mul3A_1454 : vector<16xf32>
        %mul3A_1456 = arith.constant 1.562500e-02 : f32
        %mul3A_1457 = vector.broadcast %mul3A_1456 : f32 to vector<16xf32>
        %mul3A_1458 = arith.mulf %get3A_1392, %mul3A_1457 : vector<16xf32>
        %mul3A_1459 = arith.constant 1.562500e-02 : f32
        %mul3A_1460 = vector.broadcast %mul3A_1459 : f32 to vector<16xf32>
        %mul3A_1461 = arith.mulf %get3A_1397, %mul3A_1460 : vector<16xf32>
        %mul3A_1462 = arith.constant 1.562500e-02 : f32
        %mul3A_1463 = vector.broadcast %mul3A_1462 : f32 to vector<16xf32>
        %mul3A_1464 = arith.mulf %get3A_1402, %mul3A_1463 : vector<16xf32>
        %mul3A_1465 = arith.constant 1.562500e-02 : f32
        %mul3A_1466 = vector.broadcast %mul3A_1465 : f32 to vector<16xf32>
        %mul3A_1467 = arith.mulf %get3A_1407, %mul3A_1466 : vector<16xf32>
        %mul3A_1468 = arith.constant 1.562500e-02 : f32
        %mul3A_1469 = vector.broadcast %mul3A_1468 : f32 to vector<16xf32>
        %mul3A_1470 = arith.mulf %get3A_1412, %mul3A_1469 : vector<16xf32>
        %mul3A_1471 = arith.constant 1.562500e-02 : f32
        %mul3A_1472 = vector.broadcast %mul3A_1471 : f32 to vector<16xf32>
        %mul3A_1473 = arith.mulf %get3A_1417, %mul3A_1472 : vector<16xf32>
        %mul3A_1474 = arith.constant 1.562500e-02 : f32
        %mul3A_1475 = vector.broadcast %mul3A_1474 : f32 to vector<16xf32>
        %mul3A_1476 = arith.mulf %get3A_1422, %mul3A_1475 : vector<16xf32>
        %mul3A_1477 = arith.constant 1.562500e-02 : f32
        %mul3A_1478 = vector.broadcast %mul3A_1477 : f32 to vector<16xf32>
        %mul3A_1479 = arith.mulf %get3A_1427, %mul3A_1478 : vector<16xf32>
        %mul3A_1480 = arith.constant 1.562500e-02 : f32
        %mul3A_1481 = vector.broadcast %mul3A_1480 : f32 to vector<16xf32>
        %mul3A_1482 = arith.mulf %get3A_1432, %mul3A_1481 : vector<16xf32>
        %mul3A_1483 = arith.constant 1.562500e-02 : f32
        %mul3A_1484 = vector.broadcast %mul3A_1483 : f32 to vector<16xf32>
        %mul3A_1485 = arith.mulf %get3A_1437, %mul3A_1484 : vector<16xf32>
        tpu.vector_store_idx %arg13[%shift_right_logical3A_10, %and3A_33, %add3A_1346], %mul3A_1440 : memref<8x8x129xf32, #tpu.memory_space<vmem>>[vector<16xi32>, vector<16xi32>, vector<16xi32>], vector<16xf32>,
        tpu.vector_store_idx %arg13[%shift_right_logical3A_16, %and3A_39, %add3A_1346], %mul3A_1443 : memref<8x8x129xf32, #tpu.memory_space<vmem>>[vector<16xi32>, vector<16xi32>, vector<16xi32>], vector<16xf32>,
        tpu.vector_store_idx %arg13[%shift_right_logical3A_22, %and3A_45, %add3A_1346], %mul3A_1446 : memref<8x8x129xf32, #tpu.memory_space<vmem>>[vector<16xi32>, vector<16xi32>, vector<16xi32>], vector<16xf32>,
        tpu.vector_store_idx %arg13[%shift_right_logical3A_28, %and3A_51, %add3A_1346], %mul3A_1449 : memref<8x8x129xf32, #tpu.memory_space<vmem>>[vector<16xi32>, vector<16xi32>, vector<16xi32>], vector<16xf32>,
        tpu.vector_store_idx %arg13[%shift_right_logical3A_10, %and3A_33, %add3A_1350], %mul3A_1452 : memref<8x8x129xf32, #tpu.memory_space<vmem>>[vector<16xi32>, vector<16xi32>, vector<16xi32>], vector<16xf32>,
        tpu.vector_store_idx %arg13[%shift_right_logical3A_16, %and3A_39, %add3A_1350], %mul3A_1455 : memref<8x8x129xf32, #tpu.memory_space<vmem>>[vector<16xi32>, vector<16xi32>, vector<16xi32>], vector<16xf32>,
        tpu.vector_store_idx %arg13[%shift_right_logical3A_22, %and3A_45, %add3A_1350], %mul3A_1458 : memref<8x8x129xf32, #tpu.memory_space<vmem>>[vector<16xi32>, vector<16xi32>, vector<16xi32>], vector<16xf32>,
        tpu.vector_store_idx %arg13[%shift_right_logical3A_28, %and3A_51, %add3A_1350], %mul3A_1461 : memref<8x8x129xf32, #tpu.memory_space<vmem>>[vector<16xi32>, vector<16xi32>, vector<16xi32>], vector<16xf32>,
        tpu.vector_store_idx %arg13[%shift_right_logical3A_10, %and3A_33, %add3A_1354], %mul3A_1464 : memref<8x8x129xf32, #tpu.memory_space<vmem>>[vector<16xi32>, vector<16xi32>, vector<16xi32>], vector<16xf32>,
        tpu.vector_store_idx %arg13[%shift_right_logical3A_16, %and3A_39, %add3A_1354], %mul3A_1467 : memref<8x8x129xf32, #tpu.memory_space<vmem>>[vector<16xi32>, vector<16xi32>, vector<16xi32>], vector<16xf32>,
        tpu.vector_store_idx %arg13[%shift_right_logical3A_22, %and3A_45, %add3A_1354], %mul3A_1470 : memref<8x8x129xf32, #tpu.memory_space<vmem>>[vector<16xi32>, vector<16xi32>, vector<16xi32>], vector<16xf32>,
        tpu.vector_store_idx %arg13[%shift_right_logical3A_28, %and3A_51, %add3A_1354], %mul3A_1473 : memref<8x8x129xf32, #tpu.memory_space<vmem>>[vector<16xi32>, vector<16xi32>, vector<16xi32>], vector<16xf32>,
        tpu.vector_store_idx %arg13[%shift_right_logical3A_10, %and3A_33, %add3A_1358], %mul3A_1476 : memref<8x8x129xf32, #tpu.memory_space<vmem>>[vector<16xi32>, vector<16xi32>, vector<16xi32>], vector<16xf32>,
        tpu.vector_store_idx %arg13[%shift_right_logical3A_16, %and3A_39, %add3A_1358], %mul3A_1479 : memref<8x8x129xf32, #tpu.memory_space<vmem>>[vector<16xi32>, vector<16xi32>, vector<16xi32>], vector<16xf32>,
        tpu.vector_store_idx %arg13[%shift_right_logical3A_22, %and3A_45, %add3A_1358], %mul3A_1482 : memref<8x8x129xf32, #tpu.memory_space<vmem>>[vector<16xi32>, vector<16xi32>, vector<16xi32>], vector<16xf32>,
        tpu.vector_store_idx %arg13[%shift_right_logical3A_28, %and3A_51, %add3A_1358], %mul3A_1485 : memref<8x8x129xf32, #tpu.memory_space<vmem>>[vector<16xi32>, vector<16xi32>, vector<16xi32>], vector<16xf32>,
      }
      %scan3A_1191 = arith.constant 32 : i32
      %dma_start3A_1192 = arith.constant 0 : i32
      %dma_start3A_1193 = arith.constant 0 : i32
      %dma_start3A_1194 = arith.constant 0 : i32
      %dma_start3A_1195 = arith.constant 0 : i32
      %dma_start3A_1196 = tpu.memref_slice %arg13[%dma_start3A_1192, %dma_start3A_1194, %dma_start3A_1195] : memref<8x8x129xf32, #tpu.memory_space<vmem>> -> memref<1x8x128xf32, #tpu.memory_space<vmem>>
      %dma_start3A_1197 = tpu.memref_squeeze %dma_start3A_1196 : memref<1x8x128xf32, #tpu.memory_space<vmem>> -> memref<8x128xf32, #tpu.memory_space<vmem>>
      %dma_start3A_1198 = arith.constant 0 : i32
      %dma_start3A_1199 = arith.constant 0 : i32
      %dma_start3A_1200 = tpu.memref_slice %arg4[%add3A_1178, %dma_start3A_1193, %add3A, %dma_start3A_1198, %dma_start3A_1199] : memref<200x8x32x8x128xf32, #tpu.memory_space<hbm>> -> memref<1x1x1x8x128xf32, #tpu.memory_space<hbm>>
      %dma_start3A_1201 = tpu.memref_squeeze %dma_start3A_1200 : memref<1x1x1x8x128xf32, #tpu.memory_space<hbm>> -> memref<8x128xf32, #tpu.memory_space<hbm>>
      %dma_start3A_1202 = arith.constant 0 : i32
      %dma_start3A_1203 = arith.constant 0 : i32
      %dma_start3A_1204 = tpu.memref_slice %arg4[%add3A_1178, %dma_start3A_1193, %add3A, %dma_start3A_1202, %dma_start3A_1203] : memref<200x8x32x8x128xf32, #tpu.memory_space<hbm>> -> memref<1x1x1x8x128xf32, #tpu.memory_space<hbm>>
      %dma_start3A_1205 = tpu.memref_squeeze %dma_start3A_1204 : memref<1x1x1x8x128xf32, #tpu.memory_space<hbm>> -> memref<8x128xf32, #tpu.memory_space<hbm>>
      %dma_start3A_1206 = arith.constant 0 : i32
      %dma_start3A_1207 = arith.constant 0 : i32
      %dma_start3A_1208 = tpu.memref_slice %arg13[%dma_start3A_1192, %dma_start3A_1206, %dma_start3A_1207] : memref<8x8x129xf32, #tpu.memory_space<vmem>> -> memref<1x8x128xf32, #tpu.memory_space<vmem>>
      %dma_start3A_1209 = tpu.memref_squeeze %dma_start3A_1208 : memref<1x8x128xf32, #tpu.memory_space<vmem>> -> memref<8x128xf32, #tpu.memory_space<vmem>>
      tpu.enqueue_dma source(%dma_start3A_1209 : memref<8x128xf32, #tpu.memory_space<vmem>>) target(%dma_start3A_1205 : memref<8x128xf32, #tpu.memory_space<hbm>>) target_semaphore(%arg21 : memref<!tpu.dma_semaphore, #tpu.memory_space<semaphore_mem>>)
      %dma_start3A_1210 = arith.constant 1 : i32
      %dma_start3A_1211 = arith.constant 1 : i32
      %dma_start3A_1212 = arith.constant 0 : i32
      %dma_start3A_1213 = arith.constant 0 : i32
      %dma_start3A_1214 = tpu.memref_slice %arg13[%dma_start3A_1210, %dma_start3A_1212, %dma_start3A_1213] : memref<8x8x129xf32, #tpu.memory_space<vmem>> -> memref<1x8x128xf32, #tpu.memory_space<vmem>>
      %dma_start3A_1215 = tpu.memref_squeeze %dma_start3A_1214 : memref<1x8x128xf32, #tpu.memory_space<vmem>> -> memref<8x128xf32, #tpu.memory_space<vmem>>
      %dma_start3A_1216 = arith.constant 0 : i32
      %dma_start3A_1217 = arith.constant 0 : i32
      %dma_start3A_1218 = tpu.memref_slice %arg4[%add3A_1178, %dma_start3A_1211, %add3A, %dma_start3A_1216, %dma_start3A_1217] : memref<200x8x32x8x128xf32, #tpu.memory_space<hbm>> -> memref<1x1x1x8x128xf32, #tpu.memory_space<hbm>>
      %dma_start3A_1219 = tpu.memref_squeeze %dma_start3A_1218 : memref<1x1x1x8x128xf32, #tpu.memory_space<hbm>> -> memref<8x128xf32, #tpu.memory_space<hbm>>
      %dma_start3A_1220 = arith.constant 0 : i32
      %dma_start3A_1221 = arith.constant 0 : i32
      %dma_start3A_1222 = tpu.memref_slice %arg4[%add3A_1178, %dma_start3A_1211, %add3A, %dma_start3A_1220, %dma_start3A_1221] : memref<200x8x32x8x128xf32, #tpu.memory_space<hbm>> -> memref<1x1x1x8x128xf32, #tpu.memory_space<hbm>>
      %dma_start3A_1223 = tpu.memref_squeeze %dma_start3A_1222 : memref<1x1x1x8x128xf32, #tpu.memory_space<hbm>> -> memref<8x128xf32, #tpu.memory_space<hbm>>
      %dma_start3A_1224 = arith.constant 0 : i32
      %dma_start3A_1225 = arith.constant 0 : i32
      %dma_start3A_1226 = tpu.memref_slice %arg13[%dma_start3A_1210, %dma_start3A_1224, %dma_start3A_1225] : memref<8x8x129xf32, #tpu.memory_space<vmem>> -> memref<1x8x128xf32, #tpu.memory_space<vmem>>
      %dma_start3A_1227 = tpu.memref_squeeze %dma_start3A_1226 : memref<1x8x128xf32, #tpu.memory_space<vmem>> -> memref<8x128xf32, #tpu.memory_space<vmem>>
      tpu.enqueue_dma source(%dma_start3A_1227 : memref<8x128xf32, #tpu.memory_space<vmem>>) target(%dma_start3A_1223 : memref<8x128xf32, #tpu.memory_space<hbm>>) target_semaphore(%arg21 : memref<!tpu.dma_semaphore, #tpu.memory_space<semaphore_mem>>)
      %dma_start3A_1228 = arith.constant 2 : i32
      %dma_start3A_1229 = arith.constant 2 : i32
      %dma_start3A_1230 = arith.constant 0 : i32
      %dma_start3A_1231 = arith.constant 0 : i32
      %dma_start3A_1232 = tpu.memref_slice %arg13[%dma_start3A_1228, %dma_start3A_1230, %dma_start3A_1231] : memref<8x8x129xf32, #tpu.memory_space<vmem>> -> memref<1x8x128xf32, #tpu.memory_space<vmem>>
      %dma_start3A_1233 = tpu.memref_squeeze %dma_start3A_1232 : memref<1x8x128xf32, #tpu.memory_space<vmem>> -> memref<8x128xf32, #tpu.memory_space<vmem>>
      %dma_start3A_1234 = arith.constant 0 : i32
      %dma_start3A_1235 = arith.constant 0 : i32
      %dma_start3A_1236 = tpu.memref_slice %arg4[%add3A_1178, %dma_start3A_1229, %add3A, %dma_start3A_1234, %dma_start3A_1235] : memref<200x8x32x8x128xf32, #tpu.memory_space<hbm>> -> memref<1x1x1x8x128xf32, #tpu.memory_space<hbm>>
      %dma_start3A_1237 = tpu.memref_squeeze %dma_start3A_1236 : memref<1x1x1x8x128xf32, #tpu.memory_space<hbm>> -> memref<8x128xf32, #tpu.memory_space<hbm>>
      %dma_start3A_1238 = arith.constant 0 : i32
      %dma_start3A_1239 = arith.constant 0 : i32
      %dma_start3A_1240 = tpu.memref_slice %arg4[%add3A_1178, %dma_start3A_1229, %add3A, %dma_start3A_1238, %dma_start3A_1239] : memref<200x8x32x8x128xf32, #tpu.memory_space<hbm>> -> memref<1x1x1x8x128xf32, #tpu.memory_space<hbm>>
      %dma_start3A_1241 = tpu.memref_squeeze %dma_start3A_1240 : memref<1x1x1x8x128xf32, #tpu.memory_space<hbm>> -> memref<8x128xf32, #tpu.memory_space<hbm>>
      %dma_start3A_1242 = arith.constant 0 : i32
      %dma_start3A_1243 = arith.constant 0 : i32
      %dma_start3A_1244 = tpu.memref_slice %arg13[%dma_start3A_1228, %dma_start3A_1242, %dma_start3A_1243] : memref<8x8x129xf32, #tpu.memory_space<vmem>> -> memref<1x8x128xf32, #tpu.memory_space<vmem>>
      %dma_start3A_1245 = tpu.memref_squeeze %dma_start3A_1244 : memref<1x8x128xf32, #tpu.memory_space<vmem>> -> memref<8x128xf32, #tpu.memory_space<vmem>>
      tpu.enqueue_dma source(%dma_start3A_1245 : memref<8x128xf32, #tpu.memory_space<vmem>>) target(%dma_start3A_1241 : memref<8x128xf32, #tpu.memory_space<hbm>>) target_semaphore(%arg21 : memref<!tpu.dma_semaphore, #tpu.memory_space<semaphore_mem>>)
      %dma_start3A_1246 = arith.constant 3 : i32
      %dma_start3A_1247 = arith.constant 3 : i32
      %dma_start3A_1248 = arith.constant 0 : i32
      %dma_start3A_1249 = arith.constant 0 : i32
      %dma_start3A_1250 = tpu.memref_slice %arg13[%dma_start3A_1246, %dma_start3A_1248, %dma_start3A_1249] : memref<8x8x129xf32, #tpu.memory_space<vmem>> -> memref<1x8x128xf32, #tpu.memory_space<vmem>>
      %dma_start3A_1251 = tpu.memref_squeeze %dma_start3A_1250 : memref<1x8x128xf32, #tpu.memory_space<vmem>> -> memref<8x128xf32, #tpu.memory_space<vmem>>
      %dma_start3A_1252 = arith.constant 0 : i32
      %dma_start3A_1253 = arith.constant 0 : i32
      %dma_start3A_1254 = tpu.memref_slice %arg4[%add3A_1178, %dma_start3A_1247, %add3A, %dma_start3A_1252, %dma_start3A_1253] : memref<200x8x32x8x128xf32, #tpu.memory_space<hbm>> -> memref<1x1x1x8x128xf32, #tpu.memory_space<hbm>>
      %dma_start3A_1255 = tpu.memref_squeeze %dma_start3A_1254 : memref<1x1x1x8x128xf32, #tpu.memory_space<hbm>> -> memref<8x128xf32, #tpu.memory_space<hbm>>
      %dma_start3A_1256 = arith.constant 0 : i32
      %dma_start3A_1257 = arith.constant 0 : i32
      %dma_start3A_1258 = tpu.memref_slice %arg4[%add3A_1178, %dma_start3A_1247, %add3A, %dma_start3A_1256, %dma_start3A_1257] : memref<200x8x32x8x128xf32, #tpu.memory_space<hbm>> -> memref<1x1x1x8x128xf32, #tpu.memory_space<hbm>>
      %dma_start3A_1259 = tpu.memref_squeeze %dma_start3A_1258 : memref<1x1x1x8x128xf32, #tpu.memory_space<hbm>> -> memref<8x128xf32, #tpu.memory_space<hbm>>
      %dma_start3A_1260 = arith.constant 0 : i32
      %dma_start3A_1261 = arith.constant 0 : i32
      %dma_start3A_1262 = tpu.memref_slice %arg13[%dma_start3A_1246, %dma_start3A_1260, %dma_start3A_1261] : memref<8x8x129xf32, #tpu.memory_space<vmem>> -> memref<1x8x128xf32, #tpu.memory_space<vmem>>
      %dma_start3A_1263 = tpu.memref_squeeze %dma_start3A_1262 : memref<1x8x128xf32, #tpu.memory_space<vmem>> -> memref<8x128xf32, #tpu.memory_space<vmem>>
      tpu.enqueue_dma source(%dma_start3A_1263 : memref<8x128xf32, #tpu.memory_space<vmem>>) target(%dma_start3A_1259 : memref<8x128xf32, #tpu.memory_space<hbm>>) target_semaphore(%arg21 : memref<!tpu.dma_semaphore, #tpu.memory_space<semaphore_mem>>)
      %dma_start3A_1264 = arith.constant 4 : i32
      %dma_start3A_1265 = arith.constant 4 : i32
      %dma_start3A_1266 = arith.constant 0 : i32
      %dma_start3A_1267 = arith.constant 0 : i32
      %dma_start3A_1268 = tpu.memref_slice %arg13[%dma_start3A_1264, %dma_start3A_1266, %dma_start3A_1267] : memref<8x8x129xf32, #tpu.memory_space<vmem>> -> memref<1x8x128xf32, #tpu.memory_space<vmem>>
      %dma_start3A_1269 = tpu.memref_squeeze %dma_start3A_1268 : memref<1x8x128xf32, #tpu.memory_space<vmem>> -> memref<8x128xf32, #tpu.memory_space<vmem>>
      %dma_start3A_1270 = arith.constant 0 : i32
      %dma_start3A_1271 = arith.constant 0 : i32
      %dma_start3A_1272 = tpu.memref_slice %arg4[%add3A_1178, %dma_start3A_1265, %add3A, %dma_start3A_1270, %dma_start3A_1271] : memref<200x8x32x8x128xf32, #tpu.memory_space<hbm>> -> memref<1x1x1x8x128xf32, #tpu.memory_space<hbm>>
      %dma_start3A_1273 = tpu.memref_squeeze %dma_start3A_1272 : memref<1x1x1x8x128xf32, #tpu.memory_space<hbm>> -> memref<8x128xf32, #tpu.memory_space<hbm>>
      %dma_start3A_1274 = arith.constant 0 : i32
      %dma_start3A_1275 = arith.constant 0 : i32
      %dma_start3A_1276 = tpu.memref_slice %arg4[%add3A_1178, %dma_start3A_1265, %add3A, %dma_start3A_1274, %dma_start3A_1275] : memref<200x8x32x8x128xf32, #tpu.memory_space<hbm>> -> memref<1x1x1x8x128xf32, #tpu.memory_space<hbm>>
      %dma_start3A_1277 = tpu.memref_squeeze %dma_start3A_1276 : memref<1x1x1x8x128xf32, #tpu.memory_space<hbm>> -> memref<8x128xf32, #tpu.memory_space<hbm>>
      %dma_start3A_1278 = arith.constant 0 : i32
      %dma_start3A_1279 = arith.constant 0 : i32
      %dma_start3A_1280 = tpu.memref_slice %arg13[%dma_start3A_1264, %dma_start3A_1278, %dma_start3A_1279] : memref<8x8x129xf32, #tpu.memory_space<vmem>> -> memref<1x8x128xf32, #tpu.memory_space<vmem>>
      %dma_start3A_1281 = tpu.memref_squeeze %dma_start3A_1280 : memref<1x8x128xf32, #tpu.memory_space<vmem>> -> memref<8x128xf32, #tpu.memory_space<vmem>>
      tpu.enqueue_dma source(%dma_start3A_1281 : memref<8x128xf32, #tpu.memory_space<vmem>>) target(%dma_start3A_1277 : memref<8x128xf32, #tpu.memory_space<hbm>>) target_semaphore(%arg21 : memref<!tpu.dma_semaphore, #tpu.memory_space<semaphore_mem>>)
      %dma_start3A_1282 = arith.constant 5 : i32
      %dma_start3A_1283 = arith.constant 5 : i32
      %dma_start3A_1284 = arith.constant 0 : i32
      %dma_start3A_1285 = arith.constant 0 : i32
      %dma_start3A_1286 = tpu.memref_slice %arg13[%dma_start3A_1282, %dma_start3A_1284, %dma_start3A_1285] : memref<8x8x129xf32, #tpu.memory_space<vmem>> -> memref<1x8x128xf32, #tpu.memory_space<vmem>>
      %dma_start3A_1287 = tpu.memref_squeeze %dma_start3A_1286 : memref<1x8x128xf32, #tpu.memory_space<vmem>> -> memref<8x128xf32, #tpu.memory_space<vmem>>
      %dma_start3A_1288 = arith.constant 0 : i32
      %dma_start3A_1289 = arith.constant 0 : i32
      %dma_start3A_1290 = tpu.memref_slice %arg4[%add3A_1178, %dma_start3A_1283, %add3A, %dma_start3A_1288, %dma_start3A_1289] : memref<200x8x32x8x128xf32, #tpu.memory_space<hbm>> -> memref<1x1x1x8x128xf32, #tpu.memory_space<hbm>>
      %dma_start3A_1291 = tpu.memref_squeeze %dma_start3A_1290 : memref<1x1x1x8x128xf32, #tpu.memory_space<hbm>> -> memref<8x128xf32, #tpu.memory_space<hbm>>
      %dma_start3A_1292 = arith.constant 0 : i32
      %dma_start3A_1293 = arith.constant 0 : i32
      %dma_start3A_1294 = tpu.memref_slice %arg4[%add3A_1178, %dma_start3A_1283, %add3A, %dma_start3A_1292, %dma_start3A_1293] : memref<200x8x32x8x128xf32, #tpu.memory_space<hbm>> -> memref<1x1x1x8x128xf32, #tpu.memory_space<hbm>>
      %dma_start3A_1295 = tpu.memref_squeeze %dma_start3A_1294 : memref<1x1x1x8x128xf32, #tpu.memory_space<hbm>> -> memref<8x128xf32, #tpu.memory_space<hbm>>
      %dma_start3A_1296 = arith.constant 0 : i32
      %dma_start3A_1297 = arith.constant 0 : i32
      %dma_start3A_1298 = tpu.memref_slice %arg13[%dma_start3A_1282, %dma_start3A_1296, %dma_start3A_1297] : memref<8x8x129xf32, #tpu.memory_space<vmem>> -> memref<1x8x128xf32, #tpu.memory_space<vmem>>
      %dma_start3A_1299 = tpu.memref_squeeze %dma_start3A_1298 : memref<1x8x128xf32, #tpu.memory_space<vmem>> -> memref<8x128xf32, #tpu.memory_space<vmem>>
      tpu.enqueue_dma source(%dma_start3A_1299 : memref<8x128xf32, #tpu.memory_space<vmem>>) target(%dma_start3A_1295 : memref<8x128xf32, #tpu.memory_space<hbm>>) target_semaphore(%arg21 : memref<!tpu.dma_semaphore, #tpu.memory_space<semaphore_mem>>)
      %dma_start3A_1300 = arith.constant 6 : i32
      %dma_start3A_1301 = arith.constant 6 : i32
      %dma_start3A_1302 = arith.constant 0 : i32
      %dma_start3A_1303 = arith.constant 0 : i32
      %dma_start3A_1304 = tpu.memref_slice %arg13[%dma_start3A_1300, %dma_start3A_1302, %dma_start3A_1303] : memref<8x8x129xf32, #tpu.memory_space<vmem>> -> memref<1x8x128xf32, #tpu.memory_space<vmem>>
      %dma_start3A_1305 = tpu.memref_squeeze %dma_start3A_1304 : memref<1x8x128xf32, #tpu.memory_space<vmem>> -> memref<8x128xf32, #tpu.memory_space<vmem>>
      %dma_start3A_1306 = arith.constant 0 : i32
      %dma_start3A_1307 = arith.constant 0 : i32
      %dma_start3A_1308 = tpu.memref_slice %arg4[%add3A_1178, %dma_start3A_1301, %add3A, %dma_start3A_1306, %dma_start3A_1307] : memref<200x8x32x8x128xf32, #tpu.memory_space<hbm>> -> memref<1x1x1x8x128xf32, #tpu.memory_space<hbm>>
      %dma_start3A_1309 = tpu.memref_squeeze %dma_start3A_1308 : memref<1x1x1x8x128xf32, #tpu.memory_space<hbm>> -> memref<8x128xf32, #tpu.memory_space<hbm>>
      %dma_start3A_1310 = arith.constant 0 : i32
      %dma_start3A_1311 = arith.constant 0 : i32
      %dma_start3A_1312 = tpu.memref_slice %arg4[%add3A_1178, %dma_start3A_1301, %add3A, %dma_start3A_1310, %dma_start3A_1311] : memref<200x8x32x8x128xf32, #tpu.memory_space<hbm>> -> memref<1x1x1x8x128xf32, #tpu.memory_space<hbm>>
      %dma_start3A_1313 = tpu.memref_squeeze %dma_start3A_1312 : memref<1x1x1x8x128xf32, #tpu.memory_space<hbm>> -> memref<8x128xf32, #tpu.memory_space<hbm>>
      %dma_start3A_1314 = arith.constant 0 : i32
      %dma_start3A_1315 = arith.constant 0 : i32
      %dma_start3A_1316 = tpu.memref_slice %arg13[%dma_start3A_1300, %dma_start3A_1314, %dma_start3A_1315] : memref<8x8x129xf32, #tpu.memory_space<vmem>> -> memref<1x8x128xf32, #tpu.memory_space<vmem>>
      %dma_start3A_1317 = tpu.memref_squeeze %dma_start3A_1316 : memref<1x8x128xf32, #tpu.memory_space<vmem>> -> memref<8x128xf32, #tpu.memory_space<vmem>>
      tpu.enqueue_dma source(%dma_start3A_1317 : memref<8x128xf32, #tpu.memory_space<vmem>>) target(%dma_start3A_1313 : memref<8x128xf32, #tpu.memory_space<hbm>>) target_semaphore(%arg21 : memref<!tpu.dma_semaphore, #tpu.memory_space<semaphore_mem>>)
      %dma_start3A_1318 = arith.constant 7 : i32
      %dma_start3A_1319 = arith.constant 7 : i32
      %dma_start3A_1320 = arith.constant 0 : i32
      %dma_start3A_1321 = arith.constant 0 : i32
      %dma_start3A_1322 = tpu.memref_slice %arg13[%dma_start3A_1318, %dma_start3A_1320, %dma_start3A_1321] : memref<8x8x129xf32, #tpu.memory_space<vmem>> -> memref<1x8x128xf32, #tpu.memory_space<vmem>>
      %dma_start3A_1323 = tpu.memref_squeeze %dma_start3A_1322 : memref<1x8x128xf32, #tpu.memory_space<vmem>> -> memref<8x128xf32, #tpu.memory_space<vmem>>
      %dma_start3A_1324 = arith.constant 0 : i32
      %dma_start3A_1325 = arith.constant 0 : i32
      %dma_start3A_1326 = tpu.memref_slice %arg4[%add3A_1178, %dma_start3A_1319, %add3A, %dma_start3A_1324, %dma_start3A_1325] : memref<200x8x32x8x128xf32, #tpu.memory_space<hbm>> -> memref<1x1x1x8x128xf32, #tpu.memory_space<hbm>>
      %dma_start3A_1327 = tpu.memref_squeeze %dma_start3A_1326 : memref<1x1x1x8x128xf32, #tpu.memory_space<hbm>> -> memref<8x128xf32, #tpu.memory_space<hbm>>
      %dma_start3A_1328 = arith.constant 0 : i32
      %dma_start3A_1329 = arith.constant 0 : i32
      %dma_start3A_1330 = tpu.memref_slice %arg4[%add3A_1178, %dma_start3A_1319, %add3A, %dma_start3A_1328, %dma_start3A_1329] : memref<200x8x32x8x128xf32, #tpu.memory_space<hbm>> -> memref<1x1x1x8x128xf32, #tpu.memory_space<hbm>>
      %dma_start3A_1331 = tpu.memref_squeeze %dma_start3A_1330 : memref<1x1x1x8x128xf32, #tpu.memory_space<hbm>> -> memref<8x128xf32, #tpu.memory_space<hbm>>
      %dma_start3A_1332 = arith.constant 0 : i32
      %dma_start3A_1333 = arith.constant 0 : i32
      %dma_start3A_1334 = tpu.memref_slice %arg13[%dma_start3A_1318, %dma_start3A_1332, %dma_start3A_1333] : memref<8x8x129xf32, #tpu.memory_space<vmem>> -> memref<1x8x128xf32, #tpu.memory_space<vmem>>
      %dma_start3A_1335 = tpu.memref_squeeze %dma_start3A_1334 : memref<1x8x128xf32, #tpu.memory_space<vmem>> -> memref<8x128xf32, #tpu.memory_space<vmem>>
      tpu.enqueue_dma source(%dma_start3A_1335 : memref<8x128xf32, #tpu.memory_space<vmem>>) target(%dma_start3A_1331 : memref<8x128xf32, #tpu.memory_space<hbm>>) target_semaphore(%arg21 : memref<!tpu.dma_semaphore, #tpu.memory_space<semaphore_mem>>)
      %add3A_1336 = arith.constant 1 : i32
      %add3A_1337 = arith.addi %scan3A_691, %add3A_1336 : i32
      %lt3A = arith.constant 50 : i32
      %lt3A_1338 = arith.cmpi slt, %add3A_1337, %lt3A : i32
      %convert_element_type3A = arith.extui %lt3A_1338 : i1 to i32
      %cond3A = arith.constant 0 : i32
      %cond3A_1339 = arith.cmpi ne, %convert_element_type3A, %cond3A : i32
      scf.if %cond3A_1339 {
        %dma_wait3A_1340 = arith.constant 0 : i32
        %dma_wait3A_1341 = arith.constant 0 : i32
        %dma_wait3A_1342 = arith.constant 0 : i32
        %dma_wait3A_1343 = arith.constant 0 : i32
        %dma_wait3A_1344 = arith.constant 0 : i32
        %dma_wait3A_1345 = tpu.memref_slice %arg10[%dma_wait3A_1340, %dma_wait3A_1343, %dma_wait3A_1344] : memref<8x8x129xf32, #tpu.memory_space<vmem>> -> memref<1x8x128xf32, #tpu.memory_space<vmem>>
        %dma_wait3A_1346 = tpu.memref_squeeze %dma_wait3A_1345 : memref<1x8x128xf32, #tpu.memory_space<vmem>> -> memref<8x128xf32, #tpu.memory_space<vmem>>
        %dma_wait3A_1347 = arith.constant 0 : i32
        %dma_wait3A_1348 = arith.constant 0 : i32
        %dma_wait3A_1349 = tpu.memref_slice %arg4[%dma_wait3A_1341, %dma_wait3A_1342, %add3A, %dma_wait3A_1347, %dma_wait3A_1348] : memref<200x8x32x8x128xf32, #tpu.memory_space<hbm>> -> memref<1x1x1x8x128xf32, #tpu.memory_space<hbm>>
        %dma_wait3A_1350 = tpu.memref_squeeze %dma_wait3A_1349 : memref<1x1x1x8x128xf32, #tpu.memory_space<hbm>> -> memref<8x128xf32, #tpu.memory_space<hbm>>
        %dma_wait3A_1351 = arith.constant 0 : i32
        %dma_wait3A_1352 = arith.constant 0 : i32
        %dma_wait3A_1353 = tpu.memref_slice %arg4[%dma_wait3A_1341, %dma_wait3A_1342, %add3A, %dma_wait3A_1351, %dma_wait3A_1352] : memref<200x8x32x8x128xf32, #tpu.memory_space<hbm>> -> memref<1x1x1x8x128xf32, #tpu.memory_space<hbm>>
        %dma_wait3A_1354 = tpu.memref_squeeze %dma_wait3A_1353 : memref<1x1x1x8x128xf32, #tpu.memory_space<hbm>> -> memref<8x128xf32, #tpu.memory_space<hbm>>
        %dma_wait3A_1355 = arith.constant 0 : i32
        %dma_wait3A_1356 = arith.constant 0 : i32
        %dma_wait3A_1357 = tpu.memref_slice %arg10[%dma_wait3A_1340, %dma_wait3A_1355, %dma_wait3A_1356] : memref<8x8x129xf32, #tpu.memory_space<vmem>> -> memref<1x8x128xf32, #tpu.memory_space<vmem>>
        %dma_wait3A_1358 = tpu.memref_squeeze %dma_wait3A_1357 : memref<1x8x128xf32, #tpu.memory_space<vmem>> -> memref<8x128xf32, #tpu.memory_space<vmem>>
        tpu.wait_dma2 semaphore(%arg18 : memref<!tpu.dma_semaphore, #tpu.memory_space<semaphore_mem>>) src(%dma_wait3A_1358 : memref<8x128xf32, #tpu.memory_space<vmem>>) dst(%dma_wait3A_1354 : memref<8x128xf32, #tpu.memory_space<hbm>>)
        %dma_wait3A_1359 = arith.constant 1 : i32
        %dma_wait3A_1360 = arith.constant 0 : i32
        %dma_wait3A_1361 = arith.constant 1 : i32
        %dma_wait3A_1362 = arith.constant 0 : i32
        %dma_wait3A_1363 = arith.constant 0 : i32
        %dma_wait3A_1364 = tpu.memref_slice %arg10[%dma_wait3A_1359, %dma_wait3A_1362, %dma_wait3A_1363] : memref<8x8x129xf32, #tpu.memory_space<vmem>> -> memref<1x8x128xf32, #tpu.memory_space<vmem>>
        %dma_wait3A_1365 = tpu.memref_squeeze %dma_wait3A_1364 : memref<1x8x128xf32, #tpu.memory_space<vmem>> -> memref<8x128xf32, #tpu.memory_space<vmem>>
        %dma_wait3A_1366 = arith.constant 0 : i32
        %dma_wait3A_1367 = arith.constant 0 : i32
        %dma_wait3A_1368 = tpu.memref_slice %arg4[%dma_wait3A_1360, %dma_wait3A_1361, %add3A, %dma_wait3A_1366, %dma_wait3A_1367] : memref<200x8x32x8x128xf32, #tpu.memory_space<hbm>> -> memref<1x1x1x8x128xf32, #tpu.memory_space<hbm>>
        %dma_wait3A_1369 = tpu.memref_squeeze %dma_wait3A_1368 : memref<1x1x1x8x128xf32, #tpu.memory_space<hbm>> -> memref<8x128xf32, #tpu.memory_space<hbm>>
        %dma_wait3A_1370 = arith.constant 0 : i32
        %dma_wait3A_1371 = arith.constant 0 : i32
        %dma_wait3A_1372 = tpu.memref_slice %arg4[%dma_wait3A_1360, %dma_wait3A_1361, %add3A, %dma_wait3A_1370, %dma_wait3A_1371] : memref<200x8x32x8x128xf32, #tpu.memory_space<hbm>> -> memref<1x1x1x8x128xf32, #tpu.memory_space<hbm>>
        %dma_wait3A_1373 = tpu.memref_squeeze %dma_wait3A_1372 : memref<1x1x1x8x128xf32, #tpu.memory_space<hbm>> -> memref<8x128xf32, #tpu.memory_space<hbm>>
        %dma_wait3A_1374 = arith.constant 0 : i32
        %dma_wait3A_1375 = arith.constant 0 : i32
        %dma_wait3A_1376 = tpu.memref_slice %arg10[%dma_wait3A_1359, %dma_wait3A_1374, %dma_wait3A_1375] : memref<8x8x129xf32, #tpu.memory_space<vmem>> -> memref<1x8x128xf32, #tpu.memory_space<vmem>>
        %dma_wait3A_1377 = tpu.memref_squeeze %dma_wait3A_1376 : memref<1x8x128xf32, #tpu.memory_space<vmem>> -> memref<8x128xf32, #tpu.memory_space<vmem>>
        tpu.wait_dma2 semaphore(%arg18 : memref<!tpu.dma_semaphore, #tpu.memory_space<semaphore_mem>>) src(%dma_wait3A_1377 : memref<8x128xf32, #tpu.memory_space<vmem>>) dst(%dma_wait3A_1373 : memref<8x128xf32, #tpu.memory_space<hbm>>)
        %dma_wait3A_1378 = arith.constant 2 : i32
        %dma_wait3A_1379 = arith.constant 0 : i32
        %dma_wait3A_1380 = arith.constant 2 : i32
        %dma_wait3A_1381 = arith.constant 0 : i32
        %dma_wait3A_1382 = arith.constant 0 : i32
        %dma_wait3A_1383 = tpu.memref_slice %arg10[%dma_wait3A_1378, %dma_wait3A_1381, %dma_wait3A_1382] : memref<8x8x129xf32, #tpu.memory_space<vmem>> -> memref<1x8x128xf32, #tpu.memory_space<vmem>>
        %dma_wait3A_1384 = tpu.memref_squeeze %dma_wait3A_1383 : memref<1x8x128xf32, #tpu.memory_space<vmem>> -> memref<8x128xf32, #tpu.memory_space<vmem>>
        %dma_wait3A_1385 = arith.constant 0 : i32
        %dma_wait3A_1386 = arith.constant 0 : i32
        %dma_wait3A_1387 = tpu.memref_slice %arg4[%dma_wait3A_1379, %dma_wait3A_1380, %add3A, %dma_wait3A_1385, %dma_wait3A_1386] : memref<200x8x32x8x128xf32, #tpu.memory_space<hbm>> -> memref<1x1x1x8x128xf32, #tpu.memory_space<hbm>>
        %dma_wait3A_1388 = tpu.memref_squeeze %dma_wait3A_1387 : memref<1x1x1x8x128xf32, #tpu.memory_space<hbm>> -> memref<8x128xf32, #tpu.memory_space<hbm>>
        %dma_wait3A_1389 = arith.constant 0 : i32
        %dma_wait3A_1390 = arith.constant 0 : i32
        %dma_wait3A_1391 = tpu.memref_slice %arg4[%dma_wait3A_1379, %dma_wait3A_1380, %add3A, %dma_wait3A_1389, %dma_wait3A_1390] : memref<200x8x32x8x128xf32, #tpu.memory_space<hbm>> -> memref<1x1x1x8x128xf32, #tpu.memory_space<hbm>>
        %dma_wait3A_1392 = tpu.memref_squeeze %dma_wait3A_1391 : memref<1x1x1x8x128xf32, #tpu.memory_space<hbm>> -> memref<8x128xf32, #tpu.memory_space<hbm>>
        %dma_wait3A_1393 = arith.constant 0 : i32
        %dma_wait3A_1394 = arith.constant 0 : i32
        %dma_wait3A_1395 = tpu.memref_slice %arg10[%dma_wait3A_1378, %dma_wait3A_1393, %dma_wait3A_1394] : memref<8x8x129xf32, #tpu.memory_space<vmem>> -> memref<1x8x128xf32, #tpu.memory_space<vmem>>
        %dma_wait3A_1396 = tpu.memref_squeeze %dma_wait3A_1395 : memref<1x8x128xf32, #tpu.memory_space<vmem>> -> memref<8x128xf32, #tpu.memory_space<vmem>>
        tpu.wait_dma2 semaphore(%arg18 : memref<!tpu.dma_semaphore, #tpu.memory_space<semaphore_mem>>) src(%dma_wait3A_1396 : memref<8x128xf32, #tpu.memory_space<vmem>>) dst(%dma_wait3A_1392 : memref<8x128xf32, #tpu.memory_space<hbm>>)
        %dma_wait3A_1397 = arith.constant 3 : i32
        %dma_wait3A_1398 = arith.constant 0 : i32
        %dma_wait3A_1399 = arith.constant 3 : i32
        %dma_wait3A_1400 = arith.constant 0 : i32
        %dma_wait3A_1401 = arith.constant 0 : i32
        %dma_wait3A_1402 = tpu.memref_slice %arg10[%dma_wait3A_1397, %dma_wait3A_1400, %dma_wait3A_1401] : memref<8x8x129xf32, #tpu.memory_space<vmem>> -> memref<1x8x128xf32, #tpu.memory_space<vmem>>
        %dma_wait3A_1403 = tpu.memref_squeeze %dma_wait3A_1402 : memref<1x8x128xf32, #tpu.memory_space<vmem>> -> memref<8x128xf32, #tpu.memory_space<vmem>>
        %dma_wait3A_1404 = arith.constant 0 : i32
        %dma_wait3A_1405 = arith.constant 0 : i32
        %dma_wait3A_1406 = tpu.memref_slice %arg4[%dma_wait3A_1398, %dma_wait3A_1399, %add3A, %dma_wait3A_1404, %dma_wait3A_1405] : memref<200x8x32x8x128xf32, #tpu.memory_space<hbm>> -> memref<1x1x1x8x128xf32, #tpu.memory_space<hbm>>
        %dma_wait3A_1407 = tpu.memref_squeeze %dma_wait3A_1406 : memref<1x1x1x8x128xf32, #tpu.memory_space<hbm>> -> memref<8x128xf32, #tpu.memory_space<hbm>>
        %dma_wait3A_1408 = arith.constant 0 : i32
        %dma_wait3A_1409 = arith.constant 0 : i32
        %dma_wait3A_1410 = tpu.memref_slice %arg4[%dma_wait3A_1398, %dma_wait3A_1399, %add3A, %dma_wait3A_1408, %dma_wait3A_1409] : memref<200x8x32x8x128xf32, #tpu.memory_space<hbm>> -> memref<1x1x1x8x128xf32, #tpu.memory_space<hbm>>
        %dma_wait3A_1411 = tpu.memref_squeeze %dma_wait3A_1410 : memref<1x1x1x8x128xf32, #tpu.memory_space<hbm>> -> memref<8x128xf32, #tpu.memory_space<hbm>>
        %dma_wait3A_1412 = arith.constant 0 : i32
        %dma_wait3A_1413 = arith.constant 0 : i32
        %dma_wait3A_1414 = tpu.memref_slice %arg10[%dma_wait3A_1397, %dma_wait3A_1412, %dma_wait3A_1413] : memref<8x8x129xf32, #tpu.memory_space<vmem>> -> memref<1x8x128xf32, #tpu.memory_space<vmem>>
        %dma_wait3A_1415 = tpu.memref_squeeze %dma_wait3A_1414 : memref<1x8x128xf32, #tpu.memory_space<vmem>> -> memref<8x128xf32, #tpu.memory_space<vmem>>
        tpu.wait_dma2 semaphore(%arg18 : memref<!tpu.dma_semaphore, #tpu.memory_space<semaphore_mem>>) src(%dma_wait3A_1415 : memref<8x128xf32, #tpu.memory_space<vmem>>) dst(%dma_wait3A_1411 : memref<8x128xf32, #tpu.memory_space<hbm>>)
        %dma_wait3A_1416 = arith.constant 4 : i32
        %dma_wait3A_1417 = arith.constant 0 : i32
        %dma_wait3A_1418 = arith.constant 4 : i32
        %dma_wait3A_1419 = arith.constant 0 : i32
        %dma_wait3A_1420 = arith.constant 0 : i32
        %dma_wait3A_1421 = tpu.memref_slice %arg10[%dma_wait3A_1416, %dma_wait3A_1419, %dma_wait3A_1420] : memref<8x8x129xf32, #tpu.memory_space<vmem>> -> memref<1x8x128xf32, #tpu.memory_space<vmem>>
        %dma_wait3A_1422 = tpu.memref_squeeze %dma_wait3A_1421 : memref<1x8x128xf32, #tpu.memory_space<vmem>> -> memref<8x128xf32, #tpu.memory_space<vmem>>
        %dma_wait3A_1423 = arith.constant 0 : i32
        %dma_wait3A_1424 = arith.constant 0 : i32
        %dma_wait3A_1425 = tpu.memref_slice %arg4[%dma_wait3A_1417, %dma_wait3A_1418, %add3A, %dma_wait3A_1423, %dma_wait3A_1424] : memref<200x8x32x8x128xf32, #tpu.memory_space<hbm>> -> memref<1x1x1x8x128xf32, #tpu.memory_space<hbm>>
        %dma_wait3A_1426 = tpu.memref_squeeze %dma_wait3A_1425 : memref<1x1x1x8x128xf32, #tpu.memory_space<hbm>> -> memref<8x128xf32, #tpu.memory_space<hbm>>
        %dma_wait3A_1427 = arith.constant 0 : i32
        %dma_wait3A_1428 = arith.constant 0 : i32
        %dma_wait3A_1429 = tpu.memref_slice %arg4[%dma_wait3A_1417, %dma_wait3A_1418, %add3A, %dma_wait3A_1427, %dma_wait3A_1428] : memref<200x8x32x8x128xf32, #tpu.memory_space<hbm>> -> memref<1x1x1x8x128xf32, #tpu.memory_space<hbm>>
        %dma_wait3A_1430 = tpu.memref_squeeze %dma_wait3A_1429 : memref<1x1x1x8x128xf32, #tpu.memory_space<hbm>> -> memref<8x128xf32, #tpu.memory_space<hbm>>
        %dma_wait3A_1431 = arith.constant 0 : i32
        %dma_wait3A_1432 = arith.constant 0 : i32
        %dma_wait3A_1433 = tpu.memref_slice %arg10[%dma_wait3A_1416, %dma_wait3A_1431, %dma_wait3A_1432] : memref<8x8x129xf32, #tpu.memory_space<vmem>> -> memref<1x8x128xf32, #tpu.memory_space<vmem>>
        %dma_wait3A_1434 = tpu.memref_squeeze %dma_wait3A_1433 : memref<1x8x128xf32, #tpu.memory_space<vmem>> -> memref<8x128xf32, #tpu.memory_space<vmem>>
        tpu.wait_dma2 semaphore(%arg18 : memref<!tpu.dma_semaphore, #tpu.memory_space<semaphore_mem>>) src(%dma_wait3A_1434 : memref<8x128xf32, #tpu.memory_space<vmem>>) dst(%dma_wait3A_1430 : memref<8x128xf32, #tpu.memory_space<hbm>>)
        %dma_wait3A_1435 = arith.constant 5 : i32
        %dma_wait3A_1436 = arith.constant 0 : i32
        %dma_wait3A_1437 = arith.constant 5 : i32
        %dma_wait3A_1438 = arith.constant 0 : i32
        %dma_wait3A_1439 = arith.constant 0 : i32
        %dma_wait3A_1440 = tpu.memref_slice %arg10[%dma_wait3A_1435, %dma_wait3A_1438, %dma_wait3A_1439] : memref<8x8x129xf32, #tpu.memory_space<vmem>> -> memref<1x8x128xf32, #tpu.memory_space<vmem>>
        %dma_wait3A_1441 = tpu.memref_squeeze %dma_wait3A_1440 : memref<1x8x128xf32, #tpu.memory_space<vmem>> -> memref<8x128xf32, #tpu.memory_space<vmem>>
        %dma_wait3A_1442 = arith.constant 0 : i32
        %dma_wait3A_1443 = arith.constant 0 : i32
        %dma_wait3A_1444 = tpu.memref_slice %arg4[%dma_wait3A_1436, %dma_wait3A_1437, %add3A, %dma_wait3A_1442, %dma_wait3A_1443] : memref<200x8x32x8x128xf32, #tpu.memory_space<hbm>> -> memref<1x1x1x8x128xf32, #tpu.memory_space<hbm>>
        %dma_wait3A_1445 = tpu.memref_squeeze %dma_wait3A_1444 : memref<1x1x1x8x128xf32, #tpu.memory_space<hbm>> -> memref<8x128xf32, #tpu.memory_space<hbm>>
        %dma_wait3A_1446 = arith.constant 0 : i32
        %dma_wait3A_1447 = arith.constant 0 : i32
        %dma_wait3A_1448 = tpu.memref_slice %arg4[%dma_wait3A_1436, %dma_wait3A_1437, %add3A, %dma_wait3A_1446, %dma_wait3A_1447] : memref<200x8x32x8x128xf32, #tpu.memory_space<hbm>> -> memref<1x1x1x8x128xf32, #tpu.memory_space<hbm>>
        %dma_wait3A_1449 = tpu.memref_squeeze %dma_wait3A_1448 : memref<1x1x1x8x128xf32, #tpu.memory_space<hbm>> -> memref<8x128xf32, #tpu.memory_space<hbm>>
        %dma_wait3A_1450 = arith.constant 0 : i32
        %dma_wait3A_1451 = arith.constant 0 : i32
        %dma_wait3A_1452 = tpu.memref_slice %arg10[%dma_wait3A_1435, %dma_wait3A_1450, %dma_wait3A_1451] : memref<8x8x129xf32, #tpu.memory_space<vmem>> -> memref<1x8x128xf32, #tpu.memory_space<vmem>>
        %dma_wait3A_1453 = tpu.memref_squeeze %dma_wait3A_1452 : memref<1x8x128xf32, #tpu.memory_space<vmem>> -> memref<8x128xf32, #tpu.memory_space<vmem>>
        tpu.wait_dma2 semaphore(%arg18 : memref<!tpu.dma_semaphore, #tpu.memory_space<semaphore_mem>>) src(%dma_wait3A_1453 : memref<8x128xf32, #tpu.memory_space<vmem>>) dst(%dma_wait3A_1449 : memref<8x128xf32, #tpu.memory_space<hbm>>)
        %dma_wait3A_1454 = arith.constant 6 : i32
        %dma_wait3A_1455 = arith.constant 0 : i32
        %dma_wait3A_1456 = arith.constant 6 : i32
        %dma_wait3A_1457 = arith.constant 0 : i32
        %dma_wait3A_1458 = arith.constant 0 : i32
        %dma_wait3A_1459 = tpu.memref_slice %arg10[%dma_wait3A_1454, %dma_wait3A_1457, %dma_wait3A_1458] : memref<8x8x129xf32, #tpu.memory_space<vmem>> -> memref<1x8x128xf32, #tpu.memory_space<vmem>>
        %dma_wait3A_1460 = tpu.memref_squeeze %dma_wait3A_1459 : memref<1x8x128xf32, #tpu.memory_space<vmem>> -> memref<8x128xf32, #tpu.memory_space<vmem>>
        %dma_wait3A_1461 = arith.constant 0 : i32
        %dma_wait3A_1462 = arith.constant 0 : i32
        %dma_wait3A_1463 = tpu.memref_slice %arg4[%dma_wait3A_1455, %dma_wait3A_1456, %add3A, %dma_wait3A_1461, %dma_wait3A_1462] : memref<200x8x32x8x128xf32, #tpu.memory_space<hbm>> -> memref<1x1x1x8x128xf32, #tpu.memory_space<hbm>>
        %dma_wait3A_1464 = tpu.memref_squeeze %dma_wait3A_1463 : memref<1x1x1x8x128xf32, #tpu.memory_space<hbm>> -> memref<8x128xf32, #tpu.memory_space<hbm>>
        %dma_wait3A_1465 = arith.constant 0 : i32
        %dma_wait3A_1466 = arith.constant 0 : i32
        %dma_wait3A_1467 = tpu.memref_slice %arg4[%dma_wait3A_1455, %dma_wait3A_1456, %add3A, %dma_wait3A_1465, %dma_wait3A_1466] : memref<200x8x32x8x128xf32, #tpu.memory_space<hbm>> -> memref<1x1x1x8x128xf32, #tpu.memory_space<hbm>>
        %dma_wait3A_1468 = tpu.memref_squeeze %dma_wait3A_1467 : memref<1x1x1x8x128xf32, #tpu.memory_space<hbm>> -> memref<8x128xf32, #tpu.memory_space<hbm>>
        %dma_wait3A_1469 = arith.constant 0 : i32
        %dma_wait3A_1470 = arith.constant 0 : i32
        %dma_wait3A_1471 = tpu.memref_slice %arg10[%dma_wait3A_1454, %dma_wait3A_1469, %dma_wait3A_1470] : memref<8x8x129xf32, #tpu.memory_space<vmem>> -> memref<1x8x128xf32, #tpu.memory_space<vmem>>
        %dma_wait3A_1472 = tpu.memref_squeeze %dma_wait3A_1471 : memref<1x8x128xf32, #tpu.memory_space<vmem>> -> memref<8x128xf32, #tpu.memory_space<vmem>>
        tpu.wait_dma2 semaphore(%arg18 : memref<!tpu.dma_semaphore, #tpu.memory_space<semaphore_mem>>) src(%dma_wait3A_1472 : memref<8x128xf32, #tpu.memory_space<vmem>>) dst(%dma_wait3A_1468 : memref<8x128xf32, #tpu.memory_space<hbm>>)
        %dma_wait3A_1473 = arith.constant 7 : i32
        %dma_wait3A_1474 = arith.constant 0 : i32
        %dma_wait3A_1475 = arith.constant 7 : i32
        %dma_wait3A_1476 = arith.constant 0 : i32
        %dma_wait3A_1477 = arith.constant 0 : i32
        %dma_wait3A_1478 = tpu.memref_slice %arg10[%dma_wait3A_1473, %dma_wait3A_1476, %dma_wait3A_1477] : memref<8x8x129xf32, #tpu.memory_space<vmem>> -> memref<1x8x128xf32, #tpu.memory_space<vmem>>
        %dma_wait3A_1479 = tpu.memref_squeeze %dma_wait3A_1478 : memref<1x8x128xf32, #tpu.memory_space<vmem>> -> memref<8x128xf32, #tpu.memory_space<vmem>>
        %dma_wait3A_1480 = arith.constant 0 : i32
        %dma_wait3A_1481 = arith.constant 0 : i32
        %dma_wait3A_1482 = tpu.memref_slice %arg4[%dma_wait3A_1474, %dma_wait3A_1475, %add3A, %dma_wait3A_1480, %dma_wait3A_1481] : memref<200x8x32x8x128xf32, #tpu.memory_space<hbm>> -> memref<1x1x1x8x128xf32, #tpu.memory_space<hbm>>
        %dma_wait3A_1483 = tpu.memref_squeeze %dma_wait3A_1482 : memref<1x1x1x8x128xf32, #tpu.memory_space<hbm>> -> memref<8x128xf32, #tpu.memory_space<hbm>>
        %dma_wait3A_1484 = arith.constant 0 : i32
        %dma_wait3A_1485 = arith.constant 0 : i32
        %dma_wait3A_1486 = tpu.memref_slice %arg4[%dma_wait3A_1474, %dma_wait3A_1475, %add3A, %dma_wait3A_1484, %dma_wait3A_1485] : memref<200x8x32x8x128xf32, #tpu.memory_space<hbm>> -> memref<1x1x1x8x128xf32, #tpu.memory_space<hbm>>
        %dma_wait3A_1487 = tpu.memref_squeeze %dma_wait3A_1486 : memref<1x1x1x8x128xf32, #tpu.memory_space<hbm>> -> memref<8x128xf32, #tpu.memory_space<hbm>>
        %dma_wait3A_1488 = arith.constant 0 : i32
        %dma_wait3A_1489 = arith.constant 0 : i32
        %dma_wait3A_1490 = tpu.memref_slice %arg10[%dma_wait3A_1473, %dma_wait3A_1488, %dma_wait3A_1489] : memref<8x8x129xf32, #tpu.memory_space<vmem>> -> memref<1x8x128xf32, #tpu.memory_space<vmem>>
        %dma_wait3A_1491 = tpu.memref_squeeze %dma_wait3A_1490 : memref<1x8x128xf32, #tpu.memory_space<vmem>> -> memref<8x128xf32, #tpu.memory_space<vmem>>
        tpu.wait_dma2 semaphore(%arg18 : memref<!tpu.dma_semaphore, #tpu.memory_space<semaphore_mem>>) src(%dma_wait3A_1491 : memref<8x128xf32, #tpu.memory_space<vmem>>) dst(%dma_wait3A_1487 : memref<8x128xf32, #tpu.memory_space<hbm>>)
        %add3A_1492 = arith.constant 1 : i32
        %add3A_1493 = arith.addi %scan3A_691, %add3A_1492 : i32
        %mul3A_1494 = arith.constant 4 : i32
        %mul3A_1495 = arith.muli %add3A_1493, %mul3A_1494 : i32
        %add3A_1496 = arith.constant 0 : i32
        %add3A_1497 = arith.addi %mul3A_1495, %add3A_1496 : i32
        %dma_start3A_1498 = arith.constant 0 : i32
        %dma_start3A_1499 = tpu.memref_slice %arg5[%add3A_1497, %dma_start3A_1498] : memref<200x128xi32, #tpu.memory_space<vmem>> -> memref<1x128xi32, #tpu.memory_space<vmem>>
        %dma_start3A_1500 = tpu.memref_squeeze %dma_start3A_1499 : memref<1x128xi32, #tpu.memory_space<vmem>> -> memref<128xi32, #tpu.memory_space<vmem>>
        %dma_start3A_1501 = arith.constant 0 : i32
        %dma_start3A_1502 = arith.constant 0 : i32
        %dma_start3A_1503 = tpu.memref_slice %arg3[%dma_start3A_1501, %dma_start3A_1502] : memref<1000000x64xf32, #tpu.memory_space<hbm>> -> memref<1000000x64xf32, #tpu.memory_space<hbm>>
        tpu.enqueue_indirect_dma source(%dma_start3A_1503 : memref<1000000x64xf32, #tpu.memory_space<hbm>>) target(%arg6 : memref<128x64xf32, #tpu.memory_space<vmem>>) offsets(%dma_start3A_1500 : memref<128xi32, #tpu.memory_space<vmem>>) semaphore(%arg14 : memref<!tpu.dma_semaphore, #tpu.memory_space<semaphore_mem>>)
        %dma_wait3A_1504 = arith.constant 0 : i32
        %dma_wait3A_1505 = arith.constant 0 : i32
        %dma_wait3A_1506 = arith.constant 0 : i32
        %dma_wait3A_1507 = arith.constant 0 : i32
        %dma_wait3A_1508 = arith.constant 0 : i32
        %dma_wait3A_1509 = tpu.memref_slice %arg11[%dma_wait3A_1504, %dma_wait3A_1507, %dma_wait3A_1508] : memref<8x8x129xf32, #tpu.memory_space<vmem>> -> memref<1x8x128xf32, #tpu.memory_space<vmem>>
        %dma_wait3A_1510 = tpu.memref_squeeze %dma_wait3A_1509 : memref<1x8x128xf32, #tpu.memory_space<vmem>> -> memref<8x128xf32, #tpu.memory_space<vmem>>
        %dma_wait3A_1511 = arith.constant 0 : i32
        %dma_wait3A_1512 = arith.constant 0 : i32
        %dma_wait3A_1513 = tpu.memref_slice %arg4[%dma_wait3A_1505, %dma_wait3A_1506, %add3A, %dma_wait3A_1511, %dma_wait3A_1512] : memref<200x8x32x8x128xf32, #tpu.memory_space<hbm>> -> memref<1x1x1x8x128xf32, #tpu.memory_space<hbm>>
        %dma_wait3A_1514 = tpu.memref_squeeze %dma_wait3A_1513 : memref<1x1x1x8x128xf32, #tpu.memory_space<hbm>> -> memref<8x128xf32, #tpu.memory_space<hbm>>
        %dma_wait3A_1515 = arith.constant 0 : i32
        %dma_wait3A_1516 = arith.constant 0 : i32
        %dma_wait3A_1517 = tpu.memref_slice %arg4[%dma_wait3A_1505, %dma_wait3A_1506, %add3A, %dma_wait3A_1515, %dma_wait3A_1516] : memref<200x8x32x8x128xf32, #tpu.memory_space<hbm>> -> memref<1x1x1x8x128xf32, #tpu.memory_space<hbm>>
        %dma_wait3A_1518 = tpu.memref_squeeze %dma_wait3A_1517 : memref<1x1x1x8x128xf32, #tpu.memory_space<hbm>> -> memref<8x128xf32, #tpu.memory_space<hbm>>
        %dma_wait3A_1519 = arith.constant 0 : i32
        %dma_wait3A_1520 = arith.constant 0 : i32
        %dma_wait3A_1521 = tpu.memref_slice %arg11[%dma_wait3A_1504, %dma_wait3A_1519, %dma_wait3A_1520] : memref<8x8x129xf32, #tpu.memory_space<vmem>> -> memref<1x8x128xf32, #tpu.memory_space<vmem>>
        %dma_wait3A_1522 = tpu.memref_squeeze %dma_wait3A_1521 : memref<1x8x128xf32, #tpu.memory_space<vmem>> -> memref<8x128xf32, #tpu.memory_space<vmem>>
        tpu.wait_dma2 semaphore(%arg19 : memref<!tpu.dma_semaphore, #tpu.memory_space<semaphore_mem>>) src(%dma_wait3A_1522 : memref<8x128xf32, #tpu.memory_space<vmem>>) dst(%dma_wait3A_1518 : memref<8x128xf32, #tpu.memory_space<hbm>>)
        %dma_wait3A_1523 = arith.constant 1 : i32
        %dma_wait3A_1524 = arith.constant 0 : i32
        %dma_wait3A_1525 = arith.constant 1 : i32
        %dma_wait3A_1526 = arith.constant 0 : i32
        %dma_wait3A_1527 = arith.constant 0 : i32
        %dma_wait3A_1528 = tpu.memref_slice %arg11[%dma_wait3A_1523, %dma_wait3A_1526, %dma_wait3A_1527] : memref<8x8x129xf32, #tpu.memory_space<vmem>> -> memref<1x8x128xf32, #tpu.memory_space<vmem>>
        %dma_wait3A_1529 = tpu.memref_squeeze %dma_wait3A_1528 : memref<1x8x128xf32, #tpu.memory_space<vmem>> -> memref<8x128xf32, #tpu.memory_space<vmem>>
        %dma_wait3A_1530 = arith.constant 0 : i32
        %dma_wait3A_1531 = arith.constant 0 : i32
        %dma_wait3A_1532 = tpu.memref_slice %arg4[%dma_wait3A_1524, %dma_wait3A_1525, %add3A, %dma_wait3A_1530, %dma_wait3A_1531] : memref<200x8x32x8x128xf32, #tpu.memory_space<hbm>> -> memref<1x1x1x8x128xf32, #tpu.memory_space<hbm>>
        %dma_wait3A_1533 = tpu.memref_squeeze %dma_wait3A_1532 : memref<1x1x1x8x128xf32, #tpu.memory_space<hbm>> -> memref<8x128xf32, #tpu.memory_space<hbm>>
        %dma_wait3A_1534 = arith.constant 0 : i32
        %dma_wait3A_1535 = arith.constant 0 : i32
        %dma_wait3A_1536 = tpu.memref_slice %arg4[%dma_wait3A_1524, %dma_wait3A_1525, %add3A, %dma_wait3A_1534, %dma_wait3A_1535] : memref<200x8x32x8x128xf32, #tpu.memory_space<hbm>> -> memref<1x1x1x8x128xf32, #tpu.memory_space<hbm>>
        %dma_wait3A_1537 = tpu.memref_squeeze %dma_wait3A_1536 : memref<1x1x1x8x128xf32, #tpu.memory_space<hbm>> -> memref<8x128xf32, #tpu.memory_space<hbm>>
        %dma_wait3A_1538 = arith.constant 0 : i32
        %dma_wait3A_1539 = arith.constant 0 : i32
        %dma_wait3A_1540 = tpu.memref_slice %arg11[%dma_wait3A_1523, %dma_wait3A_1538, %dma_wait3A_1539] : memref<8x8x129xf32, #tpu.memory_space<vmem>> -> memref<1x8x128xf32, #tpu.memory_space<vmem>>
        %dma_wait3A_1541 = tpu.memref_squeeze %dma_wait3A_1540 : memref<1x8x128xf32, #tpu.memory_space<vmem>> -> memref<8x128xf32, #tpu.memory_space<vmem>>
        tpu.wait_dma2 semaphore(%arg19 : memref<!tpu.dma_semaphore, #tpu.memory_space<semaphore_mem>>) src(%dma_wait3A_1541 : memref<8x128xf32, #tpu.memory_space<vmem>>) dst(%dma_wait3A_1537 : memref<8x128xf32, #tpu.memory_space<hbm>>)
        %dma_wait3A_1542 = arith.constant 2 : i32
        %dma_wait3A_1543 = arith.constant 0 : i32
        %dma_wait3A_1544 = arith.constant 2 : i32
        %dma_wait3A_1545 = arith.constant 0 : i32
        %dma_wait3A_1546 = arith.constant 0 : i32
        %dma_wait3A_1547 = tpu.memref_slice %arg11[%dma_wait3A_1542, %dma_wait3A_1545, %dma_wait3A_1546] : memref<8x8x129xf32, #tpu.memory_space<vmem>> -> memref<1x8x128xf32, #tpu.memory_space<vmem>>
        %dma_wait3A_1548 = tpu.memref_squeeze %dma_wait3A_1547 : memref<1x8x128xf32, #tpu.memory_space<vmem>> -> memref<8x128xf32, #tpu.memory_space<vmem>>
        %dma_wait3A_1549 = arith.constant 0 : i32
        %dma_wait3A_1550 = arith.constant 0 : i32
        %dma_wait3A_1551 = tpu.memref_slice %arg4[%dma_wait3A_1543, %dma_wait3A_1544, %add3A, %dma_wait3A_1549, %dma_wait3A_1550] : memref<200x8x32x8x128xf32, #tpu.memory_space<hbm>> -> memref<1x1x1x8x128xf32, #tpu.memory_space<hbm>>
        %dma_wait3A_1552 = tpu.memref_squeeze %dma_wait3A_1551 : memref<1x1x1x8x128xf32, #tpu.memory_space<hbm>> -> memref<8x128xf32, #tpu.memory_space<hbm>>
        %dma_wait3A_1553 = arith.constant 0 : i32
        %dma_wait3A_1554 = arith.constant 0 : i32
        %dma_wait3A_1555 = tpu.memref_slice %arg4[%dma_wait3A_1543, %dma_wait3A_1544, %add3A, %dma_wait3A_1553, %dma_wait3A_1554] : memref<200x8x32x8x128xf32, #tpu.memory_space<hbm>> -> memref<1x1x1x8x128xf32, #tpu.memory_space<hbm>>
        %dma_wait3A_1556 = tpu.memref_squeeze %dma_wait3A_1555 : memref<1x1x1x8x128xf32, #tpu.memory_space<hbm>> -> memref<8x128xf32, #tpu.memory_space<hbm>>
        %dma_wait3A_1557 = arith.constant 0 : i32
        %dma_wait3A_1558 = arith.constant 0 : i32
        %dma_wait3A_1559 = tpu.memref_slice %arg11[%dma_wait3A_1542, %dma_wait3A_1557, %dma_wait3A_1558] : memref<8x8x129xf32, #tpu.memory_space<vmem>> -> memref<1x8x128xf32, #tpu.memory_space<vmem>>
        %dma_wait3A_1560 = tpu.memref_squeeze %dma_wait3A_1559 : memref<1x8x128xf32, #tpu.memory_space<vmem>> -> memref<8x128xf32, #tpu.memory_space<vmem>>
        tpu.wait_dma2 semaphore(%arg19 : memref<!tpu.dma_semaphore, #tpu.memory_space<semaphore_mem>>) src(%dma_wait3A_1560 : memref<8x128xf32, #tpu.memory_space<vmem>>) dst(%dma_wait3A_1556 : memref<8x128xf32, #tpu.memory_space<hbm>>)
        %dma_wait3A_1561 = arith.constant 3 : i32
        %dma_wait3A_1562 = arith.constant 0 : i32
        %dma_wait3A_1563 = arith.constant 3 : i32
        %dma_wait3A_1564 = arith.constant 0 : i32
        %dma_wait3A_1565 = arith.constant 0 : i32
        %dma_wait3A_1566 = tpu.memref_slice %arg11[%dma_wait3A_1561, %dma_wait3A_1564, %dma_wait3A_1565] : memref<8x8x129xf32, #tpu.memory_space<vmem>> -> memref<1x8x128xf32, #tpu.memory_space<vmem>>
        %dma_wait3A_1567 = tpu.memref_squeeze %dma_wait3A_1566 : memref<1x8x128xf32, #tpu.memory_space<vmem>> -> memref<8x128xf32, #tpu.memory_space<vmem>>
        %dma_wait3A_1568 = arith.constant 0 : i32
        %dma_wait3A_1569 = arith.constant 0 : i32
        %dma_wait3A_1570 = tpu.memref_slice %arg4[%dma_wait3A_1562, %dma_wait3A_1563, %add3A, %dma_wait3A_1568, %dma_wait3A_1569] : memref<200x8x32x8x128xf32, #tpu.memory_space<hbm>> -> memref<1x1x1x8x128xf32, #tpu.memory_space<hbm>>
        %dma_wait3A_1571 = tpu.memref_squeeze %dma_wait3A_1570 : memref<1x1x1x8x128xf32, #tpu.memory_space<hbm>> -> memref<8x128xf32, #tpu.memory_space<hbm>>
        %dma_wait3A_1572 = arith.constant 0 : i32
        %dma_wait3A_1573 = arith.constant 0 : i32
        %dma_wait3A_1574 = tpu.memref_slice %arg4[%dma_wait3A_1562, %dma_wait3A_1563, %add3A, %dma_wait3A_1572, %dma_wait3A_1573] : memref<200x8x32x8x128xf32, #tpu.memory_space<hbm>> -> memref<1x1x1x8x128xf32, #tpu.memory_space<hbm>>
        %dma_wait3A_1575 = tpu.memref_squeeze %dma_wait3A_1574 : memref<1x1x1x8x128xf32, #tpu.memory_space<hbm>> -> memref<8x128xf32, #tpu.memory_space<hbm>>
        %dma_wait3A_1576 = arith.constant 0 : i32
        %dma_wait3A_1577 = arith.constant 0 : i32
        %dma_wait3A_1578 = tpu.memref_slice %arg11[%dma_wait3A_1561, %dma_wait3A_1576, %dma_wait3A_1577] : memref<8x8x129xf32, #tpu.memory_space<vmem>> -> memref<1x8x128xf32, #tpu.memory_space<vmem>>
        %dma_wait3A_1579 = tpu.memref_squeeze %dma_wait3A_1578 : memref<1x8x128xf32, #tpu.memory_space<vmem>> -> memref<8x128xf32, #tpu.memory_space<vmem>>
        tpu.wait_dma2 semaphore(%arg19 : memref<!tpu.dma_semaphore, #tpu.memory_space<semaphore_mem>>) src(%dma_wait3A_1579 : memref<8x128xf32, #tpu.memory_space<vmem>>) dst(%dma_wait3A_1575 : memref<8x128xf32, #tpu.memory_space<hbm>>)
        %dma_wait3A_1580 = arith.constant 4 : i32
        %dma_wait3A_1581 = arith.constant 0 : i32
        %dma_wait3A_1582 = arith.constant 4 : i32
        %dma_wait3A_1583 = arith.constant 0 : i32
        %dma_wait3A_1584 = arith.constant 0 : i32
        %dma_wait3A_1585 = tpu.memref_slice %arg11[%dma_wait3A_1580, %dma_wait3A_1583, %dma_wait3A_1584] : memref<8x8x129xf32, #tpu.memory_space<vmem>> -> memref<1x8x128xf32, #tpu.memory_space<vmem>>
        %dma_wait3A_1586 = tpu.memref_squeeze %dma_wait3A_1585 : memref<1x8x128xf32, #tpu.memory_space<vmem>> -> memref<8x128xf32, #tpu.memory_space<vmem>>
        %dma_wait3A_1587 = arith.constant 0 : i32
        %dma_wait3A_1588 = arith.constant 0 : i32
        %dma_wait3A_1589 = tpu.memref_slice %arg4[%dma_wait3A_1581, %dma_wait3A_1582, %add3A, %dma_wait3A_1587, %dma_wait3A_1588] : memref<200x8x32x8x128xf32, #tpu.memory_space<hbm>> -> memref<1x1x1x8x128xf32, #tpu.memory_space<hbm>>
        %dma_wait3A_1590 = tpu.memref_squeeze %dma_wait3A_1589 : memref<1x1x1x8x128xf32, #tpu.memory_space<hbm>> -> memref<8x128xf32, #tpu.memory_space<hbm>>
        %dma_wait3A_1591 = arith.constant 0 : i32
        %dma_wait3A_1592 = arith.constant 0 : i32
        %dma_wait3A_1593 = tpu.memref_slice %arg4[%dma_wait3A_1581, %dma_wait3A_1582, %add3A, %dma_wait3A_1591, %dma_wait3A_1592] : memref<200x8x32x8x128xf32, #tpu.memory_space<hbm>> -> memref<1x1x1x8x128xf32, #tpu.memory_space<hbm>>
        %dma_wait3A_1594 = tpu.memref_squeeze %dma_wait3A_1593 : memref<1x1x1x8x128xf32, #tpu.memory_space<hbm>> -> memref<8x128xf32, #tpu.memory_space<hbm>>
        %dma_wait3A_1595 = arith.constant 0 : i32
        %dma_wait3A_1596 = arith.constant 0 : i32
        %dma_wait3A_1597 = tpu.memref_slice %arg11[%dma_wait3A_1580, %dma_wait3A_1595, %dma_wait3A_1596] : memref<8x8x129xf32, #tpu.memory_space<vmem>> -> memref<1x8x128xf32, #tpu.memory_space<vmem>>
        %dma_wait3A_1598 = tpu.memref_squeeze %dma_wait3A_1597 : memref<1x8x128xf32, #tpu.memory_space<vmem>> -> memref<8x128xf32, #tpu.memory_space<vmem>>
        tpu.wait_dma2 semaphore(%arg19 : memref<!tpu.dma_semaphore, #tpu.memory_space<semaphore_mem>>) src(%dma_wait3A_1598 : memref<8x128xf32, #tpu.memory_space<vmem>>) dst(%dma_wait3A_1594 : memref<8x128xf32, #tpu.memory_space<hbm>>)
        %dma_wait3A_1599 = arith.constant 5 : i32
        %dma_wait3A_1600 = arith.constant 0 : i32
        %dma_wait3A_1601 = arith.constant 5 : i32
        %dma_wait3A_1602 = arith.constant 0 : i32
        %dma_wait3A_1603 = arith.constant 0 : i32
        %dma_wait3A_1604 = tpu.memref_slice %arg11[%dma_wait3A_1599, %dma_wait3A_1602, %dma_wait3A_1603] : memref<8x8x129xf32, #tpu.memory_space<vmem>> -> memref<1x8x128xf32, #tpu.memory_space<vmem>>
        %dma_wait3A_1605 = tpu.memref_squeeze %dma_wait3A_1604 : memref<1x8x128xf32, #tpu.memory_space<vmem>> -> memref<8x128xf32, #tpu.memory_space<vmem>>
        %dma_wait3A_1606 = arith.constant 0 : i32
        %dma_wait3A_1607 = arith.constant 0 : i32
        %dma_wait3A_1608 = tpu.memref_slice %arg4[%dma_wait3A_1600, %dma_wait3A_1601, %add3A, %dma_wait3A_1606, %dma_wait3A_1607] : memref<200x8x32x8x128xf32, #tpu.memory_space<hbm>> -> memref<1x1x1x8x128xf32, #tpu.memory_space<hbm>>
        %dma_wait3A_1609 = tpu.memref_squeeze %dma_wait3A_1608 : memref<1x1x1x8x128xf32, #tpu.memory_space<hbm>> -> memref<8x128xf32, #tpu.memory_space<hbm>>
        %dma_wait3A_1610 = arith.constant 0 : i32
        %dma_wait3A_1611 = arith.constant 0 : i32
        %dma_wait3A_1612 = tpu.memref_slice %arg4[%dma_wait3A_1600, %dma_wait3A_1601, %add3A, %dma_wait3A_1610, %dma_wait3A_1611] : memref<200x8x32x8x128xf32, #tpu.memory_space<hbm>> -> memref<1x1x1x8x128xf32, #tpu.memory_space<hbm>>
        %dma_wait3A_1613 = tpu.memref_squeeze %dma_wait3A_1612 : memref<1x1x1x8x128xf32, #tpu.memory_space<hbm>> -> memref<8x128xf32, #tpu.memory_space<hbm>>
        %dma_wait3A_1614 = arith.constant 0 : i32
        %dma_wait3A_1615 = arith.constant 0 : i32
        %dma_wait3A_1616 = tpu.memref_slice %arg11[%dma_wait3A_1599, %dma_wait3A_1614, %dma_wait3A_1615] : memref<8x8x129xf32, #tpu.memory_space<vmem>> -> memref<1x8x128xf32, #tpu.memory_space<vmem>>
        %dma_wait3A_1617 = tpu.memref_squeeze %dma_wait3A_1616 : memref<1x8x128xf32, #tpu.memory_space<vmem>> -> memref<8x128xf32, #tpu.memory_space<vmem>>
        tpu.wait_dma2 semaphore(%arg19 : memref<!tpu.dma_semaphore, #tpu.memory_space<semaphore_mem>>) src(%dma_wait3A_1617 : memref<8x128xf32, #tpu.memory_space<vmem>>) dst(%dma_wait3A_1613 : memref<8x128xf32, #tpu.memory_space<hbm>>)
        %dma_wait3A_1618 = arith.constant 6 : i32
        %dma_wait3A_1619 = arith.constant 0 : i32
        %dma_wait3A_1620 = arith.constant 6 : i32
        %dma_wait3A_1621 = arith.constant 0 : i32
        %dma_wait3A_1622 = arith.constant 0 : i32
        %dma_wait3A_1623 = tpu.memref_slice %arg11[%dma_wait3A_1618, %dma_wait3A_1621, %dma_wait3A_1622] : memref<8x8x129xf32, #tpu.memory_space<vmem>> -> memref<1x8x128xf32, #tpu.memory_space<vmem>>
        %dma_wait3A_1624 = tpu.memref_squeeze %dma_wait3A_1623 : memref<1x8x128xf32, #tpu.memory_space<vmem>> -> memref<8x128xf32, #tpu.memory_space<vmem>>
        %dma_wait3A_1625 = arith.constant 0 : i32
        %dma_wait3A_1626 = arith.constant 0 : i32
        %dma_wait3A_1627 = tpu.memref_slice %arg4[%dma_wait3A_1619, %dma_wait3A_1620, %add3A, %dma_wait3A_1625, %dma_wait3A_1626] : memref<200x8x32x8x128xf32, #tpu.memory_space<hbm>> -> memref<1x1x1x8x128xf32, #tpu.memory_space<hbm>>
        %dma_wait3A_1628 = tpu.memref_squeeze %dma_wait3A_1627 : memref<1x1x1x8x128xf32, #tpu.memory_space<hbm>> -> memref<8x128xf32, #tpu.memory_space<hbm>>
        %dma_wait3A_1629 = arith.constant 0 : i32
        %dma_wait3A_1630 = arith.constant 0 : i32
        %dma_wait3A_1631 = tpu.memref_slice %arg4[%dma_wait3A_1619, %dma_wait3A_1620, %add3A, %dma_wait3A_1629, %dma_wait3A_1630] : memref<200x8x32x8x128xf32, #tpu.memory_space<hbm>> -> memref<1x1x1x8x128xf32, #tpu.memory_space<hbm>>
        %dma_wait3A_1632 = tpu.memref_squeeze %dma_wait3A_1631 : memref<1x1x1x8x128xf32, #tpu.memory_space<hbm>> -> memref<8x128xf32, #tpu.memory_space<hbm>>
        %dma_wait3A_1633 = arith.constant 0 : i32
        %dma_wait3A_1634 = arith.constant 0 : i32
        %dma_wait3A_1635 = tpu.memref_slice %arg11[%dma_wait3A_1618, %dma_wait3A_1633, %dma_wait3A_1634] : memref<8x8x129xf32, #tpu.memory_space<vmem>> -> memref<1x8x128xf32, #tpu.memory_space<vmem>>
        %dma_wait3A_1636 = tpu.memref_squeeze %dma_wait3A_1635 : memref<1x8x128xf32, #tpu.memory_space<vmem>> -> memref<8x128xf32, #tpu.memory_space<vmem>>
        tpu.wait_dma2 semaphore(%arg19 : memref<!tpu.dma_semaphore, #tpu.memory_space<semaphore_mem>>) src(%dma_wait3A_1636 : memref<8x128xf32, #tpu.memory_space<vmem>>) dst(%dma_wait3A_1632 : memref<8x128xf32, #tpu.memory_space<hbm>>)
        %dma_wait3A_1637 = arith.constant 7 : i32
        %dma_wait3A_1638 = arith.constant 0 : i32
        %dma_wait3A_1639 = arith.constant 7 : i32
        %dma_wait3A_1640 = arith.constant 0 : i32
        %dma_wait3A_1641 = arith.constant 0 : i32
        %dma_wait3A_1642 = tpu.memref_slice %arg11[%dma_wait3A_1637, %dma_wait3A_1640, %dma_wait3A_1641] : memref<8x8x129xf32, #tpu.memory_space<vmem>> -> memref<1x8x128xf32, #tpu.memory_space<vmem>>
        %dma_wait3A_1643 = tpu.memref_squeeze %dma_wait3A_1642 : memref<1x8x128xf32, #tpu.memory_space<vmem>> -> memref<8x128xf32, #tpu.memory_space<vmem>>
        %dma_wait3A_1644 = arith.constant 0 : i32
        %dma_wait3A_1645 = arith.constant 0 : i32
        %dma_wait3A_1646 = tpu.memref_slice %arg4[%dma_wait3A_1638, %dma_wait3A_1639, %add3A, %dma_wait3A_1644, %dma_wait3A_1645] : memref<200x8x32x8x128xf32, #tpu.memory_space<hbm>> -> memref<1x1x1x8x128xf32, #tpu.memory_space<hbm>>
        %dma_wait3A_1647 = tpu.memref_squeeze %dma_wait3A_1646 : memref<1x1x1x8x128xf32, #tpu.memory_space<hbm>> -> memref<8x128xf32, #tpu.memory_space<hbm>>
        %dma_wait3A_1648 = arith.constant 0 : i32
        %dma_wait3A_1649 = arith.constant 0 : i32
        %dma_wait3A_1650 = tpu.memref_slice %arg4[%dma_wait3A_1638, %dma_wait3A_1639, %add3A, %dma_wait3A_1648, %dma_wait3A_1649] : memref<200x8x32x8x128xf32, #tpu.memory_space<hbm>> -> memref<1x1x1x8x128xf32, #tpu.memory_space<hbm>>
        %dma_wait3A_1651 = tpu.memref_squeeze %dma_wait3A_1650 : memref<1x1x1x8x128xf32, #tpu.memory_space<hbm>> -> memref<8x128xf32, #tpu.memory_space<hbm>>
        %dma_wait3A_1652 = arith.constant 0 : i32
        %dma_wait3A_1653 = arith.constant 0 : i32
        %dma_wait3A_1654 = tpu.memref_slice %arg11[%dma_wait3A_1637, %dma_wait3A_1652, %dma_wait3A_1653] : memref<8x8x129xf32, #tpu.memory_space<vmem>> -> memref<1x8x128xf32, #tpu.memory_space<vmem>>
        %dma_wait3A_1655 = tpu.memref_squeeze %dma_wait3A_1654 : memref<1x8x128xf32, #tpu.memory_space<vmem>> -> memref<8x128xf32, #tpu.memory_space<vmem>>
        tpu.wait_dma2 semaphore(%arg19 : memref<!tpu.dma_semaphore, #tpu.memory_space<semaphore_mem>>) src(%dma_wait3A_1655 : memref<8x128xf32, #tpu.memory_space<vmem>>) dst(%dma_wait3A_1651 : memref<8x128xf32, #tpu.memory_space<hbm>>)
        %add3A_1656 = arith.constant 1 : i32
        %add3A_1657 = arith.addi %scan3A_691, %add3A_1656 : i32
        %mul3A_1658 = arith.constant 4 : i32
        %mul3A_1659 = arith.muli %add3A_1657, %mul3A_1658 : i32
        %add3A_1660 = arith.constant 1 : i32
        %add3A_1661 = arith.addi %mul3A_1659, %add3A_1660 : i32
        %dma_start3A_1662 = arith.constant 0 : i32
        %dma_start3A_1663 = tpu.memref_slice %arg5[%add3A_1661, %dma_start3A_1662] : memref<200x128xi32, #tpu.memory_space<vmem>> -> memref<1x128xi32, #tpu.memory_space<vmem>>
        %dma_start3A_1664 = tpu.memref_squeeze %dma_start3A_1663 : memref<1x128xi32, #tpu.memory_space<vmem>> -> memref<128xi32, #tpu.memory_space<vmem>>
        %dma_start3A_1665 = arith.constant 0 : i32
        %dma_start3A_1666 = arith.constant 0 : i32
        %dma_start3A_1667 = tpu.memref_slice %arg3[%dma_start3A_1665, %dma_start3A_1666] : memref<1000000x64xf32, #tpu.memory_space<hbm>> -> memref<1000000x64xf32, #tpu.memory_space<hbm>>
        tpu.enqueue_indirect_dma source(%dma_start3A_1667 : memref<1000000x64xf32, #tpu.memory_space<hbm>>) target(%arg7 : memref<128x64xf32, #tpu.memory_space<vmem>>) offsets(%dma_start3A_1664 : memref<128xi32, #tpu.memory_space<vmem>>) semaphore(%arg15 : memref<!tpu.dma_semaphore, #tpu.memory_space<semaphore_mem>>)
        %dma_wait3A_1668 = arith.constant 0 : i32
        %dma_wait3A_1669 = arith.constant 0 : i32
        %dma_wait3A_1670 = arith.constant 0 : i32
        %dma_wait3A_1671 = arith.constant 0 : i32
        %dma_wait3A_1672 = arith.constant 0 : i32
        %dma_wait3A_1673 = tpu.memref_slice %arg12[%dma_wait3A_1668, %dma_wait3A_1671, %dma_wait3A_1672] : memref<8x8x129xf32, #tpu.memory_space<vmem>> -> memref<1x8x128xf32, #tpu.memory_space<vmem>>
        %dma_wait3A_1674 = tpu.memref_squeeze %dma_wait3A_1673 : memref<1x8x128xf32, #tpu.memory_space<vmem>> -> memref<8x128xf32, #tpu.memory_space<vmem>>
        %dma_wait3A_1675 = arith.constant 0 : i32
        %dma_wait3A_1676 = arith.constant 0 : i32
        %dma_wait3A_1677 = tpu.memref_slice %arg4[%dma_wait3A_1669, %dma_wait3A_1670, %add3A, %dma_wait3A_1675, %dma_wait3A_1676] : memref<200x8x32x8x128xf32, #tpu.memory_space<hbm>> -> memref<1x1x1x8x128xf32, #tpu.memory_space<hbm>>
        %dma_wait3A_1678 = tpu.memref_squeeze %dma_wait3A_1677 : memref<1x1x1x8x128xf32, #tpu.memory_space<hbm>> -> memref<8x128xf32, #tpu.memory_space<hbm>>
        %dma_wait3A_1679 = arith.constant 0 : i32
        %dma_wait3A_1680 = arith.constant 0 : i32
        %dma_wait3A_1681 = tpu.memref_slice %arg4[%dma_wait3A_1669, %dma_wait3A_1670, %add3A, %dma_wait3A_1679, %dma_wait3A_1680] : memref<200x8x32x8x128xf32, #tpu.memory_space<hbm>> -> memref<1x1x1x8x128xf32, #tpu.memory_space<hbm>>
        %dma_wait3A_1682 = tpu.memref_squeeze %dma_wait3A_1681 : memref<1x1x1x8x128xf32, #tpu.memory_space<hbm>> -> memref<8x128xf32, #tpu.memory_space<hbm>>
        %dma_wait3A_1683 = arith.constant 0 : i32
        %dma_wait3A_1684 = arith.constant 0 : i32
        %dma_wait3A_1685 = tpu.memref_slice %arg12[%dma_wait3A_1668, %dma_wait3A_1683, %dma_wait3A_1684] : memref<8x8x129xf32, #tpu.memory_space<vmem>> -> memref<1x8x128xf32, #tpu.memory_space<vmem>>
        %dma_wait3A_1686 = tpu.memref_squeeze %dma_wait3A_1685 : memref<1x8x128xf32, #tpu.memory_space<vmem>> -> memref<8x128xf32, #tpu.memory_space<vmem>>
        tpu.wait_dma2 semaphore(%arg20 : memref<!tpu.dma_semaphore, #tpu.memory_space<semaphore_mem>>) src(%dma_wait3A_1686 : memref<8x128xf32, #tpu.memory_space<vmem>>) dst(%dma_wait3A_1682 : memref<8x128xf32, #tpu.memory_space<hbm>>)
        %dma_wait3A_1687 = arith.constant 1 : i32
        %dma_wait3A_1688 = arith.constant 0 : i32
        %dma_wait3A_1689 = arith.constant 1 : i32
        %dma_wait3A_1690 = arith.constant 0 : i32
        %dma_wait3A_1691 = arith.constant 0 : i32
        %dma_wait3A_1692 = tpu.memref_slice %arg12[%dma_wait3A_1687, %dma_wait3A_1690, %dma_wait3A_1691] : memref<8x8x129xf32, #tpu.memory_space<vmem>> -> memref<1x8x128xf32, #tpu.memory_space<vmem>>
        %dma_wait3A_1693 = tpu.memref_squeeze %dma_wait3A_1692 : memref<1x8x128xf32, #tpu.memory_space<vmem>> -> memref<8x128xf32, #tpu.memory_space<vmem>>
        %dma_wait3A_1694 = arith.constant 0 : i32
        %dma_wait3A_1695 = arith.constant 0 : i32
        %dma_wait3A_1696 = tpu.memref_slice %arg4[%dma_wait3A_1688, %dma_wait3A_1689, %add3A, %dma_wait3A_1694, %dma_wait3A_1695] : memref<200x8x32x8x128xf32, #tpu.memory_space<hbm>> -> memref<1x1x1x8x128xf32, #tpu.memory_space<hbm>>
        %dma_wait3A_1697 = tpu.memref_squeeze %dma_wait3A_1696 : memref<1x1x1x8x128xf32, #tpu.memory_space<hbm>> -> memref<8x128xf32, #tpu.memory_space<hbm>>
        %dma_wait3A_1698 = arith.constant 0 : i32
        %dma_wait3A_1699 = arith.constant 0 : i32
        %dma_wait3A_1700 = tpu.memref_slice %arg4[%dma_wait3A_1688, %dma_wait3A_1689, %add3A, %dma_wait3A_1698, %dma_wait3A_1699] : memref<200x8x32x8x128xf32, #tpu.memory_space<hbm>> -> memref<1x1x1x8x128xf32, #tpu.memory_space<hbm>>
        %dma_wait3A_1701 = tpu.memref_squeeze %dma_wait3A_1700 : memref<1x1x1x8x128xf32, #tpu.memory_space<hbm>> -> memref<8x128xf32, #tpu.memory_space<hbm>>
        %dma_wait3A_1702 = arith.constant 0 : i32
        %dma_wait3A_1703 = arith.constant 0 : i32
        %dma_wait3A_1704 = tpu.memref_slice %arg12[%dma_wait3A_1687, %dma_wait3A_1702, %dma_wait3A_1703] : memref<8x8x129xf32, #tpu.memory_space<vmem>> -> memref<1x8x128xf32, #tpu.memory_space<vmem>>
        %dma_wait3A_1705 = tpu.memref_squeeze %dma_wait3A_1704 : memref<1x8x128xf32, #tpu.memory_space<vmem>> -> memref<8x128xf32, #tpu.memory_space<vmem>>
        tpu.wait_dma2 semaphore(%arg20 : memref<!tpu.dma_semaphore, #tpu.memory_space<semaphore_mem>>) src(%dma_wait3A_1705 : memref<8x128xf32, #tpu.memory_space<vmem>>) dst(%dma_wait3A_1701 : memref<8x128xf32, #tpu.memory_space<hbm>>)
        %dma_wait3A_1706 = arith.constant 2 : i32
        %dma_wait3A_1707 = arith.constant 0 : i32
        %dma_wait3A_1708 = arith.constant 2 : i32
        %dma_wait3A_1709 = arith.constant 0 : i32
        %dma_wait3A_1710 = arith.constant 0 : i32
        %dma_wait3A_1711 = tpu.memref_slice %arg12[%dma_wait3A_1706, %dma_wait3A_1709, %dma_wait3A_1710] : memref<8x8x129xf32, #tpu.memory_space<vmem>> -> memref<1x8x128xf32, #tpu.memory_space<vmem>>
        %dma_wait3A_1712 = tpu.memref_squeeze %dma_wait3A_1711 : memref<1x8x128xf32, #tpu.memory_space<vmem>> -> memref<8x128xf32, #tpu.memory_space<vmem>>
        %dma_wait3A_1713 = arith.constant 0 : i32
        %dma_wait3A_1714 = arith.constant 0 : i32
        %dma_wait3A_1715 = tpu.memref_slice %arg4[%dma_wait3A_1707, %dma_wait3A_1708, %add3A, %dma_wait3A_1713, %dma_wait3A_1714] : memref<200x8x32x8x128xf32, #tpu.memory_space<hbm>> -> memref<1x1x1x8x128xf32, #tpu.memory_space<hbm>>
        %dma_wait3A_1716 = tpu.memref_squeeze %dma_wait3A_1715 : memref<1x1x1x8x128xf32, #tpu.memory_space<hbm>> -> memref<8x128xf32, #tpu.memory_space<hbm>>
        %dma_wait3A_1717 = arith.constant 0 : i32
        %dma_wait3A_1718 = arith.constant 0 : i32
        %dma_wait3A_1719 = tpu.memref_slice %arg4[%dma_wait3A_1707, %dma_wait3A_1708, %add3A, %dma_wait3A_1717, %dma_wait3A_1718] : memref<200x8x32x8x128xf32, #tpu.memory_space<hbm>> -> memref<1x1x1x8x128xf32, #tpu.memory_space<hbm>>
        %dma_wait3A_1720 = tpu.memref_squeeze %dma_wait3A_1719 : memref<1x1x1x8x128xf32, #tpu.memory_space<hbm>> -> memref<8x128xf32, #tpu.memory_space<hbm>>
        %dma_wait3A_1721 = arith.constant 0 : i32
        %dma_wait3A_1722 = arith.constant 0 : i32
        %dma_wait3A_1723 = tpu.memref_slice %arg12[%dma_wait3A_1706, %dma_wait3A_1721, %dma_wait3A_1722] : memref<8x8x129xf32, #tpu.memory_space<vmem>> -> memref<1x8x128xf32, #tpu.memory_space<vmem>>
        %dma_wait3A_1724 = tpu.memref_squeeze %dma_wait3A_1723 : memref<1x8x128xf32, #tpu.memory_space<vmem>> -> memref<8x128xf32, #tpu.memory_space<vmem>>
        tpu.wait_dma2 semaphore(%arg20 : memref<!tpu.dma_semaphore, #tpu.memory_space<semaphore_mem>>) src(%dma_wait3A_1724 : memref<8x128xf32, #tpu.memory_space<vmem>>) dst(%dma_wait3A_1720 : memref<8x128xf32, #tpu.memory_space<hbm>>)
        %dma_wait3A_1725 = arith.constant 3 : i32
        %dma_wait3A_1726 = arith.constant 0 : i32
        %dma_wait3A_1727 = arith.constant 3 : i32
        %dma_wait3A_1728 = arith.constant 0 : i32
        %dma_wait3A_1729 = arith.constant 0 : i32
        %dma_wait3A_1730 = tpu.memref_slice %arg12[%dma_wait3A_1725, %dma_wait3A_1728, %dma_wait3A_1729] : memref<8x8x129xf32, #tpu.memory_space<vmem>> -> memref<1x8x128xf32, #tpu.memory_space<vmem>>
        %dma_wait3A_1731 = tpu.memref_squeeze %dma_wait3A_1730 : memref<1x8x128xf32, #tpu.memory_space<vmem>> -> memref<8x128xf32, #tpu.memory_space<vmem>>
        %dma_wait3A_1732 = arith.constant 0 : i32
        %dma_wait3A_1733 = arith.constant 0 : i32
        %dma_wait3A_1734 = tpu.memref_slice %arg4[%dma_wait3A_1726, %dma_wait3A_1727, %add3A, %dma_wait3A_1732, %dma_wait3A_1733] : memref<200x8x32x8x128xf32, #tpu.memory_space<hbm>> -> memref<1x1x1x8x128xf32, #tpu.memory_space<hbm>>
        %dma_wait3A_1735 = tpu.memref_squeeze %dma_wait3A_1734 : memref<1x1x1x8x128xf32, #tpu.memory_space<hbm>> -> memref<8x128xf32, #tpu.memory_space<hbm>>
        %dma_wait3A_1736 = arith.constant 0 : i32
        %dma_wait3A_1737 = arith.constant 0 : i32
        %dma_wait3A_1738 = tpu.memref_slice %arg4[%dma_wait3A_1726, %dma_wait3A_1727, %add3A, %dma_wait3A_1736, %dma_wait3A_1737] : memref<200x8x32x8x128xf32, #tpu.memory_space<hbm>> -> memref<1x1x1x8x128xf32, #tpu.memory_space<hbm>>
        %dma_wait3A_1739 = tpu.memref_squeeze %dma_wait3A_1738 : memref<1x1x1x8x128xf32, #tpu.memory_space<hbm>> -> memref<8x128xf32, #tpu.memory_space<hbm>>
        %dma_wait3A_1740 = arith.constant 0 : i32
        %dma_wait3A_1741 = arith.constant 0 : i32
        %dma_wait3A_1742 = tpu.memref_slice %arg12[%dma_wait3A_1725, %dma_wait3A_1740, %dma_wait3A_1741] : memref<8x8x129xf32, #tpu.memory_space<vmem>> -> memref<1x8x128xf32, #tpu.memory_space<vmem>>
        %dma_wait3A_1743 = tpu.memref_squeeze %dma_wait3A_1742 : memref<1x8x128xf32, #tpu.memory_space<vmem>> -> memref<8x128xf32, #tpu.memory_space<vmem>>
        tpu.wait_dma2 semaphore(%arg20 : memref<!tpu.dma_semaphore, #tpu.memory_space<semaphore_mem>>) src(%dma_wait3A_1743 : memref<8x128xf32, #tpu.memory_space<vmem>>) dst(%dma_wait3A_1739 : memref<8x128xf32, #tpu.memory_space<hbm>>)
        %dma_wait3A_1744 = arith.constant 4 : i32
        %dma_wait3A_1745 = arith.constant 0 : i32
        %dma_wait3A_1746 = arith.constant 4 : i32
        %dma_wait3A_1747 = arith.constant 0 : i32
        %dma_wait3A_1748 = arith.constant 0 : i32
        %dma_wait3A_1749 = tpu.memref_slice %arg12[%dma_wait3A_1744, %dma_wait3A_1747, %dma_wait3A_1748] : memref<8x8x129xf32, #tpu.memory_space<vmem>> -> memref<1x8x128xf32, #tpu.memory_space<vmem>>
        %dma_wait3A_1750 = tpu.memref_squeeze %dma_wait3A_1749 : memref<1x8x128xf32, #tpu.memory_space<vmem>> -> memref<8x128xf32, #tpu.memory_space<vmem>>
        %dma_wait3A_1751 = arith.constant 0 : i32
        %dma_wait3A_1752 = arith.constant 0 : i32
        %dma_wait3A_1753 = tpu.memref_slice %arg4[%dma_wait3A_1745, %dma_wait3A_1746, %add3A, %dma_wait3A_1751, %dma_wait3A_1752] : memref<200x8x32x8x128xf32, #tpu.memory_space<hbm>> -> memref<1x1x1x8x128xf32, #tpu.memory_space<hbm>>
        %dma_wait3A_1754 = tpu.memref_squeeze %dma_wait3A_1753 : memref<1x1x1x8x128xf32, #tpu.memory_space<hbm>> -> memref<8x128xf32, #tpu.memory_space<hbm>>
        %dma_wait3A_1755 = arith.constant 0 : i32
        %dma_wait3A_1756 = arith.constant 0 : i32
        %dma_wait3A_1757 = tpu.memref_slice %arg4[%dma_wait3A_1745, %dma_wait3A_1746, %add3A, %dma_wait3A_1755, %dma_wait3A_1756] : memref<200x8x32x8x128xf32, #tpu.memory_space<hbm>> -> memref<1x1x1x8x128xf32, #tpu.memory_space<hbm>>
        %dma_wait3A_1758 = tpu.memref_squeeze %dma_wait3A_1757 : memref<1x1x1x8x128xf32, #tpu.memory_space<hbm>> -> memref<8x128xf32, #tpu.memory_space<hbm>>
        %dma_wait3A_1759 = arith.constant 0 : i32
        %dma_wait3A_1760 = arith.constant 0 : i32
        %dma_wait3A_1761 = tpu.memref_slice %arg12[%dma_wait3A_1744, %dma_wait3A_1759, %dma_wait3A_1760] : memref<8x8x129xf32, #tpu.memory_space<vmem>> -> memref<1x8x128xf32, #tpu.memory_space<vmem>>
        %dma_wait3A_1762 = tpu.memref_squeeze %dma_wait3A_1761 : memref<1x8x128xf32, #tpu.memory_space<vmem>> -> memref<8x128xf32, #tpu.memory_space<vmem>>
        tpu.wait_dma2 semaphore(%arg20 : memref<!tpu.dma_semaphore, #tpu.memory_space<semaphore_mem>>) src(%dma_wait3A_1762 : memref<8x128xf32, #tpu.memory_space<vmem>>) dst(%dma_wait3A_1758 : memref<8x128xf32, #tpu.memory_space<hbm>>)
        %dma_wait3A_1763 = arith.constant 5 : i32
        %dma_wait3A_1764 = arith.constant 0 : i32
        %dma_wait3A_1765 = arith.constant 5 : i32
        %dma_wait3A_1766 = arith.constant 0 : i32
        %dma_wait3A_1767 = arith.constant 0 : i32
        %dma_wait3A_1768 = tpu.memref_slice %arg12[%dma_wait3A_1763, %dma_wait3A_1766, %dma_wait3A_1767] : memref<8x8x129xf32, #tpu.memory_space<vmem>> -> memref<1x8x128xf32, #tpu.memory_space<vmem>>
        %dma_wait3A_1769 = tpu.memref_squeeze %dma_wait3A_1768 : memref<1x8x128xf32, #tpu.memory_space<vmem>> -> memref<8x128xf32, #tpu.memory_space<vmem>>
        %dma_wait3A_1770 = arith.constant 0 : i32
        %dma_wait3A_1771 = arith.constant 0 : i32
        %dma_wait3A_1772 = tpu.memref_slice %arg4[%dma_wait3A_1764, %dma_wait3A_1765, %add3A, %dma_wait3A_1770, %dma_wait3A_1771] : memref<200x8x32x8x128xf32, #tpu.memory_space<hbm>> -> memref<1x1x1x8x128xf32, #tpu.memory_space<hbm>>
        %dma_wait3A_1773 = tpu.memref_squeeze %dma_wait3A_1772 : memref<1x1x1x8x128xf32, #tpu.memory_space<hbm>> -> memref<8x128xf32, #tpu.memory_space<hbm>>
        %dma_wait3A_1774 = arith.constant 0 : i32
        %dma_wait3A_1775 = arith.constant 0 : i32
        %dma_wait3A_1776 = tpu.memref_slice %arg4[%dma_wait3A_1764, %dma_wait3A_1765, %add3A, %dma_wait3A_1774, %dma_wait3A_1775] : memref<200x8x32x8x128xf32, #tpu.memory_space<hbm>> -> memref<1x1x1x8x128xf32, #tpu.memory_space<hbm>>
        %dma_wait3A_1777 = tpu.memref_squeeze %dma_wait3A_1776 : memref<1x1x1x8x128xf32, #tpu.memory_space<hbm>> -> memref<8x128xf32, #tpu.memory_space<hbm>>
        %dma_wait3A_1778 = arith.constant 0 : i32
        %dma_wait3A_1779 = arith.constant 0 : i32
        %dma_wait3A_1780 = tpu.memref_slice %arg12[%dma_wait3A_1763, %dma_wait3A_1778, %dma_wait3A_1779] : memref<8x8x129xf32, #tpu.memory_space<vmem>> -> memref<1x8x128xf32, #tpu.memory_space<vmem>>
        %dma_wait3A_1781 = tpu.memref_squeeze %dma_wait3A_1780 : memref<1x8x128xf32, #tpu.memory_space<vmem>> -> memref<8x128xf32, #tpu.memory_space<vmem>>
        tpu.wait_dma2 semaphore(%arg20 : memref<!tpu.dma_semaphore, #tpu.memory_space<semaphore_mem>>) src(%dma_wait3A_1781 : memref<8x128xf32, #tpu.memory_space<vmem>>) dst(%dma_wait3A_1777 : memref<8x128xf32, #tpu.memory_space<hbm>>)
        %dma_wait3A_1782 = arith.constant 6 : i32
        %dma_wait3A_1783 = arith.constant 0 : i32
        %dma_wait3A_1784 = arith.constant 6 : i32
        %dma_wait3A_1785 = arith.constant 0 : i32
        %dma_wait3A_1786 = arith.constant 0 : i32
        %dma_wait3A_1787 = tpu.memref_slice %arg12[%dma_wait3A_1782, %dma_wait3A_1785, %dma_wait3A_1786] : memref<8x8x129xf32, #tpu.memory_space<vmem>> -> memref<1x8x128xf32, #tpu.memory_space<vmem>>
        %dma_wait3A_1788 = tpu.memref_squeeze %dma_wait3A_1787 : memref<1x8x128xf32, #tpu.memory_space<vmem>> -> memref<8x128xf32, #tpu.memory_space<vmem>>
        %dma_wait3A_1789 = arith.constant 0 : i32
        %dma_wait3A_1790 = arith.constant 0 : i32
        %dma_wait3A_1791 = tpu.memref_slice %arg4[%dma_wait3A_1783, %dma_wait3A_1784, %add3A, %dma_wait3A_1789, %dma_wait3A_1790] : memref<200x8x32x8x128xf32, #tpu.memory_space<hbm>> -> memref<1x1x1x8x128xf32, #tpu.memory_space<hbm>>
        %dma_wait3A_1792 = tpu.memref_squeeze %dma_wait3A_1791 : memref<1x1x1x8x128xf32, #tpu.memory_space<hbm>> -> memref<8x128xf32, #tpu.memory_space<hbm>>
        %dma_wait3A_1793 = arith.constant 0 : i32
        %dma_wait3A_1794 = arith.constant 0 : i32
        %dma_wait3A_1795 = tpu.memref_slice %arg4[%dma_wait3A_1783, %dma_wait3A_1784, %add3A, %dma_wait3A_1793, %dma_wait3A_1794] : memref<200x8x32x8x128xf32, #tpu.memory_space<hbm>> -> memref<1x1x1x8x128xf32, #tpu.memory_space<hbm>>
        %dma_wait3A_1796 = tpu.memref_squeeze %dma_wait3A_1795 : memref<1x1x1x8x128xf32, #tpu.memory_space<hbm>> -> memref<8x128xf32, #tpu.memory_space<hbm>>
        %dma_wait3A_1797 = arith.constant 0 : i32
        %dma_wait3A_1798 = arith.constant 0 : i32
        %dma_wait3A_1799 = tpu.memref_slice %arg12[%dma_wait3A_1782, %dma_wait3A_1797, %dma_wait3A_1798] : memref<8x8x129xf32, #tpu.memory_space<vmem>> -> memref<1x8x128xf32, #tpu.memory_space<vmem>>
        %dma_wait3A_1800 = tpu.memref_squeeze %dma_wait3A_1799 : memref<1x8x128xf32, #tpu.memory_space<vmem>> -> memref<8x128xf32, #tpu.memory_space<vmem>>
        tpu.wait_dma2 semaphore(%arg20 : memref<!tpu.dma_semaphore, #tpu.memory_space<semaphore_mem>>) src(%dma_wait3A_1800 : memref<8x128xf32, #tpu.memory_space<vmem>>) dst(%dma_wait3A_1796 : memref<8x128xf32, #tpu.memory_space<hbm>>)
        %dma_wait3A_1801 = arith.constant 7 : i32
        %dma_wait3A_1802 = arith.constant 0 : i32
        %dma_wait3A_1803 = arith.constant 7 : i32
        %dma_wait3A_1804 = arith.constant 0 : i32
        %dma_wait3A_1805 = arith.constant 0 : i32
        %dma_wait3A_1806 = tpu.memref_slice %arg12[%dma_wait3A_1801, %dma_wait3A_1804, %dma_wait3A_1805] : memref<8x8x129xf32, #tpu.memory_space<vmem>> -> memref<1x8x128xf32, #tpu.memory_space<vmem>>
        %dma_wait3A_1807 = tpu.memref_squeeze %dma_wait3A_1806 : memref<1x8x128xf32, #tpu.memory_space<vmem>> -> memref<8x128xf32, #tpu.memory_space<vmem>>
        %dma_wait3A_1808 = arith.constant 0 : i32
        %dma_wait3A_1809 = arith.constant 0 : i32
        %dma_wait3A_1810 = tpu.memref_slice %arg4[%dma_wait3A_1802, %dma_wait3A_1803, %add3A, %dma_wait3A_1808, %dma_wait3A_1809] : memref<200x8x32x8x128xf32, #tpu.memory_space<hbm>> -> memref<1x1x1x8x128xf32, #tpu.memory_space<hbm>>
        %dma_wait3A_1811 = tpu.memref_squeeze %dma_wait3A_1810 : memref<1x1x1x8x128xf32, #tpu.memory_space<hbm>> -> memref<8x128xf32, #tpu.memory_space<hbm>>
        %dma_wait3A_1812 = arith.constant 0 : i32
        %dma_wait3A_1813 = arith.constant 0 : i32
        %dma_wait3A_1814 = tpu.memref_slice %arg4[%dma_wait3A_1802, %dma_wait3A_1803, %add3A, %dma_wait3A_1812, %dma_wait3A_1813] : memref<200x8x32x8x128xf32, #tpu.memory_space<hbm>> -> memref<1x1x1x8x128xf32, #tpu.memory_space<hbm>>
        %dma_wait3A_1815 = tpu.memref_squeeze %dma_wait3A_1814 : memref<1x1x1x8x128xf32, #tpu.memory_space<hbm>> -> memref<8x128xf32, #tpu.memory_space<hbm>>
        %dma_wait3A_1816 = arith.constant 0 : i32
        %dma_wait3A_1817 = arith.constant 0 : i32
        %dma_wait3A_1818 = tpu.memref_slice %arg12[%dma_wait3A_1801, %dma_wait3A_1816, %dma_wait3A_1817] : memref<8x8x129xf32, #tpu.memory_space<vmem>> -> memref<1x8x128xf32, #tpu.memory_space<vmem>>
        %dma_wait3A_1819 = tpu.memref_squeeze %dma_wait3A_1818 : memref<1x8x128xf32, #tpu.memory_space<vmem>> -> memref<8x128xf32, #tpu.memory_space<vmem>>
        tpu.wait_dma2 semaphore(%arg20 : memref<!tpu.dma_semaphore, #tpu.memory_space<semaphore_mem>>) src(%dma_wait3A_1819 : memref<8x128xf32, #tpu.memory_space<vmem>>) dst(%dma_wait3A_1815 : memref<8x128xf32, #tpu.memory_space<hbm>>)
        %add3A_1820 = arith.constant 1 : i32
        %add3A_1821 = arith.addi %scan3A_691, %add3A_1820 : i32
        %mul3A_1822 = arith.constant 4 : i32
        %mul3A_1823 = arith.muli %add3A_1821, %mul3A_1822 : i32
        %add3A_1824 = arith.constant 2 : i32
        %add3A_1825 = arith.addi %mul3A_1823, %add3A_1824 : i32
        %dma_start3A_1826 = arith.constant 0 : i32
        %dma_start3A_1827 = tpu.memref_slice %arg5[%add3A_1825, %dma_start3A_1826] : memref<200x128xi32, #tpu.memory_space<vmem>> -> memref<1x128xi32, #tpu.memory_space<vmem>>
        %dma_start3A_1828 = tpu.memref_squeeze %dma_start3A_1827 : memref<1x128xi32, #tpu.memory_space<vmem>> -> memref<128xi32, #tpu.memory_space<vmem>>
        %dma_start3A_1829 = arith.constant 0 : i32
        %dma_start3A_1830 = arith.constant 0 : i32
        %dma_start3A_1831 = tpu.memref_slice %arg3[%dma_start3A_1829, %dma_start3A_1830] : memref<1000000x64xf32, #tpu.memory_space<hbm>> -> memref<1000000x64xf32, #tpu.memory_space<hbm>>
        tpu.enqueue_indirect_dma source(%dma_start3A_1831 : memref<1000000x64xf32, #tpu.memory_space<hbm>>) target(%arg8 : memref<128x64xf32, #tpu.memory_space<vmem>>) offsets(%dma_start3A_1828 : memref<128xi32, #tpu.memory_space<vmem>>) semaphore(%arg16 : memref<!tpu.dma_semaphore, #tpu.memory_space<semaphore_mem>>)
        %dma_wait3A_1832 = arith.constant 0 : i32
        %dma_wait3A_1833 = arith.constant 0 : i32
        %dma_wait3A_1834 = arith.constant 0 : i32
        %dma_wait3A_1835 = arith.constant 0 : i32
        %dma_wait3A_1836 = arith.constant 0 : i32
        %dma_wait3A_1837 = tpu.memref_slice %arg13[%dma_wait3A_1832, %dma_wait3A_1835, %dma_wait3A_1836] : memref<8x8x129xf32, #tpu.memory_space<vmem>> -> memref<1x8x128xf32, #tpu.memory_space<vmem>>
        %dma_wait3A_1838 = tpu.memref_squeeze %dma_wait3A_1837 : memref<1x8x128xf32, #tpu.memory_space<vmem>> -> memref<8x128xf32, #tpu.memory_space<vmem>>
        %dma_wait3A_1839 = arith.constant 0 : i32
        %dma_wait3A_1840 = arith.constant 0 : i32
        %dma_wait3A_1841 = tpu.memref_slice %arg4[%dma_wait3A_1833, %dma_wait3A_1834, %add3A, %dma_wait3A_1839, %dma_wait3A_1840] : memref<200x8x32x8x128xf32, #tpu.memory_space<hbm>> -> memref<1x1x1x8x128xf32, #tpu.memory_space<hbm>>
        %dma_wait3A_1842 = tpu.memref_squeeze %dma_wait3A_1841 : memref<1x1x1x8x128xf32, #tpu.memory_space<hbm>> -> memref<8x128xf32, #tpu.memory_space<hbm>>
        %dma_wait3A_1843 = arith.constant 0 : i32
        %dma_wait3A_1844 = arith.constant 0 : i32
        %dma_wait3A_1845 = tpu.memref_slice %arg4[%dma_wait3A_1833, %dma_wait3A_1834, %add3A, %dma_wait3A_1843, %dma_wait3A_1844] : memref<200x8x32x8x128xf32, #tpu.memory_space<hbm>> -> memref<1x1x1x8x128xf32, #tpu.memory_space<hbm>>
        %dma_wait3A_1846 = tpu.memref_squeeze %dma_wait3A_1845 : memref<1x1x1x8x128xf32, #tpu.memory_space<hbm>> -> memref<8x128xf32, #tpu.memory_space<hbm>>
        %dma_wait3A_1847 = arith.constant 0 : i32
        %dma_wait3A_1848 = arith.constant 0 : i32
        %dma_wait3A_1849 = tpu.memref_slice %arg13[%dma_wait3A_1832, %dma_wait3A_1847, %dma_wait3A_1848] : memref<8x8x129xf32, #tpu.memory_space<vmem>> -> memref<1x8x128xf32, #tpu.memory_space<vmem>>
        %dma_wait3A_1850 = tpu.memref_squeeze %dma_wait3A_1849 : memref<1x8x128xf32, #tpu.memory_space<vmem>> -> memref<8x128xf32, #tpu.memory_space<vmem>>
        tpu.wait_dma2 semaphore(%arg21 : memref<!tpu.dma_semaphore, #tpu.memory_space<semaphore_mem>>) src(%dma_wait3A_1850 : memref<8x128xf32, #tpu.memory_space<vmem>>) dst(%dma_wait3A_1846 : memref<8x128xf32, #tpu.memory_space<hbm>>)
        %dma_wait3A_1851 = arith.constant 1 : i32
        %dma_wait3A_1852 = arith.constant 0 : i32
        %dma_wait3A_1853 = arith.constant 1 : i32
        %dma_wait3A_1854 = arith.constant 0 : i32
        %dma_wait3A_1855 = arith.constant 0 : i32
        %dma_wait3A_1856 = tpu.memref_slice %arg13[%dma_wait3A_1851, %dma_wait3A_1854, %dma_wait3A_1855] : memref<8x8x129xf32, #tpu.memory_space<vmem>> -> memref<1x8x128xf32, #tpu.memory_space<vmem>>
        %dma_wait3A_1857 = tpu.memref_squeeze %dma_wait3A_1856 : memref<1x8x128xf32, #tpu.memory_space<vmem>> -> memref<8x128xf32, #tpu.memory_space<vmem>>
        %dma_wait3A_1858 = arith.constant 0 : i32
        %dma_wait3A_1859 = arith.constant 0 : i32
        %dma_wait3A_1860 = tpu.memref_slice %arg4[%dma_wait3A_1852, %dma_wait3A_1853, %add3A, %dma_wait3A_1858, %dma_wait3A_1859] : memref<200x8x32x8x128xf32, #tpu.memory_space<hbm>> -> memref<1x1x1x8x128xf32, #tpu.memory_space<hbm>>
        %dma_wait3A_1861 = tpu.memref_squeeze %dma_wait3A_1860 : memref<1x1x1x8x128xf32, #tpu.memory_space<hbm>> -> memref<8x128xf32, #tpu.memory_space<hbm>>
        %dma_wait3A_1862 = arith.constant 0 : i32
        %dma_wait3A_1863 = arith.constant 0 : i32
        %dma_wait3A_1864 = tpu.memref_slice %arg4[%dma_wait3A_1852, %dma_wait3A_1853, %add3A, %dma_wait3A_1862, %dma_wait3A_1863] : memref<200x8x32x8x128xf32, #tpu.memory_space<hbm>> -> memref<1x1x1x8x128xf32, #tpu.memory_space<hbm>>
        %dma_wait3A_1865 = tpu.memref_squeeze %dma_wait3A_1864 : memref<1x1x1x8x128xf32, #tpu.memory_space<hbm>> -> memref<8x128xf32, #tpu.memory_space<hbm>>
        %dma_wait3A_1866 = arith.constant 0 : i32
        %dma_wait3A_1867 = arith.constant 0 : i32
        %dma_wait3A_1868 = tpu.memref_slice %arg13[%dma_wait3A_1851, %dma_wait3A_1866, %dma_wait3A_1867] : memref<8x8x129xf32, #tpu.memory_space<vmem>> -> memref<1x8x128xf32, #tpu.memory_space<vmem>>
        %dma_wait3A_1869 = tpu.memref_squeeze %dma_wait3A_1868 : memref<1x8x128xf32, #tpu.memory_space<vmem>> -> memref<8x128xf32, #tpu.memory_space<vmem>>
        tpu.wait_dma2 semaphore(%arg21 : memref<!tpu.dma_semaphore, #tpu.memory_space<semaphore_mem>>) src(%dma_wait3A_1869 : memref<8x128xf32, #tpu.memory_space<vmem>>) dst(%dma_wait3A_1865 : memref<8x128xf32, #tpu.memory_space<hbm>>)
        %dma_wait3A_1870 = arith.constant 2 : i32
        %dma_wait3A_1871 = arith.constant 0 : i32
        %dma_wait3A_1872 = arith.constant 2 : i32
        %dma_wait3A_1873 = arith.constant 0 : i32
        %dma_wait3A_1874 = arith.constant 0 : i32
        %dma_wait3A_1875 = tpu.memref_slice %arg13[%dma_wait3A_1870, %dma_wait3A_1873, %dma_wait3A_1874] : memref<8x8x129xf32, #tpu.memory_space<vmem>> -> memref<1x8x128xf32, #tpu.memory_space<vmem>>
        %dma_wait3A_1876 = tpu.memref_squeeze %dma_wait3A_1875 : memref<1x8x128xf32, #tpu.memory_space<vmem>> -> memref<8x128xf32, #tpu.memory_space<vmem>>
        %dma_wait3A_1877 = arith.constant 0 : i32
        %dma_wait3A_1878 = arith.constant 0 : i32
        %dma_wait3A_1879 = tpu.memref_slice %arg4[%dma_wait3A_1871, %dma_wait3A_1872, %add3A, %dma_wait3A_1877, %dma_wait3A_1878] : memref<200x8x32x8x128xf32, #tpu.memory_space<hbm>> -> memref<1x1x1x8x128xf32, #tpu.memory_space<hbm>>
        %dma_wait3A_1880 = tpu.memref_squeeze %dma_wait3A_1879 : memref<1x1x1x8x128xf32, #tpu.memory_space<hbm>> -> memref<8x128xf32, #tpu.memory_space<hbm>>
        %dma_wait3A_1881 = arith.constant 0 : i32
        %dma_wait3A_1882 = arith.constant 0 : i32
        %dma_wait3A_1883 = tpu.memref_slice %arg4[%dma_wait3A_1871, %dma_wait3A_1872, %add3A, %dma_wait3A_1881, %dma_wait3A_1882] : memref<200x8x32x8x128xf32, #tpu.memory_space<hbm>> -> memref<1x1x1x8x128xf32, #tpu.memory_space<hbm>>
        %dma_wait3A_1884 = tpu.memref_squeeze %dma_wait3A_1883 : memref<1x1x1x8x128xf32, #tpu.memory_space<hbm>> -> memref<8x128xf32, #tpu.memory_space<hbm>>
        %dma_wait3A_1885 = arith.constant 0 : i32
        %dma_wait3A_1886 = arith.constant 0 : i32
        %dma_wait3A_1887 = tpu.memref_slice %arg13[%dma_wait3A_1870, %dma_wait3A_1885, %dma_wait3A_1886] : memref<8x8x129xf32, #tpu.memory_space<vmem>> -> memref<1x8x128xf32, #tpu.memory_space<vmem>>
        %dma_wait3A_1888 = tpu.memref_squeeze %dma_wait3A_1887 : memref<1x8x128xf32, #tpu.memory_space<vmem>> -> memref<8x128xf32, #tpu.memory_space<vmem>>
        tpu.wait_dma2 semaphore(%arg21 : memref<!tpu.dma_semaphore, #tpu.memory_space<semaphore_mem>>) src(%dma_wait3A_1888 : memref<8x128xf32, #tpu.memory_space<vmem>>) dst(%dma_wait3A_1884 : memref<8x128xf32, #tpu.memory_space<hbm>>)
        %dma_wait3A_1889 = arith.constant 3 : i32
        %dma_wait3A_1890 = arith.constant 0 : i32
        %dma_wait3A_1891 = arith.constant 3 : i32
        %dma_wait3A_1892 = arith.constant 0 : i32
        %dma_wait3A_1893 = arith.constant 0 : i32
        %dma_wait3A_1894 = tpu.memref_slice %arg13[%dma_wait3A_1889, %dma_wait3A_1892, %dma_wait3A_1893] : memref<8x8x129xf32, #tpu.memory_space<vmem>> -> memref<1x8x128xf32, #tpu.memory_space<vmem>>
        %dma_wait3A_1895 = tpu.memref_squeeze %dma_wait3A_1894 : memref<1x8x128xf32, #tpu.memory_space<vmem>> -> memref<8x128xf32, #tpu.memory_space<vmem>>
        %dma_wait3A_1896 = arith.constant 0 : i32
        %dma_wait3A_1897 = arith.constant 0 : i32
        %dma_wait3A_1898 = tpu.memref_slice %arg4[%dma_wait3A_1890, %dma_wait3A_1891, %add3A, %dma_wait3A_1896, %dma_wait3A_1897] : memref<200x8x32x8x128xf32, #tpu.memory_space<hbm>> -> memref<1x1x1x8x128xf32, #tpu.memory_space<hbm>>
        %dma_wait3A_1899 = tpu.memref_squeeze %dma_wait3A_1898 : memref<1x1x1x8x128xf32, #tpu.memory_space<hbm>> -> memref<8x128xf32, #tpu.memory_space<hbm>>
        %dma_wait3A_1900 = arith.constant 0 : i32
        %dma_wait3A_1901 = arith.constant 0 : i32
        %dma_wait3A_1902 = tpu.memref_slice %arg4[%dma_wait3A_1890, %dma_wait3A_1891, %add3A, %dma_wait3A_1900, %dma_wait3A_1901] : memref<200x8x32x8x128xf32, #tpu.memory_space<hbm>> -> memref<1x1x1x8x128xf32, #tpu.memory_space<hbm>>
        %dma_wait3A_1903 = tpu.memref_squeeze %dma_wait3A_1902 : memref<1x1x1x8x128xf32, #tpu.memory_space<hbm>> -> memref<8x128xf32, #tpu.memory_space<hbm>>
        %dma_wait3A_1904 = arith.constant 0 : i32
        %dma_wait3A_1905 = arith.constant 0 : i32
        %dma_wait3A_1906 = tpu.memref_slice %arg13[%dma_wait3A_1889, %dma_wait3A_1904, %dma_wait3A_1905] : memref<8x8x129xf32, #tpu.memory_space<vmem>> -> memref<1x8x128xf32, #tpu.memory_space<vmem>>
        %dma_wait3A_1907 = tpu.memref_squeeze %dma_wait3A_1906 : memref<1x8x128xf32, #tpu.memory_space<vmem>> -> memref<8x128xf32, #tpu.memory_space<vmem>>
        tpu.wait_dma2 semaphore(%arg21 : memref<!tpu.dma_semaphore, #tpu.memory_space<semaphore_mem>>) src(%dma_wait3A_1907 : memref<8x128xf32, #tpu.memory_space<vmem>>) dst(%dma_wait3A_1903 : memref<8x128xf32, #tpu.memory_space<hbm>>)
        %dma_wait3A_1908 = arith.constant 4 : i32
        %dma_wait3A_1909 = arith.constant 0 : i32
        %dma_wait3A_1910 = arith.constant 4 : i32
        %dma_wait3A_1911 = arith.constant 0 : i32
        %dma_wait3A_1912 = arith.constant 0 : i32
        %dma_wait3A_1913 = tpu.memref_slice %arg13[%dma_wait3A_1908, %dma_wait3A_1911, %dma_wait3A_1912] : memref<8x8x129xf32, #tpu.memory_space<vmem>> -> memref<1x8x128xf32, #tpu.memory_space<vmem>>
        %dma_wait3A_1914 = tpu.memref_squeeze %dma_wait3A_1913 : memref<1x8x128xf32, #tpu.memory_space<vmem>> -> memref<8x128xf32, #tpu.memory_space<vmem>>
        %dma_wait3A_1915 = arith.constant 0 : i32
        %dma_wait3A_1916 = arith.constant 0 : i32
        %dma_wait3A_1917 = tpu.memref_slice %arg4[%dma_wait3A_1909, %dma_wait3A_1910, %add3A, %dma_wait3A_1915, %dma_wait3A_1916] : memref<200x8x32x8x128xf32, #tpu.memory_space<hbm>> -> memref<1x1x1x8x128xf32, #tpu.memory_space<hbm>>
        %dma_wait3A_1918 = tpu.memref_squeeze %dma_wait3A_1917 : memref<1x1x1x8x128xf32, #tpu.memory_space<hbm>> -> memref<8x128xf32, #tpu.memory_space<hbm>>
        %dma_wait3A_1919 = arith.constant 0 : i32
        %dma_wait3A_1920 = arith.constant 0 : i32
        %dma_wait3A_1921 = tpu.memref_slice %arg4[%dma_wait3A_1909, %dma_wait3A_1910, %add3A, %dma_wait3A_1919, %dma_wait3A_1920] : memref<200x8x32x8x128xf32, #tpu.memory_space<hbm>> -> memref<1x1x1x8x128xf32, #tpu.memory_space<hbm>>
        %dma_wait3A_1922 = tpu.memref_squeeze %dma_wait3A_1921 : memref<1x1x1x8x128xf32, #tpu.memory_space<hbm>> -> memref<8x128xf32, #tpu.memory_space<hbm>>
        %dma_wait3A_1923 = arith.constant 0 : i32
        %dma_wait3A_1924 = arith.constant 0 : i32
        %dma_wait3A_1925 = tpu.memref_slice %arg13[%dma_wait3A_1908, %dma_wait3A_1923, %dma_wait3A_1924] : memref<8x8x129xf32, #tpu.memory_space<vmem>> -> memref<1x8x128xf32, #tpu.memory_space<vmem>>
        %dma_wait3A_1926 = tpu.memref_squeeze %dma_wait3A_1925 : memref<1x8x128xf32, #tpu.memory_space<vmem>> -> memref<8x128xf32, #tpu.memory_space<vmem>>
        tpu.wait_dma2 semaphore(%arg21 : memref<!tpu.dma_semaphore, #tpu.memory_space<semaphore_mem>>) src(%dma_wait3A_1926 : memref<8x128xf32, #tpu.memory_space<vmem>>) dst(%dma_wait3A_1922 : memref<8x128xf32, #tpu.memory_space<hbm>>)
        %dma_wait3A_1927 = arith.constant 5 : i32
        %dma_wait3A_1928 = arith.constant 0 : i32
        %dma_wait3A_1929 = arith.constant 5 : i32
        %dma_wait3A_1930 = arith.constant 0 : i32
        %dma_wait3A_1931 = arith.constant 0 : i32
        %dma_wait3A_1932 = tpu.memref_slice %arg13[%dma_wait3A_1927, %dma_wait3A_1930, %dma_wait3A_1931] : memref<8x8x129xf32, #tpu.memory_space<vmem>> -> memref<1x8x128xf32, #tpu.memory_space<vmem>>
        %dma_wait3A_1933 = tpu.memref_squeeze %dma_wait3A_1932 : memref<1x8x128xf32, #tpu.memory_space<vmem>> -> memref<8x128xf32, #tpu.memory_space<vmem>>
        %dma_wait3A_1934 = arith.constant 0 : i32
        %dma_wait3A_1935 = arith.constant 0 : i32
        %dma_wait3A_1936 = tpu.memref_slice %arg4[%dma_wait3A_1928, %dma_wait3A_1929, %add3A, %dma_wait3A_1934, %dma_wait3A_1935] : memref<200x8x32x8x128xf32, #tpu.memory_space<hbm>> -> memref<1x1x1x8x128xf32, #tpu.memory_space<hbm>>
        %dma_wait3A_1937 = tpu.memref_squeeze %dma_wait3A_1936 : memref<1x1x1x8x128xf32, #tpu.memory_space<hbm>> -> memref<8x128xf32, #tpu.memory_space<hbm>>
        %dma_wait3A_1938 = arith.constant 0 : i32
        %dma_wait3A_1939 = arith.constant 0 : i32
        %dma_wait3A_1940 = tpu.memref_slice %arg4[%dma_wait3A_1928, %dma_wait3A_1929, %add3A, %dma_wait3A_1938, %dma_wait3A_1939] : memref<200x8x32x8x128xf32, #tpu.memory_space<hbm>> -> memref<1x1x1x8x128xf32, #tpu.memory_space<hbm>>
        %dma_wait3A_1941 = tpu.memref_squeeze %dma_wait3A_1940 : memref<1x1x1x8x128xf32, #tpu.memory_space<hbm>> -> memref<8x128xf32, #tpu.memory_space<hbm>>
        %dma_wait3A_1942 = arith.constant 0 : i32
        %dma_wait3A_1943 = arith.constant 0 : i32
        %dma_wait3A_1944 = tpu.memref_slice %arg13[%dma_wait3A_1927, %dma_wait3A_1942, %dma_wait3A_1943] : memref<8x8x129xf32, #tpu.memory_space<vmem>> -> memref<1x8x128xf32, #tpu.memory_space<vmem>>
        %dma_wait3A_1945 = tpu.memref_squeeze %dma_wait3A_1944 : memref<1x8x128xf32, #tpu.memory_space<vmem>> -> memref<8x128xf32, #tpu.memory_space<vmem>>
        tpu.wait_dma2 semaphore(%arg21 : memref<!tpu.dma_semaphore, #tpu.memory_space<semaphore_mem>>) src(%dma_wait3A_1945 : memref<8x128xf32, #tpu.memory_space<vmem>>) dst(%dma_wait3A_1941 : memref<8x128xf32, #tpu.memory_space<hbm>>)
        %dma_wait3A_1946 = arith.constant 6 : i32
        %dma_wait3A_1947 = arith.constant 0 : i32
        %dma_wait3A_1948 = arith.constant 6 : i32
        %dma_wait3A_1949 = arith.constant 0 : i32
        %dma_wait3A_1950 = arith.constant 0 : i32
        %dma_wait3A_1951 = tpu.memref_slice %arg13[%dma_wait3A_1946, %dma_wait3A_1949, %dma_wait3A_1950] : memref<8x8x129xf32, #tpu.memory_space<vmem>> -> memref<1x8x128xf32, #tpu.memory_space<vmem>>
        %dma_wait3A_1952 = tpu.memref_squeeze %dma_wait3A_1951 : memref<1x8x128xf32, #tpu.memory_space<vmem>> -> memref<8x128xf32, #tpu.memory_space<vmem>>
        %dma_wait3A_1953 = arith.constant 0 : i32
        %dma_wait3A_1954 = arith.constant 0 : i32
        %dma_wait3A_1955 = tpu.memref_slice %arg4[%dma_wait3A_1947, %dma_wait3A_1948, %add3A, %dma_wait3A_1953, %dma_wait3A_1954] : memref<200x8x32x8x128xf32, #tpu.memory_space<hbm>> -> memref<1x1x1x8x128xf32, #tpu.memory_space<hbm>>
        %dma_wait3A_1956 = tpu.memref_squeeze %dma_wait3A_1955 : memref<1x1x1x8x128xf32, #tpu.memory_space<hbm>> -> memref<8x128xf32, #tpu.memory_space<hbm>>
        %dma_wait3A_1957 = arith.constant 0 : i32
        %dma_wait3A_1958 = arith.constant 0 : i32
        %dma_wait3A_1959 = tpu.memref_slice %arg4[%dma_wait3A_1947, %dma_wait3A_1948, %add3A, %dma_wait3A_1957, %dma_wait3A_1958] : memref<200x8x32x8x128xf32, #tpu.memory_space<hbm>> -> memref<1x1x1x8x128xf32, #tpu.memory_space<hbm>>
        %dma_wait3A_1960 = tpu.memref_squeeze %dma_wait3A_1959 : memref<1x1x1x8x128xf32, #tpu.memory_space<hbm>> -> memref<8x128xf32, #tpu.memory_space<hbm>>
        %dma_wait3A_1961 = arith.constant 0 : i32
        %dma_wait3A_1962 = arith.constant 0 : i32
        %dma_wait3A_1963 = tpu.memref_slice %arg13[%dma_wait3A_1946, %dma_wait3A_1961, %dma_wait3A_1962] : memref<8x8x129xf32, #tpu.memory_space<vmem>> -> memref<1x8x128xf32, #tpu.memory_space<vmem>>
        %dma_wait3A_1964 = tpu.memref_squeeze %dma_wait3A_1963 : memref<1x8x128xf32, #tpu.memory_space<vmem>> -> memref<8x128xf32, #tpu.memory_space<vmem>>
        tpu.wait_dma2 semaphore(%arg21 : memref<!tpu.dma_semaphore, #tpu.memory_space<semaphore_mem>>) src(%dma_wait3A_1964 : memref<8x128xf32, #tpu.memory_space<vmem>>) dst(%dma_wait3A_1960 : memref<8x128xf32, #tpu.memory_space<hbm>>)
        %dma_wait3A_1965 = arith.constant 7 : i32
        %dma_wait3A_1966 = arith.constant 0 : i32
        %dma_wait3A_1967 = arith.constant 7 : i32
        %dma_wait3A_1968 = arith.constant 0 : i32
        %dma_wait3A_1969 = arith.constant 0 : i32
        %dma_wait3A_1970 = tpu.memref_slice %arg13[%dma_wait3A_1965, %dma_wait3A_1968, %dma_wait3A_1969] : memref<8x8x129xf32, #tpu.memory_space<vmem>> -> memref<1x8x128xf32, #tpu.memory_space<vmem>>
        %dma_wait3A_1971 = tpu.memref_squeeze %dma_wait3A_1970 : memref<1x8x128xf32, #tpu.memory_space<vmem>> -> memref<8x128xf32, #tpu.memory_space<vmem>>
        %dma_wait3A_1972 = arith.constant 0 : i32
        %dma_wait3A_1973 = arith.constant 0 : i32
        %dma_wait3A_1974 = tpu.memref_slice %arg4[%dma_wait3A_1966, %dma_wait3A_1967, %add3A, %dma_wait3A_1972, %dma_wait3A_1973] : memref<200x8x32x8x128xf32, #tpu.memory_space<hbm>> -> memref<1x1x1x8x128xf32, #tpu.memory_space<hbm>>
        %dma_wait3A_1975 = tpu.memref_squeeze %dma_wait3A_1974 : memref<1x1x1x8x128xf32, #tpu.memory_space<hbm>> -> memref<8x128xf32, #tpu.memory_space<hbm>>
        %dma_wait3A_1976 = arith.constant 0 : i32
        %dma_wait3A_1977 = arith.constant 0 : i32
        %dma_wait3A_1978 = tpu.memref_slice %arg4[%dma_wait3A_1966, %dma_wait3A_1967, %add3A, %dma_wait3A_1976, %dma_wait3A_1977] : memref<200x8x32x8x128xf32, #tpu.memory_space<hbm>> -> memref<1x1x1x8x128xf32, #tpu.memory_space<hbm>>
        %dma_wait3A_1979 = tpu.memref_squeeze %dma_wait3A_1978 : memref<1x1x1x8x128xf32, #tpu.memory_space<hbm>> -> memref<8x128xf32, #tpu.memory_space<hbm>>
        %dma_wait3A_1980 = arith.constant 0 : i32
        %dma_wait3A_1981 = arith.constant 0 : i32
        %dma_wait3A_1982 = tpu.memref_slice %arg13[%dma_wait3A_1965, %dma_wait3A_1980, %dma_wait3A_1981] : memref<8x8x129xf32, #tpu.memory_space<vmem>> -> memref<1x8x128xf32, #tpu.memory_space<vmem>>
        %dma_wait3A_1983 = tpu.memref_squeeze %dma_wait3A_1982 : memref<1x8x128xf32, #tpu.memory_space<vmem>> -> memref<8x128xf32, #tpu.memory_space<vmem>>
        tpu.wait_dma2 semaphore(%arg21 : memref<!tpu.dma_semaphore, #tpu.memory_space<semaphore_mem>>) src(%dma_wait3A_1983 : memref<8x128xf32, #tpu.memory_space<vmem>>) dst(%dma_wait3A_1979 : memref<8x128xf32, #tpu.memory_space<hbm>>)
        %add3A_1984 = arith.constant 1 : i32
        %add3A_1985 = arith.addi %scan3A_691, %add3A_1984 : i32
        %mul3A_1986 = arith.constant 4 : i32
        %mul3A_1987 = arith.muli %add3A_1985, %mul3A_1986 : i32
        %add3A_1988 = arith.constant 3 : i32
        %add3A_1989 = arith.addi %mul3A_1987, %add3A_1988 : i32
        %dma_start3A_1990 = arith.constant 0 : i32
        %dma_start3A_1991 = tpu.memref_slice %arg5[%add3A_1989, %dma_start3A_1990] : memref<200x128xi32, #tpu.memory_space<vmem>> -> memref<1x128xi32, #tpu.memory_space<vmem>>
        %dma_start3A_1992 = tpu.memref_squeeze %dma_start3A_1991 : memref<1x128xi32, #tpu.memory_space<vmem>> -> memref<128xi32, #tpu.memory_space<vmem>>
        %dma_start3A_1993 = arith.constant 0 : i32
        %dma_start3A_1994 = arith.constant 0 : i32
        %dma_start3A_1995 = tpu.memref_slice %arg3[%dma_start3A_1993, %dma_start3A_1994] : memref<1000000x64xf32, #tpu.memory_space<hbm>> -> memref<1000000x64xf32, #tpu.memory_space<hbm>>
        tpu.enqueue_indirect_dma source(%dma_start3A_1995 : memref<1000000x64xf32, #tpu.memory_space<hbm>>) target(%arg9 : memref<128x64xf32, #tpu.memory_space<vmem>>) offsets(%dma_start3A_1992 : memref<128xi32, #tpu.memory_space<vmem>>) semaphore(%arg17 : memref<!tpu.dma_semaphore, #tpu.memory_space<semaphore_mem>>)
      } else {
      }
    }
    %scan3A_83 = arith.constant 50 : i32
    %dma_wait3A = arith.constant 0 : i32
    %dma_wait3A_84 = arith.constant 0 : i32
    %dma_wait3A_85 = arith.constant 0 : i32
    %dma_wait3A_86 = arith.constant 0 : i32
    %dma_wait3A_87 = arith.constant 0 : i32
    %dma_wait3A_88 = tpu.memref_slice %arg10[%dma_wait3A, %dma_wait3A_86, %dma_wait3A_87] : memref<8x8x129xf32, #tpu.memory_space<vmem>> -> memref<1x8x128xf32, #tpu.memory_space<vmem>>
    %dma_wait3A_89 = tpu.memref_squeeze %dma_wait3A_88 : memref<1x8x128xf32, #tpu.memory_space<vmem>> -> memref<8x128xf32, #tpu.memory_space<vmem>>
    %dma_wait3A_90 = arith.constant 0 : i32
    %dma_wait3A_91 = arith.constant 0 : i32
    %dma_wait3A_92 = tpu.memref_slice %arg4[%dma_wait3A_84, %dma_wait3A_85, %add3A, %dma_wait3A_90, %dma_wait3A_91] : memref<200x8x32x8x128xf32, #tpu.memory_space<hbm>> -> memref<1x1x1x8x128xf32, #tpu.memory_space<hbm>>
    %dma_wait3A_93 = tpu.memref_squeeze %dma_wait3A_92 : memref<1x1x1x8x128xf32, #tpu.memory_space<hbm>> -> memref<8x128xf32, #tpu.memory_space<hbm>>
    %dma_wait3A_94 = arith.constant 0 : i32
    %dma_wait3A_95 = arith.constant 0 : i32
    %dma_wait3A_96 = tpu.memref_slice %arg4[%dma_wait3A_84, %dma_wait3A_85, %add3A, %dma_wait3A_94, %dma_wait3A_95] : memref<200x8x32x8x128xf32, #tpu.memory_space<hbm>> -> memref<1x1x1x8x128xf32, #tpu.memory_space<hbm>>
    %dma_wait3A_97 = tpu.memref_squeeze %dma_wait3A_96 : memref<1x1x1x8x128xf32, #tpu.memory_space<hbm>> -> memref<8x128xf32, #tpu.memory_space<hbm>>
    %dma_wait3A_98 = arith.constant 0 : i32
    %dma_wait3A_99 = arith.constant 0 : i32
    %dma_wait3A_100 = tpu.memref_slice %arg10[%dma_wait3A, %dma_wait3A_98, %dma_wait3A_99] : memref<8x8x129xf32, #tpu.memory_space<vmem>> -> memref<1x8x128xf32, #tpu.memory_space<vmem>>
    %dma_wait3A_101 = tpu.memref_squeeze %dma_wait3A_100 : memref<1x8x128xf32, #tpu.memory_space<vmem>> -> memref<8x128xf32, #tpu.memory_space<vmem>>
    tpu.wait_dma2 semaphore(%arg18 : memref<!tpu.dma_semaphore, #tpu.memory_space<semaphore_mem>>) src(%dma_wait3A_101 : memref<8x128xf32, #tpu.memory_space<vmem>>) dst(%dma_wait3A_97 : memref<8x128xf32, #tpu.memory_space<hbm>>)
    %dma_wait3A_102 = arith.constant 1 : i32
    %dma_wait3A_103 = arith.constant 0 : i32
    %dma_wait3A_104 = arith.constant 1 : i32
    %dma_wait3A_105 = arith.constant 0 : i32
    %dma_wait3A_106 = arith.constant 0 : i32
    %dma_wait3A_107 = tpu.memref_slice %arg10[%dma_wait3A_102, %dma_wait3A_105, %dma_wait3A_106] : memref<8x8x129xf32, #tpu.memory_space<vmem>> -> memref<1x8x128xf32, #tpu.memory_space<vmem>>
    %dma_wait3A_108 = tpu.memref_squeeze %dma_wait3A_107 : memref<1x8x128xf32, #tpu.memory_space<vmem>> -> memref<8x128xf32, #tpu.memory_space<vmem>>
    %dma_wait3A_109 = arith.constant 0 : i32
    %dma_wait3A_110 = arith.constant 0 : i32
    %dma_wait3A_111 = tpu.memref_slice %arg4[%dma_wait3A_103, %dma_wait3A_104, %add3A, %dma_wait3A_109, %dma_wait3A_110] : memref<200x8x32x8x128xf32, #tpu.memory_space<hbm>> -> memref<1x1x1x8x128xf32, #tpu.memory_space<hbm>>
    %dma_wait3A_112 = tpu.memref_squeeze %dma_wait3A_111 : memref<1x1x1x8x128xf32, #tpu.memory_space<hbm>> -> memref<8x128xf32, #tpu.memory_space<hbm>>
    %dma_wait3A_113 = arith.constant 0 : i32
    %dma_wait3A_114 = arith.constant 0 : i32
    %dma_wait3A_115 = tpu.memref_slice %arg4[%dma_wait3A_103, %dma_wait3A_104, %add3A, %dma_wait3A_113, %dma_wait3A_114] : memref<200x8x32x8x128xf32, #tpu.memory_space<hbm>> -> memref<1x1x1x8x128xf32, #tpu.memory_space<hbm>>
    %dma_wait3A_116 = tpu.memref_squeeze %dma_wait3A_115 : memref<1x1x1x8x128xf32, #tpu.memory_space<hbm>> -> memref<8x128xf32, #tpu.memory_space<hbm>>
    %dma_wait3A_117 = arith.constant 0 : i32
    %dma_wait3A_118 = arith.constant 0 : i32
    %dma_wait3A_119 = tpu.memref_slice %arg10[%dma_wait3A_102, %dma_wait3A_117, %dma_wait3A_118] : memref<8x8x129xf32, #tpu.memory_space<vmem>> -> memref<1x8x128xf32, #tpu.memory_space<vmem>>
    %dma_wait3A_120 = tpu.memref_squeeze %dma_wait3A_119 : memref<1x8x128xf32, #tpu.memory_space<vmem>> -> memref<8x128xf32, #tpu.memory_space<vmem>>
    tpu.wait_dma2 semaphore(%arg18 : memref<!tpu.dma_semaphore, #tpu.memory_space<semaphore_mem>>) src(%dma_wait3A_120 : memref<8x128xf32, #tpu.memory_space<vmem>>) dst(%dma_wait3A_116 : memref<8x128xf32, #tpu.memory_space<hbm>>)
    %dma_wait3A_121 = arith.constant 2 : i32
    %dma_wait3A_122 = arith.constant 0 : i32
    %dma_wait3A_123 = arith.constant 2 : i32
    %dma_wait3A_124 = arith.constant 0 : i32
    %dma_wait3A_125 = arith.constant 0 : i32
    %dma_wait3A_126 = tpu.memref_slice %arg10[%dma_wait3A_121, %dma_wait3A_124, %dma_wait3A_125] : memref<8x8x129xf32, #tpu.memory_space<vmem>> -> memref<1x8x128xf32, #tpu.memory_space<vmem>>
    %dma_wait3A_127 = tpu.memref_squeeze %dma_wait3A_126 : memref<1x8x128xf32, #tpu.memory_space<vmem>> -> memref<8x128xf32, #tpu.memory_space<vmem>>
    %dma_wait3A_128 = arith.constant 0 : i32
    %dma_wait3A_129 = arith.constant 0 : i32
    %dma_wait3A_130 = tpu.memref_slice %arg4[%dma_wait3A_122, %dma_wait3A_123, %add3A, %dma_wait3A_128, %dma_wait3A_129] : memref<200x8x32x8x128xf32, #tpu.memory_space<hbm>> -> memref<1x1x1x8x128xf32, #tpu.memory_space<hbm>>
    %dma_wait3A_131 = tpu.memref_squeeze %dma_wait3A_130 : memref<1x1x1x8x128xf32, #tpu.memory_space<hbm>> -> memref<8x128xf32, #tpu.memory_space<hbm>>
    %dma_wait3A_132 = arith.constant 0 : i32
    %dma_wait3A_133 = arith.constant 0 : i32
    %dma_wait3A_134 = tpu.memref_slice %arg4[%dma_wait3A_122, %dma_wait3A_123, %add3A, %dma_wait3A_132, %dma_wait3A_133] : memref<200x8x32x8x128xf32, #tpu.memory_space<hbm>> -> memref<1x1x1x8x128xf32, #tpu.memory_space<hbm>>
    %dma_wait3A_135 = tpu.memref_squeeze %dma_wait3A_134 : memref<1x1x1x8x128xf32, #tpu.memory_space<hbm>> -> memref<8x128xf32, #tpu.memory_space<hbm>>
    %dma_wait3A_136 = arith.constant 0 : i32
    %dma_wait3A_137 = arith.constant 0 : i32
    %dma_wait3A_138 = tpu.memref_slice %arg10[%dma_wait3A_121, %dma_wait3A_136, %dma_wait3A_137] : memref<8x8x129xf32, #tpu.memory_space<vmem>> -> memref<1x8x128xf32, #tpu.memory_space<vmem>>
    %dma_wait3A_139 = tpu.memref_squeeze %dma_wait3A_138 : memref<1x8x128xf32, #tpu.memory_space<vmem>> -> memref<8x128xf32, #tpu.memory_space<vmem>>
    tpu.wait_dma2 semaphore(%arg18 : memref<!tpu.dma_semaphore, #tpu.memory_space<semaphore_mem>>) src(%dma_wait3A_139 : memref<8x128xf32, #tpu.memory_space<vmem>>) dst(%dma_wait3A_135 : memref<8x128xf32, #tpu.memory_space<hbm>>)
    %dma_wait3A_140 = arith.constant 3 : i32
    %dma_wait3A_141 = arith.constant 0 : i32
    %dma_wait3A_142 = arith.constant 3 : i32
    %dma_wait3A_143 = arith.constant 0 : i32
    %dma_wait3A_144 = arith.constant 0 : i32
    %dma_wait3A_145 = tpu.memref_slice %arg10[%dma_wait3A_140, %dma_wait3A_143, %dma_wait3A_144] : memref<8x8x129xf32, #tpu.memory_space<vmem>> -> memref<1x8x128xf32, #tpu.memory_space<vmem>>
    %dma_wait3A_146 = tpu.memref_squeeze %dma_wait3A_145 : memref<1x8x128xf32, #tpu.memory_space<vmem>> -> memref<8x128xf32, #tpu.memory_space<vmem>>
    %dma_wait3A_147 = arith.constant 0 : i32
    %dma_wait3A_148 = arith.constant 0 : i32
    %dma_wait3A_149 = tpu.memref_slice %arg4[%dma_wait3A_141, %dma_wait3A_142, %add3A, %dma_wait3A_147, %dma_wait3A_148] : memref<200x8x32x8x128xf32, #tpu.memory_space<hbm>> -> memref<1x1x1x8x128xf32, #tpu.memory_space<hbm>>
    %dma_wait3A_150 = tpu.memref_squeeze %dma_wait3A_149 : memref<1x1x1x8x128xf32, #tpu.memory_space<hbm>> -> memref<8x128xf32, #tpu.memory_space<hbm>>
    %dma_wait3A_151 = arith.constant 0 : i32
    %dma_wait3A_152 = arith.constant 0 : i32
    %dma_wait3A_153 = tpu.memref_slice %arg4[%dma_wait3A_141, %dma_wait3A_142, %add3A, %dma_wait3A_151, %dma_wait3A_152] : memref<200x8x32x8x128xf32, #tpu.memory_space<hbm>> -> memref<1x1x1x8x128xf32, #tpu.memory_space<hbm>>
    %dma_wait3A_154 = tpu.memref_squeeze %dma_wait3A_153 : memref<1x1x1x8x128xf32, #tpu.memory_space<hbm>> -> memref<8x128xf32, #tpu.memory_space<hbm>>
    %dma_wait3A_155 = arith.constant 0 : i32
    %dma_wait3A_156 = arith.constant 0 : i32
    %dma_wait3A_157 = tpu.memref_slice %arg10[%dma_wait3A_140, %dma_wait3A_155, %dma_wait3A_156] : memref<8x8x129xf32, #tpu.memory_space<vmem>> -> memref<1x8x128xf32, #tpu.memory_space<vmem>>
    %dma_wait3A_158 = tpu.memref_squeeze %dma_wait3A_157 : memref<1x8x128xf32, #tpu.memory_space<vmem>> -> memref<8x128xf32, #tpu.memory_space<vmem>>
    tpu.wait_dma2 semaphore(%arg18 : memref<!tpu.dma_semaphore, #tpu.memory_space<semaphore_mem>>) src(%dma_wait3A_158 : memref<8x128xf32, #tpu.memory_space<vmem>>) dst(%dma_wait3A_154 : memref<8x128xf32, #tpu.memory_space<hbm>>)
    %dma_wait3A_159 = arith.constant 4 : i32
    %dma_wait3A_160 = arith.constant 0 : i32
    %dma_wait3A_161 = arith.constant 4 : i32
    %dma_wait3A_162 = arith.constant 0 : i32
    %dma_wait3A_163 = arith.constant 0 : i32
    %dma_wait3A_164 = tpu.memref_slice %arg10[%dma_wait3A_159, %dma_wait3A_162, %dma_wait3A_163] : memref<8x8x129xf32, #tpu.memory_space<vmem>> -> memref<1x8x128xf32, #tpu.memory_space<vmem>>
    %dma_wait3A_165 = tpu.memref_squeeze %dma_wait3A_164 : memref<1x8x128xf32, #tpu.memory_space<vmem>> -> memref<8x128xf32, #tpu.memory_space<vmem>>
    %dma_wait3A_166 = arith.constant 0 : i32
    %dma_wait3A_167 = arith.constant 0 : i32
    %dma_wait3A_168 = tpu.memref_slice %arg4[%dma_wait3A_160, %dma_wait3A_161, %add3A, %dma_wait3A_166, %dma_wait3A_167] : memref<200x8x32x8x128xf32, #tpu.memory_space<hbm>> -> memref<1x1x1x8x128xf32, #tpu.memory_space<hbm>>
    %dma_wait3A_169 = tpu.memref_squeeze %dma_wait3A_168 : memref<1x1x1x8x128xf32, #tpu.memory_space<hbm>> -> memref<8x128xf32, #tpu.memory_space<hbm>>
    %dma_wait3A_170 = arith.constant 0 : i32
    %dma_wait3A_171 = arith.constant 0 : i32
    %dma_wait3A_172 = tpu.memref_slice %arg4[%dma_wait3A_160, %dma_wait3A_161, %add3A, %dma_wait3A_170, %dma_wait3A_171] : memref<200x8x32x8x128xf32, #tpu.memory_space<hbm>> -> memref<1x1x1x8x128xf32, #tpu.memory_space<hbm>>
    %dma_wait3A_173 = tpu.memref_squeeze %dma_wait3A_172 : memref<1x1x1x8x128xf32, #tpu.memory_space<hbm>> -> memref<8x128xf32, #tpu.memory_space<hbm>>
    %dma_wait3A_174 = arith.constant 0 : i32
    %dma_wait3A_175 = arith.constant 0 : i32
    %dma_wait3A_176 = tpu.memref_slice %arg10[%dma_wait3A_159, %dma_wait3A_174, %dma_wait3A_175] : memref<8x8x129xf32, #tpu.memory_space<vmem>> -> memref<1x8x128xf32, #tpu.memory_space<vmem>>
    %dma_wait3A_177 = tpu.memref_squeeze %dma_wait3A_176 : memref<1x8x128xf32, #tpu.memory_space<vmem>> -> memref<8x128xf32, #tpu.memory_space<vmem>>
    tpu.wait_dma2 semaphore(%arg18 : memref<!tpu.dma_semaphore, #tpu.memory_space<semaphore_mem>>) src(%dma_wait3A_177 : memref<8x128xf32, #tpu.memory_space<vmem>>) dst(%dma_wait3A_173 : memref<8x128xf32, #tpu.memory_space<hbm>>)
    %dma_wait3A_178 = arith.constant 5 : i32
    %dma_wait3A_179 = arith.constant 0 : i32
    %dma_wait3A_180 = arith.constant 5 : i32
    %dma_wait3A_181 = arith.constant 0 : i32
    %dma_wait3A_182 = arith.constant 0 : i32
    %dma_wait3A_183 = tpu.memref_slice %arg10[%dma_wait3A_178, %dma_wait3A_181, %dma_wait3A_182] : memref<8x8x129xf32, #tpu.memory_space<vmem>> -> memref<1x8x128xf32, #tpu.memory_space<vmem>>
    %dma_wait3A_184 = tpu.memref_squeeze %dma_wait3A_183 : memref<1x8x128xf32, #tpu.memory_space<vmem>> -> memref<8x128xf32, #tpu.memory_space<vmem>>
    %dma_wait3A_185 = arith.constant 0 : i32
    %dma_wait3A_186 = arith.constant 0 : i32
    %dma_wait3A_187 = tpu.memref_slice %arg4[%dma_wait3A_179, %dma_wait3A_180, %add3A, %dma_wait3A_185, %dma_wait3A_186] : memref<200x8x32x8x128xf32, #tpu.memory_space<hbm>> -> memref<1x1x1x8x128xf32, #tpu.memory_space<hbm>>
    %dma_wait3A_188 = tpu.memref_squeeze %dma_wait3A_187 : memref<1x1x1x8x128xf32, #tpu.memory_space<hbm>> -> memref<8x128xf32, #tpu.memory_space<hbm>>
    %dma_wait3A_189 = arith.constant 0 : i32
    %dma_wait3A_190 = arith.constant 0 : i32
    %dma_wait3A_191 = tpu.memref_slice %arg4[%dma_wait3A_179, %dma_wait3A_180, %add3A, %dma_wait3A_189, %dma_wait3A_190] : memref<200x8x32x8x128xf32, #tpu.memory_space<hbm>> -> memref<1x1x1x8x128xf32, #tpu.memory_space<hbm>>
    %dma_wait3A_192 = tpu.memref_squeeze %dma_wait3A_191 : memref<1x1x1x8x128xf32, #tpu.memory_space<hbm>> -> memref<8x128xf32, #tpu.memory_space<hbm>>
    %dma_wait3A_193 = arith.constant 0 : i32
    %dma_wait3A_194 = arith.constant 0 : i32
    %dma_wait3A_195 = tpu.memref_slice %arg10[%dma_wait3A_178, %dma_wait3A_193, %dma_wait3A_194] : memref<8x8x129xf32, #tpu.memory_space<vmem>> -> memref<1x8x128xf32, #tpu.memory_space<vmem>>
    %dma_wait3A_196 = tpu.memref_squeeze %dma_wait3A_195 : memref<1x8x128xf32, #tpu.memory_space<vmem>> -> memref<8x128xf32, #tpu.memory_space<vmem>>
    tpu.wait_dma2 semaphore(%arg18 : memref<!tpu.dma_semaphore, #tpu.memory_space<semaphore_mem>>) src(%dma_wait3A_196 : memref<8x128xf32, #tpu.memory_space<vmem>>) dst(%dma_wait3A_192 : memref<8x128xf32, #tpu.memory_space<hbm>>)
    %dma_wait3A_197 = arith.constant 6 : i32
    %dma_wait3A_198 = arith.constant 0 : i32
    %dma_wait3A_199 = arith.constant 6 : i32
    %dma_wait3A_200 = arith.constant 0 : i32
    %dma_wait3A_201 = arith.constant 0 : i32
    %dma_wait3A_202 = tpu.memref_slice %arg10[%dma_wait3A_197, %dma_wait3A_200, %dma_wait3A_201] : memref<8x8x129xf32, #tpu.memory_space<vmem>> -> memref<1x8x128xf32, #tpu.memory_space<vmem>>
    %dma_wait3A_203 = tpu.memref_squeeze %dma_wait3A_202 : memref<1x8x128xf32, #tpu.memory_space<vmem>> -> memref<8x128xf32, #tpu.memory_space<vmem>>
    %dma_wait3A_204 = arith.constant 0 : i32
    %dma_wait3A_205 = arith.constant 0 : i32
    %dma_wait3A_206 = tpu.memref_slice %arg4[%dma_wait3A_198, %dma_wait3A_199, %add3A, %dma_wait3A_204, %dma_wait3A_205] : memref<200x8x32x8x128xf32, #tpu.memory_space<hbm>> -> memref<1x1x1x8x128xf32, #tpu.memory_space<hbm>>
    %dma_wait3A_207 = tpu.memref_squeeze %dma_wait3A_206 : memref<1x1x1x8x128xf32, #tpu.memory_space<hbm>> -> memref<8x128xf32, #tpu.memory_space<hbm>>
    %dma_wait3A_208 = arith.constant 0 : i32
    %dma_wait3A_209 = arith.constant 0 : i32
    %dma_wait3A_210 = tpu.memref_slice %arg4[%dma_wait3A_198, %dma_wait3A_199, %add3A, %dma_wait3A_208, %dma_wait3A_209] : memref<200x8x32x8x128xf32, #tpu.memory_space<hbm>> -> memref<1x1x1x8x128xf32, #tpu.memory_space<hbm>>
    %dma_wait3A_211 = tpu.memref_squeeze %dma_wait3A_210 : memref<1x1x1x8x128xf32, #tpu.memory_space<hbm>> -> memref<8x128xf32, #tpu.memory_space<hbm>>
    %dma_wait3A_212 = arith.constant 0 : i32
    %dma_wait3A_213 = arith.constant 0 : i32
    %dma_wait3A_214 = tpu.memref_slice %arg10[%dma_wait3A_197, %dma_wait3A_212, %dma_wait3A_213] : memref<8x8x129xf32, #tpu.memory_space<vmem>> -> memref<1x8x128xf32, #tpu.memory_space<vmem>>
    %dma_wait3A_215 = tpu.memref_squeeze %dma_wait3A_214 : memref<1x8x128xf32, #tpu.memory_space<vmem>> -> memref<8x128xf32, #tpu.memory_space<vmem>>
    tpu.wait_dma2 semaphore(%arg18 : memref<!tpu.dma_semaphore, #tpu.memory_space<semaphore_mem>>) src(%dma_wait3A_215 : memref<8x128xf32, #tpu.memory_space<vmem>>) dst(%dma_wait3A_211 : memref<8x128xf32, #tpu.memory_space<hbm>>)
    %dma_wait3A_216 = arith.constant 7 : i32
    %dma_wait3A_217 = arith.constant 0 : i32
    %dma_wait3A_218 = arith.constant 7 : i32
    %dma_wait3A_219 = arith.constant 0 : i32
    %dma_wait3A_220 = arith.constant 0 : i32
    %dma_wait3A_221 = tpu.memref_slice %arg10[%dma_wait3A_216, %dma_wait3A_219, %dma_wait3A_220] : memref<8x8x129xf32, #tpu.memory_space<vmem>> -> memref<1x8x128xf32, #tpu.memory_space<vmem>>
    %dma_wait3A_222 = tpu.memref_squeeze %dma_wait3A_221 : memref<1x8x128xf32, #tpu.memory_space<vmem>> -> memref<8x128xf32, #tpu.memory_space<vmem>>
    %dma_wait3A_223 = arith.constant 0 : i32
    %dma_wait3A_224 = arith.constant 0 : i32
    %dma_wait3A_225 = tpu.memref_slice %arg4[%dma_wait3A_217, %dma_wait3A_218, %add3A, %dma_wait3A_223, %dma_wait3A_224] : memref<200x8x32x8x128xf32, #tpu.memory_space<hbm>> -> memref<1x1x1x8x128xf32, #tpu.memory_space<hbm>>
    %dma_wait3A_226 = tpu.memref_squeeze %dma_wait3A_225 : memref<1x1x1x8x128xf32, #tpu.memory_space<hbm>> -> memref<8x128xf32, #tpu.memory_space<hbm>>
    %dma_wait3A_227 = arith.constant 0 : i32
    %dma_wait3A_228 = arith.constant 0 : i32
    %dma_wait3A_229 = tpu.memref_slice %arg4[%dma_wait3A_217, %dma_wait3A_218, %add3A, %dma_wait3A_227, %dma_wait3A_228] : memref<200x8x32x8x128xf32, #tpu.memory_space<hbm>> -> memref<1x1x1x8x128xf32, #tpu.memory_space<hbm>>
    %dma_wait3A_230 = tpu.memref_squeeze %dma_wait3A_229 : memref<1x1x1x8x128xf32, #tpu.memory_space<hbm>> -> memref<8x128xf32, #tpu.memory_space<hbm>>
    %dma_wait3A_231 = arith.constant 0 : i32
    %dma_wait3A_232 = arith.constant 0 : i32
    %dma_wait3A_233 = tpu.memref_slice %arg10[%dma_wait3A_216, %dma_wait3A_231, %dma_wait3A_232] : memref<8x8x129xf32, #tpu.memory_space<vmem>> -> memref<1x8x128xf32, #tpu.memory_space<vmem>>
    %dma_wait3A_234 = tpu.memref_squeeze %dma_wait3A_233 : memref<1x8x128xf32, #tpu.memory_space<vmem>> -> memref<8x128xf32, #tpu.memory_space<vmem>>
    tpu.wait_dma2 semaphore(%arg18 : memref<!tpu.dma_semaphore, #tpu.memory_space<semaphore_mem>>) src(%dma_wait3A_234 : memref<8x128xf32, #tpu.memory_space<vmem>>) dst(%dma_wait3A_230 : memref<8x128xf32, #tpu.memory_space<hbm>>)
    %dma_wait3A_235 = arith.constant 0 : i32
    %dma_wait3A_236 = arith.constant 0 : i32
    %dma_wait3A_237 = arith.constant 0 : i32
    %dma_wait3A_238 = arith.constant 0 : i32
    %dma_wait3A_239 = arith.constant 0 : i32
    %dma_wait3A_240 = tpu.memref_slice %arg11[%dma_wait3A_235, %dma_wait3A_238, %dma_wait3A_239] : memref<8x8x129xf32, #tpu.memory_space<vmem>> -> memref<1x8x128xf32, #tpu.memory_space<vmem>>
    %dma_wait3A_241 = tpu.memref_squeeze %dma_wait3A_240 : memref<1x8x128xf32, #tpu.memory_space<vmem>> -> memref<8x128xf32, #tpu.memory_space<vmem>>
    %dma_wait3A_242 = arith.constant 0 : i32
    %dma_wait3A_243 = arith.constant 0 : i32
    %dma_wait3A_244 = tpu.memref_slice %arg4[%dma_wait3A_236, %dma_wait3A_237, %add3A, %dma_wait3A_242, %dma_wait3A_243] : memref<200x8x32x8x128xf32, #tpu.memory_space<hbm>> -> memref<1x1x1x8x128xf32, #tpu.memory_space<hbm>>
    %dma_wait3A_245 = tpu.memref_squeeze %dma_wait3A_244 : memref<1x1x1x8x128xf32, #tpu.memory_space<hbm>> -> memref<8x128xf32, #tpu.memory_space<hbm>>
    %dma_wait3A_246 = arith.constant 0 : i32
    %dma_wait3A_247 = arith.constant 0 : i32
    %dma_wait3A_248 = tpu.memref_slice %arg4[%dma_wait3A_236, %dma_wait3A_237, %add3A, %dma_wait3A_246, %dma_wait3A_247] : memref<200x8x32x8x128xf32, #tpu.memory_space<hbm>> -> memref<1x1x1x8x128xf32, #tpu.memory_space<hbm>>
    %dma_wait3A_249 = tpu.memref_squeeze %dma_wait3A_248 : memref<1x1x1x8x128xf32, #tpu.memory_space<hbm>> -> memref<8x128xf32, #tpu.memory_space<hbm>>
    %dma_wait3A_250 = arith.constant 0 : i32
    %dma_wait3A_251 = arith.constant 0 : i32
    %dma_wait3A_252 = tpu.memref_slice %arg11[%dma_wait3A_235, %dma_wait3A_250, %dma_wait3A_251] : memref<8x8x129xf32, #tpu.memory_space<vmem>> -> memref<1x8x128xf32, #tpu.memory_space<vmem>>
    %dma_wait3A_253 = tpu.memref_squeeze %dma_wait3A_252 : memref<1x8x128xf32, #tpu.memory_space<vmem>> -> memref<8x128xf32, #tpu.memory_space<vmem>>
    tpu.wait_dma2 semaphore(%arg19 : memref<!tpu.dma_semaphore, #tpu.memory_space<semaphore_mem>>) src(%dma_wait3A_253 : memref<8x128xf32, #tpu.memory_space<vmem>>) dst(%dma_wait3A_249 : memref<8x128xf32, #tpu.memory_space<hbm>>)
    %dma_wait3A_254 = arith.constant 1 : i32
    %dma_wait3A_255 = arith.constant 0 : i32
    %dma_wait3A_256 = arith.constant 1 : i32
    %dma_wait3A_257 = arith.constant 0 : i32
    %dma_wait3A_258 = arith.constant 0 : i32
    %dma_wait3A_259 = tpu.memref_slice %arg11[%dma_wait3A_254, %dma_wait3A_257, %dma_wait3A_258] : memref<8x8x129xf32, #tpu.memory_space<vmem>> -> memref<1x8x128xf32, #tpu.memory_space<vmem>>
    %dma_wait3A_260 = tpu.memref_squeeze %dma_wait3A_259 : memref<1x8x128xf32, #tpu.memory_space<vmem>> -> memref<8x128xf32, #tpu.memory_space<vmem>>
    %dma_wait3A_261 = arith.constant 0 : i32
    %dma_wait3A_262 = arith.constant 0 : i32
    %dma_wait3A_263 = tpu.memref_slice %arg4[%dma_wait3A_255, %dma_wait3A_256, %add3A, %dma_wait3A_261, %dma_wait3A_262] : memref<200x8x32x8x128xf32, #tpu.memory_space<hbm>> -> memref<1x1x1x8x128xf32, #tpu.memory_space<hbm>>
    %dma_wait3A_264 = tpu.memref_squeeze %dma_wait3A_263 : memref<1x1x1x8x128xf32, #tpu.memory_space<hbm>> -> memref<8x128xf32, #tpu.memory_space<hbm>>
    %dma_wait3A_265 = arith.constant 0 : i32
    %dma_wait3A_266 = arith.constant 0 : i32
    %dma_wait3A_267 = tpu.memref_slice %arg4[%dma_wait3A_255, %dma_wait3A_256, %add3A, %dma_wait3A_265, %dma_wait3A_266] : memref<200x8x32x8x128xf32, #tpu.memory_space<hbm>> -> memref<1x1x1x8x128xf32, #tpu.memory_space<hbm>>
    %dma_wait3A_268 = tpu.memref_squeeze %dma_wait3A_267 : memref<1x1x1x8x128xf32, #tpu.memory_space<hbm>> -> memref<8x128xf32, #tpu.memory_space<hbm>>
    %dma_wait3A_269 = arith.constant 0 : i32
    %dma_wait3A_270 = arith.constant 0 : i32
    %dma_wait3A_271 = tpu.memref_slice %arg11[%dma_wait3A_254, %dma_wait3A_269, %dma_wait3A_270] : memref<8x8x129xf32, #tpu.memory_space<vmem>> -> memref<1x8x128xf32, #tpu.memory_space<vmem>>
    %dma_wait3A_272 = tpu.memref_squeeze %dma_wait3A_271 : memref<1x8x128xf32, #tpu.memory_space<vmem>> -> memref<8x128xf32, #tpu.memory_space<vmem>>
    tpu.wait_dma2 semaphore(%arg19 : memref<!tpu.dma_semaphore, #tpu.memory_space<semaphore_mem>>) src(%dma_wait3A_272 : memref<8x128xf32, #tpu.memory_space<vmem>>) dst(%dma_wait3A_268 : memref<8x128xf32, #tpu.memory_space<hbm>>)
    %dma_wait3A_273 = arith.constant 2 : i32
    %dma_wait3A_274 = arith.constant 0 : i32
    %dma_wait3A_275 = arith.constant 2 : i32
    %dma_wait3A_276 = arith.constant 0 : i32
    %dma_wait3A_277 = arith.constant 0 : i32
    %dma_wait3A_278 = tpu.memref_slice %arg11[%dma_wait3A_273, %dma_wait3A_276, %dma_wait3A_277] : memref<8x8x129xf32, #tpu.memory_space<vmem>> -> memref<1x8x128xf32, #tpu.memory_space<vmem>>
    %dma_wait3A_279 = tpu.memref_squeeze %dma_wait3A_278 : memref<1x8x128xf32, #tpu.memory_space<vmem>> -> memref<8x128xf32, #tpu.memory_space<vmem>>
    %dma_wait3A_280 = arith.constant 0 : i32
    %dma_wait3A_281 = arith.constant 0 : i32
    %dma_wait3A_282 = tpu.memref_slice %arg4[%dma_wait3A_274, %dma_wait3A_275, %add3A, %dma_wait3A_280, %dma_wait3A_281] : memref<200x8x32x8x128xf32, #tpu.memory_space<hbm>> -> memref<1x1x1x8x128xf32, #tpu.memory_space<hbm>>
    %dma_wait3A_283 = tpu.memref_squeeze %dma_wait3A_282 : memref<1x1x1x8x128xf32, #tpu.memory_space<hbm>> -> memref<8x128xf32, #tpu.memory_space<hbm>>
    %dma_wait3A_284 = arith.constant 0 : i32
    %dma_wait3A_285 = arith.constant 0 : i32
    %dma_wait3A_286 = tpu.memref_slice %arg4[%dma_wait3A_274, %dma_wait3A_275, %add3A, %dma_wait3A_284, %dma_wait3A_285] : memref<200x8x32x8x128xf32, #tpu.memory_space<hbm>> -> memref<1x1x1x8x128xf32, #tpu.memory_space<hbm>>
    %dma_wait3A_287 = tpu.memref_squeeze %dma_wait3A_286 : memref<1x1x1x8x128xf32, #tpu.memory_space<hbm>> -> memref<8x128xf32, #tpu.memory_space<hbm>>
    %dma_wait3A_288 = arith.constant 0 : i32
    %dma_wait3A_289 = arith.constant 0 : i32
    %dma_wait3A_290 = tpu.memref_slice %arg11[%dma_wait3A_273, %dma_wait3A_288, %dma_wait3A_289] : memref<8x8x129xf32, #tpu.memory_space<vmem>> -> memref<1x8x128xf32, #tpu.memory_space<vmem>>
    %dma_wait3A_291 = tpu.memref_squeeze %dma_wait3A_290 : memref<1x8x128xf32, #tpu.memory_space<vmem>> -> memref<8x128xf32, #tpu.memory_space<vmem>>
    tpu.wait_dma2 semaphore(%arg19 : memref<!tpu.dma_semaphore, #tpu.memory_space<semaphore_mem>>) src(%dma_wait3A_291 : memref<8x128xf32, #tpu.memory_space<vmem>>) dst(%dma_wait3A_287 : memref<8x128xf32, #tpu.memory_space<hbm>>)
    %dma_wait3A_292 = arith.constant 3 : i32
    %dma_wait3A_293 = arith.constant 0 : i32
    %dma_wait3A_294 = arith.constant 3 : i32
    %dma_wait3A_295 = arith.constant 0 : i32
    %dma_wait3A_296 = arith.constant 0 : i32
    %dma_wait3A_297 = tpu.memref_slice %arg11[%dma_wait3A_292, %dma_wait3A_295, %dma_wait3A_296] : memref<8x8x129xf32, #tpu.memory_space<vmem>> -> memref<1x8x128xf32, #tpu.memory_space<vmem>>
    %dma_wait3A_298 = tpu.memref_squeeze %dma_wait3A_297 : memref<1x8x128xf32, #tpu.memory_space<vmem>> -> memref<8x128xf32, #tpu.memory_space<vmem>>
    %dma_wait3A_299 = arith.constant 0 : i32
    %dma_wait3A_300 = arith.constant 0 : i32
    %dma_wait3A_301 = tpu.memref_slice %arg4[%dma_wait3A_293, %dma_wait3A_294, %add3A, %dma_wait3A_299, %dma_wait3A_300] : memref<200x8x32x8x128xf32, #tpu.memory_space<hbm>> -> memref<1x1x1x8x128xf32, #tpu.memory_space<hbm>>
    %dma_wait3A_302 = tpu.memref_squeeze %dma_wait3A_301 : memref<1x1x1x8x128xf32, #tpu.memory_space<hbm>> -> memref<8x128xf32, #tpu.memory_space<hbm>>
    %dma_wait3A_303 = arith.constant 0 : i32
    %dma_wait3A_304 = arith.constant 0 : i32
    %dma_wait3A_305 = tpu.memref_slice %arg4[%dma_wait3A_293, %dma_wait3A_294, %add3A, %dma_wait3A_303, %dma_wait3A_304] : memref<200x8x32x8x128xf32, #tpu.memory_space<hbm>> -> memref<1x1x1x8x128xf32, #tpu.memory_space<hbm>>
    %dma_wait3A_306 = tpu.memref_squeeze %dma_wait3A_305 : memref<1x1x1x8x128xf32, #tpu.memory_space<hbm>> -> memref<8x128xf32, #tpu.memory_space<hbm>>
    %dma_wait3A_307 = arith.constant 0 : i32
    %dma_wait3A_308 = arith.constant 0 : i32
    %dma_wait3A_309 = tpu.memref_slice %arg11[%dma_wait3A_292, %dma_wait3A_307, %dma_wait3A_308] : memref<8x8x129xf32, #tpu.memory_space<vmem>> -> memref<1x8x128xf32, #tpu.memory_space<vmem>>
    %dma_wait3A_310 = tpu.memref_squeeze %dma_wait3A_309 : memref<1x8x128xf32, #tpu.memory_space<vmem>> -> memref<8x128xf32, #tpu.memory_space<vmem>>
    tpu.wait_dma2 semaphore(%arg19 : memref<!tpu.dma_semaphore, #tpu.memory_space<semaphore_mem>>) src(%dma_wait3A_310 : memref<8x128xf32, #tpu.memory_space<vmem>>) dst(%dma_wait3A_306 : memref<8x128xf32, #tpu.memory_space<hbm>>)
    %dma_wait3A_311 = arith.constant 4 : i32
    %dma_wait3A_312 = arith.constant 0 : i32
    %dma_wait3A_313 = arith.constant 4 : i32
    %dma_wait3A_314 = arith.constant 0 : i32
    %dma_wait3A_315 = arith.constant 0 : i32
    %dma_wait3A_316 = tpu.memref_slice %arg11[%dma_wait3A_311, %dma_wait3A_314, %dma_wait3A_315] : memref<8x8x129xf32, #tpu.memory_space<vmem>> -> memref<1x8x128xf32, #tpu.memory_space<vmem>>
    %dma_wait3A_317 = tpu.memref_squeeze %dma_wait3A_316 : memref<1x8x128xf32, #tpu.memory_space<vmem>> -> memref<8x128xf32, #tpu.memory_space<vmem>>
    %dma_wait3A_318 = arith.constant 0 : i32
    %dma_wait3A_319 = arith.constant 0 : i32
    %dma_wait3A_320 = tpu.memref_slice %arg4[%dma_wait3A_312, %dma_wait3A_313, %add3A, %dma_wait3A_318, %dma_wait3A_319] : memref<200x8x32x8x128xf32, #tpu.memory_space<hbm>> -> memref<1x1x1x8x128xf32, #tpu.memory_space<hbm>>
    %dma_wait3A_321 = tpu.memref_squeeze %dma_wait3A_320 : memref<1x1x1x8x128xf32, #tpu.memory_space<hbm>> -> memref<8x128xf32, #tpu.memory_space<hbm>>
    %dma_wait3A_322 = arith.constant 0 : i32
    %dma_wait3A_323 = arith.constant 0 : i32
    %dma_wait3A_324 = tpu.memref_slice %arg4[%dma_wait3A_312, %dma_wait3A_313, %add3A, %dma_wait3A_322, %dma_wait3A_323] : memref<200x8x32x8x128xf32, #tpu.memory_space<hbm>> -> memref<1x1x1x8x128xf32, #tpu.memory_space<hbm>>
    %dma_wait3A_325 = tpu.memref_squeeze %dma_wait3A_324 : memref<1x1x1x8x128xf32, #tpu.memory_space<hbm>> -> memref<8x128xf32, #tpu.memory_space<hbm>>
    %dma_wait3A_326 = arith.constant 0 : i32
    %dma_wait3A_327 = arith.constant 0 : i32
    %dma_wait3A_328 = tpu.memref_slice %arg11[%dma_wait3A_311, %dma_wait3A_326, %dma_wait3A_327] : memref<8x8x129xf32, #tpu.memory_space<vmem>> -> memref<1x8x128xf32, #tpu.memory_space<vmem>>
    %dma_wait3A_329 = tpu.memref_squeeze %dma_wait3A_328 : memref<1x8x128xf32, #tpu.memory_space<vmem>> -> memref<8x128xf32, #tpu.memory_space<vmem>>
    tpu.wait_dma2 semaphore(%arg19 : memref<!tpu.dma_semaphore, #tpu.memory_space<semaphore_mem>>) src(%dma_wait3A_329 : memref<8x128xf32, #tpu.memory_space<vmem>>) dst(%dma_wait3A_325 : memref<8x128xf32, #tpu.memory_space<hbm>>)
    %dma_wait3A_330 = arith.constant 5 : i32
    %dma_wait3A_331 = arith.constant 0 : i32
    %dma_wait3A_332 = arith.constant 5 : i32
    %dma_wait3A_333 = arith.constant 0 : i32
    %dma_wait3A_334 = arith.constant 0 : i32
    %dma_wait3A_335 = tpu.memref_slice %arg11[%dma_wait3A_330, %dma_wait3A_333, %dma_wait3A_334] : memref<8x8x129xf32, #tpu.memory_space<vmem>> -> memref<1x8x128xf32, #tpu.memory_space<vmem>>
    %dma_wait3A_336 = tpu.memref_squeeze %dma_wait3A_335 : memref<1x8x128xf32, #tpu.memory_space<vmem>> -> memref<8x128xf32, #tpu.memory_space<vmem>>
    %dma_wait3A_337 = arith.constant 0 : i32
    %dma_wait3A_338 = arith.constant 0 : i32
    %dma_wait3A_339 = tpu.memref_slice %arg4[%dma_wait3A_331, %dma_wait3A_332, %add3A, %dma_wait3A_337, %dma_wait3A_338] : memref<200x8x32x8x128xf32, #tpu.memory_space<hbm>> -> memref<1x1x1x8x128xf32, #tpu.memory_space<hbm>>
    %dma_wait3A_340 = tpu.memref_squeeze %dma_wait3A_339 : memref<1x1x1x8x128xf32, #tpu.memory_space<hbm>> -> memref<8x128xf32, #tpu.memory_space<hbm>>
    %dma_wait3A_341 = arith.constant 0 : i32
    %dma_wait3A_342 = arith.constant 0 : i32
    %dma_wait3A_343 = tpu.memref_slice %arg4[%dma_wait3A_331, %dma_wait3A_332, %add3A, %dma_wait3A_341, %dma_wait3A_342] : memref<200x8x32x8x128xf32, #tpu.memory_space<hbm>> -> memref<1x1x1x8x128xf32, #tpu.memory_space<hbm>>
    %dma_wait3A_344 = tpu.memref_squeeze %dma_wait3A_343 : memref<1x1x1x8x128xf32, #tpu.memory_space<hbm>> -> memref<8x128xf32, #tpu.memory_space<hbm>>
    %dma_wait3A_345 = arith.constant 0 : i32
    %dma_wait3A_346 = arith.constant 0 : i32
    %dma_wait3A_347 = tpu.memref_slice %arg11[%dma_wait3A_330, %dma_wait3A_345, %dma_wait3A_346] : memref<8x8x129xf32, #tpu.memory_space<vmem>> -> memref<1x8x128xf32, #tpu.memory_space<vmem>>
    %dma_wait3A_348 = tpu.memref_squeeze %dma_wait3A_347 : memref<1x8x128xf32, #tpu.memory_space<vmem>> -> memref<8x128xf32, #tpu.memory_space<vmem>>
    tpu.wait_dma2 semaphore(%arg19 : memref<!tpu.dma_semaphore, #tpu.memory_space<semaphore_mem>>) src(%dma_wait3A_348 : memref<8x128xf32, #tpu.memory_space<vmem>>) dst(%dma_wait3A_344 : memref<8x128xf32, #tpu.memory_space<hbm>>)
    %dma_wait3A_349 = arith.constant 6 : i32
    %dma_wait3A_350 = arith.constant 0 : i32
    %dma_wait3A_351 = arith.constant 6 : i32
    %dma_wait3A_352 = arith.constant 0 : i32
    %dma_wait3A_353 = arith.constant 0 : i32
    %dma_wait3A_354 = tpu.memref_slice %arg11[%dma_wait3A_349, %dma_wait3A_352, %dma_wait3A_353] : memref<8x8x129xf32, #tpu.memory_space<vmem>> -> memref<1x8x128xf32, #tpu.memory_space<vmem>>
    %dma_wait3A_355 = tpu.memref_squeeze %dma_wait3A_354 : memref<1x8x128xf32, #tpu.memory_space<vmem>> -> memref<8x128xf32, #tpu.memory_space<vmem>>
    %dma_wait3A_356 = arith.constant 0 : i32
    %dma_wait3A_357 = arith.constant 0 : i32
    %dma_wait3A_358 = tpu.memref_slice %arg4[%dma_wait3A_350, %dma_wait3A_351, %add3A, %dma_wait3A_356, %dma_wait3A_357] : memref<200x8x32x8x128xf32, #tpu.memory_space<hbm>> -> memref<1x1x1x8x128xf32, #tpu.memory_space<hbm>>
    %dma_wait3A_359 = tpu.memref_squeeze %dma_wait3A_358 : memref<1x1x1x8x128xf32, #tpu.memory_space<hbm>> -> memref<8x128xf32, #tpu.memory_space<hbm>>
    %dma_wait3A_360 = arith.constant 0 : i32
    %dma_wait3A_361 = arith.constant 0 : i32
    %dma_wait3A_362 = tpu.memref_slice %arg4[%dma_wait3A_350, %dma_wait3A_351, %add3A, %dma_wait3A_360, %dma_wait3A_361] : memref<200x8x32x8x128xf32, #tpu.memory_space<hbm>> -> memref<1x1x1x8x128xf32, #tpu.memory_space<hbm>>
    %dma_wait3A_363 = tpu.memref_squeeze %dma_wait3A_362 : memref<1x1x1x8x128xf32, #tpu.memory_space<hbm>> -> memref<8x128xf32, #tpu.memory_space<hbm>>
    %dma_wait3A_364 = arith.constant 0 : i32
    %dma_wait3A_365 = arith.constant 0 : i32
    %dma_wait3A_366 = tpu.memref_slice %arg11[%dma_wait3A_349, %dma_wait3A_364, %dma_wait3A_365] : memref<8x8x129xf32, #tpu.memory_space<vmem>> -> memref<1x8x128xf32, #tpu.memory_space<vmem>>
    %dma_wait3A_367 = tpu.memref_squeeze %dma_wait3A_366 : memref<1x8x128xf32, #tpu.memory_space<vmem>> -> memref<8x128xf32, #tpu.memory_space<vmem>>
    tpu.wait_dma2 semaphore(%arg19 : memref<!tpu.dma_semaphore, #tpu.memory_space<semaphore_mem>>) src(%dma_wait3A_367 : memref<8x128xf32, #tpu.memory_space<vmem>>) dst(%dma_wait3A_363 : memref<8x128xf32, #tpu.memory_space<hbm>>)
    %dma_wait3A_368 = arith.constant 7 : i32
    %dma_wait3A_369 = arith.constant 0 : i32
    %dma_wait3A_370 = arith.constant 7 : i32
    %dma_wait3A_371 = arith.constant 0 : i32
    %dma_wait3A_372 = arith.constant 0 : i32
    %dma_wait3A_373 = tpu.memref_slice %arg11[%dma_wait3A_368, %dma_wait3A_371, %dma_wait3A_372] : memref<8x8x129xf32, #tpu.memory_space<vmem>> -> memref<1x8x128xf32, #tpu.memory_space<vmem>>
    %dma_wait3A_374 = tpu.memref_squeeze %dma_wait3A_373 : memref<1x8x128xf32, #tpu.memory_space<vmem>> -> memref<8x128xf32, #tpu.memory_space<vmem>>
    %dma_wait3A_375 = arith.constant 0 : i32
    %dma_wait3A_376 = arith.constant 0 : i32
    %dma_wait3A_377 = tpu.memref_slice %arg4[%dma_wait3A_369, %dma_wait3A_370, %add3A, %dma_wait3A_375, %dma_wait3A_376] : memref<200x8x32x8x128xf32, #tpu.memory_space<hbm>> -> memref<1x1x1x8x128xf32, #tpu.memory_space<hbm>>
    %dma_wait3A_378 = tpu.memref_squeeze %dma_wait3A_377 : memref<1x1x1x8x128xf32, #tpu.memory_space<hbm>> -> memref<8x128xf32, #tpu.memory_space<hbm>>
    %dma_wait3A_379 = arith.constant 0 : i32
    %dma_wait3A_380 = arith.constant 0 : i32
    %dma_wait3A_381 = tpu.memref_slice %arg4[%dma_wait3A_369, %dma_wait3A_370, %add3A, %dma_wait3A_379, %dma_wait3A_380] : memref<200x8x32x8x128xf32, #tpu.memory_space<hbm>> -> memref<1x1x1x8x128xf32, #tpu.memory_space<hbm>>
    %dma_wait3A_382 = tpu.memref_squeeze %dma_wait3A_381 : memref<1x1x1x8x128xf32, #tpu.memory_space<hbm>> -> memref<8x128xf32, #tpu.memory_space<hbm>>
    %dma_wait3A_383 = arith.constant 0 : i32
    %dma_wait3A_384 = arith.constant 0 : i32
    %dma_wait3A_385 = tpu.memref_slice %arg11[%dma_wait3A_368, %dma_wait3A_383, %dma_wait3A_384] : memref<8x8x129xf32, #tpu.memory_space<vmem>> -> memref<1x8x128xf32, #tpu.memory_space<vmem>>
    %dma_wait3A_386 = tpu.memref_squeeze %dma_wait3A_385 : memref<1x8x128xf32, #tpu.memory_space<vmem>> -> memref<8x128xf32, #tpu.memory_space<vmem>>
    tpu.wait_dma2 semaphore(%arg19 : memref<!tpu.dma_semaphore, #tpu.memory_space<semaphore_mem>>) src(%dma_wait3A_386 : memref<8x128xf32, #tpu.memory_space<vmem>>) dst(%dma_wait3A_382 : memref<8x128xf32, #tpu.memory_space<hbm>>)
    %dma_wait3A_387 = arith.constant 0 : i32
    %dma_wait3A_388 = arith.constant 0 : i32
    %dma_wait3A_389 = arith.constant 0 : i32
    %dma_wait3A_390 = arith.constant 0 : i32
    %dma_wait3A_391 = arith.constant 0 : i32
    %dma_wait3A_392 = tpu.memref_slice %arg12[%dma_wait3A_387, %dma_wait3A_390, %dma_wait3A_391] : memref<8x8x129xf32, #tpu.memory_space<vmem>> -> memref<1x8x128xf32, #tpu.memory_space<vmem>>
    %dma_wait3A_393 = tpu.memref_squeeze %dma_wait3A_392 : memref<1x8x128xf32, #tpu.memory_space<vmem>> -> memref<8x128xf32, #tpu.memory_space<vmem>>
    %dma_wait3A_394 = arith.constant 0 : i32
    %dma_wait3A_395 = arith.constant 0 : i32
    %dma_wait3A_396 = tpu.memref_slice %arg4[%dma_wait3A_388, %dma_wait3A_389, %add3A, %dma_wait3A_394, %dma_wait3A_395] : memref<200x8x32x8x128xf32, #tpu.memory_space<hbm>> -> memref<1x1x1x8x128xf32, #tpu.memory_space<hbm>>
    %dma_wait3A_397 = tpu.memref_squeeze %dma_wait3A_396 : memref<1x1x1x8x128xf32, #tpu.memory_space<hbm>> -> memref<8x128xf32, #tpu.memory_space<hbm>>
    %dma_wait3A_398 = arith.constant 0 : i32
    %dma_wait3A_399 = arith.constant 0 : i32
    %dma_wait3A_400 = tpu.memref_slice %arg4[%dma_wait3A_388, %dma_wait3A_389, %add3A, %dma_wait3A_398, %dma_wait3A_399] : memref<200x8x32x8x128xf32, #tpu.memory_space<hbm>> -> memref<1x1x1x8x128xf32, #tpu.memory_space<hbm>>
    %dma_wait3A_401 = tpu.memref_squeeze %dma_wait3A_400 : memref<1x1x1x8x128xf32, #tpu.memory_space<hbm>> -> memref<8x128xf32, #tpu.memory_space<hbm>>
    %dma_wait3A_402 = arith.constant 0 : i32
    %dma_wait3A_403 = arith.constant 0 : i32
    %dma_wait3A_404 = tpu.memref_slice %arg12[%dma_wait3A_387, %dma_wait3A_402, %dma_wait3A_403] : memref<8x8x129xf32, #tpu.memory_space<vmem>> -> memref<1x8x128xf32, #tpu.memory_space<vmem>>
    %dma_wait3A_405 = tpu.memref_squeeze %dma_wait3A_404 : memref<1x8x128xf32, #tpu.memory_space<vmem>> -> memref<8x128xf32, #tpu.memory_space<vmem>>
    tpu.wait_dma2 semaphore(%arg20 : memref<!tpu.dma_semaphore, #tpu.memory_space<semaphore_mem>>) src(%dma_wait3A_405 : memref<8x128xf32, #tpu.memory_space<vmem>>) dst(%dma_wait3A_401 : memref<8x128xf32, #tpu.memory_space<hbm>>)
    %dma_wait3A_406 = arith.constant 1 : i32
    %dma_wait3A_407 = arith.constant 0 : i32
    %dma_wait3A_408 = arith.constant 1 : i32
    %dma_wait3A_409 = arith.constant 0 : i32
    %dma_wait3A_410 = arith.constant 0 : i32
    %dma_wait3A_411 = tpu.memref_slice %arg12[%dma_wait3A_406, %dma_wait3A_409, %dma_wait3A_410] : memref<8x8x129xf32, #tpu.memory_space<vmem>> -> memref<1x8x128xf32, #tpu.memory_space<vmem>>
    %dma_wait3A_412 = tpu.memref_squeeze %dma_wait3A_411 : memref<1x8x128xf32, #tpu.memory_space<vmem>> -> memref<8x128xf32, #tpu.memory_space<vmem>>
    %dma_wait3A_413 = arith.constant 0 : i32
    %dma_wait3A_414 = arith.constant 0 : i32
    %dma_wait3A_415 = tpu.memref_slice %arg4[%dma_wait3A_407, %dma_wait3A_408, %add3A, %dma_wait3A_413, %dma_wait3A_414] : memref<200x8x32x8x128xf32, #tpu.memory_space<hbm>> -> memref<1x1x1x8x128xf32, #tpu.memory_space<hbm>>
    %dma_wait3A_416 = tpu.memref_squeeze %dma_wait3A_415 : memref<1x1x1x8x128xf32, #tpu.memory_space<hbm>> -> memref<8x128xf32, #tpu.memory_space<hbm>>
    %dma_wait3A_417 = arith.constant 0 : i32
    %dma_wait3A_418 = arith.constant 0 : i32
    %dma_wait3A_419 = tpu.memref_slice %arg4[%dma_wait3A_407, %dma_wait3A_408, %add3A, %dma_wait3A_417, %dma_wait3A_418] : memref<200x8x32x8x128xf32, #tpu.memory_space<hbm>> -> memref<1x1x1x8x128xf32, #tpu.memory_space<hbm>>
    %dma_wait3A_420 = tpu.memref_squeeze %dma_wait3A_419 : memref<1x1x1x8x128xf32, #tpu.memory_space<hbm>> -> memref<8x128xf32, #tpu.memory_space<hbm>>
    %dma_wait3A_421 = arith.constant 0 : i32
    %dma_wait3A_422 = arith.constant 0 : i32
    %dma_wait3A_423 = tpu.memref_slice %arg12[%dma_wait3A_406, %dma_wait3A_421, %dma_wait3A_422] : memref<8x8x129xf32, #tpu.memory_space<vmem>> -> memref<1x8x128xf32, #tpu.memory_space<vmem>>
    %dma_wait3A_424 = tpu.memref_squeeze %dma_wait3A_423 : memref<1x8x128xf32, #tpu.memory_space<vmem>> -> memref<8x128xf32, #tpu.memory_space<vmem>>
    tpu.wait_dma2 semaphore(%arg20 : memref<!tpu.dma_semaphore, #tpu.memory_space<semaphore_mem>>) src(%dma_wait3A_424 : memref<8x128xf32, #tpu.memory_space<vmem>>) dst(%dma_wait3A_420 : memref<8x128xf32, #tpu.memory_space<hbm>>)
    %dma_wait3A_425 = arith.constant 2 : i32
    %dma_wait3A_426 = arith.constant 0 : i32
    %dma_wait3A_427 = arith.constant 2 : i32
    %dma_wait3A_428 = arith.constant 0 : i32
    %dma_wait3A_429 = arith.constant 0 : i32
    %dma_wait3A_430 = tpu.memref_slice %arg12[%dma_wait3A_425, %dma_wait3A_428, %dma_wait3A_429] : memref<8x8x129xf32, #tpu.memory_space<vmem>> -> memref<1x8x128xf32, #tpu.memory_space<vmem>>
    %dma_wait3A_431 = tpu.memref_squeeze %dma_wait3A_430 : memref<1x8x128xf32, #tpu.memory_space<vmem>> -> memref<8x128xf32, #tpu.memory_space<vmem>>
    %dma_wait3A_432 = arith.constant 0 : i32
    %dma_wait3A_433 = arith.constant 0 : i32
    %dma_wait3A_434 = tpu.memref_slice %arg4[%dma_wait3A_426, %dma_wait3A_427, %add3A, %dma_wait3A_432, %dma_wait3A_433] : memref<200x8x32x8x128xf32, #tpu.memory_space<hbm>> -> memref<1x1x1x8x128xf32, #tpu.memory_space<hbm>>
    %dma_wait3A_435 = tpu.memref_squeeze %dma_wait3A_434 : memref<1x1x1x8x128xf32, #tpu.memory_space<hbm>> -> memref<8x128xf32, #tpu.memory_space<hbm>>
    %dma_wait3A_436 = arith.constant 0 : i32
    %dma_wait3A_437 = arith.constant 0 : i32
    %dma_wait3A_438 = tpu.memref_slice %arg4[%dma_wait3A_426, %dma_wait3A_427, %add3A, %dma_wait3A_436, %dma_wait3A_437] : memref<200x8x32x8x128xf32, #tpu.memory_space<hbm>> -> memref<1x1x1x8x128xf32, #tpu.memory_space<hbm>>
    %dma_wait3A_439 = tpu.memref_squeeze %dma_wait3A_438 : memref<1x1x1x8x128xf32, #tpu.memory_space<hbm>> -> memref<8x128xf32, #tpu.memory_space<hbm>>
    %dma_wait3A_440 = arith.constant 0 : i32
    %dma_wait3A_441 = arith.constant 0 : i32
    %dma_wait3A_442 = tpu.memref_slice %arg12[%dma_wait3A_425, %dma_wait3A_440, %dma_wait3A_441] : memref<8x8x129xf32, #tpu.memory_space<vmem>> -> memref<1x8x128xf32, #tpu.memory_space<vmem>>
    %dma_wait3A_443 = tpu.memref_squeeze %dma_wait3A_442 : memref<1x8x128xf32, #tpu.memory_space<vmem>> -> memref<8x128xf32, #tpu.memory_space<vmem>>
    tpu.wait_dma2 semaphore(%arg20 : memref<!tpu.dma_semaphore, #tpu.memory_space<semaphore_mem>>) src(%dma_wait3A_443 : memref<8x128xf32, #tpu.memory_space<vmem>>) dst(%dma_wait3A_439 : memref<8x128xf32, #tpu.memory_space<hbm>>)
    %dma_wait3A_444 = arith.constant 3 : i32
    %dma_wait3A_445 = arith.constant 0 : i32
    %dma_wait3A_446 = arith.constant 3 : i32
    %dma_wait3A_447 = arith.constant 0 : i32
    %dma_wait3A_448 = arith.constant 0 : i32
    %dma_wait3A_449 = tpu.memref_slice %arg12[%dma_wait3A_444, %dma_wait3A_447, %dma_wait3A_448] : memref<8x8x129xf32, #tpu.memory_space<vmem>> -> memref<1x8x128xf32, #tpu.memory_space<vmem>>
    %dma_wait3A_450 = tpu.memref_squeeze %dma_wait3A_449 : memref<1x8x128xf32, #tpu.memory_space<vmem>> -> memref<8x128xf32, #tpu.memory_space<vmem>>
    %dma_wait3A_451 = arith.constant 0 : i32
    %dma_wait3A_452 = arith.constant 0 : i32
    %dma_wait3A_453 = tpu.memref_slice %arg4[%dma_wait3A_445, %dma_wait3A_446, %add3A, %dma_wait3A_451, %dma_wait3A_452] : memref<200x8x32x8x128xf32, #tpu.memory_space<hbm>> -> memref<1x1x1x8x128xf32, #tpu.memory_space<hbm>>
    %dma_wait3A_454 = tpu.memref_squeeze %dma_wait3A_453 : memref<1x1x1x8x128xf32, #tpu.memory_space<hbm>> -> memref<8x128xf32, #tpu.memory_space<hbm>>
    %dma_wait3A_455 = arith.constant 0 : i32
    %dma_wait3A_456 = arith.constant 0 : i32
    %dma_wait3A_457 = tpu.memref_slice %arg4[%dma_wait3A_445, %dma_wait3A_446, %add3A, %dma_wait3A_455, %dma_wait3A_456] : memref<200x8x32x8x128xf32, #tpu.memory_space<hbm>> -> memref<1x1x1x8x128xf32, #tpu.memory_space<hbm>>
    %dma_wait3A_458 = tpu.memref_squeeze %dma_wait3A_457 : memref<1x1x1x8x128xf32, #tpu.memory_space<hbm>> -> memref<8x128xf32, #tpu.memory_space<hbm>>
    %dma_wait3A_459 = arith.constant 0 : i32
    %dma_wait3A_460 = arith.constant 0 : i32
    %dma_wait3A_461 = tpu.memref_slice %arg12[%dma_wait3A_444, %dma_wait3A_459, %dma_wait3A_460] : memref<8x8x129xf32, #tpu.memory_space<vmem>> -> memref<1x8x128xf32, #tpu.memory_space<vmem>>
    %dma_wait3A_462 = tpu.memref_squeeze %dma_wait3A_461 : memref<1x8x128xf32, #tpu.memory_space<vmem>> -> memref<8x128xf32, #tpu.memory_space<vmem>>
    tpu.wait_dma2 semaphore(%arg20 : memref<!tpu.dma_semaphore, #tpu.memory_space<semaphore_mem>>) src(%dma_wait3A_462 : memref<8x128xf32, #tpu.memory_space<vmem>>) dst(%dma_wait3A_458 : memref<8x128xf32, #tpu.memory_space<hbm>>)
    %dma_wait3A_463 = arith.constant 4 : i32
    %dma_wait3A_464 = arith.constant 0 : i32
    %dma_wait3A_465 = arith.constant 4 : i32
    %dma_wait3A_466 = arith.constant 0 : i32
    %dma_wait3A_467 = arith.constant 0 : i32
    %dma_wait3A_468 = tpu.memref_slice %arg12[%dma_wait3A_463, %dma_wait3A_466, %dma_wait3A_467] : memref<8x8x129xf32, #tpu.memory_space<vmem>> -> memref<1x8x128xf32, #tpu.memory_space<vmem>>
    %dma_wait3A_469 = tpu.memref_squeeze %dma_wait3A_468 : memref<1x8x128xf32, #tpu.memory_space<vmem>> -> memref<8x128xf32, #tpu.memory_space<vmem>>
    %dma_wait3A_470 = arith.constant 0 : i32
    %dma_wait3A_471 = arith.constant 0 : i32
    %dma_wait3A_472 = tpu.memref_slice %arg4[%dma_wait3A_464, %dma_wait3A_465, %add3A, %dma_wait3A_470, %dma_wait3A_471] : memref<200x8x32x8x128xf32, #tpu.memory_space<hbm>> -> memref<1x1x1x8x128xf32, #tpu.memory_space<hbm>>
    %dma_wait3A_473 = tpu.memref_squeeze %dma_wait3A_472 : memref<1x1x1x8x128xf32, #tpu.memory_space<hbm>> -> memref<8x128xf32, #tpu.memory_space<hbm>>
    %dma_wait3A_474 = arith.constant 0 : i32
    %dma_wait3A_475 = arith.constant 0 : i32
    %dma_wait3A_476 = tpu.memref_slice %arg4[%dma_wait3A_464, %dma_wait3A_465, %add3A, %dma_wait3A_474, %dma_wait3A_475] : memref<200x8x32x8x128xf32, #tpu.memory_space<hbm>> -> memref<1x1x1x8x128xf32, #tpu.memory_space<hbm>>
    %dma_wait3A_477 = tpu.memref_squeeze %dma_wait3A_476 : memref<1x1x1x8x128xf32, #tpu.memory_space<hbm>> -> memref<8x128xf32, #tpu.memory_space<hbm>>
    %dma_wait3A_478 = arith.constant 0 : i32
    %dma_wait3A_479 = arith.constant 0 : i32
    %dma_wait3A_480 = tpu.memref_slice %arg12[%dma_wait3A_463, %dma_wait3A_478, %dma_wait3A_479] : memref<8x8x129xf32, #tpu.memory_space<vmem>> -> memref<1x8x128xf32, #tpu.memory_space<vmem>>
    %dma_wait3A_481 = tpu.memref_squeeze %dma_wait3A_480 : memref<1x8x128xf32, #tpu.memory_space<vmem>> -> memref<8x128xf32, #tpu.memory_space<vmem>>
    tpu.wait_dma2 semaphore(%arg20 : memref<!tpu.dma_semaphore, #tpu.memory_space<semaphore_mem>>) src(%dma_wait3A_481 : memref<8x128xf32, #tpu.memory_space<vmem>>) dst(%dma_wait3A_477 : memref<8x128xf32, #tpu.memory_space<hbm>>)
    %dma_wait3A_482 = arith.constant 5 : i32
    %dma_wait3A_483 = arith.constant 0 : i32
    %dma_wait3A_484 = arith.constant 5 : i32
    %dma_wait3A_485 = arith.constant 0 : i32
    %dma_wait3A_486 = arith.constant 0 : i32
    %dma_wait3A_487 = tpu.memref_slice %arg12[%dma_wait3A_482, %dma_wait3A_485, %dma_wait3A_486] : memref<8x8x129xf32, #tpu.memory_space<vmem>> -> memref<1x8x128xf32, #tpu.memory_space<vmem>>
    %dma_wait3A_488 = tpu.memref_squeeze %dma_wait3A_487 : memref<1x8x128xf32, #tpu.memory_space<vmem>> -> memref<8x128xf32, #tpu.memory_space<vmem>>
    %dma_wait3A_489 = arith.constant 0 : i32
    %dma_wait3A_490 = arith.constant 0 : i32
    %dma_wait3A_491 = tpu.memref_slice %arg4[%dma_wait3A_483, %dma_wait3A_484, %add3A, %dma_wait3A_489, %dma_wait3A_490] : memref<200x8x32x8x128xf32, #tpu.memory_space<hbm>> -> memref<1x1x1x8x128xf32, #tpu.memory_space<hbm>>
    %dma_wait3A_492 = tpu.memref_squeeze %dma_wait3A_491 : memref<1x1x1x8x128xf32, #tpu.memory_space<hbm>> -> memref<8x128xf32, #tpu.memory_space<hbm>>
    %dma_wait3A_493 = arith.constant 0 : i32
    %dma_wait3A_494 = arith.constant 0 : i32
    %dma_wait3A_495 = tpu.memref_slice %arg4[%dma_wait3A_483, %dma_wait3A_484, %add3A, %dma_wait3A_493, %dma_wait3A_494] : memref<200x8x32x8x128xf32, #tpu.memory_space<hbm>> -> memref<1x1x1x8x128xf32, #tpu.memory_space<hbm>>
    %dma_wait3A_496 = tpu.memref_squeeze %dma_wait3A_495 : memref<1x1x1x8x128xf32, #tpu.memory_space<hbm>> -> memref<8x128xf32, #tpu.memory_space<hbm>>
    %dma_wait3A_497 = arith.constant 0 : i32
    %dma_wait3A_498 = arith.constant 0 : i32
    %dma_wait3A_499 = tpu.memref_slice %arg12[%dma_wait3A_482, %dma_wait3A_497, %dma_wait3A_498] : memref<8x8x129xf32, #tpu.memory_space<vmem>> -> memref<1x8x128xf32, #tpu.memory_space<vmem>>
    %dma_wait3A_500 = tpu.memref_squeeze %dma_wait3A_499 : memref<1x8x128xf32, #tpu.memory_space<vmem>> -> memref<8x128xf32, #tpu.memory_space<vmem>>
    tpu.wait_dma2 semaphore(%arg20 : memref<!tpu.dma_semaphore, #tpu.memory_space<semaphore_mem>>) src(%dma_wait3A_500 : memref<8x128xf32, #tpu.memory_space<vmem>>) dst(%dma_wait3A_496 : memref<8x128xf32, #tpu.memory_space<hbm>>)
    %dma_wait3A_501 = arith.constant 6 : i32
    %dma_wait3A_502 = arith.constant 0 : i32
    %dma_wait3A_503 = arith.constant 6 : i32
    %dma_wait3A_504 = arith.constant 0 : i32
    %dma_wait3A_505 = arith.constant 0 : i32
    %dma_wait3A_506 = tpu.memref_slice %arg12[%dma_wait3A_501, %dma_wait3A_504, %dma_wait3A_505] : memref<8x8x129xf32, #tpu.memory_space<vmem>> -> memref<1x8x128xf32, #tpu.memory_space<vmem>>
    %dma_wait3A_507 = tpu.memref_squeeze %dma_wait3A_506 : memref<1x8x128xf32, #tpu.memory_space<vmem>> -> memref<8x128xf32, #tpu.memory_space<vmem>>
    %dma_wait3A_508 = arith.constant 0 : i32
    %dma_wait3A_509 = arith.constant 0 : i32
    %dma_wait3A_510 = tpu.memref_slice %arg4[%dma_wait3A_502, %dma_wait3A_503, %add3A, %dma_wait3A_508, %dma_wait3A_509] : memref<200x8x32x8x128xf32, #tpu.memory_space<hbm>> -> memref<1x1x1x8x128xf32, #tpu.memory_space<hbm>>
    %dma_wait3A_511 = tpu.memref_squeeze %dma_wait3A_510 : memref<1x1x1x8x128xf32, #tpu.memory_space<hbm>> -> memref<8x128xf32, #tpu.memory_space<hbm>>
    %dma_wait3A_512 = arith.constant 0 : i32
    %dma_wait3A_513 = arith.constant 0 : i32
    %dma_wait3A_514 = tpu.memref_slice %arg4[%dma_wait3A_502, %dma_wait3A_503, %add3A, %dma_wait3A_512, %dma_wait3A_513] : memref<200x8x32x8x128xf32, #tpu.memory_space<hbm>> -> memref<1x1x1x8x128xf32, #tpu.memory_space<hbm>>
    %dma_wait3A_515 = tpu.memref_squeeze %dma_wait3A_514 : memref<1x1x1x8x128xf32, #tpu.memory_space<hbm>> -> memref<8x128xf32, #tpu.memory_space<hbm>>
    %dma_wait3A_516 = arith.constant 0 : i32
    %dma_wait3A_517 = arith.constant 0 : i32
    %dma_wait3A_518 = tpu.memref_slice %arg12[%dma_wait3A_501, %dma_wait3A_516, %dma_wait3A_517] : memref<8x8x129xf32, #tpu.memory_space<vmem>> -> memref<1x8x128xf32, #tpu.memory_space<vmem>>
    %dma_wait3A_519 = tpu.memref_squeeze %dma_wait3A_518 : memref<1x8x128xf32, #tpu.memory_space<vmem>> -> memref<8x128xf32, #tpu.memory_space<vmem>>
    tpu.wait_dma2 semaphore(%arg20 : memref<!tpu.dma_semaphore, #tpu.memory_space<semaphore_mem>>) src(%dma_wait3A_519 : memref<8x128xf32, #tpu.memory_space<vmem>>) dst(%dma_wait3A_515 : memref<8x128xf32, #tpu.memory_space<hbm>>)
    %dma_wait3A_520 = arith.constant 7 : i32
    %dma_wait3A_521 = arith.constant 0 : i32
    %dma_wait3A_522 = arith.constant 7 : i32
    %dma_wait3A_523 = arith.constant 0 : i32
    %dma_wait3A_524 = arith.constant 0 : i32
    %dma_wait3A_525 = tpu.memref_slice %arg12[%dma_wait3A_520, %dma_wait3A_523, %dma_wait3A_524] : memref<8x8x129xf32, #tpu.memory_space<vmem>> -> memref<1x8x128xf32, #tpu.memory_space<vmem>>
    %dma_wait3A_526 = tpu.memref_squeeze %dma_wait3A_525 : memref<1x8x128xf32, #tpu.memory_space<vmem>> -> memref<8x128xf32, #tpu.memory_space<vmem>>
    %dma_wait3A_527 = arith.constant 0 : i32
    %dma_wait3A_528 = arith.constant 0 : i32
    %dma_wait3A_529 = tpu.memref_slice %arg4[%dma_wait3A_521, %dma_wait3A_522, %add3A, %dma_wait3A_527, %dma_wait3A_528] : memref<200x8x32x8x128xf32, #tpu.memory_space<hbm>> -> memref<1x1x1x8x128xf32, #tpu.memory_space<hbm>>
    %dma_wait3A_530 = tpu.memref_squeeze %dma_wait3A_529 : memref<1x1x1x8x128xf32, #tpu.memory_space<hbm>> -> memref<8x128xf32, #tpu.memory_space<hbm>>
    %dma_wait3A_531 = arith.constant 0 : i32
    %dma_wait3A_532 = arith.constant 0 : i32
    %dma_wait3A_533 = tpu.memref_slice %arg4[%dma_wait3A_521, %dma_wait3A_522, %add3A, %dma_wait3A_531, %dma_wait3A_532] : memref<200x8x32x8x128xf32, #tpu.memory_space<hbm>> -> memref<1x1x1x8x128xf32, #tpu.memory_space<hbm>>
    %dma_wait3A_534 = tpu.memref_squeeze %dma_wait3A_533 : memref<1x1x1x8x128xf32, #tpu.memory_space<hbm>> -> memref<8x128xf32, #tpu.memory_space<hbm>>
    %dma_wait3A_535 = arith.constant 0 : i32
    %dma_wait3A_536 = arith.constant 0 : i32
    %dma_wait3A_537 = tpu.memref_slice %arg12[%dma_wait3A_520, %dma_wait3A_535, %dma_wait3A_536] : memref<8x8x129xf32, #tpu.memory_space<vmem>> -> memref<1x8x128xf32, #tpu.memory_space<vmem>>
    %dma_wait3A_538 = tpu.memref_squeeze %dma_wait3A_537 : memref<1x8x128xf32, #tpu.memory_space<vmem>> -> memref<8x128xf32, #tpu.memory_space<vmem>>
    tpu.wait_dma2 semaphore(%arg20 : memref<!tpu.dma_semaphore, #tpu.memory_space<semaphore_mem>>) src(%dma_wait3A_538 : memref<8x128xf32, #tpu.memory_space<vmem>>) dst(%dma_wait3A_534 : memref<8x128xf32, #tpu.memory_space<hbm>>)
    %dma_wait3A_539 = arith.constant 0 : i32
    %dma_wait3A_540 = arith.constant 0 : i32
    %dma_wait3A_541 = arith.constant 0 : i32
    %dma_wait3A_542 = arith.constant 0 : i32
    %dma_wait3A_543 = arith.constant 0 : i32
    %dma_wait3A_544 = tpu.memref_slice %arg13[%dma_wait3A_539, %dma_wait3A_542, %dma_wait3A_543] : memref<8x8x129xf32, #tpu.memory_space<vmem>> -> memref<1x8x128xf32, #tpu.memory_space<vmem>>
    %dma_wait3A_545 = tpu.memref_squeeze %dma_wait3A_544 : memref<1x8x128xf32, #tpu.memory_space<vmem>> -> memref<8x128xf32, #tpu.memory_space<vmem>>
    %dma_wait3A_546 = arith.constant 0 : i32
    %dma_wait3A_547 = arith.constant 0 : i32
    %dma_wait3A_548 = tpu.memref_slice %arg4[%dma_wait3A_540, %dma_wait3A_541, %add3A, %dma_wait3A_546, %dma_wait3A_547] : memref<200x8x32x8x128xf32, #tpu.memory_space<hbm>> -> memref<1x1x1x8x128xf32, #tpu.memory_space<hbm>>
    %dma_wait3A_549 = tpu.memref_squeeze %dma_wait3A_548 : memref<1x1x1x8x128xf32, #tpu.memory_space<hbm>> -> memref<8x128xf32, #tpu.memory_space<hbm>>
    %dma_wait3A_550 = arith.constant 0 : i32
    %dma_wait3A_551 = arith.constant 0 : i32
    %dma_wait3A_552 = tpu.memref_slice %arg4[%dma_wait3A_540, %dma_wait3A_541, %add3A, %dma_wait3A_550, %dma_wait3A_551] : memref<200x8x32x8x128xf32, #tpu.memory_space<hbm>> -> memref<1x1x1x8x128xf32, #tpu.memory_space<hbm>>
    %dma_wait3A_553 = tpu.memref_squeeze %dma_wait3A_552 : memref<1x1x1x8x128xf32, #tpu.memory_space<hbm>> -> memref<8x128xf32, #tpu.memory_space<hbm>>
    %dma_wait3A_554 = arith.constant 0 : i32
    %dma_wait3A_555 = arith.constant 0 : i32
    %dma_wait3A_556 = tpu.memref_slice %arg13[%dma_wait3A_539, %dma_wait3A_554, %dma_wait3A_555] : memref<8x8x129xf32, #tpu.memory_space<vmem>> -> memref<1x8x128xf32, #tpu.memory_space<vmem>>
    %dma_wait3A_557 = tpu.memref_squeeze %dma_wait3A_556 : memref<1x8x128xf32, #tpu.memory_space<vmem>> -> memref<8x128xf32, #tpu.memory_space<vmem>>
    tpu.wait_dma2 semaphore(%arg21 : memref<!tpu.dma_semaphore, #tpu.memory_space<semaphore_mem>>) src(%dma_wait3A_557 : memref<8x128xf32, #tpu.memory_space<vmem>>) dst(%dma_wait3A_553 : memref<8x128xf32, #tpu.memory_space<hbm>>)
    %dma_wait3A_558 = arith.constant 1 : i32
    %dma_wait3A_559 = arith.constant 0 : i32
    %dma_wait3A_560 = arith.constant 1 : i32
    %dma_wait3A_561 = arith.constant 0 : i32
    %dma_wait3A_562 = arith.constant 0 : i32
    %dma_wait3A_563 = tpu.memref_slice %arg13[%dma_wait3A_558, %dma_wait3A_561, %dma_wait3A_562] : memref<8x8x129xf32, #tpu.memory_space<vmem>> -> memref<1x8x128xf32, #tpu.memory_space<vmem>>
    %dma_wait3A_564 = tpu.memref_squeeze %dma_wait3A_563 : memref<1x8x128xf32, #tpu.memory_space<vmem>> -> memref<8x128xf32, #tpu.memory_space<vmem>>
    %dma_wait3A_565 = arith.constant 0 : i32
    %dma_wait3A_566 = arith.constant 0 : i32
    %dma_wait3A_567 = tpu.memref_slice %arg4[%dma_wait3A_559, %dma_wait3A_560, %add3A, %dma_wait3A_565, %dma_wait3A_566] : memref<200x8x32x8x128xf32, #tpu.memory_space<hbm>> -> memref<1x1x1x8x128xf32, #tpu.memory_space<hbm>>
    %dma_wait3A_568 = tpu.memref_squeeze %dma_wait3A_567 : memref<1x1x1x8x128xf32, #tpu.memory_space<hbm>> -> memref<8x128xf32, #tpu.memory_space<hbm>>
    %dma_wait3A_569 = arith.constant 0 : i32
    %dma_wait3A_570 = arith.constant 0 : i32
    %dma_wait3A_571 = tpu.memref_slice %arg4[%dma_wait3A_559, %dma_wait3A_560, %add3A, %dma_wait3A_569, %dma_wait3A_570] : memref<200x8x32x8x128xf32, #tpu.memory_space<hbm>> -> memref<1x1x1x8x128xf32, #tpu.memory_space<hbm>>
    %dma_wait3A_572 = tpu.memref_squeeze %dma_wait3A_571 : memref<1x1x1x8x128xf32, #tpu.memory_space<hbm>> -> memref<8x128xf32, #tpu.memory_space<hbm>>
    %dma_wait3A_573 = arith.constant 0 : i32
    %dma_wait3A_574 = arith.constant 0 : i32
    %dma_wait3A_575 = tpu.memref_slice %arg13[%dma_wait3A_558, %dma_wait3A_573, %dma_wait3A_574] : memref<8x8x129xf32, #tpu.memory_space<vmem>> -> memref<1x8x128xf32, #tpu.memory_space<vmem>>
    %dma_wait3A_576 = tpu.memref_squeeze %dma_wait3A_575 : memref<1x8x128xf32, #tpu.memory_space<vmem>> -> memref<8x128xf32, #tpu.memory_space<vmem>>
    tpu.wait_dma2 semaphore(%arg21 : memref<!tpu.dma_semaphore, #tpu.memory_space<semaphore_mem>>) src(%dma_wait3A_576 : memref<8x128xf32, #tpu.memory_space<vmem>>) dst(%dma_wait3A_572 : memref<8x128xf32, #tpu.memory_space<hbm>>)
    %dma_wait3A_577 = arith.constant 2 : i32
    %dma_wait3A_578 = arith.constant 0 : i32
    %dma_wait3A_579 = arith.constant 2 : i32
    %dma_wait3A_580 = arith.constant 0 : i32
    %dma_wait3A_581 = arith.constant 0 : i32
    %dma_wait3A_582 = tpu.memref_slice %arg13[%dma_wait3A_577, %dma_wait3A_580, %dma_wait3A_581] : memref<8x8x129xf32, #tpu.memory_space<vmem>> -> memref<1x8x128xf32, #tpu.memory_space<vmem>>
    %dma_wait3A_583 = tpu.memref_squeeze %dma_wait3A_582 : memref<1x8x128xf32, #tpu.memory_space<vmem>> -> memref<8x128xf32, #tpu.memory_space<vmem>>
    %dma_wait3A_584 = arith.constant 0 : i32
    %dma_wait3A_585 = arith.constant 0 : i32
    %dma_wait3A_586 = tpu.memref_slice %arg4[%dma_wait3A_578, %dma_wait3A_579, %add3A, %dma_wait3A_584, %dma_wait3A_585] : memref<200x8x32x8x128xf32, #tpu.memory_space<hbm>> -> memref<1x1x1x8x128xf32, #tpu.memory_space<hbm>>
    %dma_wait3A_587 = tpu.memref_squeeze %dma_wait3A_586 : memref<1x1x1x8x128xf32, #tpu.memory_space<hbm>> -> memref<8x128xf32, #tpu.memory_space<hbm>>
    %dma_wait3A_588 = arith.constant 0 : i32
    %dma_wait3A_589 = arith.constant 0 : i32
    %dma_wait3A_590 = tpu.memref_slice %arg4[%dma_wait3A_578, %dma_wait3A_579, %add3A, %dma_wait3A_588, %dma_wait3A_589] : memref<200x8x32x8x128xf32, #tpu.memory_space<hbm>> -> memref<1x1x1x8x128xf32, #tpu.memory_space<hbm>>
    %dma_wait3A_591 = tpu.memref_squeeze %dma_wait3A_590 : memref<1x1x1x8x128xf32, #tpu.memory_space<hbm>> -> memref<8x128xf32, #tpu.memory_space<hbm>>
    %dma_wait3A_592 = arith.constant 0 : i32
    %dma_wait3A_593 = arith.constant 0 : i32
    %dma_wait3A_594 = tpu.memref_slice %arg13[%dma_wait3A_577, %dma_wait3A_592, %dma_wait3A_593] : memref<8x8x129xf32, #tpu.memory_space<vmem>> -> memref<1x8x128xf32, #tpu.memory_space<vmem>>
    %dma_wait3A_595 = tpu.memref_squeeze %dma_wait3A_594 : memref<1x8x128xf32, #tpu.memory_space<vmem>> -> memref<8x128xf32, #tpu.memory_space<vmem>>
    tpu.wait_dma2 semaphore(%arg21 : memref<!tpu.dma_semaphore, #tpu.memory_space<semaphore_mem>>) src(%dma_wait3A_595 : memref<8x128xf32, #tpu.memory_space<vmem>>) dst(%dma_wait3A_591 : memref<8x128xf32, #tpu.memory_space<hbm>>)
    %dma_wait3A_596 = arith.constant 3 : i32
    %dma_wait3A_597 = arith.constant 0 : i32
    %dma_wait3A_598 = arith.constant 3 : i32
    %dma_wait3A_599 = arith.constant 0 : i32
    %dma_wait3A_600 = arith.constant 0 : i32
    %dma_wait3A_601 = tpu.memref_slice %arg13[%dma_wait3A_596, %dma_wait3A_599, %dma_wait3A_600] : memref<8x8x129xf32, #tpu.memory_space<vmem>> -> memref<1x8x128xf32, #tpu.memory_space<vmem>>
    %dma_wait3A_602 = tpu.memref_squeeze %dma_wait3A_601 : memref<1x8x128xf32, #tpu.memory_space<vmem>> -> memref<8x128xf32, #tpu.memory_space<vmem>>
    %dma_wait3A_603 = arith.constant 0 : i32
    %dma_wait3A_604 = arith.constant 0 : i32
    %dma_wait3A_605 = tpu.memref_slice %arg4[%dma_wait3A_597, %dma_wait3A_598, %add3A, %dma_wait3A_603, %dma_wait3A_604] : memref<200x8x32x8x128xf32, #tpu.memory_space<hbm>> -> memref<1x1x1x8x128xf32, #tpu.memory_space<hbm>>
    %dma_wait3A_606 = tpu.memref_squeeze %dma_wait3A_605 : memref<1x1x1x8x128xf32, #tpu.memory_space<hbm>> -> memref<8x128xf32, #tpu.memory_space<hbm>>
    %dma_wait3A_607 = arith.constant 0 : i32
    %dma_wait3A_608 = arith.constant 0 : i32
    %dma_wait3A_609 = tpu.memref_slice %arg4[%dma_wait3A_597, %dma_wait3A_598, %add3A, %dma_wait3A_607, %dma_wait3A_608] : memref<200x8x32x8x128xf32, #tpu.memory_space<hbm>> -> memref<1x1x1x8x128xf32, #tpu.memory_space<hbm>>
    %dma_wait3A_610 = tpu.memref_squeeze %dma_wait3A_609 : memref<1x1x1x8x128xf32, #tpu.memory_space<hbm>> -> memref<8x128xf32, #tpu.memory_space<hbm>>
    %dma_wait3A_611 = arith.constant 0 : i32
    %dma_wait3A_612 = arith.constant 0 : i32
    %dma_wait3A_613 = tpu.memref_slice %arg13[%dma_wait3A_596, %dma_wait3A_611, %dma_wait3A_612] : memref<8x8x129xf32, #tpu.memory_space<vmem>> -> memref<1x8x128xf32, #tpu.memory_space<vmem>>
    %dma_wait3A_614 = tpu.memref_squeeze %dma_wait3A_613 : memref<1x8x128xf32, #tpu.memory_space<vmem>> -> memref<8x128xf32, #tpu.memory_space<vmem>>
    tpu.wait_dma2 semaphore(%arg21 : memref<!tpu.dma_semaphore, #tpu.memory_space<semaphore_mem>>) src(%dma_wait3A_614 : memref<8x128xf32, #tpu.memory_space<vmem>>) dst(%dma_wait3A_610 : memref<8x128xf32, #tpu.memory_space<hbm>>)
    %dma_wait3A_615 = arith.constant 4 : i32
    %dma_wait3A_616 = arith.constant 0 : i32
    %dma_wait3A_617 = arith.constant 4 : i32
    %dma_wait3A_618 = arith.constant 0 : i32
    %dma_wait3A_619 = arith.constant 0 : i32
    %dma_wait3A_620 = tpu.memref_slice %arg13[%dma_wait3A_615, %dma_wait3A_618, %dma_wait3A_619] : memref<8x8x129xf32, #tpu.memory_space<vmem>> -> memref<1x8x128xf32, #tpu.memory_space<vmem>>
    %dma_wait3A_621 = tpu.memref_squeeze %dma_wait3A_620 : memref<1x8x128xf32, #tpu.memory_space<vmem>> -> memref<8x128xf32, #tpu.memory_space<vmem>>
    %dma_wait3A_622 = arith.constant 0 : i32
    %dma_wait3A_623 = arith.constant 0 : i32
    %dma_wait3A_624 = tpu.memref_slice %arg4[%dma_wait3A_616, %dma_wait3A_617, %add3A, %dma_wait3A_622, %dma_wait3A_623] : memref<200x8x32x8x128xf32, #tpu.memory_space<hbm>> -> memref<1x1x1x8x128xf32, #tpu.memory_space<hbm>>
    %dma_wait3A_625 = tpu.memref_squeeze %dma_wait3A_624 : memref<1x1x1x8x128xf32, #tpu.memory_space<hbm>> -> memref<8x128xf32, #tpu.memory_space<hbm>>
    %dma_wait3A_626 = arith.constant 0 : i32
    %dma_wait3A_627 = arith.constant 0 : i32
    %dma_wait3A_628 = tpu.memref_slice %arg4[%dma_wait3A_616, %dma_wait3A_617, %add3A, %dma_wait3A_626, %dma_wait3A_627] : memref<200x8x32x8x128xf32, #tpu.memory_space<hbm>> -> memref<1x1x1x8x128xf32, #tpu.memory_space<hbm>>
    %dma_wait3A_629 = tpu.memref_squeeze %dma_wait3A_628 : memref<1x1x1x8x128xf32, #tpu.memory_space<hbm>> -> memref<8x128xf32, #tpu.memory_space<hbm>>
    %dma_wait3A_630 = arith.constant 0 : i32
    %dma_wait3A_631 = arith.constant 0 : i32
    %dma_wait3A_632 = tpu.memref_slice %arg13[%dma_wait3A_615, %dma_wait3A_630, %dma_wait3A_631] : memref<8x8x129xf32, #tpu.memory_space<vmem>> -> memref<1x8x128xf32, #tpu.memory_space<vmem>>
    %dma_wait3A_633 = tpu.memref_squeeze %dma_wait3A_632 : memref<1x8x128xf32, #tpu.memory_space<vmem>> -> memref<8x128xf32, #tpu.memory_space<vmem>>
    tpu.wait_dma2 semaphore(%arg21 : memref<!tpu.dma_semaphore, #tpu.memory_space<semaphore_mem>>) src(%dma_wait3A_633 : memref<8x128xf32, #tpu.memory_space<vmem>>) dst(%dma_wait3A_629 : memref<8x128xf32, #tpu.memory_space<hbm>>)
    %dma_wait3A_634 = arith.constant 5 : i32
    %dma_wait3A_635 = arith.constant 0 : i32
    %dma_wait3A_636 = arith.constant 5 : i32
    %dma_wait3A_637 = arith.constant 0 : i32
    %dma_wait3A_638 = arith.constant 0 : i32
    %dma_wait3A_639 = tpu.memref_slice %arg13[%dma_wait3A_634, %dma_wait3A_637, %dma_wait3A_638] : memref<8x8x129xf32, #tpu.memory_space<vmem>> -> memref<1x8x128xf32, #tpu.memory_space<vmem>>
    %dma_wait3A_640 = tpu.memref_squeeze %dma_wait3A_639 : memref<1x8x128xf32, #tpu.memory_space<vmem>> -> memref<8x128xf32, #tpu.memory_space<vmem>>
    %dma_wait3A_641 = arith.constant 0 : i32
    %dma_wait3A_642 = arith.constant 0 : i32
    %dma_wait3A_643 = tpu.memref_slice %arg4[%dma_wait3A_635, %dma_wait3A_636, %add3A, %dma_wait3A_641, %dma_wait3A_642] : memref<200x8x32x8x128xf32, #tpu.memory_space<hbm>> -> memref<1x1x1x8x128xf32, #tpu.memory_space<hbm>>
    %dma_wait3A_644 = tpu.memref_squeeze %dma_wait3A_643 : memref<1x1x1x8x128xf32, #tpu.memory_space<hbm>> -> memref<8x128xf32, #tpu.memory_space<hbm>>
    %dma_wait3A_645 = arith.constant 0 : i32
    %dma_wait3A_646 = arith.constant 0 : i32
    %dma_wait3A_647 = tpu.memref_slice %arg4[%dma_wait3A_635, %dma_wait3A_636, %add3A, %dma_wait3A_645, %dma_wait3A_646] : memref<200x8x32x8x128xf32, #tpu.memory_space<hbm>> -> memref<1x1x1x8x128xf32, #tpu.memory_space<hbm>>
    %dma_wait3A_648 = tpu.memref_squeeze %dma_wait3A_647 : memref<1x1x1x8x128xf32, #tpu.memory_space<hbm>> -> memref<8x128xf32, #tpu.memory_space<hbm>>
    %dma_wait3A_649 = arith.constant 0 : i32
    %dma_wait3A_650 = arith.constant 0 : i32
    %dma_wait3A_651 = tpu.memref_slice %arg13[%dma_wait3A_634, %dma_wait3A_649, %dma_wait3A_650] : memref<8x8x129xf32, #tpu.memory_space<vmem>> -> memref<1x8x128xf32, #tpu.memory_space<vmem>>
    %dma_wait3A_652 = tpu.memref_squeeze %dma_wait3A_651 : memref<1x8x128xf32, #tpu.memory_space<vmem>> -> memref<8x128xf32, #tpu.memory_space<vmem>>
    tpu.wait_dma2 semaphore(%arg21 : memref<!tpu.dma_semaphore, #tpu.memory_space<semaphore_mem>>) src(%dma_wait3A_652 : memref<8x128xf32, #tpu.memory_space<vmem>>) dst(%dma_wait3A_648 : memref<8x128xf32, #tpu.memory_space<hbm>>)
    %dma_wait3A_653 = arith.constant 6 : i32
    %dma_wait3A_654 = arith.constant 0 : i32
    %dma_wait3A_655 = arith.constant 6 : i32
    %dma_wait3A_656 = arith.constant 0 : i32
    %dma_wait3A_657 = arith.constant 0 : i32
    %dma_wait3A_658 = tpu.memref_slice %arg13[%dma_wait3A_653, %dma_wait3A_656, %dma_wait3A_657] : memref<8x8x129xf32, #tpu.memory_space<vmem>> -> memref<1x8x128xf32, #tpu.memory_space<vmem>>
    %dma_wait3A_659 = tpu.memref_squeeze %dma_wait3A_658 : memref<1x8x128xf32, #tpu.memory_space<vmem>> -> memref<8x128xf32, #tpu.memory_space<vmem>>
    %dma_wait3A_660 = arith.constant 0 : i32
    %dma_wait3A_661 = arith.constant 0 : i32
    %dma_wait3A_662 = tpu.memref_slice %arg4[%dma_wait3A_654, %dma_wait3A_655, %add3A, %dma_wait3A_660, %dma_wait3A_661] : memref<200x8x32x8x128xf32, #tpu.memory_space<hbm>> -> memref<1x1x1x8x128xf32, #tpu.memory_space<hbm>>
    %dma_wait3A_663 = tpu.memref_squeeze %dma_wait3A_662 : memref<1x1x1x8x128xf32, #tpu.memory_space<hbm>> -> memref<8x128xf32, #tpu.memory_space<hbm>>
    %dma_wait3A_664 = arith.constant 0 : i32
    %dma_wait3A_665 = arith.constant 0 : i32
    %dma_wait3A_666 = tpu.memref_slice %arg4[%dma_wait3A_654, %dma_wait3A_655, %add3A, %dma_wait3A_664, %dma_wait3A_665] : memref<200x8x32x8x128xf32, #tpu.memory_space<hbm>> -> memref<1x1x1x8x128xf32, #tpu.memory_space<hbm>>
    %dma_wait3A_667 = tpu.memref_squeeze %dma_wait3A_666 : memref<1x1x1x8x128xf32, #tpu.memory_space<hbm>> -> memref<8x128xf32, #tpu.memory_space<hbm>>
    %dma_wait3A_668 = arith.constant 0 : i32
    %dma_wait3A_669 = arith.constant 0 : i32
    %dma_wait3A_670 = tpu.memref_slice %arg13[%dma_wait3A_653, %dma_wait3A_668, %dma_wait3A_669] : memref<8x8x129xf32, #tpu.memory_space<vmem>> -> memref<1x8x128xf32, #tpu.memory_space<vmem>>
    %dma_wait3A_671 = tpu.memref_squeeze %dma_wait3A_670 : memref<1x8x128xf32, #tpu.memory_space<vmem>> -> memref<8x128xf32, #tpu.memory_space<vmem>>
    tpu.wait_dma2 semaphore(%arg21 : memref<!tpu.dma_semaphore, #tpu.memory_space<semaphore_mem>>) src(%dma_wait3A_671 : memref<8x128xf32, #tpu.memory_space<vmem>>) dst(%dma_wait3A_667 : memref<8x128xf32, #tpu.memory_space<hbm>>)
    %dma_wait3A_672 = arith.constant 7 : i32
    %dma_wait3A_673 = arith.constant 0 : i32
    %dma_wait3A_674 = arith.constant 7 : i32
    %dma_wait3A_675 = arith.constant 0 : i32
    %dma_wait3A_676 = arith.constant 0 : i32
    %dma_wait3A_677 = tpu.memref_slice %arg13[%dma_wait3A_672, %dma_wait3A_675, %dma_wait3A_676] : memref<8x8x129xf32, #tpu.memory_space<vmem>> -> memref<1x8x128xf32, #tpu.memory_space<vmem>>
    %dma_wait3A_678 = tpu.memref_squeeze %dma_wait3A_677 : memref<1x8x128xf32, #tpu.memory_space<vmem>> -> memref<8x128xf32, #tpu.memory_space<vmem>>
    %dma_wait3A_679 = arith.constant 0 : i32
    %dma_wait3A_680 = arith.constant 0 : i32
    %dma_wait3A_681 = tpu.memref_slice %arg4[%dma_wait3A_673, %dma_wait3A_674, %add3A, %dma_wait3A_679, %dma_wait3A_680] : memref<200x8x32x8x128xf32, #tpu.memory_space<hbm>> -> memref<1x1x1x8x128xf32, #tpu.memory_space<hbm>>
    %dma_wait3A_682 = tpu.memref_squeeze %dma_wait3A_681 : memref<1x1x1x8x128xf32, #tpu.memory_space<hbm>> -> memref<8x128xf32, #tpu.memory_space<hbm>>
    %dma_wait3A_683 = arith.constant 0 : i32
    %dma_wait3A_684 = arith.constant 0 : i32
    %dma_wait3A_685 = tpu.memref_slice %arg4[%dma_wait3A_673, %dma_wait3A_674, %add3A, %dma_wait3A_683, %dma_wait3A_684] : memref<200x8x32x8x128xf32, #tpu.memory_space<hbm>> -> memref<1x1x1x8x128xf32, #tpu.memory_space<hbm>>
    %dma_wait3A_686 = tpu.memref_squeeze %dma_wait3A_685 : memref<1x1x1x8x128xf32, #tpu.memory_space<hbm>> -> memref<8x128xf32, #tpu.memory_space<hbm>>
    %dma_wait3A_687 = arith.constant 0 : i32
    %dma_wait3A_688 = arith.constant 0 : i32
    %dma_wait3A_689 = tpu.memref_slice %arg13[%dma_wait3A_672, %dma_wait3A_687, %dma_wait3A_688] : memref<8x8x129xf32, #tpu.memory_space<vmem>> -> memref<1x8x128xf32, #tpu.memory_space<vmem>>
    %dma_wait3A_690 = tpu.memref_squeeze %dma_wait3A_689 : memref<1x8x128xf32, #tpu.memory_space<vmem>> -> memref<8x128xf32, #tpu.memory_space<vmem>>
    tpu.wait_dma2 semaphore(%arg21 : memref<!tpu.dma_semaphore, #tpu.memory_space<semaphore_mem>>) src(%dma_wait3A_690 : memref<8x128xf32, #tpu.memory_space<vmem>>) dst(%dma_wait3A_686 : memref<8x128xf32, #tpu.memory_space<hbm>>)
    return
  }
}

</mosaic_0001>

<sc_bundles>
// kernel: kernel.3.cloned.1.call-start
scs
__scs_entry_jumppad:
0x0: {  	(pc) =	sbr.rel $0x88, $3  }
0x1: {  	(tag) =	ssettag $0x0;
	lr =	simm.s32 $0x1  }
0x2: {  	[smem:$0x3F9F] =	sst lr;
	_ =	strace $0xD0000000  }
0x3: {  	_ = 	snop  }
0x4: {  	_ = 	snop  }
0x5: {  	_ = 	snop  }
0x6: {  	_ = 	snop  }
0x7: {  	_ = 	snop  }
__scs_overlays_trampoline_lowered:
0x8: {  	[smem:$0x3FAE] =	sst s0  }
0x9: {  	[smem:$0x3FAF] =	sst s1  }
0xa: {  	[smem:$0x3FB0] =	sst s2  }
0xb: {  	[smem:$0x3FB1] =	sst s3  }
0xc: {  	[smem:$0x3FB2] =	sst s4  }
0xd: {  	[smem:$0x3FB3] =	sst s5  }
0xe: {  	[smem:$0x3FB4] =	sst s6  }
0xf: {  	[smem:$0x3FB5] =	sst s7  }
0x10: {  	[smem:$0x3FB6] =	sst s8  }
0x11: {  	[smem:$0x3FB7] =	sst s9;
	s0 =	simm.s32 @!p0 $0x0  }
0x12: {  	s1 =	sld [smem:$0x3F9D];
	s0 =	simm.s32 @p0 $0x1  }
0x13: {  	[smem:$0x3FB8] =	sst s0;
	s0 =	simm.s32 @!p1 $0x0  }
0x14: {  	s2 =	sld [smem:$0x3F9C];
	s0 =	simm.s32 @p1 $0x1  }
0x15: {  	[smem:$0x3FB9] =	sst s0;
	s0 =	simm.s32 @!p2 $0x0  }
0x16: {  	s3 =	sld [smem:$0x3FDB];
	s0 =	simm.s32 @p2 $0x1  }
0x17: {  	s4 =	simm.s32 $0x1BF5;
	[smem:$0x3FBB] =	sst s0  }
0x18: {  	s0 =	sld [smem:$0x3F9E];
	_ =	swait.ge [sflag:s4], $0x0  }
0x19: {  	s7 =	sld [smem:$0x3F9F]  }
0x1a: {  	s8 =	sadd.s32 $0xFFFFE003, lr  }
0x1b: {  	s9 =	sadd.s32 $0xFFFFFEF7, lr;
	s5 =	simm.s32 $0xFFFFFFFF;
	p2 =	slt.u32 s8, $0xFFFFF086  }
0x1c: {  	p1 =	slt.u32 s9, $0xF7A;
	s5 =	simm.s32 @!p2 $0x0  }
0x1d: {  	s5 =	simm.s32 @p1 $0x1;
	p0 =	seq.s32 s7, s2  }
0x1e: {  	s7 =	smul.u32 @!p0 $0xF7A, s2;
	p2 =	seq.s32 @!p0 s5, $0x0  }
0x1f: {  	s9 =	smul.u32 $0xF7A, s1;
	s8 =	simm.s32 @!p0 $0x1BF5;
	p2 =	por !p2, p0  }
0x20: {  	[sflag:s8] =	ssyncset.s32 @!p0 $0xFFFFF086;
	s6 =	sadd.s32 @!p0 s3, s7;
	s7 =	simm.s32 @!p0 $0x108  }
0x21: {  	s3 =	sadd.s32 s3, s9;
	s6 =	sadd.s32 @!p0 $0x88, s6;
	s7 =	simm.s32 @p2 $0x1082  }
0x22: {  	[simem:s7], [sflag:s8] =	dma.local @!p0 [hbm:s6], $0xF7A  }
0x23: {  	s9 =	sor.u32 $0xD0000000, s2;
	s6 =	simm.s32 $0x108;
	_ =	swait.ge @!p0 [sflag:s8], $0x0  }
0x24: {  	s3 =	sadd.s32 $0x88, s3;
	s6 =	simm.s32 @!p1 $0x1082;
	[sflag:s4] =	ssyncset.s32 $0xFFFFF086  }
0x25: {  	[simem:s6], [sflag:s4] =	dma.local [hbm:s3], $0xF7A  }
0x26: {  	[smem:$0x3F9F] =	sst s1;
	(tag) =	ssettag s2;
	_ =	strace s9  }
0x27: {  	s1 =	sld [smem:$0x3FAF]  }
0x28: {  	s2 =	sld [smem:$0x3FB0]  }
0x29: {  	s4 =	sld [smem:$0x3FB2]  }
0x2a: {  	p0 =	seq.s32 s5, $0x0;
	s5 =	sld [smem:$0x3FB3]  }
0x2b: {  	s6 =	sld [smem:$0x3FB4]  }
0x2c: {  	s7 =	sld [smem:$0x3FB5]  }
0x2d: {  	s3 =	simm.s32 $0x108;
	s8 =	sld [smem:$0x3FB6]  }
0x2e: {  	s3 =	simm.s32 @!p0 $0x1082;
	s9 =	sld [smem:$0x3FB7]  }
0x2f: {  	lr =	sadd.s32 s0, s3;
	s0 =	sld [smem:$0x3FAE]  }
0x30: {  	s3 =	sld [smem:$0x3FB1]  }
0x31: {  	[smem:$0x3FBA] =	sst s10  }
0x32: {  	s10 =	sld [smem:$0x3FB8];
	_ =	sdelay $0x3  }
0x33: {  	p0 =	seq.s32 s10, $0x1;
	s10 =	sld [smem:$0x3FBA];
	_ =	sdelay $0x3  }
0x34: {  	[smem:$0x3FBA] =	sst s10  }
0x35: {  	s10 =	sld [smem:$0x3FB9];
	_ =	sdelay $0x3  }
0x36: {  	p1 =	seq.s32 s10, $0x1;
	s10 =	sld [smem:$0x3FBA];
	_ =	sdelay $0x3  }
0x37: {  	[smem:$0x3FBA] =	sst s10  }
0x38: {  	s10 =	sld [smem:$0x3FBB]  }
0x39: {  	_ = 	snop;
	(pc) =	sbr.ind lr, $3  }
0x3a: {  	_ = 	snop  }
0x3b: {  	_ = 	snop  }
0x3c: {  	p2 =	seq.s32 s10, $0x1;
	s10 =	sld [smem:$0x3FBA]  }
0x3d: {  	_ =	shalt  }
0x3e: {  	_ =	shalt  }
0x3f: {  	_ =	shalt  }
0x40: {  	_ =	shalt  }
0x41: {  	_ =	shalt  }
0x42: {  	_ =	shalt  }
0x43: {  	_ =	shalt  }
0x44: {  	_ =	shalt  }
0x45: {  	_ =	shalt  }
0x46: {  	_ =	shalt  }
0x47: {  	_ =	shalt  }
0x48: {  	_ =	shalt  }
0x49: {  	_ =	shalt  }
0x4a: {  	_ =	shalt  }
0x4b: {  	_ =	shalt  }
0x4c: {  	_ =	shalt  }
0x4d: {  	_ =	shalt  }
0x4e: {  	_ =	shalt  }
0x4f: {  	_ =	shalt  }
0x50: {  	_ =	shalt  }
0x51: {  	_ =	shalt  }
0x52: {  	_ =	shalt  }
0x53: {  	_ =	shalt  }
0x54: {  	_ =	shalt  }
0x55: {  	_ =	shalt  }
0x56: {  	_ =	shalt  }
0x57: {  	_ =	shalt  }
0x58: {  	_ =	shalt  }
0x59: {  	_ =	shalt  }
0x5a: {  	_ =	shalt  }
0x5b: {  	_ =	shalt  }
0x5c: {  	_ =	shalt  }
0x5d: {  	_ =	shalt  }
0x5e: {  	_ =	shalt  }
0x5f: {  	_ =	shalt  }
0x60: {  	_ =	shalt  }
0x61: {  	_ =	shalt  }
0x62: {  	_ =	shalt  }
0x63: {  	_ =	shalt  }
0x64: {  	_ =	shalt  }
0x65: {  	_ =	shalt  }
0x66: {  	_ =	shalt  }
0x67: {  	_ =	shalt  }
0x68: {  	_ =	shalt  }
0x69: {  	_ =	shalt  }
0x6a: {  	_ =	shalt  }
0x6b: {  	_ =	shalt  }
0x6c: {  	_ =	shalt  }
0x6d: {  	_ =	shalt  }
0x6e: {  	_ =	shalt  }
0x6f: {  	_ =	shalt  }
0x70: {  	_ =	shalt  }
0x71: {  	_ =	shalt  }
0x72: {  	_ =	shalt  }
0x73: {  	_ =	shalt  }
0x74: {  	_ =	shalt  }
0x75: {  	_ =	shalt  }
0x76: {  	_ =	shalt  }
0x77: {  	_ =	shalt  }
0x78: {  	_ =	shalt  }
0x79: {  	_ =	shalt  }
0x7a: {  	_ =	shalt  }
0x7b: {  	_ =	shalt  }
0x7c: {  	_ =	shalt  }
0x7d: {  	_ =	shalt  }
0x7e: {  	_ =	shalt  }
0x7f: {  	_ =	shalt  }
0x80: {  	_ =	shalt  }
0x81: {  	_ =	shalt  }
0x82: {  	_ =	shalt  }
0x83: {  	_ =	shalt  }
0x84: {  	_ =	shalt  }
0x85: {  	_ =	shalt  }
0x86: {  	_ =	shalt  }
0x87: {  	_ =	shalt  }
.Lfunc_end0:
.L_simem_size_0:
called_computation_lowered:
.L_overlay_start_0:
0x88: {  	s2 =	sld [smem:$0x3FD9]  }
0x89: {  	s3 =	sld [smem:$0x3FFE];
	_ =	sdelay $0x1  }
0x8a: {  	s1 =	srdreg.scid  }
0x8b: {  	s0 =	sand.u32 $0x1, s1  }
0x8c: {  	s17 =	sshll.u32 s0, $0xA;
	s2 =	sadd.s32 s3, s2  }
0x8d: {  	s2 =	sadd.s32 s2, s17  }
0x8e: {  	[smem:$0x3FC6] =	sst s2  }
0x8f: {  	_ = 	snop  }
0x90: {  	s2 =	sld [smem:$0x3FD0];
	(tm) =	ssettm $0x1  }
0x91: {  	s18 =	sld [smem:$0x3FFB];
	_ =	sdelay $0x3  }
0x92: {  	_ =	strace s18  }
0x93: {  	s3 =	sld [smem:$0x3FFC];
	_ =	sdelay $0x3  }
0x94: {  	_ =	strace s3  }
0x95: {  	s3 =	sld [smem:$0x3FFD];
	_ =	sdelay $0x3  }
0x96: {  	_ =	strace s3  }
0x97: {  	_ =	strace $0x8FFFFFFF  }
0x98: {  	s19 =	sld [smem:$0x3FDB];
	_ =	sdelay $0x1  }
0x99: {  	s4 =	simm.s32 $_scs_section_size  }
0x9a: {  	s5 =	simm.s32 $_size__tile_overlayer_lowered;
	s6 =	simm.s32 $_tile_overlayer_lowered  }
0x9b: {  	s22 =	simm.s32 $0x1BFF;
	s21 =	sshll.u32 s6, $0x1;
	s3 =	sadd.s32 s4, s19  }
0x9c: {  	s7 =	simm.s32 $0x0;
	s20 =	sshll.u32 s5, $0x1;
	s5 =	sadd.s32 s21, s3  }
0x9d: {  	[timem:s7], [sflag:s22] =	dma.local [hbm:s5], s20  }
0x9e: {  	_ =	swait.ge [sflag:s22], s20  }
0x9f: {  	s4 =	ssub.s32 $0x0, s20;
	[sflag:s22] =	ssyncset.done $0x0  }
0xa0: {  	[sflag:s22] =	ssyncadd.s32 s4;
	_ =	sdelay $0x1  }
0xa1: {  	s23 =	simm.s32 $0x1B8B  }
0xa2: {  	_ =	swait.ge [sflag:s23], $0x1  }
0xa3: {  	[sflag:s23] =	ssyncset.done $0x0  }
0xa4: {  	s25 =	simm.s32 $0x1B8E;
	s24 =	sld [smem:$0x3FFE];
	[sflag:s23] =	ssyncadd.s32 $0xFFFFFFFF  }
0xa5: {  	s26 =	simm.s32 $execute0_lowered;
	[smem:$0x3FD2] =	sst s25  }
0xa6: {  	s5 =	sshll.u32 s26, $0x1;
	_ =	strace $0x80000046;
	[dreg:$0x1] =	wrdreg $0xFFFFFFFF  }
0xa7: {  	s28 =	simm.s32 $_size_execute0_lowered;
	s3 =	sadd.s32 s3, s5;
	[dreg:$0x0] =	wrdreg $0x0  }
0xa8: {  	s5 =	sshll.u32 s28, $0x1;
	[dreg:$0x2] =	wrdreg s3  }
0xa9: {  	[dreg:$0x3] =	wrdreg s5  }
0xaa: {  	[dreg:$0x4] =	wrdreg $0xC0  }
0xab: {  	_ =	task [dreg:s7], $0x5FFFF  }
0xac: {  	[dreg:$0x1] =	wrdreg $0xFFFFFFFF  }
0xad: {  	[dreg:$0x0] =	wrdreg $0x60  }
0xae: {  	[dreg:$0x2] =	wrdreg s24  }
0xaf: {  	[dreg:$0x3] =	wrdreg s2  }
0xb0: {  	[dreg:$0x4] =	wrdreg $0x9  }
0xb1: {  	_ =	task.clear_ibuf [dreg:s7], $0x5FFFF;
	_ =	strace $0x90000046  }
0xb2: {  	s29 =	simm.s32 $0x9;
	_ =	strace $0x80000048  }
0xb3: {  	_ =	swait.ge [sflag:s29], $0x1  }
0xb4: {  	[sflag:s29] =	ssyncadd.s32 $0xFFFFFFFF  }
0xb5: {  	_ =	strace $0x90000048  }
0xb6: {  	_ =	sfence  }
0xb7: {  	s30 =	sld [smem:$0x0];
	_ =	sdelay $0x2  }
0xb8: {  	s31 =	sshll.u32 s1, $0xD;
	s1 =	sshrl.u32 s1, $0x2  }
0xb9: {  	s3 =	sand.u32 $0x4000, s31;
	s1 =	sadd.s32 s1, s30  }
0xba: {  	s0 =	sor.u32 s3, s0;
	s1 =	sshll.u32 s1, $0x11  }
0xbb: {  	s0 =	sor.u32 s1, s0  }
0xbc: {  	s0 =	sadd.s32 $0x8F2B, s0  }
0xbd: {  	[sflag:s0] =	ssyncadd.remote.s32 $0x1  }
0xbe: {  	_ =	sfence.sel $0xFFFF  }
0xbf: {  	[dreg:$0x0] =	wrdreg $0xFFFFFFFF;
	(pc) =	sbr.abs _section_cstart, $3  }
0xc0: {  	[dreg:$0x1] =	wrdreg $0xFFFFFFFF  }
0xc1: {  	_ =	task.clear_ibuf [dreg:s7], $0x2FFFF;
	_ =	strace $0x9FFFFFFF  }
0xc2: {  	(tm) =	ssettm $0x7FFFFFFF  }
0xc3: {  	_ =	shalt  }
tec
execute0_lowered:
.L_overlay_start_1:
0x0: {  	(tag) =	ssettag $0x1  }
0x1: {  	s0 =	rddreg [dreg:$0x0]  }
0x2: {  	s8 =	rddreg [dreg:$0x1];
	s3 =	simm.s32 $0x0  }
0x3: {  	[smem:$0x7FF] =	sst s3;
	s11 =	sadd.s32 $0x1000, s8  }
0x4: {  	s12 =	sadd.s32 $0x2000, s8;
	_ =	strace $0x80000047;
	[dreg:$0x5] =	wrdreg s11  }
0x5: {  	s13 =	sadd.s32 $0x3000, s8;
	[dreg:$0x6] =	wrdreg s12  }
0x6: {  	s14 =	sadd.s32 $0x4000, s8;
	[dreg:$0x7] =	wrdreg s13  }
0x7: {  	s15 =	sadd.s32 $0x5000, s8;
	[dreg:$0x8] =	wrdreg s14  }
0x8: {  	s16 =	sadd.s32 $0x6000, s8;
	[dreg:$0x9] =	wrdreg s15  }
0x9: {  	s17 =	sadd.s32 $0x7000, s8;
	[dreg:$0xa] =	wrdreg s16  }
0xa: {  	s1 =	srdreg.scid;
	s18 =	sadd.s32 $0x8000, s8;
	[dreg:$0xb] =	wrdreg s17  }
0xb: {  	s2 =	stileid.u32;
	s19 =	sadd.s32 $0x9000, s8;
	[dreg:$0xc] =	wrdreg s18  }
0xc: {  	s1 =	sand.u32 $0x1, s1;
	s20 =	sadd.s32 $0xA000, s8;
	[dreg:$0xd] =	wrdreg s19  }
0xd: {  	s2 =	sshll.u32 s2, $0x1;
	s21 =	sadd.s32 $0xB000, s8;
	[dreg:$0xe] =	wrdreg s20  }
0xe: {  	s22 =	sadd.s32 $0xC000, s8;
	s23 =	sadd.s32 $0xD000, s8;
	[dreg:$0xf] =	wrdreg s21  }
0xf: {  	s24 =	sadd.s32 $0xE000, s8;
	s25 =	sadd.s32 $0xF000, s8;
	[dreg:$0x10] =	wrdreg s22  }
0x10: {  	s26 =	sadd.s32 $0x10000, s8;
	s28 =	sadd.s32 $0x14000, s8;
	[dreg:$0x11] =	wrdreg s23  }
0x11: {  	s29 =	sadd.s32 $0x15000, s8;
	s30 =	sadd.s32 $0x16000, s8;
	[dreg:$0x12] =	wrdreg s24  }
0x12: {  	s31 =	sadd.s32 $0x17000, s8;
	s6 =	sadd.s32 $0x1D000, s8;
	[dreg:$0x13] =	wrdreg s25  }
0x13: {  	s2 =	sor.u32 s1, s2;
	s1 =	ssub.s32 $0x2, s1;
	[dreg:$0x14] =	wrdreg s26  }
0x14: {  	s23 =	sadd.s32 $0x11000, s8;
	s24 =	sadd.s32 $0x12000, s8;
	s26 =	sadd.s32 $0x13000, s8  }
0x15: {  	s25 =	sadd.s32 $0x1B000, s8;
	s11 =	simm.s32 $0x2;
	s12 =	simm.s32 $0x10600  }
0x16: {  	s13 =	simm.s32 $0x3;
	s14 =	simm.s32 $0x12800;
	s15 =	simm.s32 $0x4  }
0x17: {  	s16 =	simm.s32 $0x14A00;
	s19 =	simm.s32 $0x0;
	s4 =	sshll.u32 s2, $0x4  }
0x18: {  	s7 =	sshrl.u32 s1, $0x1;
	s10 =	sshll.u32 s2, $0x7;
	s2 =	sadd.s32 $0x1C000, s8  }
0x19: {  	s5 =	sadd.s32 s4, s0;
	s4 =	sadd.s32 $0xF42A00, s0;
	s0 =	ssub.s32 s1, s7  }
0x1a: {  	v0 =	vlaneseq.u32;
	[dreg:$0x4] =	wrdreg s10;
	s1 =	sadd.s32 $0x19000, s8;
	s9 =	sadd.s32 $0x600, s5  }
0x1b: {  	v0 =	vmul.u32 $0x88, v0;
	s7 =	sadd.s32 $0x1E000, s8;
	s0 =	smax.u32 s0, $0x1;
	[dreg:$0x3] =	wrdreg s9  }
0x1c: {  	s10 =	simm.s32 $0xE400;
	s5 =	sadd.s32 $0x1A000, s8;
	[dreg:$0x15] =	wrdreg s0  }
0x1d: {  	v1 =	vadd.s32 $0x880, v0;
	v2 =	vadd.s32 $0x1100, v0;
	v3 =	vadd.s32 $0x1980, v0;
	s0 =	sadd.s32 $0x18000, s8;
	s8 =	sadd.s32 $0x1F000, s8;
	s9 =	simm.s32 $0x1  }
.LBB2_1:
0x1e: {  	[dreg:$0x16] =	wrdreg s19  }
0x1f: {  	s17 =	rddreg [dreg:$0x3]  }
0x20: {  	s18 =	simm.s32 $0x80;
	s22 =	simm.s32 $0x1000;
	s20 =	simm.s32 $0x9  }
0x21: {  	[tilespmem:s3], [sflag:$0x9] =	stream.strided.gather [hbm4b:s17+s18], $0x6400, s22, s18, $0x38;
	[tilespmem:$0x16C00] =	vst v63  }
0x22: {  	_ =	swait.ge [sflag:s20], $0x6400  }
0x23: {  	[sflag:s20] =	ssyncset.done $0x0  }
0x24: {  	s21 =	simm.s32 $0x6400;
	[sflag:s20] =	ssyncadd.s32 $0xFFFF9C00  }
0x25: {  	[tilespmem:s21], [sflag:$0x1] =	stream.indirect.gather [hbm4b:s4+s18], $0x40, s3, s18, $0xb8;
	[tilespmem:$0x16C00] =	vst v63  }
0x26: {  	s22 =	simm.s32 $0x8400  }
0x27: {  	[tilespmem:s22], [sflag:$0x2] =	stream.indirect.gather [hbm4b:s4+s18], $0x40, s18, s18, $0xb8;
	[tilespmem:$0x16C00] =	vst v63  }
0x28: {  	s19 =	simm.s32 $0x100;
	s20 =	simm.s32 $0xA400  }
0x29: {  	[tilespmem:s20], [sflag:$0x3] =	stream.indirect.gather [hbm4b:s4+s18], $0x40, s19, s18, $0xb8;
	[tilespmem:$0x16C00] =	vst v63  }
0x2a: {  	s17 =	simm.s32 $0x0;
	s21 =	simm.s32 $0x180;
	s22 =	simm.s32 $0xC400  }
0x2b: {  	[tilespmem:s22], [sflag:$0x4] =	stream.indirect.gather [hbm4b:s4+s18], $0x40, s21, s18, $0xb8;
	[tilespmem:$0x16C00] =	vst v63  }
.LBB2_2:
0x2c: {  	_ =	swait.ge [sflag:s9], $0x2000  }
0x2d: {  	[sflag:s9] =	ssyncset.done $0x0  }
0x2e: {  	s18 =	simm.s32 $0x6480;
	[sflag:s9] =	ssyncadd.s32 $0xFFFFE000  }
0x2f: {  	v5 =	vld [tilespmem:s18+$0x70]  }
0x30: {  	v4 =	vld [tilespmem:s18+$0x60]  }
0x31: {  	v6 =	vld [tilespmem:s18+$0x50]  }
0x32: {  	v7 =	vld [tilespmem:s18+$0x40]  }
0x33: {  	v8 =	vld [tilespmem:s18+$0x30]  }
0x34: {  	v9 =	vld [tilespmem:s18+$0x20]  }
0x35: {  	v10 =	vld [tilespmem:s18+$0x10]  }
0x36: {  	s19 =	simm.s32 $0x0;
	v11 =	vld [tilespmem:s18+$0x0]  }
0x37: {  	v13 =	vmov s19;
	v14 =	vld [tilespmem:s18+$0xFFFFFF80]  }
0x38: {  	v13 =	vand.u32 $0x7C, v13;
	v15 =	vld [tilespmem:s18+$0xFFFFFF90]  }
0x39: {  	v16 =	vld [tilespmem:s18+$0xFFFFFFA0];
	v17 =	vadd.s32 v0, v13  }
0x3a: {  	s20 =	simm.s32 $0x1;
	v18 =	vld [tilespmem:s18+$0xFFFFFFB0];
	v19 =	vadd.s32 v1, v13  }
0x3b: {  	v20 =	vmov s20;
	v21 =	vld [tilespmem:s18+$0xFFFFFFC0];
	v22 =	vadd.s32 v2, v13  }
0x3c: {  	v20 =	vand.u32 $0x7D, v20;
	v23 =	vld [tilespmem:s18+$0xFFFFFFD0];
	v13 =	vadd.s32 v3, v13;
	v14 =	vmul.f32 $1.562500000e-02, v14  }
0x3d: {  	v24 =	vld [tilespmem:s18+$0xFFFFFFE0];
	v25 =	vadd.s32 v0, v20;
	v15 =	vmul.f32 $1.562500000e-02, v15  }
0x3e: {  	s21 =	simm.s32 $0x2;
	v12 =	vld [tilespmem:s18+$0xFFFFFFF0];
	v47 =	vadd.s32 v1, v20;
	v16 =	vmul.f32 $1.562500000e-02, v16;
	[tilespmem:v17+s10+$0x0] =	vst.idx.msk $0xffff, v14  }
0x3f: {  	v48 =	vmov s21;
	v49 =	vadd.s32 v2, v20;
	v18 =	vmul.f32 $1.562500000e-02, v18;
	[tilespmem:v19+s10+$0x0] =	vst.idx.msk $0xffff, v15  }
0x40: {  	v51 =	vadd.s32 v3, v20;
	v50 =	vmul.f32 $1.562500000e-02, v21;
	v17 =	vand.u32 $0x7E, v48;
	[tilespmem:v22+s10+$0x0] =	vst.idx.msk $0xffff, v16  }
0x41: {  	v52 =	vmul.f32 $1.562500000e-02, v23;
	v53 =	vadd.s32 v0, v17;
	[tilespmem:v13+s10+$0x0] =	vst.idx.msk $0xffff, v18  }
0x42: {  	s22 =	simm.s32 $0x3;
	v54 =	vmul.f32 $1.562500000e-02, v24;
	v55 =	vadd.s32 v1, v17;
	[tilespmem:v25+s10+$0x0] =	vst.idx.msk $0xffff, v50  }
0x43: {  	v56 =	vmov s22;
	v12 =	vmul.f32 $1.562500000e-02, v12;
	v57 =	vadd.s32 v2, v17;
	[tilespmem:v47+s10+$0x0] =	vst.idx.msk $0xffff, v52  }
0x44: {  	v59 =	vand.u32 $0x7F, v56;
	v11 =	vmul.f32 $1.562500000e-02, v11;
	v58 =	vadd.s32 v3, v17;
	[tilespmem:v49+s10+$0x0] =	vst.idx.msk $0xffff, v54  }
0x45: {  	v60 =	vadd.s32 v0, v59;
	v10 =	vmul.f32 $1.562500000e-02, v10;
	[tilespmem:v51+s10+$0x0] =	vst.idx.msk $0xffff, v12  }
0x46: {  	v61 =	vadd.s32 v1, v59;
	v9 =	vmul.f32 $1.562500000e-02, v9;
	[tilespmem:v53+s10+$0x0] =	vst.idx.msk $0xffff, v11  }
0x47: {  	v62 =	vadd.s32 v2, v59;
	v8 =	vmul.f32 $1.562500000e-02, v8;
	[tilespmem:v55+s10+$0x0] =	vst.idx.msk $0xffff, v10  }
0x48: {  	v7 =	vmul.f32 $1.562500000e-02, v7;
	[tilespmem:v57+s10+$0x0] =	vst.idx.msk $0xffff, v9  }
0x49: {  	v6 =	vmul.f32 $1.562500000e-02, v6;
	v63 =	vmul.f32 $1.562500000e-02, v4;
	v4 =	vadd.s32 v3, v59;
	[tilespmem:v58+s10+$0x0] =	vst.idx.msk $0xffff, v8  }
0x4a: {  	[tilespmem:v60+s10+$0x0] =	vst.idx.msk $0xffff, v7  }
0x4b: {  	[tilespmem:v61+s10+$0x0] =	vst.idx.msk $0xffff, v6  }
0x4c: {  	s19 =	simm.s32 $0x4;
	v5 =	vmul.f32 $1.562500000e-02, v5;
	[tilespmem:v62+s10+$0x0] =	vst.idx.msk $0xffff, v63  }
.LBB2_3:
0x4d: {  	p0 =	sne.s32 s19, $0x7C  }
0x4e: {  	[tilespmem:v4+s10+$0x0] =	vst.idx.msk $0xffff, v5;
	s18 =	sadd.s32 $0x100, s18;
	s20 =	smov.u32 s19;
	s19 =	sadd.s32 $0x4, s19  }
0x4f: {  	v5 =	vld [tilespmem:s18+$0x70]  }
0x50: {  	v6 =	vld [tilespmem:s18+$0x60]  }
0x51: {  	v7 =	vld [tilespmem:s18+$0x50]  }
0x52: {  	v4 =	vld [tilespmem:s18+$0x40]  }
0x53: {  	v8 =	vld [tilespmem:s18+$0x30]  }
0x54: {  	v9 =	vld [tilespmem:s18+$0x20]  }
0x55: {  	v10 =	vld [tilespmem:s18+$0x10]  }
0x56: {  	v11 =	vld [tilespmem:s18+$0x0]  }
0x57: {  	v12 =	vld [tilespmem:s18+$0xFFFFFFF0]  }
0x58: {  	v13 =	vmov s20;
	v14 =	vld [tilespmem:s18+$0xFFFFFF80]  }
0x59: {  	v13 =	vand.u32 $0x7C, v13;
	v15 =	vld [tilespmem:s18+$0xFFFFFF90]  }
0x5a: {  	v17 =	vadd.s32 v0, v13;
	v16 =	vld [tilespmem:s18+$0xFFFFFFA0]  }
0x5b: {  	s21 =	sadd.s32 $0x1, s20;
	v19 =	vadd.s32 v1, v13;
	v18 =	vld [tilespmem:s18+$0xFFFFFFB0]  }
0x5c: {  	v20 =	vmov s21;
	v22 =	vadd.s32 v2, v13;
	v21 =	vld [tilespmem:s18+$0xFFFFFFC0]  }
0x5d: {  	v13 =	vadd.s32 v3, v13;
	v20 =	vand.u32 $0x7D, v20;
	v23 =	vld [tilespmem:s18+$0xFFFFFFD0];
	v14 =	vmul.f32 $1.562500000e-02, v14  }
0x5e: {  	v25 =	vadd.s32 v0, v20;
	v24 =	vld [tilespmem:s18+$0xFFFFFFE0];
	v15 =	vmul.f32 $1.562500000e-02, v15  }
0x5f: {  	s21 =	sadd.s32 $0x2, s20;
	v16 =	vmul.f32 $1.562500000e-02, v16;
	[tilespmem:v17+s10+$0x0] =	vst.idx.msk $0xffff, v14;
	v14 =	vadd.s32 v1, v20  }
0x60: {  	v17 =	vmov s21;
	v18 =	vmul.f32 $1.562500000e-02, v18;
	[tilespmem:v19+s10+$0x0] =	vst.idx.msk $0xffff, v15;
	v15 =	vadd.s32 v2, v20  }
0x61: {  	v17 =	vand.u32 $0x7E, v17;
	v19 =	vmul.f32 $1.562500000e-02, v21;
	[tilespmem:v22+s10+$0x0] =	vst.idx.msk $0xffff, v16;
	v16 =	vadd.s32 v3, v20  }
0x62: {  	v20 =	vmul.f32 $1.562500000e-02, v23;
	[tilespmem:v13+s10+$0x0] =	vst.idx.msk $0xffff, v18;
	v13 =	vadd.s32 v0, v17  }
0x63: {  	s20 =	sadd.s32 $0x3, s20;
	v18 =	vmul.f32 $1.562500000e-02, v24;
	[tilespmem:v25+s10+$0x0] =	vst.idx.msk $0xffff, v19;
	v19 =	vadd.s32 v1, v17  }
0x64: {  	v12 =	vmul.f32 $1.562500000e-02, v12;
	v21 =	vmov s20;
	[tilespmem:v14+s10+$0x0] =	vst.idx.msk $0xffff, v20;
	v14 =	vadd.s32 v2, v17  }
0x65: {  	v11 =	vmul.f32 $1.562500000e-02, v11;
	[tilespmem:v15+s10+$0x0] =	vst.idx.msk $0xffff, v18;
	v15 =	vadd.s32 v3, v17;
	v17 =	vand.u32 $0x7F, v21  }
0x66: {  	v10 =	vmul.f32 $1.562500000e-02, v10;
	[tilespmem:v16+s10+$0x0] =	vst.idx.msk $0xffff, v12;
	v12 =	vadd.s32 v0, v17  }
0x67: {  	v9 =	vmul.f32 $1.562500000e-02, v9;
	[tilespmem:v13+s10+$0x0] =	vst.idx.msk $0xffff, v11;
	v11 =	vadd.s32 v1, v17  }
0x68: {  	v8 =	vmul.f32 $1.562500000e-02, v8;
	[tilespmem:v19+s10+$0x0] =	vst.idx.msk $0xffff, v10;
	v10 =	vadd.s32 v2, v17  }
.Ltmp0:
0x69: {  	v13 =	vmul.f32 $1.562500000e-02, v4;
	v4 =	vadd.s32 v3, v17;
	[tilespmem:v14+s10+$0x0] =	vst.idx.msk $0xffff, v9;
	(pc) =	sbr.rel @p0 .LBB2_3-.Ltmp0, $4  }
0x6a: {  	v7 =	vmul.f32 $1.562500000e-02, v7;
	[tilespmem:v15+s10+$0x0] =	vst.idx.msk $0xffff, v8  }
0x6b: {  	v6 =	vmul.f32 $1.562500000e-02, v6;
	[tilespmem:v12+s10+$0x0] =	vst.idx.msk $0xffff, v13  }
0x6c: {  	v5 =	vmul.f32 $1.562500000e-02, v5;
	[tilespmem:v11+s10+$0x0] =	vst.idx.msk $0xffff, v7  }
0x6d: {  	[tilespmem:v10+s10+$0x0] =	vst.idx.msk $0xffff, v6  }
0x6e: {  	_ =	sdelay $0x1  }
0x6f: {  	s18 =	sshll.u32 s17, $0x11;
	s19 =	rddreg [dreg:$0x4]  }
0x70: {  	s21 =	rddreg [dreg:$0x1];
	s18 =	sor.u32 s19, s18  }
0x71: {  	[tilespmem:v4+s10+$0x0] =	vst.idx.msk $0xffff, v5;
	s20 =	simm.s32 $0x0;
	s19 =	sadd.s32 s21, s18  }
0x72: {  	[hbm4b:s19+s20] =	stream.linear.scatter [tilespmem:s10], [sflag:$0x5], $0x80, $0x38;
	[tilespmem:$0x16C00] =	vst v63  }
0x73: {  	s22 =	simm.s32 $0xE488;
	s21 =	sadd.s32 $0x10, s19  }
0x74: {  	[hbm4b:s21+s20] =	stream.linear.scatter [tilespmem:s22], [sflag:$0x5], $0x80, $0x38;
	[tilespmem:$0x16C00] =	vst v63  }
0x75: {  	s21 =	sadd.s32 $0x20, s19;
	s22 =	simm.s32 $0xE510  }
0x76: {  	[hbm4b:s21+s20] =	stream.linear.scatter [tilespmem:s22], [sflag:$0x5], $0x80, $0x38;
	[tilespmem:$0x16C00] =	vst v63  }
0x77: {  	s21 =	sadd.s32 $0x30, s19;
	s22 =	simm.s32 $0xE598  }
0x78: {  	[hbm4b:s21+s20] =	stream.linear.scatter [tilespmem:s22], [sflag:$0x5], $0x80, $0x38;
	[tilespmem:$0x16C00] =	vst v63  }
0x79: {  	s21 =	sadd.s32 $0x40, s19;
	s22 =	simm.s32 $0xE620  }
0x7a: {  	[hbm4b:s21+s20] =	stream.linear.scatter [tilespmem:s22], [sflag:$0x5], $0x80, $0x38;
	[tilespmem:$0x16C00] =	vst v63  }
0x7b: {  	s21 =	sadd.s32 $0x50, s19;
	s22 =	simm.s32 $0xE6A8  }
0x7c: {  	[hbm4b:s21+s20] =	stream.linear.scatter [tilespmem:s22], [sflag:$0x5], $0x80, $0x38;
	[tilespmem:$0x16C00] =	vst v63  }
0x7d: {  	s21 =	sadd.s32 $0x60, s19;
	s22 =	simm.s32 $0xE730  }
0x7e: {  	[hbm4b:s21+s20] =	stream.linear.scatter [tilespmem:s22], [sflag:$0x5], $0x80, $0x38;
	[tilespmem:$0x16C00] =	vst v63  }
0x7f: {  	s19 =	sadd.s32 $0x70, s19;
	s22 =	simm.s32 $0xE7B8;
	s21 =	rddreg [dreg:$0x5]  }
0x80: {  	[hbm4b:s19+s20] =	stream.linear.scatter [tilespmem:s22], [sflag:$0x5], $0x80, $0x38;
	[tilespmem:$0x16C00] =	vst v63  }
0x81: {  	s19 =	sadd.s32 s18, s21;
	s22 =	simm.s32 $0xE840  }
0x82: {  	[hbm4b:s19+s20] =	stream.linear.scatter [tilespmem:s22], [sflag:$0x5], $0x80, $0x38;
	[tilespmem:$0x16C00] =	vst v63  }
0x83: {  	s21 =	sadd.s32 $0x10, s19;
	s22 =	simm.s32 $0xE8C8  }
0x84: {  	[hbm4b:s21+s20] =	stream.linear.scatter [tilespmem:s22], [sflag:$0x5], $0x80, $0x38;
	[tilespmem:$0x16C00] =	vst v63  }
0x85: {  	s21 =	sadd.s32 $0x20, s19;
	s22 =	simm.s32 $0xE950  }
0x86: {  	[hbm4b:s21+s20] =	stream.linear.scatter [tilespmem:s22], [sflag:$0x5], $0x80, $0x38;
	[tilespmem:$0x16C00] =	vst v63  }
0x87: {  	s21 =	sadd.s32 $0x30, s19;
	s22 =	simm.s32 $0xE9D8  }
0x88: {  	[hbm4b:s21+s20] =	stream.linear.scatter [tilespmem:s22], [sflag:$0x5], $0x80, $0x38;
	[tilespmem:$0x16C00] =	vst v63  }
0x89: {  	s21 =	sadd.s32 $0x40, s19;
	s22 =	simm.s32 $0xEA60  }
0x8a: {  	[hbm4b:s21+s20] =	stream.linear.scatter [tilespmem:s22], [sflag:$0x5], $0x80, $0x38;
	[tilespmem:$0x16C00] =	vst v63  }
0x8b: {  	s21 =	sadd.s32 $0x50, s19;
	s22 =	simm.s32 $0xEAE8  }
0x8c: {  	[hbm4b:s21+s20] =	stream.linear.scatter [tilespmem:s22], [sflag:$0x5], $0x80, $0x38;
	[tilespmem:$0x16C00] =	vst v63  }
0x8d: {  	s21 =	sadd.s32 $0x60, s19;
	s22 =	simm.s32 $0xEB70  }
0x8e: {  	[hbm4b:s21+s20] =	stream.linear.scatter [tilespmem:s22], [sflag:$0x5], $0x80, $0x38;
	[tilespmem:$0x16C00] =	vst v63  }
0x8f: {  	s19 =	sadd.s32 $0x70, s19;
	s22 =	simm.s32 $0xEBF8;
	s21 =	rddreg [dreg:$0x6]  }
0x90: {  	[hbm4b:s19+s20] =	stream.linear.scatter [tilespmem:s22], [sflag:$0x5], $0x80, $0x38;
	[tilespmem:$0x16C00] =	vst v63  }
0x91: {  	s19 =	sadd.s32 s18, s21;
	s22 =	simm.s32 $0xEC80  }
0x92: {  	[hbm4b:s19+s20] =	stream.linear.scatter [tilespmem:s22], [sflag:$0x5], $0x80, $0x38;
	[tilespmem:$0x16C00] =	vst v63  }
0x93: {  	s21 =	sadd.s32 $0x10, s19;
	s22 =	simm.s32 $0xED08  }
0x94: {  	[hbm4b:s21+s20] =	stream.linear.scatter [tilespmem:s22], [sflag:$0x5], $0x80, $0x38;
	[tilespmem:$0x16C00] =	vst v63  }
0x95: {  	s21 =	sadd.s32 $0x20, s19;
	s22 =	simm.s32 $0xED90  }
0x96: {  	[hbm4b:s21+s20] =	stream.linear.scatter [tilespmem:s22], [sflag:$0x5], $0x80, $0x38;
	[tilespmem:$0x16C00] =	vst v63  }
0x97: {  	s21 =	sadd.s32 $0x30, s19;
	s22 =	simm.s32 $0xEE18  }
0x98: {  	[hbm4b:s21+s20] =	stream.linear.scatter [tilespmem:s22], [sflag:$0x5], $0x80, $0x38;
	[tilespmem:$0x16C00] =	vst v63  }
0x99: {  	s21 =	sadd.s32 $0x40, s19;
	s22 =	simm.s32 $0xEEA0  }
0x9a: {  	[hbm4b:s21+s20] =	stream.linear.scatter [tilespmem:s22], [sflag:$0x5], $0x80, $0x38;
	[tilespmem:$0x16C00] =	vst v63  }
0x9b: {  	s21 =	sadd.s32 $0x50, s19;
	s22 =	simm.s32 $0xEF28  }
0x9c: {  	[hbm4b:s21+s20] =	stream.linear.scatter [tilespmem:s22], [sflag:$0x5], $0x80, $0x38;
	[tilespmem:$0x16C00] =	vst v63  }
0x9d: {  	s21 =	sadd.s32 $0x60, s19;
	s22 =	simm.s32 $0xEFB0  }
0x9e: {  	[hbm4b:s21+s20] =	stream.linear.scatter [tilespmem:s22], [sflag:$0x5], $0x80, $0x38;
	[tilespmem:$0x16C00] =	vst v63  }
0x9f: {  	s19 =	sadd.s32 $0x70, s19;
	s22 =	simm.s32 $0xF038;
	s21 =	rddreg [dreg:$0x7]  }
0xa0: {  	[hbm4b:s19+s20] =	stream.linear.scatter [tilespmem:s22], [sflag:$0x5], $0x80, $0x38;
	[tilespmem:$0x16C00] =	vst v63  }
0xa1: {  	s19 =	sadd.s32 s18, s21;
	s22 =	simm.s32 $0xF0C0  }
0xa2: {  	[hbm4b:s19+s20] =	stream.linear.scatter [tilespmem:s22], [sflag:$0x5], $0x80, $0x38;
	[tilespmem:$0x16C00] =	vst v63  }
0xa3: {  	s21 =	sadd.s32 $0x10, s19;
	s22 =	simm.s32 $0xF148  }
0xa4: {  	[hbm4b:s21+s20] =	stream.linear.scatter [tilespmem:s22], [sflag:$0x5], $0x80, $0x38;
	[tilespmem:$0x16C00] =	vst v63  }
0xa5: {  	s21 =	sadd.s32 $0x20, s19;
	s22 =	simm.s32 $0xF1D0  }
0xa6: {  	[hbm4b:s21+s20] =	stream.linear.scatter [tilespmem:s22], [sflag:$0x5], $0x80, $0x38;
	[tilespmem:$0x16C00] =	vst v63  }
0xa7: {  	s21 =	sadd.s32 $0x30, s19;
	s22 =	simm.s32 $0xF258  }
0xa8: {  	[hbm4b:s21+s20] =	stream.linear.scatter [tilespmem:s22], [sflag:$0x5], $0x80, $0x38;
	[tilespmem:$0x16C00] =	vst v63  }
0xa9: {  	s21 =	sadd.s32 $0x40, s19;
	s22 =	simm.s32 $0xF2E0  }
0xaa: {  	[hbm4b:s21+s20] =	stream.linear.scatter [tilespmem:s22], [sflag:$0x5], $0x80, $0x38;
	[tilespmem:$0x16C00] =	vst v63  }
0xab: {  	s21 =	sadd.s32 $0x50, s19;
	s22 =	simm.s32 $0xF368  }
0xac: {  	[hbm4b:s21+s20] =	stream.linear.scatter [tilespmem:s22], [sflag:$0x5], $0x80, $0x38;
	[tilespmem:$0x16C00] =	vst v63  }
0xad: {  	s21 =	sadd.s32 $0x60, s19;
	s22 =	simm.s32 $0xF3F0  }
0xae: {  	[hbm4b:s21+s20] =	stream.linear.scatter [tilespmem:s22], [sflag:$0x5], $0x80, $0x38;
	[tilespmem:$0x16C00] =	vst v63  }
0xaf: {  	s19 =	sadd.s32 $0x70, s19;
	s22 =	simm.s32 $0xF478;
	s21 =	rddreg [dreg:$0x8]  }
0xb0: {  	[hbm4b:s19+s20] =	stream.linear.scatter [tilespmem:s22], [sflag:$0x5], $0x80, $0x38;
	[tilespmem:$0x16C00] =	vst v63  }
0xb1: {  	s19 =	sadd.s32 s18, s21;
	s22 =	simm.s32 $0xF500  }
0xb2: {  	[hbm4b:s19+s20] =	stream.linear.scatter [tilespmem:s22], [sflag:$0x5], $0x80, $0x38;
	[tilespmem:$0x16C00] =	vst v63  }
0xb3: {  	s21 =	sadd.s32 $0x10, s19;
	s22 =	simm.s32 $0xF588  }
0xb4: {  	[hbm4b:s21+s20] =	stream.linear.scatter [tilespmem:s22], [sflag:$0x5], $0x80, $0x38;
	[tilespmem:$0x16C00] =	vst v63  }
0xb5: {  	s21 =	sadd.s32 $0x20, s19;
	s22 =	simm.s32 $0xF610  }
0xb6: {  	[hbm4b:s21+s20] =	stream.linear.scatter [tilespmem:s22], [sflag:$0x5], $0x80, $0x38;
	[tilespmem:$0x16C00] =	vst v63  }
0xb7: {  	s21 =	sadd.s32 $0x30, s19;
	s22 =	simm.s32 $0xF698  }
0xb8: {  	[hbm4b:s21+s20] =	stream.linear.scatter [tilespmem:s22], [sflag:$0x5], $0x80, $0x38;
	[tilespmem:$0x16C00] =	vst v63  }
0xb9: {  	s21 =	sadd.s32 $0x40, s19;
	s22 =	simm.s32 $0xF720  }
0xba: {  	[hbm4b:s21+s20] =	stream.linear.scatter [tilespmem:s22], [sflag:$0x5], $0x80, $0x38;
	[tilespmem:$0x16C00] =	vst v63  }
0xbb: {  	s21 =	sadd.s32 $0x50, s19;
	s22 =	simm.s32 $0xF7A8  }
0xbc: {  	[hbm4b:s21+s20] =	stream.linear.scatter [tilespmem:s22], [sflag:$0x5], $0x80, $0x38;
	[tilespmem:$0x16C00] =	vst v63  }
0xbd: {  	s21 =	sadd.s32 $0x60, s19;
	s22 =	simm.s32 $0xF830  }
0xbe: {  	[hbm4b:s21+s20] =	stream.linear.scatter [tilespmem:s22], [sflag:$0x5], $0x80, $0x38;
	[tilespmem:$0x16C00] =	vst v63  }
0xbf: {  	s19 =	sadd.s32 $0x70, s19;
	s22 =	simm.s32 $0xF8B8;
	s21 =	rddreg [dreg:$0x9]  }
0xc0: {  	[hbm4b:s19+s20] =	stream.linear.scatter [tilespmem:s22], [sflag:$0x5], $0x80, $0x38;
	[tilespmem:$0x16C00] =	vst v63  }
0xc1: {  	s19 =	sadd.s32 s18, s21;
	s22 =	simm.s32 $0xF940  }
0xc2: {  	[hbm4b:s19+s20] =	stream.linear.scatter [tilespmem:s22], [sflag:$0x5], $0x80, $0x38;
	[tilespmem:$0x16C00] =	vst v63  }
0xc3: {  	s21 =	sadd.s32 $0x10, s19;
	s22 =	simm.s32 $0xF9C8  }
0xc4: {  	[hbm4b:s21+s20] =	stream.linear.scatter [tilespmem:s22], [sflag:$0x5], $0x80, $0x38;
	[tilespmem:$0x16C00] =	vst v63  }
0xc5: {  	s21 =	sadd.s32 $0x20, s19;
	s22 =	simm.s32 $0xFA50  }
0xc6: {  	[hbm4b:s21+s20] =	stream.linear.scatter [tilespmem:s22], [sflag:$0x5], $0x80, $0x38;
	[tilespmem:$0x16C00] =	vst v63  }
0xc7: {  	s21 =	sadd.s32 $0x30, s19;
	s22 =	simm.s32 $0xFAD8  }
0xc8: {  	[hbm4b:s21+s20] =	stream.linear.scatter [tilespmem:s22], [sflag:$0x5], $0x80, $0x38;
	[tilespmem:$0x16C00] =	vst v63  }
0xc9: {  	s21 =	sadd.s32 $0x40, s19;
	s22 =	simm.s32 $0xFB60  }
0xca: {  	[hbm4b:s21+s20] =	stream.linear.scatter [tilespmem:s22], [sflag:$0x5], $0x80, $0x38;
	[tilespmem:$0x16C00] =	vst v63  }
0xcb: {  	s21 =	sadd.s32 $0x50, s19;
	s22 =	simm.s32 $0xFBE8  }
0xcc: {  	[hbm4b:s21+s20] =	stream.linear.scatter [tilespmem:s22], [sflag:$0x5], $0x80, $0x38;
	[tilespmem:$0x16C00] =	vst v63  }
0xcd: {  	s21 =	sadd.s32 $0x60, s19;
	s22 =	simm.s32 $0xFC70  }
0xce: {  	[hbm4b:s21+s20] =	stream.linear.scatter [tilespmem:s22], [sflag:$0x5], $0x80, $0x38;
	[tilespmem:$0x16C00] =	vst v63  }
0xcf: {  	s19 =	sadd.s32 $0x70, s19;
	s22 =	simm.s32 $0xFCF8;
	s21 =	rddreg [dreg:$0xa]  }
0xd0: {  	[hbm4b:s19+s20] =	stream.linear.scatter [tilespmem:s22], [sflag:$0x5], $0x80, $0x38;
	[tilespmem:$0x16C00] =	vst v63  }
0xd1: {  	s19 =	sadd.s32 s18, s21;
	s22 =	simm.s32 $0xFD80  }
0xd2: {  	[hbm4b:s19+s20] =	stream.linear.scatter [tilespmem:s22], [sflag:$0x5], $0x80, $0x38;
	[tilespmem:$0x16C00] =	vst v63  }
0xd3: {  	s21 =	sadd.s32 $0x10, s19;
	s22 =	simm.s32 $0xFE08  }
0xd4: {  	[hbm4b:s21+s20] =	stream.linear.scatter [tilespmem:s22], [sflag:$0x5], $0x80, $0x38;
	[tilespmem:$0x16C00] =	vst v63  }
0xd5: {  	s21 =	sadd.s32 $0x20, s19;
	s22 =	simm.s32 $0xFE90  }
0xd6: {  	[hbm4b:s21+s20] =	stream.linear.scatter [tilespmem:s22], [sflag:$0x5], $0x80, $0x38;
	[tilespmem:$0x16C00] =	vst v63  }
0xd7: {  	s21 =	sadd.s32 $0x30, s19;
	s22 =	simm.s32 $0xFF18  }
0xd8: {  	[hbm4b:s21+s20] =	stream.linear.scatter [tilespmem:s22], [sflag:$0x5], $0x80, $0x38;
	[tilespmem:$0x16C00] =	vst v63  }
0xd9: {  	s21 =	sadd.s32 $0x40, s19;
	s22 =	simm.s32 $0xFFA0  }
0xda: {  	[hbm4b:s21+s20] =	stream.linear.scatter [tilespmem:s22], [sflag:$0x5], $0x80, $0x38;
	[tilespmem:$0x16C00] =	vst v63  }
0xdb: {  	s21 =	sadd.s32 $0x50, s19;
	s22 =	simm.s32 $0x10028  }
0xdc: {  	[hbm4b:s21+s20] =	stream.linear.scatter [tilespmem:s22], [sflag:$0x5], $0x80, $0x38;
	[tilespmem:$0x16C00] =	vst v63  }
0xdd: {  	s21 =	sadd.s32 $0x60, s19;
	s22 =	simm.s32 $0x100B0  }
0xde: {  	[hbm4b:s21+s20] =	stream.linear.scatter [tilespmem:s22], [sflag:$0x5], $0x80, $0x38;
	[tilespmem:$0x16C00] =	vst v63  }
0xdf: {  	s19 =	sadd.s32 $0x70, s19;
	s22 =	simm.s32 $0x10138;
	s21 =	rddreg [dreg:$0xb]  }
0xe0: {  	[hbm4b:s19+s20] =	stream.linear.scatter [tilespmem:s22], [sflag:$0x5], $0x80, $0x38;
	[tilespmem:$0x16C00] =	vst v63  }
0xe1: {  	s19 =	sadd.s32 s18, s21;
	s22 =	simm.s32 $0x101C0  }
0xe2: {  	[hbm4b:s19+s20] =	stream.linear.scatter [tilespmem:s22], [sflag:$0x5], $0x80, $0x38;
	[tilespmem:$0x16C00] =	vst v63  }
0xe3: {  	s21 =	sadd.s32 $0x10, s19;
	s22 =	simm.s32 $0x10248  }
0xe4: {  	[hbm4b:s21+s20] =	stream.linear.scatter [tilespmem:s22], [sflag:$0x5], $0x80, $0x38;
	[tilespmem:$0x16C00] =	vst v63  }
0xe5: {  	s21 =	sadd.s32 $0x20, s19;
	s22 =	simm.s32 $0x102D0  }
0xe6: {  	[hbm4b:s21+s20] =	stream.linear.scatter [tilespmem:s22], [sflag:$0x5], $0x80, $0x38;
	[tilespmem:$0x16C00] =	vst v63  }
0xe7: {  	s21 =	sadd.s32 $0x30, s19;
	s22 =	simm.s32 $0x10358  }
0xe8: {  	[hbm4b:s21+s20] =	stream.linear.scatter [tilespmem:s22], [sflag:$0x5], $0x80, $0x38;
	[tilespmem:$0x16C00] =	vst v63  }
0xe9: {  	s21 =	sadd.s32 $0x40, s19;
	s22 =	simm.s32 $0x103E0  }
0xea: {  	[hbm4b:s21+s20] =	stream.linear.scatter [tilespmem:s22], [sflag:$0x5], $0x80, $0x38;
	[tilespmem:$0x16C00] =	vst v63  }
0xeb: {  	s21 =	sadd.s32 $0x50, s19;
	s22 =	simm.s32 $0x10468  }
0xec: {  	[hbm4b:s21+s20] =	stream.linear.scatter [tilespmem:s22], [sflag:$0x5], $0x80, $0x38;
	[tilespmem:$0x16C00] =	vst v63  }
0xed: {  	s21 =	sadd.s32 $0x60, s19;
	s22 =	simm.s32 $0x104F0  }
0xee: {  	[hbm4b:s21+s20] =	stream.linear.scatter [tilespmem:s22], [sflag:$0x5], $0x80, $0x38;
	[tilespmem:$0x16C00] =	vst v63  }
0xef: {  	s19 =	sadd.s32 $0x70, s19;
	s22 =	simm.s32 $0x10578  }
0xf0: {  	[hbm4b:s19+s20] =	stream.linear.scatter [tilespmem:s22], [sflag:$0x5], $0x80, $0x38;
	[tilespmem:$0x16C00] =	vst v63  }
0xf1: {  	_ =	swait.ge [sflag:s11], $0x2000  }
0xf2: {  	[sflag:s11] =	ssyncset.done $0x0  }
0xf3: {  	s19 =	simm.s32 $0x8480;
	[sflag:s11] =	ssyncadd.s32 $0xFFFFE000  }
0xf4: {  	v5 =	vld [tilespmem:s19+$0x70]  }
0xf5: {  	v4 =	vld [tilespmem:s19+$0x60]  }
0xf6: {  	v6 =	vld [tilespmem:s19+$0x50]  }
0xf7: {  	v7 =	vld [tilespmem:s19+$0x40]  }
0xf8: {  	v8 =	vld [tilespmem:s19+$0x30]  }
0xf9: {  	v9 =	vld [tilespmem:s19+$0x20]  }
0xfa: {  	v10 =	vld [tilespmem:s19+$0x10]  }
0xfb: {  	v11 =	vld [tilespmem:s19+$0x0]  }
0xfc: {  	v13 =	vmov s20;
	v14 =	vld [tilespmem:s19+$0xFFFFFF80]  }
0xfd: {  	v13 =	vand.u32 $0x7C, v13;
	v15 =	vld [tilespmem:s19+$0xFFFFFF90]  }
0xfe: {  	v17 =	vadd.s32 v0, v13;
	v16 =	vld [tilespmem:s19+$0xFFFFFFA0]  }
0xff: {  	v19 =	vadd.s32 v1, v13;
	s22 =	simm.s32 $0x1;
	v18 =	vld [tilespmem:s19+$0xFFFFFFB0]  }
0x100: {  	v22 =	vadd.s32 v2, v13;
	v20 =	vmov s22;
	v21 =	vld [tilespmem:s19+$0xFFFFFFC0]  }
0x101: {  	v13 =	vadd.s32 v3, v13;
	v20 =	vand.u32 $0x7D, v20;
	v23 =	vld [tilespmem:s19+$0xFFFFFFD0];
	v14 =	vmul.f32 $1.562500000e-02, v14  }
0x102: {  	v25 =	vadd.s32 v0, v20;
	v24 =	vld [tilespmem:s19+$0xFFFFFFE0];
	v15 =	vmul.f32 $1.562500000e-02, v15  }
0x103: {  	s21 =	simm.s32 $0x2;
	v47 =	vadd.s32 v1, v20;
	v12 =	vld [tilespmem:s19+$0xFFFFFFF0];
	v16 =	vmul.f32 $1.562500000e-02, v16;
	[tilespmem:v17+s12+$0x0] =	vst.idx.msk $0xffff, v14  }
0x104: {  	v48 =	vmov s21;
	v49 =	vadd.s32 v2, v20;
	v18 =	vmul.f32 $1.562500000e-02, v18;
	[tilespmem:v19+s12+$0x0] =	vst.idx.msk $0xffff, v15  }
0x105: {  	v51 =	vadd.s32 v3, v20;
	v50 =	vmul.f32 $1.562500000e-02, v21;
	v17 =	vand.u32 $0x7E, v48;
	[tilespmem:v22+s12+$0x0] =	vst.idx.msk $0xffff, v16  }
0x106: {  	v52 =	vmul.f32 $1.562500000e-02, v23;
	v53 =	vadd.s32 v0, v17;
	[tilespmem:v13+s12+$0x0] =	vst.idx.msk $0xffff, v18  }
0x107: {  	s22 =	simm.s32 $0x3;
	v54 =	vmul.f32 $1.562500000e-02, v24;
	v55 =	vadd.s32 v1, v17;
	[tilespmem:v25+s12+$0x0] =	vst.idx.msk $0xffff, v50  }
0x108: {  	v56 =	vmov s22;
	v12 =	vmul.f32 $1.562500000e-02, v12;
	v57 =	vadd.s32 v2, v17;
	[tilespmem:v47+s12+$0x0] =	vst.idx.msk $0xffff, v52  }
0x109: {  	v59 =	vand.u32 $0x7F, v56;
	v11 =	vmul.f32 $1.562500000e-02, v11;
	v58 =	vadd.s32 v3, v17;
	[tilespmem:v49+s12+$0x0] =	vst.idx.msk $0xffff, v54  }
0x10a: {  	v60 =	vadd.s32 v0, v59;
	v10 =	vmul.f32 $1.562500000e-02, v10;
	[tilespmem:v51+s12+$0x0] =	vst.idx.msk $0xffff, v12  }
0x10b: {  	v61 =	vadd.s32 v1, v59;
	v9 =	vmul.f32 $1.562500000e-02, v9;
	[tilespmem:v53+s12+$0x0] =	vst.idx.msk $0xffff, v11  }
0x10c: {  	v62 =	vadd.s32 v2, v59;
	v8 =	vmul.f32 $1.562500000e-02, v8;
	[tilespmem:v55+s12+$0x0] =	vst.idx.msk $0xffff, v10  }
0x10d: {  	v7 =	vmul.f32 $1.562500000e-02, v7;
	[tilespmem:v57+s12+$0x0] =	vst.idx.msk $0xffff, v9  }
0x10e: {  	v6 =	vmul.f32 $1.562500000e-02, v6;
	v63 =	vmul.f32 $1.562500000e-02, v4;
	v4 =	vadd.s32 v3, v59;
	[tilespmem:v58+s12+$0x0] =	vst.idx.msk $0xffff, v8  }
0x10f: {  	[tilespmem:v60+s12+$0x0] =	vst.idx.msk $0xffff, v7  }
0x110: {  	[tilespmem:v61+s12+$0x0] =	vst.idx.msk $0xffff, v6  }
0x111: {  	s20 =	simm.s32 $0x4;
	v5 =	vmul.f32 $1.562500000e-02, v5;
	[tilespmem:v62+s12+$0x0] =	vst.idx.msk $0xffff, v63  }
.LBB2_5:
0x112: {  	p0 =	sne.s32 s20, $0x7C  }
0x113: {  	[tilespmem:v4+s12+$0x0] =	vst.idx.msk $0xffff, v5;
	s19 =	sadd.s32 $0x100, s19;
	s21 =	smov.u32 s20;
	s20 =	sadd.s32 $0x4, s20  }
0x114: {  	v5 =	vld [tilespmem:s19+$0x70]  }
0x115: {  	v6 =	vld [tilespmem:s19+$0x60]  }
0x116: {  	v7 =	vld [tilespmem:s19+$0x50]  }
0x117: {  	v4 =	vld [tilespmem:s19+$0x40]  }
0x118: {  	v8 =	vld [tilespmem:s19+$0x30]  }
0x119: {  	v9 =	vld [tilespmem:s19+$0x20]  }
0x11a: {  	v10 =	vld [tilespmem:s19+$0x10]  }
0x11b: {  	v11 =	vld [tilespmem:s19+$0x0]  }
0x11c: {  	v12 =	vld [tilespmem:s19+$0xFFFFFFF0]  }
0x11d: {  	v13 =	vmov s21;
	v14 =	vld [tilespmem:s19+$0xFFFFFF80]  }
0x11e: {  	v13 =	vand.u32 $0x7C, v13;
	v15 =	vld [tilespmem:s19+$0xFFFFFF90]  }
0x11f: {  	v17 =	vadd.s32 v0, v13;
	v16 =	vld [tilespmem:s19+$0xFFFFFFA0]  }
0x120: {  	s22 =	sadd.s32 $0x1, s21;
	v19 =	vadd.s32 v1, v13;
	v18 =	vld [tilespmem:s19+$0xFFFFFFB0]  }
0x121: {  	v20 =	vmov s22;
	v22 =	vadd.s32 v2, v13;
	v21 =	vld [tilespmem:s19+$0xFFFFFFC0]  }
0x122: {  	v13 =	vadd.s32 v3, v13;
	v20 =	vand.u32 $0x7D, v20;
	v23 =	vld [tilespmem:s19+$0xFFFFFFD0];
	v14 =	vmul.f32 $1.562500000e-02, v14  }
0x123: {  	v25 =	vadd.s32 v0, v20;
	v24 =	vld [tilespmem:s19+$0xFFFFFFE0];
	v15 =	vmul.f32 $1.562500000e-02, v15  }
0x124: {  	s22 =	sadd.s32 $0x2, s21;
	v16 =	vmul.f32 $1.562500000e-02, v16;
	[tilespmem:v17+s12+$0x0] =	vst.idx.msk $0xffff, v14;
	v14 =	vadd.s32 v1, v20  }
0x125: {  	v17 =	vmov s22;
	v18 =	vmul.f32 $1.562500000e-02, v18;
	[tilespmem:v19+s12+$0x0] =	vst.idx.msk $0xffff, v15;
	v15 =	vadd.s32 v2, v20  }
0x126: {  	v17 =	vand.u32 $0x7E, v17;
	v19 =	vmul.f32 $1.562500000e-02, v21;
	[tilespmem:v22+s12+$0x0] =	vst.idx.msk $0xffff, v16;
	v16 =	vadd.s32 v3, v20  }
0x127: {  	v20 =	vmul.f32 $1.562500000e-02, v23;
	[tilespmem:v13+s12+$0x0] =	vst.idx.msk $0xffff, v18;
	v13 =	vadd.s32 v0, v17  }
0x128: {  	s21 =	sadd.s32 $0x3, s21;
	v18 =	vmul.f32 $1.562500000e-02, v24;
	[tilespmem:v25+s12+$0x0] =	vst.idx.msk $0xffff, v19;
	v19 =	vadd.s32 v1, v17  }
0x129: {  	v12 =	vmul.f32 $1.562500000e-02, v12;
	v21 =	vmov s21;
	[tilespmem:v14+s12+$0x0] =	vst.idx.msk $0xffff, v20;
	v14 =	vadd.s32 v2, v17  }
0x12a: {  	v11 =	vmul.f32 $1.562500000e-02, v11;
	[tilespmem:v15+s12+$0x0] =	vst.idx.msk $0xffff, v18;
	v15 =	vadd.s32 v3, v17;
	v17 =	vand.u32 $0x7F, v21  }
0x12b: {  	v10 =	vmul.f32 $1.562500000e-02, v10;
	[tilespmem:v16+s12+$0x0] =	vst.idx.msk $0xffff, v12;
	v12 =	vadd.s32 v0, v17  }
0x12c: {  	v9 =	vmul.f32 $1.562500000e-02, v9;
	[tilespmem:v13+s12+$0x0] =	vst.idx.msk $0xffff, v11;
	v11 =	vadd.s32 v1, v17  }
0x12d: {  	v8 =	vmul.f32 $1.562500000e-02, v8;
	[tilespmem:v19+s12+$0x0] =	vst.idx.msk $0xffff, v10;
	v10 =	vadd.s32 v2, v17  }
.Ltmp1:
0x12e: {  	v13 =	vmul.f32 $1.562500000e-02, v4;
	v4 =	vadd.s32 v3, v17;
	[tilespmem:v14+s12+$0x0] =	vst.idx.msk $0xffff, v9;
	(pc) =	sbr.rel @p0 .LBB2_5-.Ltmp1, $4  }
0x12f: {  	v7 =	vmul.f32 $1.562500000e-02, v7;
	[tilespmem:v15+s12+$0x0] =	vst.idx.msk $0xffff, v8  }
0x130: {  	v6 =	vmul.f32 $1.562500000e-02, v6;
	[tilespmem:v12+s12+$0x0] =	vst.idx.msk $0xffff, v13  }
0x131: {  	v5 =	vmul.f32 $1.562500000e-02, v5;
	[tilespmem:v11+s12+$0x0] =	vst.idx.msk $0xffff, v7  }
0x132: {  	[tilespmem:v10+s12+$0x0] =	vst.idx.msk $0xffff, v6  }
0x133: {  	_ =	sdelay $0x2  }
0x134: {  	s19 =	rddreg [dreg:$0xc]  }
0x135: {  	[tilespmem:v4+s12+$0x0] =	vst.idx.msk $0xffff, v5;
	s20 =	simm.s32 $0x0;
	s19 =	sadd.s32 s18, s19  }
0x136: {  	[hbm4b:s19+s20] =	stream.linear.scatter [tilespmem:s12], [sflag:$0x6], $0x80, $0x38;
	[tilespmem:$0x16C00] =	vst v63  }
0x137: {  	s22 =	simm.s32 $0x10688;
	s21 =	sadd.s32 $0x10, s19  }
0x138: {  	[hbm4b:s21+s20] =	stream.linear.scatter [tilespmem:s22], [sflag:$0x6], $0x80, $0x38;
	[tilespmem:$0x16C00] =	vst v63  }
0x139: {  	s21 =	sadd.s32 $0x20, s19;
	s22 =	simm.s32 $0x10710  }
0x13a: {  	[hbm4b:s21+s20] =	stream.linear.scatter [tilespmem:s22], [sflag:$0x6], $0x80, $0x38;
	[tilespmem:$0x16C00] =	vst v63  }
0x13b: {  	s21 =	sadd.s32 $0x30, s19;
	s22 =	simm.s32 $0x10798  }
0x13c: {  	[hbm4b:s21+s20] =	stream.linear.scatter [tilespmem:s22], [sflag:$0x6], $0x80, $0x38;
	[tilespmem:$0x16C00] =	vst v63  }
0x13d: {  	s21 =	sadd.s32 $0x40, s19;
	s22 =	simm.s32 $0x10820  }
0x13e: {  	[hbm4b:s21+s20] =	stream.linear.scatter [tilespmem:s22], [sflag:$0x6], $0x80, $0x38;
	[tilespmem:$0x16C00] =	vst v63  }
0x13f: {  	s21 =	sadd.s32 $0x50, s19;
	s22 =	simm.s32 $0x108A8  }
0x140: {  	[hbm4b:s21+s20] =	stream.linear.scatter [tilespmem:s22], [sflag:$0x6], $0x80, $0x38;
	[tilespmem:$0x16C00] =	vst v63  }
0x141: {  	s21 =	sadd.s32 $0x60, s19;
	s22 =	simm.s32 $0x10930  }
0x142: {  	[hbm4b:s21+s20] =	stream.linear.scatter [tilespmem:s22], [sflag:$0x6], $0x80, $0x38;
	[tilespmem:$0x16C00] =	vst v63  }
0x143: {  	s19 =	sadd.s32 $0x70, s19;
	s22 =	simm.s32 $0x109B8;
	s21 =	rddreg [dreg:$0xd]  }
0x144: {  	[hbm4b:s19+s20] =	stream.linear.scatter [tilespmem:s22], [sflag:$0x6], $0x80, $0x38;
	[tilespmem:$0x16C00] =	vst v63  }
0x145: {  	s19 =	sadd.s32 s18, s21;
	s22 =	simm.s32 $0x10A40  }
0x146: {  	[hbm4b:s19+s20] =	stream.linear.scatter [tilespmem:s22], [sflag:$0x6], $0x80, $0x38;
	[tilespmem:$0x16C00] =	vst v63  }
0x147: {  	s21 =	sadd.s32 $0x10, s19;
	s22 =	simm.s32 $0x10AC8  }
0x148: {  	[hbm4b:s21+s20] =	stream.linear.scatter [tilespmem:s22], [sflag:$0x6], $0x80, $0x38;
	[tilespmem:$0x16C00] =	vst v63  }
0x149: {  	s21 =	sadd.s32 $0x20, s19;
	s22 =	simm.s32 $0x10B50  }
0x14a: {  	[hbm4b:s21+s20] =	stream.linear.scatter [tilespmem:s22], [sflag:$0x6], $0x80, $0x38;
	[tilespmem:$0x16C00] =	vst v63  }
0x14b: {  	s21 =	sadd.s32 $0x30, s19;
	s22 =	simm.s32 $0x10BD8  }
0x14c: {  	[hbm4b:s21+s20] =	stream.linear.scatter [tilespmem:s22], [sflag:$0x6], $0x80, $0x38;
	[tilespmem:$0x16C00] =	vst v63  }
0x14d: {  	s21 =	sadd.s32 $0x40, s19;
	s22 =	simm.s32 $0x10C60  }
0x14e: {  	[hbm4b:s21+s20] =	stream.linear.scatter [tilespmem:s22], [sflag:$0x6], $0x80, $0x38;
	[tilespmem:$0x16C00] =	vst v63  }
0x14f: {  	s21 =	sadd.s32 $0x50, s19;
	s22 =	simm.s32 $0x10CE8  }
0x150: {  	[hbm4b:s21+s20] =	stream.linear.scatter [tilespmem:s22], [sflag:$0x6], $0x80, $0x38;
	[tilespmem:$0x16C00] =	vst v63  }
0x151: {  	s21 =	sadd.s32 $0x60, s19;
	s22 =	simm.s32 $0x10D70  }
0x152: {  	[hbm4b:s21+s20] =	stream.linear.scatter [tilespmem:s22], [sflag:$0x6], $0x80, $0x38;
	[tilespmem:$0x16C00] =	vst v63  }
0x153: {  	s19 =	sadd.s32 $0x70, s19;
	s22 =	simm.s32 $0x10DF8;
	s21 =	rddreg [dreg:$0xe]  }
0x154: {  	[hbm4b:s19+s20] =	stream.linear.scatter [tilespmem:s22], [sflag:$0x6], $0x80, $0x38;
	[tilespmem:$0x16C00] =	vst v63  }
0x155: {  	s19 =	sadd.s32 s18, s21;
	s22 =	simm.s32 $0x10E80  }
0x156: {  	[hbm4b:s19+s20] =	stream.linear.scatter [tilespmem:s22], [sflag:$0x6], $0x80, $0x38;
	[tilespmem:$0x16C00] =	vst v63  }
0x157: {  	s21 =	sadd.s32 $0x10, s19;
	s22 =	simm.s32 $0x10F08  }
0x158: {  	[hbm4b:s21+s20] =	stream.linear.scatter [tilespmem:s22], [sflag:$0x6], $0x80, $0x38;
	[tilespmem:$0x16C00] =	vst v63  }
0x159: {  	s21 =	sadd.s32 $0x20, s19;
	s22 =	simm.s32 $0x10F90  }
0x15a: {  	[hbm4b:s21+s20] =	stream.linear.scatter [tilespmem:s22], [sflag:$0x6], $0x80, $0x38;
	[tilespmem:$0x16C00] =	vst v63  }
0x15b: {  	s21 =	sadd.s32 $0x30, s19;
	s22 =	simm.s32 $0x11018  }
0x15c: {  	[hbm4b:s21+s20] =	stream.linear.scatter [tilespmem:s22], [sflag:$0x6], $0x80, $0x38;
	[tilespmem:$0x16C00] =	vst v63  }
0x15d: {  	s21 =	sadd.s32 $0x40, s19;
	s22 =	simm.s32 $0x110A0  }
0x15e: {  	[hbm4b:s21+s20] =	stream.linear.scatter [tilespmem:s22], [sflag:$0x6], $0x80, $0x38;
	[tilespmem:$0x16C00] =	vst v63  }
0x15f: {  	s21 =	sadd.s32 $0x50, s19;
	s22 =	simm.s32 $0x11128  }
0x160: {  	[hbm4b:s21+s20] =	stream.linear.scatter [tilespmem:s22], [sflag:$0x6], $0x80, $0x38;
	[tilespmem:$0x16C00] =	vst v63  }
0x161: {  	s21 =	sadd.s32 $0x60, s19;
	s22 =	simm.s32 $0x111B0  }
0x162: {  	[hbm4b:s21+s20] =	stream.linear.scatter [tilespmem:s22], [sflag:$0x6], $0x80, $0x38;
	[tilespmem:$0x16C00] =	vst v63  }
0x163: {  	s19 =	sadd.s32 $0x70, s19;
	s22 =	simm.s32 $0x11238;
	s21 =	rddreg [dreg:$0xf]  }
0x164: {  	[hbm4b:s19+s20] =	stream.linear.scatter [tilespmem:s22], [sflag:$0x6], $0x80, $0x38;
	[tilespmem:$0x16C00] =	vst v63  }
0x165: {  	s19 =	sadd.s32 s18, s21;
	s22 =	simm.s32 $0x112C0  }
0x166: {  	[hbm4b:s19+s20] =	stream.linear.scatter [tilespmem:s22], [sflag:$0x6], $0x80, $0x38;
	[tilespmem:$0x16C00] =	vst v63  }
0x167: {  	s21 =	sadd.s32 $0x10, s19;
	s22 =	simm.s32 $0x11348  }
0x168: {  	[hbm4b:s21+s20] =	stream.linear.scatter [tilespmem:s22], [sflag:$0x6], $0x80, $0x38;
	[tilespmem:$0x16C00] =	vst v63  }
0x169: {  	s21 =	sadd.s32 $0x20, s19;
	s22 =	simm.s32 $0x113D0  }
0x16a: {  	[hbm4b:s21+s20] =	stream.linear.scatter [tilespmem:s22], [sflag:$0x6], $0x80, $0x38;
	[tilespmem:$0x16C00] =	vst v63  }
0x16b: {  	s21 =	sadd.s32 $0x30, s19;
	s22 =	simm.s32 $0x11458  }
0x16c: {  	[hbm4b:s21+s20] =	stream.linear.scatter [tilespmem:s22], [sflag:$0x6], $0x80, $0x38;
	[tilespmem:$0x16C00] =	vst v63  }
0x16d: {  	s21 =	sadd.s32 $0x40, s19;
	s22 =	simm.s32 $0x114E0  }
0x16e: {  	[hbm4b:s21+s20] =	stream.linear.scatter [tilespmem:s22], [sflag:$0x6], $0x80, $0x38;
	[tilespmem:$0x16C00] =	vst v63  }
0x16f: {  	s21 =	sadd.s32 $0x50, s19;
	s22 =	simm.s32 $0x11568  }
0x170: {  	[hbm4b:s21+s20] =	stream.linear.scatter [tilespmem:s22], [sflag:$0x6], $0x80, $0x38;
	[tilespmem:$0x16C00] =	vst v63  }
0x171: {  	s21 =	sadd.s32 $0x60, s19;
	s22 =	simm.s32 $0x115F0  }
0x172: {  	[hbm4b:s21+s20] =	stream.linear.scatter [tilespmem:s22], [sflag:$0x6], $0x80, $0x38;
	[tilespmem:$0x16C00] =	vst v63  }
0x173: {  	s19 =	sadd.s32 $0x70, s19;
	s22 =	simm.s32 $0x11678;
	s21 =	rddreg [dreg:$0x10]  }
0x174: {  	[hbm4b:s19+s20] =	stream.linear.scatter [tilespmem:s22], [sflag:$0x6], $0x80, $0x38;
	[tilespmem:$0x16C00] =	vst v63  }
0x175: {  	s19 =	sadd.s32 s18, s21;
	s22 =	simm.s32 $0x11700  }
0x176: {  	[hbm4b:s19+s20] =	stream.linear.scatter [tilespmem:s22], [sflag:$0x6], $0x80, $0x38;
	[tilespmem:$0x16C00] =	vst v63  }
0x177: {  	s21 =	sadd.s32 $0x10, s19;
	s22 =	simm.s32 $0x11788  }
0x178: {  	[hbm4b:s21+s20] =	stream.linear.scatter [tilespmem:s22], [sflag:$0x6], $0x80, $0x38;
	[tilespmem:$0x16C00] =	vst v63  }
0x179: {  	s21 =	sadd.s32 $0x20, s19;
	s22 =	simm.s32 $0x11810  }
0x17a: {  	[hbm4b:s21+s20] =	stream.linear.scatter [tilespmem:s22], [sflag:$0x6], $0x80, $0x38;
	[tilespmem:$0x16C00] =	vst v63  }
0x17b: {  	s21 =	sadd.s32 $0x30, s19;
	s22 =	simm.s32 $0x11898  }
0x17c: {  	[hbm4b:s21+s20] =	stream.linear.scatter [tilespmem:s22], [sflag:$0x6], $0x80, $0x38;
	[tilespmem:$0x16C00] =	vst v63  }
0x17d: {  	s21 =	sadd.s32 $0x40, s19;
	s22 =	simm.s32 $0x11920  }
0x17e: {  	[hbm4b:s21+s20] =	stream.linear.scatter [tilespmem:s22], [sflag:$0x6], $0x80, $0x38;
	[tilespmem:$0x16C00] =	vst v63  }
0x17f: {  	s21 =	sadd.s32 $0x50, s19;
	s22 =	simm.s32 $0x119A8  }
0x180: {  	[hbm4b:s21+s20] =	stream.linear.scatter [tilespmem:s22], [sflag:$0x6], $0x80, $0x38;
	[tilespmem:$0x16C00] =	vst v63  }
0x181: {  	s21 =	sadd.s32 $0x60, s19;
	s22 =	simm.s32 $0x11A30  }
0x182: {  	[hbm4b:s21+s20] =	stream.linear.scatter [tilespmem:s22], [sflag:$0x6], $0x80, $0x38;
	[tilespmem:$0x16C00] =	vst v63  }
0x183: {  	s19 =	sadd.s32 $0x70, s19;
	s22 =	simm.s32 $0x11AB8;
	s21 =	rddreg [dreg:$0x11]  }
0x184: {  	[hbm4b:s19+s20] =	stream.linear.scatter [tilespmem:s22], [sflag:$0x6], $0x80, $0x38;
	[tilespmem:$0x16C00] =	vst v63  }
0x185: {  	s19 =	sadd.s32 s18, s21;
	s22 =	simm.s32 $0x11B40  }
0x186: {  	[hbm4b:s19+s20] =	stream.linear.scatter [tilespmem:s22], [sflag:$0x6], $0x80, $0x38;
	[tilespmem:$0x16C00] =	vst v63  }
0x187: {  	s21 =	sadd.s32 $0x10, s19;
	s22 =	simm.s32 $0x11BC8  }
0x188: {  	[hbm4b:s21+s20] =	stream.linear.scatter [tilespmem:s22], [sflag:$0x6], $0x80, $0x38;
	[tilespmem:$0x16C00] =	vst v63  }
0x189: {  	s21 =	sadd.s32 $0x20, s19;
	s22 =	simm.s32 $0x11C50  }
0x18a: {  	[hbm4b:s21+s20] =	stream.linear.scatter [tilespmem:s22], [sflag:$0x6], $0x80, $0x38;
	[tilespmem:$0x16C00] =	vst v63  }
0x18b: {  	s21 =	sadd.s32 $0x30, s19;
	s22 =	simm.s32 $0x11CD8  }
0x18c: {  	[hbm4b:s21+s20] =	stream.linear.scatter [tilespmem:s22], [sflag:$0x6], $0x80, $0x38;
	[tilespmem:$0x16C00] =	vst v63  }
0x18d: {  	s21 =	sadd.s32 $0x40, s19;
	s22 =	simm.s32 $0x11D60  }
0x18e: {  	[hbm4b:s21+s20] =	stream.linear.scatter [tilespmem:s22], [sflag:$0x6], $0x80, $0x38;
	[tilespmem:$0x16C00] =	vst v63  }
0x18f: {  	s21 =	sadd.s32 $0x50, s19;
	s22 =	simm.s32 $0x11DE8  }
0x190: {  	[hbm4b:s21+s20] =	stream.linear.scatter [tilespmem:s22], [sflag:$0x6], $0x80, $0x38;
	[tilespmem:$0x16C00] =	vst v63  }
0x191: {  	s21 =	sadd.s32 $0x60, s19;
	s22 =	simm.s32 $0x11E70  }
0x192: {  	[hbm4b:s21+s20] =	stream.linear.scatter [tilespmem:s22], [sflag:$0x6], $0x80, $0x38;
	[tilespmem:$0x16C00] =	vst v63  }
0x193: {  	s19 =	sadd.s32 $0x70, s19;
	s22 =	simm.s32 $0x11EF8;
	s21 =	rddreg [dreg:$0x12]  }
0x194: {  	[hbm4b:s19+s20] =	stream.linear.scatter [tilespmem:s22], [sflag:$0x6], $0x80, $0x38;
	[tilespmem:$0x16C00] =	vst v63  }
0x195: {  	s19 =	sadd.s32 s18, s21;
	s22 =	simm.s32 $0x11F80  }
0x196: {  	[hbm4b:s19+s20] =	stream.linear.scatter [tilespmem:s22], [sflag:$0x6], $0x80, $0x38;
	[tilespmem:$0x16C00] =	vst v63  }
0x197: {  	s21 =	sadd.s32 $0x10, s19;
	s22 =	simm.s32 $0x12008  }
0x198: {  	[hbm4b:s21+s20] =	stream.linear.scatter [tilespmem:s22], [sflag:$0x6], $0x80, $0x38;
	[tilespmem:$0x16C00] =	vst v63  }
0x199: {  	s21 =	sadd.s32 $0x20, s19;
	s22 =	simm.s32 $0x12090  }
0x19a: {  	[hbm4b:s21+s20] =	stream.linear.scatter [tilespmem:s22], [sflag:$0x6], $0x80, $0x38;
	[tilespmem:$0x16C00] =	vst v63  }
0x19b: {  	s21 =	sadd.s32 $0x30, s19;
	s22 =	simm.s32 $0x12118  }
0x19c: {  	[hbm4b:s21+s20] =	stream.linear.scatter [tilespmem:s22], [sflag:$0x6], $0x80, $0x38;
	[tilespmem:$0x16C00] =	vst v63  }
0x19d: {  	s21 =	sadd.s32 $0x40, s19;
	s22 =	simm.s32 $0x121A0  }
0x19e: {  	[hbm4b:s21+s20] =	stream.linear.scatter [tilespmem:s22], [sflag:$0x6], $0x80, $0x38;
	[tilespmem:$0x16C00] =	vst v63  }
0x19f: {  	s21 =	sadd.s32 $0x50, s19;
	s22 =	simm.s32 $0x12228  }
0x1a0: {  	[hbm4b:s21+s20] =	stream.linear.scatter [tilespmem:s22], [sflag:$0x6], $0x80, $0x38;
	[tilespmem:$0x16C00] =	vst v63  }
0x1a1: {  	s21 =	sadd.s32 $0x60, s19;
	s22 =	simm.s32 $0x122B0  }
0x1a2: {  	[hbm4b:s21+s20] =	stream.linear.scatter [tilespmem:s22], [sflag:$0x6], $0x80, $0x38;
	[tilespmem:$0x16C00] =	vst v63  }
0x1a3: {  	s19 =	sadd.s32 $0x70, s19;
	s22 =	simm.s32 $0x12338;
	s21 =	rddreg [dreg:$0x13]  }
0x1a4: {  	[hbm4b:s19+s20] =	stream.linear.scatter [tilespmem:s22], [sflag:$0x6], $0x80, $0x38;
	[tilespmem:$0x16C00] =	vst v63  }
0x1a5: {  	s19 =	sadd.s32 s18, s21;
	s22 =	simm.s32 $0x123C0  }
0x1a6: {  	[hbm4b:s19+s20] =	stream.linear.scatter [tilespmem:s22], [sflag:$0x6], $0x80, $0x38;
	[tilespmem:$0x16C00] =	vst v63  }
0x1a7: {  	s21 =	sadd.s32 $0x10, s19;
	s22 =	simm.s32 $0x12448  }
0x1a8: {  	[hbm4b:s21+s20] =	stream.linear.scatter [tilespmem:s22], [sflag:$0x6], $0x80, $0x38;
	[tilespmem:$0x16C00] =	vst v63  }
0x1a9: {  	s21 =	sadd.s32 $0x20, s19;
	s22 =	simm.s32 $0x124D0  }
0x1aa: {  	[hbm4b:s21+s20] =	stream.linear.scatter [tilespmem:s22], [sflag:$0x6], $0x80, $0x38;
	[tilespmem:$0x16C00] =	vst v63  }
0x1ab: {  	s21 =	sadd.s32 $0x30, s19;
	s22 =	simm.s32 $0x12558  }
0x1ac: {  	[hbm4b:s21+s20] =	stream.linear.scatter [tilespmem:s22], [sflag:$0x6], $0x80, $0x38;
	[tilespmem:$0x16C00] =	vst v63  }
0x1ad: {  	s21 =	sadd.s32 $0x40, s19;
	s22 =	simm.s32 $0x125E0  }
0x1ae: {  	[hbm4b:s21+s20] =	stream.linear.scatter [tilespmem:s22], [sflag:$0x6], $0x80, $0x38;
	[tilespmem:$0x16C00] =	vst v63  }
0x1af: {  	s21 =	sadd.s32 $0x50, s19;
	s22 =	simm.s32 $0x12668  }
0x1b0: {  	[hbm4b:s21+s20] =	stream.linear.scatter [tilespmem:s22], [sflag:$0x6], $0x80, $0x38;
	[tilespmem:$0x16C00] =	vst v63  }
0x1b1: {  	s21 =	sadd.s32 $0x60, s19;
	s22 =	simm.s32 $0x126F0  }
0x1b2: {  	[hbm4b:s21+s20] =	stream.linear.scatter [tilespmem:s22], [sflag:$0x6], $0x80, $0x38;
	[tilespmem:$0x16C00] =	vst v63  }
0x1b3: {  	s19 =	sadd.s32 $0x70, s19;
	s22 =	simm.s32 $0x12778  }
0x1b4: {  	[hbm4b:s19+s20] =	stream.linear.scatter [tilespmem:s22], [sflag:$0x6], $0x80, $0x38;
	[tilespmem:$0x16C00] =	vst v63  }
0x1b5: {  	_ =	swait.ge [sflag:s13], $0x2000  }
0x1b6: {  	[sflag:s13] =	ssyncset.done $0x0  }
0x1b7: {  	s19 =	simm.s32 $0xA480;
	[sflag:s13] =	ssyncadd.s32 $0xFFFFE000  }
0x1b8: {  	v5 =	vld [tilespmem:s19+$0x70]  }
0x1b9: {  	v4 =	vld [tilespmem:s19+$0x60]  }
0x1ba: {  	v6 =	vld [tilespmem:s19+$0x50]  }
0x1bb: {  	v7 =	vld [tilespmem:s19+$0x40]  }
0x1bc: {  	v8 =	vld [tilespmem:s19+$0x30]  }
0x1bd: {  	v9 =	vld [tilespmem:s19+$0x20]  }
0x1be: {  	v10 =	vld [tilespmem:s19+$0x10]  }
0x1bf: {  	v11 =	vld [tilespmem:s19+$0x0]  }
0x1c0: {  	v13 =	vmov s20;
	v14 =	vld [tilespmem:s19+$0xFFFFFF80]  }
0x1c1: {  	v13 =	vand.u32 $0x7C, v13;
	v15 =	vld [tilespmem:s19+$0xFFFFFF90]  }
0x1c2: {  	v17 =	vadd.s32 v0, v13;
	v16 =	vld [tilespmem:s19+$0xFFFFFFA0]  }
0x1c3: {  	v19 =	vadd.s32 v1, v13;
	s22 =	simm.s32 $0x1;
	v18 =	vld [tilespmem:s19+$0xFFFFFFB0]  }
0x1c4: {  	v22 =	vadd.s32 v2, v13;
	v20 =	vmov s22;
	v21 =	vld [tilespmem:s19+$0xFFFFFFC0]  }
0x1c5: {  	v13 =	vadd.s32 v3, v13;
	v20 =	vand.u32 $0x7D, v20;
	v23 =	vld [tilespmem:s19+$0xFFFFFFD0];
	v14 =	vmul.f32 $1.562500000e-02, v14  }
0x1c6: {  	v25 =	vadd.s32 v0, v20;
	v24 =	vld [tilespmem:s19+$0xFFFFFFE0];
	v15 =	vmul.f32 $1.562500000e-02, v15  }
0x1c7: {  	s21 =	simm.s32 $0x2;
	v47 =	vadd.s32 v1, v20;
	v12 =	vld [tilespmem:s19+$0xFFFFFFF0];
	v16 =	vmul.f32 $1.562500000e-02, v16;
	[tilespmem:v17+s14+$0x0] =	vst.idx.msk $0xffff, v14  }
0x1c8: {  	v48 =	vmov s21;
	v49 =	vadd.s32 v2, v20;
	v18 =	vmul.f32 $1.562500000e-02, v18;
	[tilespmem:v19+s14+$0x0] =	vst.idx.msk $0xffff, v15  }
0x1c9: {  	v51 =	vadd.s32 v3, v20;
	v50 =	vmul.f32 $1.562500000e-02, v21;
	v17 =	vand.u32 $0x7E, v48;
	[tilespmem:v22+s14+$0x0] =	vst.idx.msk $0xffff, v16  }
0x1ca: {  	v52 =	vmul.f32 $1.562500000e-02, v23;
	v53 =	vadd.s32 v0, v17;
	[tilespmem:v13+s14+$0x0] =	vst.idx.msk $0xffff, v18  }
0x1cb: {  	s22 =	simm.s32 $0x3;
	v54 =	vmul.f32 $1.562500000e-02, v24;
	v55 =	vadd.s32 v1, v17;
	[tilespmem:v25+s14+$0x0] =	vst.idx.msk $0xffff, v50  }
0x1cc: {  	v56 =	vmov s22;
	v12 =	vmul.f32 $1.562500000e-02, v12;
	v57 =	vadd.s32 v2, v17;
	[tilespmem:v47+s14+$0x0] =	vst.idx.msk $0xffff, v52  }
0x1cd: {  	v59 =	vand.u32 $0x7F, v56;
	v11 =	vmul.f32 $1.562500000e-02, v11;
	v58 =	vadd.s32 v3, v17;
	[tilespmem:v49+s14+$0x0] =	vst.idx.msk $0xffff, v54  }
0x1ce: {  	v60 =	vadd.s32 v0, v59;
	v10 =	vmul.f32 $1.562500000e-02, v10;
	[tilespmem:v51+s14+$0x0] =	vst.idx.msk $0xffff, v12  }
0x1cf: {  	v61 =	vadd.s32 v1, v59;
	v9 =	vmul.f32 $1.562500000e-02, v9;
	[tilespmem:v53+s14+$0x0] =	vst.idx.msk $0xffff, v11  }
0x1d0: {  	v62 =	vadd.s32 v2, v59;
	v8 =	vmul.f32 $1.562500000e-02, v8;
	[tilespmem:v55+s14+$0x0] =	vst.idx.msk $0xffff, v10  }
0x1d1: {  	v7 =	vmul.f32 $1.562500000e-02, v7;
	[tilespmem:v57+s14+$0x0] =	vst.idx.msk $0xffff, v9  }
0x1d2: {  	v6 =	vmul.f32 $1.562500000e-02, v6;
	v63 =	vmul.f32 $1.562500000e-02, v4;
	v4 =	vadd.s32 v3, v59;
	[tilespmem:v58+s14+$0x0] =	vst.idx.msk $0xffff, v8  }
0x1d3: {  	[tilespmem:v60+s14+$0x0] =	vst.idx.msk $0xffff, v7  }
0x1d4: {  	[tilespmem:v61+s14+$0x0] =	vst.idx.msk $0xffff, v6  }
0x1d5: {  	s20 =	simm.s32 $0x4;
	v5 =	vmul.f32 $1.562500000e-02, v5;
	[tilespmem:v62+s14+$0x0] =	vst.idx.msk $0xffff, v63  }
.LBB2_7:
0x1d6: {  	p0 =	sne.s32 s20, $0x7C  }
0x1d7: {  	[tilespmem:v4+s14+$0x0] =	vst.idx.msk $0xffff, v5;
	s19 =	sadd.s32 $0x100, s19;
	s21 =	smov.u32 s20;
	s20 =	sadd.s32 $0x4, s20  }
0x1d8: {  	v5 =	vld [tilespmem:s19+$0x70]  }
0x1d9: {  	v6 =	vld [tilespmem:s19+$0x60]  }
0x1da: {  	v7 =	vld [tilespmem:s19+$0x50]  }
0x1db: {  	v4 =	vld [tilespmem:s19+$0x40]  }
0x1dc: {  	v8 =	vld [tilespmem:s19+$0x30]  }
0x1dd: {  	v9 =	vld [tilespmem:s19+$0x20]  }
0x1de: {  	v10 =	vld [tilespmem:s19+$0x10]  }
0x1df: {  	v11 =	vld [tilespmem:s19+$0x0]  }
0x1e0: {  	v12 =	vld [tilespmem:s19+$0xFFFFFFF0]  }
0x1e1: {  	v13 =	vmov s21;
	v14 =	vld [tilespmem:s19+$0xFFFFFF80]  }
0x1e2: {  	v13 =	vand.u32 $0x7C, v13;
	v15 =	vld [tilespmem:s19+$0xFFFFFF90]  }
0x1e3: {  	v17 =	vadd.s32 v0, v13;
	v16 =	vld [tilespmem:s19+$0xFFFFFFA0]  }
0x1e4: {  	s22 =	sadd.s32 $0x1, s21;
	v19 =	vadd.s32 v1, v13;
	v18 =	vld [tilespmem:s19+$0xFFFFFFB0]  }
0x1e5: {  	v20 =	vmov s22;
	v22 =	vadd.s32 v2, v13;
	v21 =	vld [tilespmem:s19+$0xFFFFFFC0]  }
0x1e6: {  	v13 =	vadd.s32 v3, v13;
	v20 =	vand.u32 $0x7D, v20;
	v23 =	vld [tilespmem:s19+$0xFFFFFFD0];
	v14 =	vmul.f32 $1.562500000e-02, v14  }
0x1e7: {  	v25 =	vadd.s32 v0, v20;
	v24 =	vld [tilespmem:s19+$0xFFFFFFE0];
	v15 =	vmul.f32 $1.562500000e-02, v15  }
0x1e8: {  	s22 =	sadd.s32 $0x2, s21;
	v16 =	vmul.f32 $1.562500000e-02, v16;
	[tilespmem:v17+s14+$0x0] =	vst.idx.msk $0xffff, v14;
	v14 =	vadd.s32 v1, v20  }
0x1e9: {  	v17 =	vmov s22;
	v18 =	vmul.f32 $1.562500000e-02, v18;
	[tilespmem:v19+s14+$0x0] =	vst.idx.msk $0xffff, v15;
	v15 =	vadd.s32 v2, v20  }
0x1ea: {  	v17 =	vand.u32 $0x7E, v17;
	v19 =	vmul.f32 $1.562500000e-02, v21;
	[tilespmem:v22+s14+$0x0] =	vst.idx.msk $0xffff, v16;
	v16 =	vadd.s32 v3, v20  }
0x1eb: {  	v20 =	vmul.f32 $1.562500000e-02, v23;
	[tilespmem:v13+s14+$0x0] =	vst.idx.msk $0xffff, v18;
	v13 =	vadd.s32 v0, v17  }
0x1ec: {  	s21 =	sadd.s32 $0x3, s21;
	v18 =	vmul.f32 $1.562500000e-02, v24;
	[tilespmem:v25+s14+$0x0] =	vst.idx.msk $0xffff, v19;
	v19 =	vadd.s32 v1, v17  }
0x1ed: {  	v12 =	vmul.f32 $1.562500000e-02, v12;
	v21 =	vmov s21;
	[tilespmem:v14+s14+$0x0] =	vst.idx.msk $0xffff, v20;
	v14 =	vadd.s32 v2, v17  }
0x1ee: {  	v11 =	vmul.f32 $1.562500000e-02, v11;
	[tilespmem:v15+s14+$0x0] =	vst.idx.msk $0xffff, v18;
	v15 =	vadd.s32 v3, v17;
	v17 =	vand.u32 $0x7F, v21  }
0x1ef: {  	v10 =	vmul.f32 $1.562500000e-02, v10;
	[tilespmem:v16+s14+$0x0] =	vst.idx.msk $0xffff, v12;
	v12 =	vadd.s32 v0, v17  }
0x1f0: {  	v9 =	vmul.f32 $1.562500000e-02, v9;
	[tilespmem:v13+s14+$0x0] =	vst.idx.msk $0xffff, v11;
	v11 =	vadd.s32 v1, v17  }
0x1f1: {  	v8 =	vmul.f32 $1.562500000e-02, v8;
	[tilespmem:v19+s14+$0x0] =	vst.idx.msk $0xffff, v10;
	v10 =	vadd.s32 v2, v17  }
.Ltmp2:
0x1f2: {  	v13 =	vmul.f32 $1.562500000e-02, v4;
	v4 =	vadd.s32 v3, v17;
	[tilespmem:v14+s14+$0x0] =	vst.idx.msk $0xffff, v9;
	(pc) =	sbr.rel @p0 .LBB2_7-.Ltmp2, $4  }
0x1f3: {  	v7 =	vmul.f32 $1.562500000e-02, v7;
	[tilespmem:v15+s14+$0x0] =	vst.idx.msk $0xffff, v8  }
0x1f4: {  	v6 =	vmul.f32 $1.562500000e-02, v6;
	[tilespmem:v12+s14+$0x0] =	vst.idx.msk $0xffff, v13  }
0x1f5: {  	v5 =	vmul.f32 $1.562500000e-02, v5;
	[tilespmem:v11+s14+$0x0] =	vst.idx.msk $0xffff, v7  }
0x1f6: {  	[tilespmem:v10+s14+$0x0] =	vst.idx.msk $0xffff, v6  }
0x1f7: {  	_ =	sdelay $0x2  }
0x1f8: {  	s19 =	rddreg [dreg:$0x14]  }
0x1f9: {  	[tilespmem:v4+s14+$0x0] =	vst.idx.msk $0xffff, v5;
	s20 =	simm.s32 $0x0;
	s19 =	sadd.s32 s18, s19  }
0x1fa: {  	[hbm4b:s19+s20] =	stream.linear.scatter [tilespmem:s14], [sflag:$0x7], $0x80, $0x38;
	[tilespmem:$0x16C00] =	vst v63  }
0x1fb: {  	s22 =	simm.s32 $0x12888;
	s21 =	sadd.s32 $0x10, s19  }
0x1fc: {  	[hbm4b:s21+s20] =	stream.linear.scatter [tilespmem:s22], [sflag:$0x7], $0x80, $0x38;
	[tilespmem:$0x16C00] =	vst v63  }
0x1fd: {  	s21 =	sadd.s32 $0x20, s19;
	s22 =	simm.s32 $0x12910  }
0x1fe: {  	[hbm4b:s21+s20] =	stream.linear.scatter [tilespmem:s22], [sflag:$0x7], $0x80, $0x38;
	[tilespmem:$0x16C00] =	vst v63  }
0x1ff: {  	s21 =	sadd.s32 $0x30, s19;
	s22 =	simm.s32 $0x12998  }
0x200: {  	[hbm4b:s21+s20] =	stream.linear.scatter [tilespmem:s22], [sflag:$0x7], $0x80, $0x38;
	[tilespmem:$0x16C00] =	vst v63  }
0x201: {  	s21 =	sadd.s32 $0x40, s19;
	s22 =	simm.s32 $0x12A20  }
0x202: {  	[hbm4b:s21+s20] =	stream.linear.scatter [tilespmem:s22], [sflag:$0x7], $0x80, $0x38;
	[tilespmem:$0x16C00] =	vst v63  }
0x203: {  	s21 =	sadd.s32 $0x50, s19;
	s22 =	simm.s32 $0x12AA8  }
0x204: {  	[hbm4b:s21+s20] =	stream.linear.scatter [tilespmem:s22], [sflag:$0x7], $0x80, $0x38;
	[tilespmem:$0x16C00] =	vst v63  }
0x205: {  	s21 =	sadd.s32 $0x60, s19;
	s22 =	simm.s32 $0x12B30  }
0x206: {  	[hbm4b:s21+s20] =	stream.linear.scatter [tilespmem:s22], [sflag:$0x7], $0x80, $0x38;
	[tilespmem:$0x16C00] =	vst v63  }
0x207: {  	s19 =	sadd.s32 $0x70, s19;
	s22 =	simm.s32 $0x12BB8  }
0x208: {  	[hbm4b:s19+s20] =	stream.linear.scatter [tilespmem:s22], [sflag:$0x7], $0x80, $0x38;
	[tilespmem:$0x16C00] =	vst v63  }
0x209: {  	s19 =	sadd.s32 s18, s23;
	s22 =	simm.s32 $0x12C40  }
0x20a: {  	[hbm4b:s19+s20] =	stream.linear.scatter [tilespmem:s22], [sflag:$0x7], $0x80, $0x38;
	[tilespmem:$0x16C00] =	vst v63  }
0x20b: {  	s21 =	sadd.s32 $0x10, s19;
	s22 =	simm.s32 $0x12CC8  }
0x20c: {  	[hbm4b:s21+s20] =	stream.linear.scatter [tilespmem:s22], [sflag:$0x7], $0x80, $0x38;
	[tilespmem:$0x16C00] =	vst v63  }
0x20d: {  	s21 =	sadd.s32 $0x20, s19;
	s22 =	simm.s32 $0x12D50  }
0x20e: {  	[hbm4b:s21+s20] =	stream.linear.scatter [tilespmem:s22], [sflag:$0x7], $0x80, $0x38;
	[tilespmem:$0x16C00] =	vst v63  }
0x20f: {  	s21 =	sadd.s32 $0x30, s19;
	s22 =	simm.s32 $0x12DD8  }
0x210: {  	[hbm4b:s21+s20] =	stream.linear.scatter [tilespmem:s22], [sflag:$0x7], $0x80, $0x38;
	[tilespmem:$0x16C00] =	vst v63  }
0x211: {  	s21 =	sadd.s32 $0x40, s19;
	s22 =	simm.s32 $0x12E60  }
0x212: {  	[hbm4b:s21+s20] =	stream.linear.scatter [tilespmem:s22], [sflag:$0x7], $0x80, $0x38;
	[tilespmem:$0x16C00] =	vst v63  }
0x213: {  	s21 =	sadd.s32 $0x50, s19;
	s22 =	simm.s32 $0x12EE8  }
0x214: {  	[hbm4b:s21+s20] =	stream.linear.scatter [tilespmem:s22], [sflag:$0x7], $0x80, $0x38;
	[tilespmem:$0x16C00] =	vst v63  }
0x215: {  	s21 =	sadd.s32 $0x60, s19;
	s22 =	simm.s32 $0x12F70  }
0x216: {  	[hbm4b:s21+s20] =	stream.linear.scatter [tilespmem:s22], [sflag:$0x7], $0x80, $0x38;
	[tilespmem:$0x16C00] =	vst v63  }
0x217: {  	s19 =	sadd.s32 $0x70, s19;
	s22 =	simm.s32 $0x12FF8  }
0x218: {  	[hbm4b:s19+s20] =	stream.linear.scatter [tilespmem:s22], [sflag:$0x7], $0x80, $0x38;
	[tilespmem:$0x16C00] =	vst v63  }
0x219: {  	s19 =	sadd.s32 s18, s24;
	s22 =	simm.s32 $0x13080  }
0x21a: {  	[hbm4b:s19+s20] =	stream.linear.scatter [tilespmem:s22], [sflag:$0x7], $0x80, $0x38;
	[tilespmem:$0x16C00] =	vst v63  }
0x21b: {  	s21 =	sadd.s32 $0x10, s19;
	s22 =	simm.s32 $0x13108  }
0x21c: {  	[hbm4b:s21+s20] =	stream.linear.scatter [tilespmem:s22], [sflag:$0x7], $0x80, $0x38;
	[tilespmem:$0x16C00] =	vst v63  }
0x21d: {  	s21 =	sadd.s32 $0x20, s19;
	s22 =	simm.s32 $0x13190  }
0x21e: {  	[hbm4b:s21+s20] =	stream.linear.scatter [tilespmem:s22], [sflag:$0x7], $0x80, $0x38;
	[tilespmem:$0x16C00] =	vst v63  }
0x21f: {  	s21 =	sadd.s32 $0x30, s19;
	s22 =	simm.s32 $0x13218  }
0x220: {  	[hbm4b:s21+s20] =	stream.linear.scatter [tilespmem:s22], [sflag:$0x7], $0x80, $0x38;
	[tilespmem:$0x16C00] =	vst v63  }
0x221: {  	s21 =	sadd.s32 $0x40, s19;
	s22 =	simm.s32 $0x132A0  }
0x222: {  	[hbm4b:s21+s20] =	stream.linear.scatter [tilespmem:s22], [sflag:$0x7], $0x80, $0x38;
	[tilespmem:$0x16C00] =	vst v63  }
0x223: {  	s21 =	sadd.s32 $0x50, s19;
	s22 =	simm.s32 $0x13328  }
0x224: {  	[hbm4b:s21+s20] =	stream.linear.scatter [tilespmem:s22], [sflag:$0x7], $0x80, $0x38;
	[tilespmem:$0x16C00] =	vst v63  }
0x225: {  	s21 =	sadd.s32 $0x60, s19;
	s22 =	simm.s32 $0x133B0  }
0x226: {  	[hbm4b:s21+s20] =	stream.linear.scatter [tilespmem:s22], [sflag:$0x7], $0x80, $0x38;
	[tilespmem:$0x16C00] =	vst v63  }
0x227: {  	s19 =	sadd.s32 $0x70, s19;
	s22 =	simm.s32 $0x13438  }
0x228: {  	[hbm4b:s19+s20] =	stream.linear.scatter [tilespmem:s22], [sflag:$0x7], $0x80, $0x38;
	[tilespmem:$0x16C00] =	vst v63  }
0x229: {  	s19 =	sadd.s32 s18, s26;
	s22 =	simm.s32 $0x134C0  }
0x22a: {  	[hbm4b:s19+s20] =	stream.linear.scatter [tilespmem:s22], [sflag:$0x7], $0x80, $0x38;
	[tilespmem:$0x16C00] =	vst v63  }
0x22b: {  	s21 =	sadd.s32 $0x10, s19;
	s22 =	simm.s32 $0x13548  }
0x22c: {  	[hbm4b:s21+s20] =	stream.linear.scatter [tilespmem:s22], [sflag:$0x7], $0x80, $0x38;
	[tilespmem:$0x16C00] =	vst v63  }
0x22d: {  	s21 =	sadd.s32 $0x20, s19;
	s22 =	simm.s32 $0x135D0  }
0x22e: {  	[hbm4b:s21+s20] =	stream.linear.scatter [tilespmem:s22], [sflag:$0x7], $0x80, $0x38;
	[tilespmem:$0x16C00] =	vst v63  }
0x22f: {  	s21 =	sadd.s32 $0x30, s19;
	s22 =	simm.s32 $0x13658  }
0x230: {  	[hbm4b:s21+s20] =	stream.linear.scatter [tilespmem:s22], [sflag:$0x7], $0x80, $0x38;
	[tilespmem:$0x16C00] =	vst v63  }
0x231: {  	s21 =	sadd.s32 $0x40, s19;
	s22 =	simm.s32 $0x136E0  }
0x232: {  	[hbm4b:s21+s20] =	stream.linear.scatter [tilespmem:s22], [sflag:$0x7], $0x80, $0x38;
	[tilespmem:$0x16C00] =	vst v63  }
0x233: {  	s21 =	sadd.s32 $0x50, s19;
	s22 =	simm.s32 $0x13768  }
0x234: {  	[hbm4b:s21+s20] =	stream.linear.scatter [tilespmem:s22], [sflag:$0x7], $0x80, $0x38;
	[tilespmem:$0x16C00] =	vst v63  }
0x235: {  	s21 =	sadd.s32 $0x60, s19;
	s22 =	simm.s32 $0x137F0  }
0x236: {  	[hbm4b:s21+s20] =	stream.linear.scatter [tilespmem:s22], [sflag:$0x7], $0x80, $0x38;
	[tilespmem:$0x16C00] =	vst v63  }
0x237: {  	s19 =	sadd.s32 $0x70, s19;
	s22 =	simm.s32 $0x13878  }
0x238: {  	[hbm4b:s19+s20] =	stream.linear.scatter [tilespmem:s22], [sflag:$0x7], $0x80, $0x38;
	[tilespmem:$0x16C00] =	vst v63  }
0x239: {  	s19 =	sadd.s32 s18, s28;
	s22 =	simm.s32 $0x13900  }
0x23a: {  	[hbm4b:s19+s20] =	stream.linear.scatter [tilespmem:s22], [sflag:$0x7], $0x80, $0x38;
	[tilespmem:$0x16C00] =	vst v63  }
0x23b: {  	s21 =	sadd.s32 $0x10, s19;
	s22 =	simm.s32 $0x13988  }
0x23c: {  	[hbm4b:s21+s20] =	stream.linear.scatter [tilespmem:s22], [sflag:$0x7], $0x80, $0x38;
	[tilespmem:$0x16C00] =	vst v63  }
0x23d: {  	s21 =	sadd.s32 $0x20, s19;
	s22 =	simm.s32 $0x13A10  }
0x23e: {  	[hbm4b:s21+s20] =	stream.linear.scatter [tilespmem:s22], [sflag:$0x7], $0x80, $0x38;
	[tilespmem:$0x16C00] =	vst v63  }
0x23f: {  	s21 =	sadd.s32 $0x30, s19;
	s22 =	simm.s32 $0x13A98  }
0x240: {  	[hbm4b:s21+s20] =	stream.linear.scatter [tilespmem:s22], [sflag:$0x7], $0x80, $0x38;
	[tilespmem:$0x16C00] =	vst v63  }
0x241: {  	s21 =	sadd.s32 $0x40, s19;
	s22 =	simm.s32 $0x13B20  }
0x242: {  	[hbm4b:s21+s20] =	stream.linear.scatter [tilespmem:s22], [sflag:$0x7], $0x80, $0x38;
	[tilespmem:$0x16C00] =	vst v63  }
0x243: {  	s21 =	sadd.s32 $0x50, s19;
	s22 =	simm.s32 $0x13BA8  }
0x244: {  	[hbm4b:s21+s20] =	stream.linear.scatter [tilespmem:s22], [sflag:$0x7], $0x80, $0x38;
	[tilespmem:$0x16C00] =	vst v63  }
0x245: {  	s21 =	sadd.s32 $0x60, s19;
	s22 =	simm.s32 $0x13C30  }
0x246: {  	[hbm4b:s21+s20] =	stream.linear.scatter [tilespmem:s22], [sflag:$0x7], $0x80, $0x38;
	[tilespmem:$0x16C00] =	vst v63  }
0x247: {  	s19 =	sadd.s32 $0x70, s19;
	s22 =	simm.s32 $0x13CB8  }
0x248: {  	[hbm4b:s19+s20] =	stream.linear.scatter [tilespmem:s22], [sflag:$0x7], $0x80, $0x38;
	[tilespmem:$0x16C00] =	vst v63  }
0x249: {  	s19 =	sadd.s32 s18, s29;
	s22 =	simm.s32 $0x13D40  }
0x24a: {  	[hbm4b:s19+s20] =	stream.linear.scatter [tilespmem:s22], [sflag:$0x7], $0x80, $0x38;
	[tilespmem:$0x16C00] =	vst v63  }
0x24b: {  	s21 =	sadd.s32 $0x10, s19;
	s22 =	simm.s32 $0x13DC8  }
0x24c: {  	[hbm4b:s21+s20] =	stream.linear.scatter [tilespmem:s22], [sflag:$0x7], $0x80, $0x38;
	[tilespmem:$0x16C00] =	vst v63  }
0x24d: {  	s21 =	sadd.s32 $0x20, s19;
	s22 =	simm.s32 $0x13E50  }
0x24e: {  	[hbm4b:s21+s20] =	stream.linear.scatter [tilespmem:s22], [sflag:$0x7], $0x80, $0x38;
	[tilespmem:$0x16C00] =	vst v63  }
0x24f: {  	s21 =	sadd.s32 $0x30, s19;
	s22 =	simm.s32 $0x13ED8  }
0x250: {  	[hbm4b:s21+s20] =	stream.linear.scatter [tilespmem:s22], [sflag:$0x7], $0x80, $0x38;
	[tilespmem:$0x16C00] =	vst v63  }
0x251: {  	s21 =	sadd.s32 $0x40, s19;
	s22 =	simm.s32 $0x13F60  }
0x252: {  	[hbm4b:s21+s20] =	stream.linear.scatter [tilespmem:s22], [sflag:$0x7], $0x80, $0x38;
	[tilespmem:$0x16C00] =	vst v63  }
0x253: {  	s21 =	sadd.s32 $0x50, s19;
	s22 =	simm.s32 $0x13FE8  }
0x254: {  	[hbm4b:s21+s20] =	stream.linear.scatter [tilespmem:s22], [sflag:$0x7], $0x80, $0x38;
	[tilespmem:$0x16C00] =	vst v63  }
0x255: {  	s21 =	sadd.s32 $0x60, s19;
	s22 =	simm.s32 $0x14070  }
0x256: {  	[hbm4b:s21+s20] =	stream.linear.scatter [tilespmem:s22], [sflag:$0x7], $0x80, $0x38;
	[tilespmem:$0x16C00] =	vst v63  }
0x257: {  	s19 =	sadd.s32 $0x70, s19;
	s22 =	simm.s32 $0x140F8  }
0x258: {  	[hbm4b:s19+s20] =	stream.linear.scatter [tilespmem:s22], [sflag:$0x7], $0x80, $0x38;
	[tilespmem:$0x16C00] =	vst v63  }
0x259: {  	s19 =	sadd.s32 s18, s30;
	s22 =	simm.s32 $0x14180  }
0x25a: {  	[hbm4b:s19+s20] =	stream.linear.scatter [tilespmem:s22], [sflag:$0x7], $0x80, $0x38;
	[tilespmem:$0x16C00] =	vst v63  }
0x25b: {  	s21 =	sadd.s32 $0x10, s19;
	s22 =	simm.s32 $0x14208  }
0x25c: {  	[hbm4b:s21+s20] =	stream.linear.scatter [tilespmem:s22], [sflag:$0x7], $0x80, $0x38;
	[tilespmem:$0x16C00] =	vst v63  }
0x25d: {  	s21 =	sadd.s32 $0x20, s19;
	s22 =	simm.s32 $0x14290  }
0x25e: {  	[hbm4b:s21+s20] =	stream.linear.scatter [tilespmem:s22], [sflag:$0x7], $0x80, $0x38;
	[tilespmem:$0x16C00] =	vst v63  }
0x25f: {  	s21 =	sadd.s32 $0x30, s19;
	s22 =	simm.s32 $0x14318  }
0x260: {  	[hbm4b:s21+s20] =	stream.linear.scatter [tilespmem:s22], [sflag:$0x7], $0x80, $0x38;
	[tilespmem:$0x16C00] =	vst v63  }
0x261: {  	s21 =	sadd.s32 $0x40, s19;
	s22 =	simm.s32 $0x143A0  }
0x262: {  	[hbm4b:s21+s20] =	stream.linear.scatter [tilespmem:s22], [sflag:$0x7], $0x80, $0x38;
	[tilespmem:$0x16C00] =	vst v63  }
0x263: {  	s21 =	sadd.s32 $0x50, s19;
	s22 =	simm.s32 $0x14428  }
0x264: {  	[hbm4b:s21+s20] =	stream.linear.scatter [tilespmem:s22], [sflag:$0x7], $0x80, $0x38;
	[tilespmem:$0x16C00] =	vst v63  }
0x265: {  	s21 =	sadd.s32 $0x60, s19;
	s22 =	simm.s32 $0x144B0  }
0x266: {  	[hbm4b:s21+s20] =	stream.linear.scatter [tilespmem:s22], [sflag:$0x7], $0x80, $0x38;
	[tilespmem:$0x16C00] =	vst v63  }
0x267: {  	s19 =	sadd.s32 $0x70, s19;
	s22 =	simm.s32 $0x14538  }
0x268: {  	[hbm4b:s19+s20] =	stream.linear.scatter [tilespmem:s22], [sflag:$0x7], $0x80, $0x38;
	[tilespmem:$0x16C00] =	vst v63  }
0x269: {  	s19 =	sadd.s32 s18, s31;
	s22 =	simm.s32 $0x145C0  }
0x26a: {  	[hbm4b:s19+s20] =	stream.linear.scatter [tilespmem:s22], [sflag:$0x7], $0x80, $0x38;
	[tilespmem:$0x16C00] =	vst v63  }
0x26b: {  	s21 =	sadd.s32 $0x10, s19;
	s22 =	simm.s32 $0x14648  }
0x26c: {  	[hbm4b:s21+s20] =	stream.linear.scatter [tilespmem:s22], [sflag:$0x7], $0x80, $0x38;
	[tilespmem:$0x16C00] =	vst v63  }
0x26d: {  	s21 =	sadd.s32 $0x20, s19;
	s22 =	simm.s32 $0x146D0  }
0x26e: {  	[hbm4b:s21+s20] =	stream.linear.scatter [tilespmem:s22], [sflag:$0x7], $0x80, $0x38;
	[tilespmem:$0x16C00] =	vst v63  }
0x26f: {  	s21 =	sadd.s32 $0x30, s19;
	s22 =	simm.s32 $0x14758  }
0x270: {  	[hbm4b:s21+s20] =	stream.linear.scatter [tilespmem:s22], [sflag:$0x7], $0x80, $0x38;
	[tilespmem:$0x16C00] =	vst v63  }
0x271: {  	s21 =	sadd.s32 $0x40, s19;
	s22 =	simm.s32 $0x147E0  }
0x272: {  	[hbm4b:s21+s20] =	stream.linear.scatter [tilespmem:s22], [sflag:$0x7], $0x80, $0x38;
	[tilespmem:$0x16C00] =	vst v63  }
0x273: {  	s21 =	sadd.s32 $0x50, s19;
	s22 =	simm.s32 $0x14868  }
0x274: {  	[hbm4b:s21+s20] =	stream.linear.scatter [tilespmem:s22], [sflag:$0x7], $0x80, $0x38;
	[tilespmem:$0x16C00] =	vst v63  }
0x275: {  	s21 =	sadd.s32 $0x60, s19;
	s22 =	simm.s32 $0x148F0  }
0x276: {  	[hbm4b:s21+s20] =	stream.linear.scatter [tilespmem:s22], [sflag:$0x7], $0x80, $0x38;
	[tilespmem:$0x16C00] =	vst v63  }
0x277: {  	s19 =	sadd.s32 $0x70, s19;
	s22 =	simm.s32 $0x14978  }
0x278: {  	[hbm4b:s19+s20] =	stream.linear.scatter [tilespmem:s22], [sflag:$0x7], $0x80, $0x38;
	[tilespmem:$0x16C00] =	vst v63  }
0x279: {  	_ =	swait.ge [sflag:s15], $0x2000  }
0x27a: {  	[sflag:s15] =	ssyncset.done $0x0  }
0x27b: {  	s19 =	simm.s32 $0xC480;
	[sflag:s15] =	ssyncadd.s32 $0xFFFFE000  }
0x27c: {  	v5 =	vld [tilespmem:s19+$0x70]  }
0x27d: {  	v4 =	vld [tilespmem:s19+$0x60]  }
0x27e: {  	v6 =	vld [tilespmem:s19+$0x50]  }
0x27f: {  	v7 =	vld [tilespmem:s19+$0x40]  }
0x280: {  	v8 =	vld [tilespmem:s19+$0x30]  }
0x281: {  	v9 =	vld [tilespmem:s19+$0x20]  }
0x282: {  	v10 =	vld [tilespmem:s19+$0x10]  }
0x283: {  	v11 =	vld [tilespmem:s19+$0x0]  }
0x284: {  	v13 =	vmov s20;
	v14 =	vld [tilespmem:s19+$0xFFFFFF80]  }
0x285: {  	v13 =	vand.u32 $0x7C, v13;
	v15 =	vld [tilespmem:s19+$0xFFFFFF90]  }
0x286: {  	v17 =	vadd.s32 v0, v13;
	v16 =	vld [tilespmem:s19+$0xFFFFFFA0]  }
0x287: {  	v19 =	vadd.s32 v1, v13;
	s22 =	simm.s32 $0x1;
	v18 =	vld [tilespmem:s19+$0xFFFFFFB0]  }
0x288: {  	v22 =	vadd.s32 v2, v13;
	v20 =	vmov s22;
	v21 =	vld [tilespmem:s19+$0xFFFFFFC0]  }
0x289: {  	v13 =	vadd.s32 v3, v13;
	v20 =	vand.u32 $0x7D, v20;
	v23 =	vld [tilespmem:s19+$0xFFFFFFD0];
	v14 =	vmul.f32 $1.562500000e-02, v14  }
0x28a: {  	v25 =	vadd.s32 v0, v20;
	v24 =	vld [tilespmem:s19+$0xFFFFFFE0];
	v15 =	vmul.f32 $1.562500000e-02, v15  }
0x28b: {  	s21 =	simm.s32 $0x2;
	v47 =	vadd.s32 v1, v20;
	v12 =	vld [tilespmem:s19+$0xFFFFFFF0];
	v16 =	vmul.f32 $1.562500000e-02, v16;
	[tilespmem:v17+s16+$0x0] =	vst.idx.msk $0xffff, v14  }
0x28c: {  	v48 =	vmov s21;
	v49 =	vadd.s32 v2, v20;
	v18 =	vmul.f32 $1.562500000e-02, v18;
	[tilespmem:v19+s16+$0x0] =	vst.idx.msk $0xffff, v15  }
0x28d: {  	v51 =	vadd.s32 v3, v20;
	v50 =	vmul.f32 $1.562500000e-02, v21;
	v17 =	vand.u32 $0x7E, v48;
	[tilespmem:v22+s16+$0x0] =	vst.idx.msk $0xffff, v16  }
0x28e: {  	v52 =	vmul.f32 $1.562500000e-02, v23;
	v53 =	vadd.s32 v0, v17;
	[tilespmem:v13+s16+$0x0] =	vst.idx.msk $0xffff, v18  }
0x28f: {  	s22 =	simm.s32 $0x3;
	v54 =	vmul.f32 $1.562500000e-02, v24;
	v55 =	vadd.s32 v1, v17;
	[tilespmem:v25+s16+$0x0] =	vst.idx.msk $0xffff, v50  }
0x290: {  	v56 =	vmov s22;
	v12 =	vmul.f32 $1.562500000e-02, v12;
	v57 =	vadd.s32 v2, v17;
	[tilespmem:v47+s16+$0x0] =	vst.idx.msk $0xffff, v52  }
0x291: {  	v59 =	vand.u32 $0x7F, v56;
	v11 =	vmul.f32 $1.562500000e-02, v11;
	v58 =	vadd.s32 v3, v17;
	[tilespmem:v49+s16+$0x0] =	vst.idx.msk $0xffff, v54  }
0x292: {  	v60 =	vadd.s32 v0, v59;
	v10 =	vmul.f32 $1.562500000e-02, v10;
	[tilespmem:v51+s16+$0x0] =	vst.idx.msk $0xffff, v12  }
0x293: {  	v61 =	vadd.s32 v1, v59;
	v9 =	vmul.f32 $1.562500000e-02, v9;
	[tilespmem:v53+s16+$0x0] =	vst.idx.msk $0xffff, v11  }
0x294: {  	v62 =	vadd.s32 v2, v59;
	v8 =	vmul.f32 $1.562500000e-02, v8;
	[tilespmem:v55+s16+$0x0] =	vst.idx.msk $0xffff, v10  }
0x295: {  	v7 =	vmul.f32 $1.562500000e-02, v7;
	[tilespmem:v57+s16+$0x0] =	vst.idx.msk $0xffff, v9  }
0x296: {  	v6 =	vmul.f32 $1.562500000e-02, v6;
	v63 =	vmul.f32 $1.562500000e-02, v4;
	v4 =	vadd.s32 v3, v59;
	[tilespmem:v58+s16+$0x0] =	vst.idx.msk $0xffff, v8  }
0x297: {  	[tilespmem:v60+s16+$0x0] =	vst.idx.msk $0xffff, v7  }
0x298: {  	[tilespmem:v61+s16+$0x0] =	vst.idx.msk $0xffff, v6  }
0x299: {  	s20 =	simm.s32 $0x4;
	v5 =	vmul.f32 $1.562500000e-02, v5;
	[tilespmem:v62+s16+$0x0] =	vst.idx.msk $0xffff, v63  }
.LBB2_9:
0x29a: {  	p0 =	sne.s32 s20, $0x7C  }
0x29b: {  	[tilespmem:v4+s16+$0x0] =	vst.idx.msk $0xffff, v5;
	s19 =	sadd.s32 $0x100, s19;
	s21 =	smov.u32 s20;
	s20 =	sadd.s32 $0x4, s20  }
0x29c: {  	v5 =	vld [tilespmem:s19+$0x70]  }
0x29d: {  	v6 =	vld [tilespmem:s19+$0x60]  }
0x29e: {  	v7 =	vld [tilespmem:s19+$0x50]  }
0x29f: {  	v4 =	vld [tilespmem:s19+$0x40]  }
0x2a0: {  	v8 =	vld [tilespmem:s19+$0x30]  }
0x2a1: {  	v9 =	vld [tilespmem:s19+$0x20]  }
0x2a2: {  	v10 =	vld [tilespmem:s19+$0x10]  }
0x2a3: {  	v11 =	vld [tilespmem:s19+$0x0]  }
0x2a4: {  	v12 =	vld [tilespmem:s19+$0xFFFFFFF0]  }
0x2a5: {  	v13 =	vmov s21;
	v14 =	vld [tilespmem:s19+$0xFFFFFF80]  }
0x2a6: {  	v13 =	vand.u32 $0x7C, v13;
	v15 =	vld [tilespmem:s19+$0xFFFFFF90]  }
0x2a7: {  	v17 =	vadd.s32 v0, v13;
	v16 =	vld [tilespmem:s19+$0xFFFFFFA0]  }
0x2a8: {  	s22 =	sadd.s32 $0x1, s21;
	v19 =	vadd.s32 v1, v13;
	v18 =	vld [tilespmem:s19+$0xFFFFFFB0]  }
0x2a9: {  	v20 =	vmov s22;
	v22 =	vadd.s32 v2, v13;
	v21 =	vld [tilespmem:s19+$0xFFFFFFC0]  }
0x2aa: {  	v13 =	vadd.s32 v3, v13;
	v20 =	vand.u32 $0x7D, v20;
	v23 =	vld [tilespmem:s19+$0xFFFFFFD0];
	v14 =	vmul.f32 $1.562500000e-02, v14  }
0x2ab: {  	v25 =	vadd.s32 v0, v20;
	v24 =	vld [tilespmem:s19+$0xFFFFFFE0];
	v15 =	vmul.f32 $1.562500000e-02, v15  }
0x2ac: {  	s22 =	sadd.s32 $0x2, s21;
	v16 =	vmul.f32 $1.562500000e-02, v16;
	[tilespmem:v17+s16+$0x0] =	vst.idx.msk $0xffff, v14;
	v14 =	vadd.s32 v1, v20  }
0x2ad: {  	v17 =	vmov s22;
	v18 =	vmul.f32 $1.562500000e-02, v18;
	[tilespmem:v19+s16+$0x0] =	vst.idx.msk $0xffff, v15;
	v15 =	vadd.s32 v2, v20  }
0x2ae: {  	v17 =	vand.u32 $0x7E, v17;
	v19 =	vmul.f32 $1.562500000e-02, v21;
	[tilespmem:v22+s16+$0x0] =	vst.idx.msk $0xffff, v16;
	v16 =	vadd.s32 v3, v20  }
0x2af: {  	v20 =	vmul.f32 $1.562500000e-02, v23;
	[tilespmem:v13+s16+$0x0] =	vst.idx.msk $0xffff, v18;
	v13 =	vadd.s32 v0, v17  }
0x2b0: {  	s21 =	sadd.s32 $0x3, s21;
	v18 =	vmul.f32 $1.562500000e-02, v24;
	[tilespmem:v25+s16+$0x0] =	vst.idx.msk $0xffff, v19;
	v19 =	vadd.s32 v1, v17  }
0x2b1: {  	v12 =	vmul.f32 $1.562500000e-02, v12;
	v21 =	vmov s21;
	[tilespmem:v14+s16+$0x0] =	vst.idx.msk $0xffff, v20;
	v14 =	vadd.s32 v2, v17  }
0x2b2: {  	v11 =	vmul.f32 $1.562500000e-02, v11;
	[tilespmem:v15+s16+$0x0] =	vst.idx.msk $0xffff, v18;
	v15 =	vadd.s32 v3, v17;
	v17 =	vand.u32 $0x7F, v21  }
0x2b3: {  	v10 =	vmul.f32 $1.562500000e-02, v10;
	[tilespmem:v16+s16+$0x0] =	vst.idx.msk $0xffff, v12;
	v12 =	vadd.s32 v0, v17  }
0x2b4: {  	v9 =	vmul.f32 $1.562500000e-02, v9;
	[tilespmem:v13+s16+$0x0] =	vst.idx.msk $0xffff, v11;
	v11 =	vadd.s32 v1, v17  }
0x2b5: {  	v8 =	vmul.f32 $1.562500000e-02, v8;
	[tilespmem:v19+s16+$0x0] =	vst.idx.msk $0xffff, v10;
	v10 =	vadd.s32 v2, v17  }
.Ltmp3:
0x2b6: {  	v13 =	vmul.f32 $1.562500000e-02, v4;
	v4 =	vadd.s32 v3, v17;
	[tilespmem:v14+s16+$0x0] =	vst.idx.msk $0xffff, v9;
	(pc) =	sbr.rel @p0 .LBB2_9-.Ltmp3, $4  }
0x2b7: {  	v7 =	vmul.f32 $1.562500000e-02, v7;
	[tilespmem:v15+s16+$0x0] =	vst.idx.msk $0xffff, v8  }
0x2b8: {  	v6 =	vmul.f32 $1.562500000e-02, v6;
	[tilespmem:v12+s16+$0x0] =	vst.idx.msk $0xffff, v13  }
0x2b9: {  	v5 =	vmul.f32 $1.562500000e-02, v5;
	[tilespmem:v11+s16+$0x0] =	vst.idx.msk $0xffff, v7  }
0x2ba: {  	[tilespmem:v10+s16+$0x0] =	vst.idx.msk $0xffff, v6  }
0x2bb: {  	_ =	sdelay $0x3  }
0x2bc: {  	[tilespmem:v4+s16+$0x0] =	vst.idx.msk $0xffff, v5;
	s19 =	sadd.s32 s18, s0  }
0x2bd: {  	[hbm4b:s19+s3] =	stream.linear.scatter [tilespmem:s16], [sflag:$0x8], $0x80, $0x38;
	[tilespmem:$0x16C00] =	vst v63  }
0x2be: {  	s21 =	simm.s32 $0x14A88;
	s20 =	sadd.s32 $0x10, s19  }
0x2bf: {  	[hbm4b:s20+s3] =	stream.linear.scatter [tilespmem:s21], [sflag:$0x8], $0x80, $0x38;
	[tilespmem:$0x16C00] =	vst v63  }
0x2c0: {  	s22 =	simm.s32 $0x14B10;
	s21 =	sadd.s32 $0x20, s19  }
0x2c1: {  	[hbm4b:s21+s3] =	stream.linear.scatter [tilespmem:s22], [sflag:$0x8], $0x80, $0x38;
	[tilespmem:$0x16C00] =	vst v63  }
0x2c2: {  	s21 =	sadd.s32 $0x30, s19;
	s22 =	simm.s32 $0x14B98  }
0x2c3: {  	[hbm4b:s21+s3] =	stream.linear.scatter [tilespmem:s22], [sflag:$0x8], $0x80, $0x38;
	[tilespmem:$0x16C00] =	vst v63  }
0x2c4: {  	s21 =	sadd.s32 $0x40, s19;
	s22 =	simm.s32 $0x14C20  }
0x2c5: {  	[hbm4b:s21+s3] =	stream.linear.scatter [tilespmem:s22], [sflag:$0x8], $0x80, $0x38;
	[tilespmem:$0x16C00] =	vst v63  }
0x2c6: {  	s21 =	sadd.s32 $0x50, s19;
	s22 =	simm.s32 $0x14CA8  }
0x2c7: {  	[hbm4b:s21+s3] =	stream.linear.scatter [tilespmem:s22], [sflag:$0x8], $0x80, $0x38;
	[tilespmem:$0x16C00] =	vst v63  }
0x2c8: {  	s21 =	sadd.s32 $0x60, s19;
	s22 =	simm.s32 $0x14D30  }
0x2c9: {  	[hbm4b:s21+s3] =	stream.linear.scatter [tilespmem:s22], [sflag:$0x8], $0x80, $0x38;
	[tilespmem:$0x16C00] =	vst v63  }
0x2ca: {  	s19 =	sadd.s32 $0x70, s19;
	s21 =	simm.s32 $0x14DB8  }
0x2cb: {  	[hbm4b:s19+s3] =	stream.linear.scatter [tilespmem:s21], [sflag:$0x8], $0x80, $0x38;
	[tilespmem:$0x16C00] =	vst v63  }
0x2cc: {  	s22 =	simm.s32 $0x14E40;
	s19 =	sadd.s32 s18, s1  }
0x2cd: {  	[hbm4b:s19+s3] =	stream.linear.scatter [tilespmem:s22], [sflag:$0x8], $0x80, $0x38;
	[tilespmem:$0x16C00] =	vst v63  }
0x2ce: {  	s21 =	sadd.s32 $0x10, s19;
	s22 =	simm.s32 $0x14EC8  }
0x2cf: {  	[hbm4b:s21+s3] =	stream.linear.scatter [tilespmem:s22], [sflag:$0x8], $0x80, $0x38;
	[tilespmem:$0x16C00] =	vst v63  }
0x2d0: {  	s21 =	sadd.s32 $0x20, s19;
	s22 =	simm.s32 $0x14F50  }
0x2d1: {  	[hbm4b:s21+s3] =	stream.linear.scatter [tilespmem:s22], [sflag:$0x8], $0x80, $0x38;
	[tilespmem:$0x16C00] =	vst v63  }
0x2d2: {  	s21 =	sadd.s32 $0x30, s19;
	s22 =	simm.s32 $0x14FD8  }
0x2d3: {  	[hbm4b:s21+s3] =	stream.linear.scatter [tilespmem:s22], [sflag:$0x8], $0x80, $0x38;
	[tilespmem:$0x16C00] =	vst v63  }
0x2d4: {  	s21 =	sadd.s32 $0x40, s19;
	s22 =	simm.s32 $0x15060  }
0x2d5: {  	[hbm4b:s21+s3] =	stream.linear.scatter [tilespmem:s22], [sflag:$0x8], $0x80, $0x38;
	[tilespmem:$0x16C00] =	vst v63  }
0x2d6: {  	s21 =	sadd.s32 $0x50, s19;
	s22 =	simm.s32 $0x150E8  }
0x2d7: {  	[hbm4b:s21+s3] =	stream.linear.scatter [tilespmem:s22], [sflag:$0x8], $0x80, $0x38;
	[tilespmem:$0x16C00] =	vst v63  }
0x2d8: {  	s21 =	sadd.s32 $0x60, s19;
	s22 =	simm.s32 $0x15170  }
0x2d9: {  	[hbm4b:s21+s3] =	stream.linear.scatter [tilespmem:s22], [sflag:$0x8], $0x80, $0x38;
	[tilespmem:$0x16C00] =	vst v63  }
0x2da: {  	s19 =	sadd.s32 $0x70, s19;
	s21 =	simm.s32 $0x151F8  }
0x2db: {  	[hbm4b:s19+s3] =	stream.linear.scatter [tilespmem:s21], [sflag:$0x8], $0x80, $0x38;
	[tilespmem:$0x16C00] =	vst v63  }
0x2dc: {  	s22 =	simm.s32 $0x15280;
	s19 =	sadd.s32 s18, s5  }
0x2dd: {  	[hbm4b:s19+s3] =	stream.linear.scatter [tilespmem:s22], [sflag:$0x8], $0x80, $0x38;
	[tilespmem:$0x16C00] =	vst v63  }
0x2de: {  	s21 =	sadd.s32 $0x10, s19;
	s22 =	simm.s32 $0x15308  }
0x2df: {  	[hbm4b:s21+s3] =	stream.linear.scatter [tilespmem:s22], [sflag:$0x8], $0x80, $0x38;
	[tilespmem:$0x16C00] =	vst v63  }
0x2e0: {  	s21 =	sadd.s32 $0x20, s19;
	s22 =	simm.s32 $0x15390  }
0x2e1: {  	[hbm4b:s21+s3] =	stream.linear.scatter [tilespmem:s22], [sflag:$0x8], $0x80, $0x38;
	[tilespmem:$0x16C00] =	vst v63  }
0x2e2: {  	s21 =	sadd.s32 $0x30, s19;
	s22 =	simm.s32 $0x15418  }
0x2e3: {  	[hbm4b:s21+s3] =	stream.linear.scatter [tilespmem:s22], [sflag:$0x8], $0x80, $0x38;
	[tilespmem:$0x16C00] =	vst v63  }
0x2e4: {  	s21 =	sadd.s32 $0x40, s19;
	s22 =	simm.s32 $0x154A0  }
0x2e5: {  	[hbm4b:s21+s3] =	stream.linear.scatter [tilespmem:s22], [sflag:$0x8], $0x80, $0x38;
	[tilespmem:$0x16C00] =	vst v63  }
0x2e6: {  	s21 =	sadd.s32 $0x50, s19;
	s22 =	simm.s32 $0x15528  }
0x2e7: {  	[hbm4b:s21+s3] =	stream.linear.scatter [tilespmem:s22], [sflag:$0x8], $0x80, $0x38;
	[tilespmem:$0x16C00] =	vst v63  }
0x2e8: {  	s21 =	sadd.s32 $0x60, s19;
	s22 =	simm.s32 $0x155B0  }
0x2e9: {  	[hbm4b:s21+s3] =	stream.linear.scatter [tilespmem:s22], [sflag:$0x8], $0x80, $0x38;
	[tilespmem:$0x16C00] =	vst v63  }
0x2ea: {  	s19 =	sadd.s32 $0x70, s19;
	s21 =	simm.s32 $0x15638  }
0x2eb: {  	[hbm4b:s19+s3] =	stream.linear.scatter [tilespmem:s21], [sflag:$0x8], $0x80, $0x38;
	[tilespmem:$0x16C00] =	vst v63  }
0x2ec: {  	s22 =	simm.s32 $0x156C0;
	s19 =	sadd.s32 s18, s25  }
0x2ed: {  	[hbm4b:s19+s3] =	stream.linear.scatter [tilespmem:s22], [sflag:$0x8], $0x80, $0x38;
	[tilespmem:$0x16C00] =	vst v63  }
0x2ee: {  	s21 =	sadd.s32 $0x10, s19;
	s22 =	simm.s32 $0x15748  }
0x2ef: {  	[hbm4b:s21+s3] =	stream.linear.scatter [tilespmem:s22], [sflag:$0x8], $0x80, $0x38;
	[tilespmem:$0x16C00] =	vst v63  }
0x2f0: {  	s21 =	sadd.s32 $0x20, s19;
	s22 =	simm.s32 $0x157D0  }
0x2f1: {  	[hbm4b:s21+s3] =	stream.linear.scatter [tilespmem:s22], [sflag:$0x8], $0x80, $0x38;
	[tilespmem:$0x16C00] =	vst v63  }
0x2f2: {  	s21 =	sadd.s32 $0x30, s19;
	s22 =	simm.s32 $0x15858  }
0x2f3: {  	[hbm4b:s21+s3] =	stream.linear.scatter [tilespmem:s22], [sflag:$0x8], $0x80, $0x38;
	[tilespmem:$0x16C00] =	vst v63  }
0x2f4: {  	s21 =	sadd.s32 $0x40, s19;
	s22 =	simm.s32 $0x158E0  }
0x2f5: {  	[hbm4b:s21+s3] =	stream.linear.scatter [tilespmem:s22], [sflag:$0x8], $0x80, $0x38;
	[tilespmem:$0x16C00] =	vst v63  }
0x2f6: {  	s21 =	sadd.s32 $0x50, s19;
	s22 =	simm.s32 $0x15968  }
0x2f7: {  	[hbm4b:s21+s3] =	stream.linear.scatter [tilespmem:s22], [sflag:$0x8], $0x80, $0x38;
	[tilespmem:$0x16C00] =	vst v63  }
0x2f8: {  	s21 =	sadd.s32 $0x60, s19;
	s22 =	simm.s32 $0x159F0  }
0x2f9: {  	[hbm4b:s21+s3] =	stream.linear.scatter [tilespmem:s22], [sflag:$0x8], $0x80, $0x38;
	[tilespmem:$0x16C00] =	vst v63  }
0x2fa: {  	s19 =	sadd.s32 $0x70, s19;
	s21 =	simm.s32 $0x15A78  }
0x2fb: {  	[hbm4b:s19+s3] =	stream.linear.scatter [tilespmem:s21], [sflag:$0x8], $0x80, $0x38;
	[tilespmem:$0x16C00] =	vst v63  }
0x2fc: {  	s22 =	simm.s32 $0x15B00;
	s19 =	sadd.s32 s18, s2  }
0x2fd: {  	[hbm4b:s19+s3] =	stream.linear.scatter [tilespmem:s22], [sflag:$0x8], $0x80, $0x38;
	[tilespmem:$0x16C00] =	vst v63  }
0x2fe: {  	s21 =	sadd.s32 $0x10, s19;
	s22 =	simm.s32 $0x15B88  }
0x2ff: {  	[hbm4b:s21+s3] =	stream.linear.scatter [tilespmem:s22], [sflag:$0x8], $0x80, $0x38;
	[tilespmem:$0x16C00] =	vst v63  }
0x300: {  	s21 =	sadd.s32 $0x20, s19;
	s22 =	simm.s32 $0x15C10  }
0x301: {  	[hbm4b:s21+s3] =	stream.linear.scatter [tilespmem:s22], [sflag:$0x8], $0x80, $0x38;
	[tilespmem:$0x16C00] =	vst v63  }
0x302: {  	s21 =	sadd.s32 $0x30, s19;
	s22 =	simm.s32 $0x15C98  }
0x303: {  	[hbm4b:s21+s3] =	stream.linear.scatter [tilespmem:s22], [sflag:$0x8], $0x80, $0x38;
	[tilespmem:$0x16C00] =	vst v63  }
0x304: {  	s21 =	sadd.s32 $0x40, s19;
	s22 =	simm.s32 $0x15D20  }
0x305: {  	[hbm4b:s21+s3] =	stream.linear.scatter [tilespmem:s22], [sflag:$0x8], $0x80, $0x38;
	[tilespmem:$0x16C00] =	vst v63  }
0x306: {  	s21 =	sadd.s32 $0x50, s19;
	s22 =	simm.s32 $0x15DA8  }
0x307: {  	[hbm4b:s21+s3] =	stream.linear.scatter [tilespmem:s22], [sflag:$0x8], $0x80, $0x38;
	[tilespmem:$0x16C00] =	vst v63  }
0x308: {  	s21 =	sadd.s32 $0x60, s19;
	s22 =	simm.s32 $0x15E30  }
0x309: {  	[hbm4b:s21+s3] =	stream.linear.scatter [tilespmem:s22], [sflag:$0x8], $0x80, $0x38;
	[tilespmem:$0x16C00] =	vst v63  }
0x30a: {  	s19 =	sadd.s32 $0x70, s19;
	s21 =	simm.s32 $0x15EB8  }
0x30b: {  	[hbm4b:s19+s3] =	stream.linear.scatter [tilespmem:s21], [sflag:$0x8], $0x80, $0x38;
	[tilespmem:$0x16C00] =	vst v63  }
0x30c: {  	s22 =	simm.s32 $0x15F40;
	s19 =	sadd.s32 s18, s6  }
0x30d: {  	[hbm4b:s19+s3] =	stream.linear.scatter [tilespmem:s22], [sflag:$0x8], $0x80, $0x38;
	[tilespmem:$0x16C00] =	vst v63  }
0x30e: {  	s21 =	sadd.s32 $0x10, s19;
	s22 =	simm.s32 $0x15FC8  }
0x30f: {  	[hbm4b:s21+s3] =	stream.linear.scatter [tilespmem:s22], [sflag:$0x8], $0x80, $0x38;
	[tilespmem:$0x16C00] =	vst v63  }
0x310: {  	s21 =	sadd.s32 $0x20, s19;
	s22 =	simm.s32 $0x16050  }
0x311: {  	[hbm4b:s21+s3] =	stream.linear.scatter [tilespmem:s22], [sflag:$0x8], $0x80, $0x38;
	[tilespmem:$0x16C00] =	vst v63  }
0x312: {  	s21 =	sadd.s32 $0x30, s19;
	s22 =	simm.s32 $0x160D8  }
0x313: {  	[hbm4b:s21+s3] =	stream.linear.scatter [tilespmem:s22], [sflag:$0x8], $0x80, $0x38;
	[tilespmem:$0x16C00] =	vst v63  }
0x314: {  	s21 =	sadd.s32 $0x40, s19;
	s22 =	simm.s32 $0x16160  }
0x315: {  	[hbm4b:s21+s3] =	stream.linear.scatter [tilespmem:s22], [sflag:$0x8], $0x80, $0x38;
	[tilespmem:$0x16C00] =	vst v63  }
0x316: {  	s21 =	sadd.s32 $0x50, s19;
	s22 =	simm.s32 $0x161E8  }
0x317: {  	[hbm4b:s21+s3] =	stream.linear.scatter [tilespmem:s22], [sflag:$0x8], $0x80, $0x38;
	[tilespmem:$0x16C00] =	vst v63  }
0x318: {  	s21 =	sadd.s32 $0x60, s19;
	s22 =	simm.s32 $0x16270  }
0x319: {  	[hbm4b:s21+s3] =	stream.linear.scatter [tilespmem:s22], [sflag:$0x8], $0x80, $0x38;
	[tilespmem:$0x16C00] =	vst v63  }
0x31a: {  	s19 =	sadd.s32 $0x70, s19;
	s21 =	simm.s32 $0x162F8  }
0x31b: {  	[hbm4b:s19+s3] =	stream.linear.scatter [tilespmem:s21], [sflag:$0x8], $0x80, $0x38;
	[tilespmem:$0x16C00] =	vst v63  }
0x31c: {  	s22 =	simm.s32 $0x16380;
	s19 =	sadd.s32 s18, s7  }
0x31d: {  	[hbm4b:s19+s3] =	stream.linear.scatter [tilespmem:s22], [sflag:$0x8], $0x80, $0x38;
	[tilespmem:$0x16C00] =	vst v63  }
0x31e: {  	s21 =	sadd.s32 $0x10, s19;
	s22 =	simm.s32 $0x16408  }
0x31f: {  	[hbm4b:s21+s3] =	stream.linear.scatter [tilespmem:s22], [sflag:$0x8], $0x80, $0x38;
	[tilespmem:$0x16C00] =	vst v63  }
0x320: {  	s21 =	sadd.s32 $0x20, s19;
	s22 =	simm.s32 $0x16490  }
0x321: {  	[hbm4b:s21+s3] =	stream.linear.scatter [tilespmem:s22], [sflag:$0x8], $0x80, $0x38;
	[tilespmem:$0x16C00] =	vst v63  }
0x322: {  	s21 =	sadd.s32 $0x30, s19;
	s22 =	simm.s32 $0x16518  }
0x323: {  	[hbm4b:s21+s3] =	stream.linear.scatter [tilespmem:s22], [sflag:$0x8], $0x80, $0x38;
	[tilespmem:$0x16C00] =	vst v63  }
0x324: {  	s21 =	sadd.s32 $0x40, s19;
	s22 =	simm.s32 $0x165A0  }
0x325: {  	[hbm4b:s21+s3] =	stream.linear.scatter [tilespmem:s22], [sflag:$0x8], $0x80, $0x38;
	[tilespmem:$0x16C00] =	vst v63  }
0x326: {  	s21 =	sadd.s32 $0x50, s19;
	s22 =	simm.s32 $0x16628  }
0x327: {  	[hbm4b:s21+s3] =	stream.linear.scatter [tilespmem:s22], [sflag:$0x8], $0x80, $0x38;
	[tilespmem:$0x16C00] =	vst v63  }
0x328: {  	s21 =	sadd.s32 $0x60, s19;
	s22 =	simm.s32 $0x166B0  }
0x329: {  	[hbm4b:s21+s3] =	stream.linear.scatter [tilespmem:s22], [sflag:$0x8], $0x80, $0x38;
	[tilespmem:$0x16C00] =	vst v63  }
0x32a: {  	s19 =	sadd.s32 $0x70, s19;
	s22 =	simm.s32 $0x16738  }
0x32b: {  	[hbm4b:s19+s3] =	stream.linear.scatter [tilespmem:s22], [sflag:$0x8], $0x80, $0x38;
	[tilespmem:$0x16C00] =	vst v63  }
0x32c: {  	s20 =	simm.s32 $0x167C0;
	s18 =	sadd.s32 s18, s8  }
0x32d: {  	[hbm4b:s18+s3] =	stream.linear.scatter [tilespmem:s20], [sflag:$0x8], $0x80, $0x38;
	[tilespmem:$0x16C00] =	vst v63  }
0x32e: {  	s21 =	sadd.s32 $0x10, s18;
	s22 =	simm.s32 $0x16848  }
0x32f: {  	[hbm4b:s21+s3] =	stream.linear.scatter [tilespmem:s22], [sflag:$0x8], $0x80, $0x38;
	[tilespmem:$0x16C00] =	vst v63  }
0x330: {  	s21 =	sadd.s32 $0x20, s18;
	s22 =	simm.s32 $0x168D0  }
0x331: {  	[hbm4b:s21+s3] =	stream.linear.scatter [tilespmem:s22], [sflag:$0x8], $0x80, $0x38;
	[tilespmem:$0x16C00] =	vst v63  }
0x332: {  	s21 =	sadd.s32 $0x30, s18;
	s22 =	simm.s32 $0x16958  }
0x333: {  	[hbm4b:s21+s3] =	stream.linear.scatter [tilespmem:s22], [sflag:$0x8], $0x80, $0x38;
	[tilespmem:$0x16C00] =	vst v63  }
0x334: {  	s21 =	sadd.s32 $0x40, s18;
	s22 =	simm.s32 $0x169E0  }
0x335: {  	[hbm4b:s21+s3] =	stream.linear.scatter [tilespmem:s22], [sflag:$0x8], $0x80, $0x38;
	[tilespmem:$0x16C00] =	vst v63  }
0x336: {  	s21 =	sadd.s32 $0x50, s18;
	s22 =	simm.s32 $0x16A68  }
0x337: {  	[hbm4b:s21+s3] =	stream.linear.scatter [tilespmem:s22], [sflag:$0x8], $0x80, $0x38;
	[tilespmem:$0x16C00] =	vst v63  }
0x338: {  	s20 =	sadd.s32 $0x60, s18;
	s21 =	simm.s32 $0x16AF0  }
0x339: {  	[hbm4b:s20+s3] =	stream.linear.scatter [tilespmem:s21], [sflag:$0x8], $0x80, $0x38;
	[tilespmem:$0x16C00] =	vst v63  }
0x33a: {  	p0 =	seq.s32 s17, $0x31;
	s18 =	sadd.s32 $0x70, s18;
	s22 =	simm.s32 $0x16B78  }
0x33b: {  	[hbm4b:s18+s3] =	stream.linear.scatter [tilespmem:s22], [sflag:$0x8], $0x80, $0x38;
	[tilespmem:$0x16C00] =	vst v63  }
0x33c: {  	s18 =	simm.s32 @!p0 $0x5  }
0x33d: {  	_ =	swait.ge @!p0 [sflag:s18], $0x400  }
0x33e: {  	[sflag:s18] =	ssyncset.done @!p0 $0x0  }
0x33f: {  	[sflag:s18] =	ssyncadd.s32 @!p0 $0xFFFFFC00  }
0x340: {  	_ =	swait.ge @!p0 [sflag:s18], $0x400  }
0x341: {  	[sflag:s18] =	ssyncset.done @!p0 $0x0  }
0x342: {  	[sflag:s18] =	ssyncadd.s32 @!p0 $0xFFFFFC00  }
0x343: {  	_ =	swait.ge @!p0 [sflag:s18], $0x400  }
0x344: {  	[sflag:s18] =	ssyncset.done @!p0 $0x0  }
0x345: {  	[sflag:s18] =	ssyncadd.s32 @!p0 $0xFFFFFC00  }
0x346: {  	_ =	swait.ge @!p0 [sflag:s18], $0x400  }
0x347: {  	[sflag:s18] =	ssyncset.done @!p0 $0x0  }
0x348: {  	[sflag:s18] =	ssyncadd.s32 @!p0 $0xFFFFFC00  }
0x349: {  	_ =	swait.ge @!p0 [sflag:s18], $0x400  }
0x34a: {  	[sflag:s18] =	ssyncset.done @!p0 $0x0  }
0x34b: {  	[sflag:s18] =	ssyncadd.s32 @!p0 $0xFFFFFC00  }
0x34c: {  	_ =	swait.ge @!p0 [sflag:s18], $0x400  }
0x34d: {  	[sflag:s18] =	ssyncset.done @!p0 $0x0  }
0x34e: {  	[sflag:s18] =	ssyncadd.s32 @!p0 $0xFFFFFC00  }
0x34f: {  	_ =	swait.ge @!p0 [sflag:s18], $0x400  }
0x350: {  	[sflag:s18] =	ssyncset.done @!p0 $0x0  }
0x351: {  	[sflag:s18] =	ssyncadd.s32 @!p0 $0xFFFFFC00  }
0x352: {  	_ =	swait.ge @!p0 [sflag:s18], $0x400  }
0x353: {  	s17 =	sadd.s32 @!p0 $0x1, s17;
	[sflag:s18] =	ssyncset.done @!p0 $0x0  }
0x354: {  	[sflag:s18] =	ssyncadd.s32 @!p0 $0xFFFFFC00;
	s18 =	sshll.u32 @!p0 s17, $0x9  }
0x355: {  	s20 =	simm.s32 @!p0 $0x6400;
	s19 =	sand.u32 @!p0 $0x3FFFFE00, s18;
	s18 =	simm.s32 @!p0 $0x80  }
0x356: {  	[tilespmem:s20], [sflag:$0x1] =	stream.indirect.gather @!p0 [hbm4b:s4+s18], $0x40, s19, s18, $0xb8;
	[tilespmem:$0x16C00] =	vst v63  }
0x357: {  	s20 =	simm.s32 @!p0 $0x6  }
0x358: {  	_ =	swait.ge @!p0 [sflag:s20], $0x400  }
0x359: {  	[sflag:s20] =	ssyncset.done @!p0 $0x0  }
0x35a: {  	[sflag:s20] =	ssyncadd.s32 @!p0 $0xFFFFFC00  }
0x35b: {  	_ =	swait.ge @!p0 [sflag:s20], $0x400  }
0x35c: {  	[sflag:s20] =	ssyncset.done @!p0 $0x0  }
0x35d: {  	[sflag:s20] =	ssyncadd.s32 @!p0 $0xFFFFFC00  }
0x35e: {  	_ =	swait.ge @!p0 [sflag:s20], $0x400  }
0x35f: {  	[sflag:s20] =	ssyncset.done @!p0 $0x0  }
0x360: {  	[sflag:s20] =	ssyncadd.s32 @!p0 $0xFFFFFC00  }
0x361: {  	_ =	swait.ge @!p0 [sflag:s20], $0x400  }
0x362: {  	[sflag:s20] =	ssyncset.done @!p0 $0x0  }
0x363: {  	[sflag:s20] =	ssyncadd.s32 @!p0 $0xFFFFFC00  }
0x364: {  	_ =	swait.ge @!p0 [sflag:s20], $0x400  }
0x365: {  	[sflag:s20] =	ssyncset.done @!p0 $0x0  }
0x366: {  	[sflag:s20] =	ssyncadd.s32 @!p0 $0xFFFFFC00  }
0x367: {  	_ =	swait.ge @!p0 [sflag:s20], $0x400  }
0x368: {  	[sflag:s20] =	ssyncset.done @!p0 $0x0  }
0x369: {  	[sflag:s20] =	ssyncadd.s32 @!p0 $0xFFFFFC00  }
0x36a: {  	_ =	swait.ge @!p0 [sflag:s20], $0x400  }
0x36b: {  	[sflag:s20] =	ssyncset.done @!p0 $0x0  }
0x36c: {  	[sflag:s20] =	ssyncadd.s32 @!p0 $0xFFFFFC00  }
0x36d: {  	_ =	swait.ge @!p0 [sflag:s20], $0x400  }
0x36e: {  	[sflag:s20] =	ssyncset.done @!p0 $0x0  }
0x36f: {  	s21 =	simm.s32 @!p0 $0x8400;
	[sflag:s20] =	ssyncadd.s32 @!p0 $0xFFFFFC00;
	s20 =	sor.u32 @!p0 $0x80, s19  }
0x370: {  	[tilespmem:s21], [sflag:$0x2] =	stream.indirect.gather @!p0 [hbm4b:s4+s18], $0x40, s20, s18, $0xb8;
	[tilespmem:$0x16C00] =	vst v63  }
0x371: {  	s20 =	simm.s32 @!p0 $0x7  }
0x372: {  	_ =	swait.ge @!p0 [sflag:s20], $0x400  }
0x373: {  	[sflag:s20] =	ssyncset.done @!p0 $0x0  }
0x374: {  	[sflag:s20] =	ssyncadd.s32 @!p0 $0xFFFFFC00  }
0x375: {  	_ =	swait.ge @!p0 [sflag:s20], $0x400  }
0x376: {  	[sflag:s20] =	ssyncset.done @!p0 $0x0  }
0x377: {  	[sflag:s20] =	ssyncadd.s32 @!p0 $0xFFFFFC00  }
0x378: {  	_ =	swait.ge @!p0 [sflag:s20], $0x400  }
0x379: {  	[sflag:s20] =	ssyncset.done @!p0 $0x0  }
0x37a: {  	[sflag:s20] =	ssyncadd.s32 @!p0 $0xFFFFFC00  }
0x37b: {  	_ =	swait.ge @!p0 [sflag:s20], $0x400  }
0x37c: {  	[sflag:s20] =	ssyncset.done @!p0 $0x0  }
0x37d: {  	[sflag:s20] =	ssyncadd.s32 @!p0 $0xFFFFFC00  }
0x37e: {  	_ =	swait.ge @!p0 [sflag:s20], $0x400  }
0x37f: {  	[sflag:s20] =	ssyncset.done @!p0 $0x0  }
0x380: {  	[sflag:s20] =	ssyncadd.s32 @!p0 $0xFFFFFC00  }
0x381: {  	_ =	swait.ge @!p0 [sflag:s20], $0x400  }
0x382: {  	[sflag:s20] =	ssyncset.done @!p0 $0x0  }
0x383: {  	[sflag:s20] =	ssyncadd.s32 @!p0 $0xFFFFFC00  }
0x384: {  	_ =	swait.ge @!p0 [sflag:s20], $0x400  }
0x385: {  	[sflag:s20] =	ssyncset.done @!p0 $0x0  }
0x386: {  	[sflag:s20] =	ssyncadd.s32 @!p0 $0xFFFFFC00  }
0x387: {  	_ =	swait.ge @!p0 [sflag:s20], $0x400  }
0x388: {  	[sflag:s20] =	ssyncset.done @!p0 $0x0  }
0x389: {  	s21 =	simm.s32 @!p0 $0xA400;
	[sflag:s20] =	ssyncadd.s32 @!p0 $0xFFFFFC00;
	s20 =	sor.u32 @!p0 $0x100, s19  }
0x38a: {  	[tilespmem:s21], [sflag:$0x3] =	stream.indirect.gather @!p0 [hbm4b:s4+s18], $0x40, s20, s18, $0xb8;
	[tilespmem:$0x16C00] =	vst v63  }
0x38b: {  	s20 =	simm.s32 @!p0 $0x8  }
0x38c: {  	_ =	swait.ge @!p0 [sflag:s20], $0x400  }
0x38d: {  	[sflag:s20] =	ssyncset.done @!p0 $0x0  }
0x38e: {  	[sflag:s20] =	ssyncadd.s32 @!p0 $0xFFFFFC00  }
0x38f: {  	_ =	swait.ge @!p0 [sflag:s20], $0x400  }
0x390: {  	[sflag:s20] =	ssyncset.done @!p0 $0x0  }
0x391: {  	[sflag:s20] =	ssyncadd.s32 @!p0 $0xFFFFFC00  }
0x392: {  	_ =	swait.ge @!p0 [sflag:s20], $0x400  }
0x393: {  	[sflag:s20] =	ssyncset.done @!p0 $0x0  }
0x394: {  	[sflag:s20] =	ssyncadd.s32 @!p0 $0xFFFFFC00  }
0x395: {  	_ =	swait.ge @!p0 [sflag:s20], $0x400  }
0x396: {  	[sflag:s20] =	ssyncset.done @!p0 $0x0  }
0x397: {  	[sflag:s20] =	ssyncadd.s32 @!p0 $0xFFFFFC00  }
0x398: {  	_ =	swait.ge @!p0 [sflag:s20], $0x400  }
0x399: {  	[sflag:s20] =	ssyncset.done @!p0 $0x0  }
0x39a: {  	[sflag:s20] =	ssyncadd.s32 @!p0 $0xFFFFFC00  }
0x39b: {  	_ =	swait.ge @!p0 [sflag:s20], $0x400  }
0x39c: {  	[sflag:s20] =	ssyncset.done @!p0 $0x0  }
0x39d: {  	[sflag:s20] =	ssyncadd.s32 @!p0 $0xFFFFFC00  }
0x39e: {  	_ =	swait.ge @!p0 [sflag:s20], $0x400  }
0x39f: {  	[sflag:s20] =	ssyncset.done @!p0 $0x0  }
0x3a0: {  	[sflag:s20] =	ssyncadd.s32 @!p0 $0xFFFFFC00  }
0x3a1: {  	_ =	swait.ge @!p0 [sflag:s20], $0x400  }
0x3a2: {  	p1 =	sne.s32 @!p0 s17, $0x32;
	[sflag:s20] =	ssyncset.done @!p0 $0x0  }
0x3a3: {  	s19 =	sor.u32 @!p0 $0x180, s19;
	[sflag:s20] =	ssyncadd.s32 @!p0 $0xFFFFFC00;
	s20 =	simm.s32 @!p0 $0xC400  }
0x3a4: {  	[tilespmem:s20], [sflag:$0x4] =	stream.indirect.gather @!p0 [hbm4b:s4+s18], $0x40, s19, s18, $0xb8;
	[tilespmem:$0x16C00] =	vst v63  }
0x3a5: {  	p0 =	por p0, !p1  }
.Ltmp4:
0x3a6: {  	_ = 	snop;
	(pc) =	sbr.rel @!p0 .LBB2_2-.Ltmp4, $1  }
0x3a7: {  	_ =	sdelay $0x3  }
0x3a8: {  	s17 =	simm.s32 $0x5  }
0x3a9: {  	_ =	swait.ge [sflag:s17], $0x400  }
0x3aa: {  	[sflag:s17] =	ssyncset.done $0x0  }
0x3ab: {  	[sflag:s17] =	ssyncadd.s32 $0xFFFFFC00  }
0x3ac: {  	_ =	swait.ge [sflag:s17], $0x400  }
0x3ad: {  	[sflag:s17] =	ssyncset.done $0x0  }
0x3ae: {  	[sflag:s17] =	ssyncadd.s32 $0xFFFFFC00  }
0x3af: {  	_ =	swait.ge [sflag:s17], $0x400  }
0x3b0: {  	[sflag:s17] =	ssyncset.done $0x0  }
0x3b1: {  	[sflag:s17] =	ssyncadd.s32 $0xFFFFFC00  }
0x3b2: {  	_ =	swait.ge [sflag:s17], $0x400  }
0x3b3: {  	[sflag:s17] =	ssyncset.done $0x0  }
0x3b4: {  	[sflag:s17] =	ssyncadd.s32 $0xFFFFFC00  }
0x3b5: {  	_ =	swait.ge [sflag:s17], $0x400  }
0x3b6: {  	[sflag:s17] =	ssyncset.done $0x0  }
0x3b7: {  	[sflag:s17] =	ssyncadd.s32 $0xFFFFFC00  }
0x3b8: {  	_ =	swait.ge [sflag:s17], $0x400  }
0x3b9: {  	[sflag:s17] =	ssyncset.done $0x0  }
0x3ba: {  	[sflag:s17] =	ssyncadd.s32 $0xFFFFFC00  }
0x3bb: {  	_ =	swait.ge [sflag:s17], $0x400  }
0x3bc: {  	[sflag:s17] =	ssyncset.done $0x0  }
0x3bd: {  	[sflag:s17] =	ssyncadd.s32 $0xFFFFFC00  }
0x3be: {  	_ =	swait.ge [sflag:s17], $0x400  }
0x3bf: {  	[sflag:s17] =	ssyncset.done $0x0  }
0x3c0: {  	s20 =	simm.s32 $0x6;
	[sflag:s17] =	ssyncadd.s32 $0xFFFFFC00  }
0x3c1: {  	_ =	swait.ge [sflag:s20], $0x400  }
0x3c2: {  	[sflag:s20] =	ssyncset.done $0x0  }
0x3c3: {  	[sflag:s20] =	ssyncadd.s32 $0xFFFFFC00  }
0x3c4: {  	_ =	swait.ge [sflag:s20], $0x400  }
0x3c5: {  	[sflag:s20] =	ssyncset.done $0x0  }
0x3c6: {  	[sflag:s20] =	ssyncadd.s32 $0xFFFFFC00  }
0x3c7: {  	_ =	swait.ge [sflag:s20], $0x400  }
0x3c8: {  	[sflag:s20] =	ssyncset.done $0x0  }
0x3c9: {  	[sflag:s20] =	ssyncadd.s32 $0xFFFFFC00  }
0x3ca: {  	_ =	swait.ge [sflag:s20], $0x400  }
0x3cb: {  	[sflag:s20] =	ssyncset.done $0x0  }
0x3cc: {  	[sflag:s20] =	ssyncadd.s32 $0xFFFFFC00  }
0x3cd: {  	_ =	swait.ge [sflag:s20], $0x400  }
0x3ce: {  	[sflag:s20] =	ssyncset.done $0x0  }
0x3cf: {  	[sflag:s20] =	ssyncadd.s32 $0xFFFFFC00  }
0x3d0: {  	_ =	swait.ge [sflag:s20], $0x400  }
0x3d1: {  	[sflag:s20] =	ssyncset.done $0x0  }
0x3d2: {  	[sflag:s20] =	ssyncadd.s32 $0xFFFFFC00  }
0x3d3: {  	_ =	swait.ge [sflag:s20], $0x400  }
0x3d4: {  	[sflag:s20] =	ssyncset.done $0x0  }
0x3d5: {  	[sflag:s20] =	ssyncadd.s32 $0xFFFFFC00  }
0x3d6: {  	_ =	swait.ge [sflag:s20], $0x400  }
0x3d7: {  	[sflag:s20] =	ssyncset.done $0x0  }
0x3d8: {  	s21 =	simm.s32 $0x7;
	[sflag:s20] =	ssyncadd.s32 $0xFFFFFC00  }
0x3d9: {  	_ =	swait.ge [sflag:s21], $0x400  }
0x3da: {  	[sflag:s21] =	ssyncset.done $0x0  }
0x3db: {  	[sflag:s21] =	ssyncadd.s32 $0xFFFFFC00  }
0x3dc: {  	_ =	swait.ge [sflag:s21], $0x400  }
0x3dd: {  	[sflag:s21] =	ssyncset.done $0x0  }
0x3de: {  	[sflag:s21] =	ssyncadd.s32 $0xFFFFFC00  }
0x3df: {  	_ =	swait.ge [sflag:s21], $0x400  }
0x3e0: {  	[sflag:s21] =	ssyncset.done $0x0  }
0x3e1: {  	[sflag:s21] =	ssyncadd.s32 $0xFFFFFC00  }
0x3e2: {  	_ =	swait.ge [sflag:s21], $0x400  }
0x3e3: {  	[sflag:s21] =	ssyncset.done $0x0  }
0x3e4: {  	[sflag:s21] =	ssyncadd.s32 $0xFFFFFC00  }
0x3e5: {  	_ =	swait.ge [sflag:s21], $0x400  }
0x3e6: {  	[sflag:s21] =	ssyncset.done $0x0  }
0x3e7: {  	[sflag:s21] =	ssyncadd.s32 $0xFFFFFC00  }
0x3e8: {  	_ =	swait.ge [sflag:s21], $0x400  }
0x3e9: {  	[sflag:s21] =	ssyncset.done $0x0  }
0x3ea: {  	[sflag:s21] =	ssyncadd.s32 $0xFFFFFC00  }
0x3eb: {  	_ =	swait.ge [sflag:s21], $0x400  }
0x3ec: {  	[sflag:s21] =	ssyncset.done $0x0  }
0x3ed: {  	[sflag:s21] =	ssyncadd.s32 $0xFFFFFC00  }
0x3ee: {  	_ =	swait.ge [sflag:s21], $0x400  }
0x3ef: {  	[sflag:s21] =	ssyncset.done $0x0  }
0x3f0: {  	s18 =	simm.s32 $0x8;
	[sflag:s21] =	ssyncadd.s32 $0xFFFFFC00  }
0x3f1: {  	_ =	swait.ge [sflag:s18], $0x400  }
0x3f2: {  	[sflag:s18] =	ssyncset.done $0x0  }
0x3f3: {  	[sflag:s18] =	ssyncadd.s32 $0xFFFFFC00  }
0x3f4: {  	_ =	swait.ge [sflag:s18], $0x400  }
0x3f5: {  	[sflag:s18] =	ssyncset.done $0x0  }
0x3f6: {  	[sflag:s18] =	ssyncadd.s32 $0xFFFFFC00  }
0x3f7: {  	_ =	swait.ge [sflag:s18], $0x400  }
0x3f8: {  	[sflag:s18] =	ssyncset.done $0x0  }
0x3f9: {  	[sflag:s18] =	ssyncadd.s32 $0xFFFFFC00  }
0x3fa: {  	_ =	swait.ge [sflag:s18], $0x400  }
0x3fb: {  	[sflag:s18] =	ssyncset.done $0x0  }
0x3fc: {  	[sflag:s18] =	ssyncadd.s32 $0xFFFFFC00  }
0x3fd: {  	_ =	swait.ge [sflag:s18], $0x400  }
0x3fe: {  	[sflag:s18] =	ssyncset.done $0x0  }
0x3ff: {  	[sflag:s18] =	ssyncadd.s32 $0xFFFFFC00  }
0x400: {  	_ =	swait.ge [sflag:s18], $0x400  }
0x401: {  	[sflag:s18] =	ssyncset.done $0x0  }
0x402: {  	[sflag:s18] =	ssyncadd.s32 $0xFFFFFC00  }
0x403: {  	_ =	swait.ge [sflag:s18], $0x400  }
0x404: {  	[sflag:s18] =	ssyncset.done $0x0  }
0x405: {  	[sflag:s18] =	ssyncadd.s32 $0xFFFFFC00  }
0x406: {  	_ =	swait.ge [sflag:s18], $0x400  }
0x407: {  	s19 =	rddreg [dreg:$0x16]  }
0x408: {  	s22 =	rddreg [dreg:$0x15];
	s19 =	sadd.s32 $0x1, s19  }
0x409: {  	p0 =	sne.s32 s19, s22  }
.Ltmp5:
0x40a: {  	_ = 	snop;
	(pc) =	sbr.rel @p0 .LBB2_1-.Ltmp5, $3  }
0x40b: {  	_ =	sdelay $0x1  }
0x40c: {  	[sflag:s18] =	ssyncset.done $0x0  }
0x40d: {  	[sflag:s18] =	ssyncadd.s32 $0xFFFFFC00  }
0x40e: {  	_ =	sfence.sel $0x180000  }
0x40f: {  	[bflag:$0x0] =	sbarrier.arrive $0xFFFF  }
0x410: {  	_ =	strace $0x90000047  }
0x411: {  	s0 =	stileid.u32;
	[bflag:$0x2] =	sbarrier.arrive $0xFFFF  }
0x412: {  	p0 =	sne.s32 s0, $0x0;
	s0 =	rddreg [dreg:$0x2]  }
0x413: {  	s0 =	sadd.s32 @!p0 $0x100000, s0  }
0x414: {  	[sflag:s0] =	ssyncadd.tile.s32 @!p0 $0x1;
	_ =	shalt  }
.Lfunc_end2:
_tile_overlayer_lowered:
.L_overlay_start_2:
0x415: {  	(tag) =	ssettag $0x2  }
0x416: {  	s0 =	rddreg [dreg:$0x0];
	s2 =	stileid.u32  }
0x417: {  	s1 =	rddreg [dreg:$0x1];
	p0 =	sne.s32 s2, $0x0  }
0x418: {  	s3 =	rddreg [dreg:$0x2];
	[bflag:$0x3] =	sbarrier.arrive $0xFFFF;
	s2 =	simm.s32 @!p0 $0x1C09  }
0x419: {  	[timem:s3], [sflag:s2] =	dma.local @!p0 [hbm:s0], s1  }
0x41a: {  	s0 =	simm.s32 @!p0 $0x9  }
0x41b: {  	_ =	swait.ge @!p0 [sflag:s0], s1  }
0x41c: {  	s1 =	ssub.s32 @!p0 $0x0, s1;
	[sflag:s0] =	ssyncset.done @!p0 $0x0  }
0x41d: {  	[sflag:s0] =	ssyncadd.s32 @!p0 s1  }
0x41e: {  	[bflag:$0x3] =	sbarrier.arrive $0xFFFF  }
0x41f: {  	_ =	shalt  }

</sc_bundles>
